<compile_context>
chip_gen: v7x
topology: tpu7x:2x2x1
jax: 0.10.2.dev20260603
libtpu: 0.0.44.dev20260713+nightly
codegen_flags: <defaults>
</compile_context>

<pallas_src>
import functools

import jax
import jax.numpy as jnp
from jax import lax
from jax.experimental import pallas as pl
from jax.experimental.pallas import tpu as pltpu
from jax.experimental.pallas import tpu_sc as plsc

N = 10000
E = 320000
DIM = 128
NB = 128
L = 3

NC = 2
NS = 16
NW = NC * NS
EPW = E // NW
CH = 80
NCHUNK = EPW // CH
CHA = 125
NCA = EPW // CHA
IB = 16
NPAD = 10240
RPT = NPAD // NS
ZR = 32

_sc_mesh = plsc.VectorSubcoreMesh(core_axis_name="c", subcore_axis_name="s")


CW = 32


def _make_sc_agg(w, tiled):

    def body(table_hbm, src_hbm, dst_hbm, out_hbm, idx_s, idx_d, rows0,
             rows1, zbuf, acc, g0, g1):
        c = lax.axis_index("c")
        s = lax.axis_index("s")
        wid = s * NC + c

        @pl.loop(0, ZR)
        def _(r):
            @pl.loop(0, w, step=16)
            def _(cc):
                zbuf[r, pl.ds(cc, 16)] = jnp.zeros((16,), jnp.float32)

        @pl.loop(0, RPT // ZR)
        def _(k):
            pltpu.sync_copy(zbuf, acc.at[pl.ds(s * RPT + k * ZR, ZR)])

        plsc.subcore_barrier()

        @pl.loop(0, NCA // IB)
        def _(bb):
            pltpu.sync_copy(src_hbm.at[wid].at[pl.ds(bb * IB, IB)], idx_s)
            pltpu.sync_copy(dst_hbm.at[wid].at[pl.ds(bb * IB, IB)], idx_d)
            pltpu.make_async_copy(table_hbm.at[idx_s.at[0]], rows0, g0).start()

            @pl.loop(0, IB // 2)
            def _(t):
                j0 = 2 * t
                pltpu.make_async_copy(table_hbm.at[idx_s.at[j0]], rows0,
                                      g0).wait()
                pltpu.make_async_copy(table_hbm.at[idx_s.at[j0 + 1]], rows1,
                                      g1).start()
                pltpu.sync_copy(rows0, acc.at[idx_d.at[j0]], add=True)

                @pl.when(t < IB // 2 - 1)
                def _():
                    pltpu.make_async_copy(table_hbm.at[idx_s.at[j0 + 2]],
                                          rows0, g0).start()

                pltpu.make_async_copy(table_hbm.at[idx_s.at[j0 + 1]], rows1,
                                      g1).wait()
                pltpu.sync_copy(rows1, acc.at[idx_d.at[j0 + 1]], add=True)

        plsc.subcore_barrier()

        @pl.loop(0, RPT // ZR)
        def _(k):
            b = s * RPT + k * ZR
            pltpu.sync_copy(acc.at[pl.ds(b, ZR)],
                            out_hbm.at[c].at[pl.ds(b, ZR)])

    cp = None if tiled else pltpu.CompilerParams(use_tc_tiling_on_sc=False)
    return pl.kernel(
        body,
        out_type=pltpu.HBM((NC, NPAD, w), jnp.float32),
        mesh=_sc_mesh,
        scratch_types=[
            pltpu.VMEM((IB, CHA), jnp.int32),
            pltpu.VMEM((IB, CHA), jnp.int32),
            pltpu.VMEM((CHA, w), jnp.float32),
            pltpu.VMEM((CHA, w), jnp.float32),
            pltpu.VMEM((ZR, w), jnp.float32),
            pltpu.VMEM_SHARED((NPAD, w), jnp.float32),
            pltpu.SemaphoreType.DMA,
            pltpu.SemaphoreType.DMA,
        ],
        compiler_params=cp,
    )


_sc_agg = _make_sc_agg(DIM, True)
_sc_cnt = _make_sc_agg(CW, False)


def _sc_edge_body(s_hbm, b_hbm, src_hbm, dst_hbm, out_hbm, s_vm, b_vm, idx_s,
                  idx_d, rowbuf, zbuf, acc):
    c = lax.axis_index("c")
    s = lax.axis_index("s")
    wid = s * NC + c

    @pl.loop(0, RPT)
    def _(r):
        zbuf[r, :] = jnp.zeros((16,), jnp.float32)

    @pl.loop(0, CH)
    def _(r):
        rowbuf[r, :] = jnp.zeros((16,), jnp.float32)

    pltpu.sync_copy(zbuf, acc.at[pl.ds(s * RPT, RPT)])
    pltpu.sync_copy(s_hbm, s_vm)
    pltpu.sync_copy(b_hbm, b_vm)
    pltpu.sync_copy(src_hbm.at[wid], idx_s)
    pltpu.sync_copy(dst_hbm.at[wid], idx_d)
    plsc.subcore_barrier()

    col0 = jnp.zeros((16,), jnp.int32)
    col1 = col0 + 1

    @pl.loop(0, NCHUNK)
    def _(j):
        @pl.loop(0, CH // 16)
        def _(g):
            srcv = idx_s[j, pl.ds(g * 16, 16)]
            dstv = idx_d[j, pl.ds(g * 16, 16)]
            sv = plsc.load_gather(s_vm, [srcv])
            dv = plsc.load_gather(s_vm, [dstv])
            bv = plsc.load_gather(b_vm, [dstv])
            e = jnp.exp(sv * dv - bv)
            rowv = lax.iota(jnp.int32, 16) + g * 16
            plsc.store_scatter(rowbuf, [rowv, col0], e)
            plsc.store_scatter(rowbuf, [rowv, col1], sv * e)

        pltpu.sync_copy(rowbuf, acc.at[idx_d.at[j]], add=True)

    plsc.subcore_barrier()
    pltpu.sync_copy(acc.at[pl.ds(s * RPT, RPT)],
                    out_hbm.at[c].at[pl.ds(s * RPT, RPT)])


_sc_edge = pl.kernel(
    _sc_edge_body,
    out_type=pltpu.HBM((NC, NPAD, 16), jnp.float32),
    mesh=_sc_mesh,
    scratch_types=[
        pltpu.VMEM((N,), jnp.float32),
        pltpu.VMEM((N,), jnp.float32),
        pltpu.VMEM((NCHUNK, CH), jnp.int32),
        pltpu.VMEM((NCHUNK, CH), jnp.int32),
        pltpu.VMEM((CH, 16), jnp.float32),
        pltpu.VMEM((RPT, 16), jnp.float32),
        pltpu.VMEM_SHARED((NPAD, 16), jnp.float32),
    ],
    compiler_params=pltpu.CompilerParams(needs_layout_passes=False, use_tc_tiling_on_sc=False),
)


def _dot(a, b):
    return lax.dot_general(a, b, (((1,), (0,)), ((), ())),
                           preferred_element_type=jnp.float32)


def _mlp_body(h_ref, p_ref, w1t_ref, b1_ref, w2t_ref, b2_ref, mw_ref,
              h_out, np_out, *, last):
    h2 = h_ref[...] + p_ref[0] + p_ref[1]
    a = jnp.maximum(_dot(h2, w1t_ref[...]) + b1_ref[...], 0.0)
    o = _dot(a, w2t_ref[...]) + b2_ref[...]
    if not last:
        o = jnp.maximum(o, 0.0)
    h_out[...] = o
    np_out[...] = _dot(o, mw_ref[...])


def _mlp(h, parts, w1t, b1, w2t, b2, mw, last):
    grid = 10
    blk = N // grid
    return pl.pallas_call(
        functools.partial(_mlp_body, last=last),
        grid=(grid,),
        in_specs=[
            pl.BlockSpec((blk, DIM), lambda i: (i, 0)),
            pl.BlockSpec((NC, blk, DIM), lambda i: (0, i, 0)),
            pl.BlockSpec((DIM, DIM), lambda i: (0, 0)),
            pl.BlockSpec((1, DIM), lambda i: (0, 0)),
            pl.BlockSpec((DIM, DIM), lambda i: (0, 0)),
            pl.BlockSpec((1, DIM), lambda i: (0, 0)),
            pl.BlockSpec((DIM, 1), lambda i: (0, 0)),
        ],
        out_specs=[
            pl.BlockSpec((blk, DIM), lambda i: (i, 0)),
            pl.BlockSpec((blk, 1), lambda i: (i, 0)),
        ],
        out_shape=[
            jax.ShapeDtypeStruct((N, DIM), jnp.float32),
            jax.ShapeDtypeStruct((N, 1), jnp.float32),
        ],
    )(h, parts, w1t, b1, w2t, b2, mw)


def _prep_body(np0_ref, np1_ref, np2_ref, b_ref, s_out, oh_out):
    s = np0_ref[...] + np1_ref[...] + np2_ref[...] + b_ref[0, 0]
    amax = jnp.max(s)
    amin = jnp.min(s)
    w = (amax - amin) / jnp.float32(CW) + 1e-30
    bk = jnp.clip(((s - amin) / w).astype(jnp.int32), 0, CW - 1)
    iot = lax.broadcasted_iota(jnp.int32, (1, CW), 1)
    s_out[...] = s
    oh_out[...] = (bk == iot).astype(jnp.float32)


def _prep(np0, np1, np2, mlp_b):
    return pl.pallas_call(
        _prep_body,
        out_shape=[
            jax.ShapeDtypeStruct((N, 1), jnp.float32),
            jax.ShapeDtypeStruct((N, CW), jnp.float32),
        ],
    )(np0, np1, np2, mlp_b)


def _bound_body(s_ref, cnt_ref, b_out):
    s = s_ref[...]
    cnt = cnt_ref[0] + cnt_ref[1]
    amax = jnp.max(s)
    amin = jnp.min(s)
    w = (amax - amin) / jnp.float32(CW) + 1e-30
    iot = lax.broadcasted_iota(jnp.int32, (1, CW), 1).astype(jnp.float32)
    nz = cnt > 0.0
    kmax = jnp.max(jnp.where(nz, iot, -1.0), axis=1, keepdims=True)
    kmin = jnp.min(jnp.where(nz, iot, 200.0), axis=1, keepdims=True)
    ub = amin + w * (kmax + 1.0)
    lb = amin + w * kmin
    b_out[...] = jnp.maximum(s * ub, s * lb)


def _bound(s, cparts):
    return pl.pallas_call(
        _bound_body,
        grid=(1,),
        in_specs=[
            pl.BlockSpec((N, 1), lambda i: (0, 0)),
            pl.BlockSpec((NC, N, CW), lambda i: (0, 0, 0)),
        ],
        out_specs=pl.BlockSpec((N, 1), lambda i: (0, 0)),
        out_shape=jax.ShapeDtypeStruct((N, 1), jnp.float32),
    )(s, cparts)


def _final_body(s_ref, ep_ref, batch_ref, out):
    denom = ep_ref[0, :, 0:1] + ep_ref[1, :, 0:1]
    num = ep_ref[0, :, 1:2] + ep_ref[1, :, 1:2]
    new = jnp.where(denom > 0.0, num / denom, 0.0)
    v = s_ref[...] + new
    iot = lax.broadcasted_iota(jnp.int32, (1, NB), 1)
    oh = batch_ref[...] == iot
    neg = jnp.float32(-3.0e38)
    m_b = jnp.max(jnp.where(oh, v, neg), axis=0, keepdims=True)
    m_n = jnp.max(jnp.where(oh, m_b, neg), axis=1, keepdims=True)
    e = jnp.exp(v - m_n)
    d_b = jnp.sum(jnp.where(oh, e, 0.0), axis=0, keepdims=True)
    d_n = jnp.sum(jnp.where(oh, d_b, 0.0), axis=1, keepdims=True)
    out[...] = e / (d_n + 1e-16)


def _final(s, eparts, batch2d):
    return pl.pallas_call(
        _final_body,
        grid=(1,),
        in_specs=[
            pl.BlockSpec((N, 1), lambda i: (0, 0)),
            pl.BlockSpec((NC, N, 16), lambda i: (0, 0, 0)),
            pl.BlockSpec((N, 1), lambda i: (0, 0)),
        ],
        out_specs=pl.BlockSpec((N, 1), lambda i: (0, 0)),
        out_shape=jax.ShapeDtypeStruct((N, 1), jnp.float32),
    )(s, eparts, batch2d)


def kernel(x, edge_index, batch, W1_0, b1_0, W2_0, b2_0, W1_1, b1_1, W2_1,
           b2_1, W1_2, b1_2, W2_2, b2_2, mlp_W, mlp_b):
    src_a = edge_index[0].reshape(NW, NCA, CHA)
    dst_a = edge_index[1].reshape(NW, NCA, CHA)
    src_e = edge_index[0].reshape(NW, NCHUNK, CH)
    dst_e = edge_index[1].reshape(NW, NCHUNK, CH)
    layers = [(W1_0, b1_0, W2_0, b2_0), (W1_1, b1_1, W2_1, b2_1),
              (W1_2, b1_2, W2_2, b2_2)]

    h = x
    nps = []
    for i, (W1, b1, W2, b2) in enumerate(layers):
        parts = _sc_agg(h, src_a, dst_a)
        mw = mlp_W[0, i * DIM:(i + 1) * DIM].reshape(DIM, 1)
        h, np_i = _mlp(h, parts, W1.T, b1.reshape(1, DIM), W2.T,
                       b2.reshape(1, DIM), mw, last=(i == L - 1))
        nps.append(np_i)

    s, onehot = _prep(nps[0], nps[1], nps[2], mlp_b.reshape(1, 1))
    cparts = _sc_cnt(onehot, src_a, dst_a)
    bound = _bound(s, cparts)
    eparts = _sc_edge(s.reshape(N), bound.reshape(N), src_e, dst_e)
    return _final(s, eparts, batch.reshape(N, 1))

# --- scband reference (transcript-rebuilt; emitter-appended) ---
"""Pipeline reference for scband-explainer-gin-39608188404459 (READ-ONLY COPY).

The authoritative reference and input builder live on the scoring server;
editing this copy changes nothing except your own understanding.
"""

import jax, jax.numpy as jnp
import numpy as np

N = 10000
E = 320000
FEAT = 128
DIM = 128
L = 3
NB = 128


def setup_inputs(seed: int = 0) -> dict:
    key = jax.random.key(seed)
    ks = jax.random.split(key, 20)
    x = jax.random.normal(ks[0], (N, FEAT), dtype=jnp.float32)
    edge_index = jax.random.randint(ks[1], (2, E), 0, N, dtype=jnp.int32)
    batch = jnp.sort(jax.random.randint(ks[2], (N,), 0, NB, dtype=jnp.int32))
    inp = {"x": x, "edge_index": edge_index, "batch": batch}
    kidx = 3
    for i in range(L):
        fin = FEAT if i == 0 else DIM
        inp[f"W1_{i}"] = jax.random.normal(ks[kidx], (DIM, fin), dtype=jnp.float32) * 0.05; kidx += 1
        inp[f"b1_{i}"] = jnp.zeros((DIM,), dtype=jnp.float32)
        inp[f"W2_{i}"] = jax.random.normal(ks[kidx], (DIM, DIM), dtype=jnp.float32) * 0.05; kidx += 1
        inp[f"b2_{i}"] = jnp.zeros((DIM,), dtype=jnp.float32)
    inp["mlp_W"] = jax.random.normal(ks[kidx], (1, DIM * L), dtype=jnp.float32) * 0.05
    inp["mlp_b"] = jnp.zeros((1,), dtype=jnp.float32)
    return inp


def _seg_softmax(s, seg, num_segments):
    m = jax.ops.segment_max(s, seg, num_segments=num_segments)
    m = jnp.where(jnp.isfinite(m), m, 0.0)
    e = jnp.exp(s - m[seg])
    denom = jax.ops.segment_sum(e, seg, num_segments=num_segments)
    return e / (denom[seg] + 1e-16)


def reference(x, edge_index, batch, W1_0, b1_0, W2_0, b2_0, W1_1, b1_1, W2_1, b2_1, W1_2, b1_2, W2_2, b2_2, mlp_W, mlp_b):
    layers = [(W1_0, b1_0, W2_0, b2_0), (W1_1, b1_1, W2_1, b2_1), (W1_2, b1_2, W2_2, b2_2)]
    src = edge_index[0]
    dst = edge_index[1]
    h = x
    xs = []
    for i, (W1, b1, W2, b2) in enumerate(layers):
        agg = jax.ops.segment_sum(h[src], dst, num_segments=N)
        h2 = h + agg  # GINConv with eps=0: (1+eps)*x + sum_j x_j
        h2 = jnp.maximum(h2 @ W1.T + b1, 0.0) @ W2.T + b2
        if i != L - 1:
            h2 = jnp.maximum(h2, 0.0)
        h = h2
        xs.append(h)
    node_prob = jnp.concatenate(xs, axis=1)
    node_prob = node_prob @ mlp_W.T + mlp_b  # [N, 1]
    # lift_node_score_to_edge_score
    src_score = node_prob[src]
    dst_score = node_prob[dst]
    edge_score = src_score * dst_score
    edge_prop_by_dst = _seg_softmax(edge_score, dst, N)
    new_score = jax.ops.segment_sum(src_score * edge_prop_by_dst, dst, num_segments=N)
    node_prob = node_prob + new_score
    node_prob = _seg_softmax(node_prob, batch, NB)
    return node_prob

if __name__ == "__main__":
    import jax
    _d = setup_inputs()
    print(jax.jit(kernel)(*tuple(_d.values())))

</pallas_src>

<mosaic_0001>
#map = affine_map<(d0, d1) -> (0, 0)>
#map1 = affine_map<(d0, d1) -> (0, 0, 0)>
module attributes {stable_mosaic.version = 14 : i64} {
  func.func @body(%arg0: i32, %arg1: i32, %arg2: memref<10000x128xf32, #tpu.memory_space<hbm>>, %arg3: memref<32x80x125xi32, #tpu.memory_space<hbm>>, %arg4: memref<32x80x125xi32, #tpu.memory_space<hbm>>, %arg5: memref<2x10240x128xf32, #tpu.memory_space<hbm>>, %arg6: memref<16x125xi32, #tpu.memory_space<vmem>>, %arg7: memref<16x125xi32, #tpu.memory_space<vmem>>, %arg8: memref<125x128xf32, #tpu.memory_space<vmem>>, %arg9: memref<125x128xf32, #tpu.memory_space<vmem>>, %arg10: memref<32x128xf32, #tpu.memory_space<vmem>>, %arg11: memref<10240x128xf32, #tpu.memory_space<vmem_shared>>, %arg12: memref<!tpu.dma_semaphore, #tpu.memory_space<semaphore_mem>>, %arg13: memref<!tpu.dma_semaphore, #tpu.memory_space<semaphore_mem>>) attributes {dimension_semantics = [#tpu.dimension_semantics<core_parallel>, #tpu.dimension_semantics<subcore_parallel>], iteration_bounds = array<i64: 2, 16>, scalar_prefetch = 0 : i64, scratch_operands = 8 : i64, tpu.core_type = #tpu.core_type<sc_vector_subcore>, window_params = [{transform_indices = #map}, {transform_indices = #map1}, {transform_indices = #map1}, {transform_indices = #map1}]} {
    %mul3A = arith.constant 2 : i32
    %mul3A_0 = arith.muli %arg1, %mul3A : i32
    %add3A = arith.addi %mul3A_0, %arg0 : i32
    %scan3A = arith.constant 0 : i32
    %scan3A_1 = arith.constant 32 : i32
    %scan3A_2 = arith.addi %scan3A, %scan3A_1 : i32
    %scan3A_3 = arith.constant 1 : i32
    scf.for %scan3A_21 = %scan3A to %scan3A_2 step %scan3A_3  : i32 {
      %mul3A_22 = arith.constant 1 : i32
      %mul3A_23 = arith.muli %scan3A_21, %mul3A_22 : i32
      %add3A_24 = arith.constant 0 : i32
      %add3A_25 = arith.addi %add3A_24, %mul3A_23 : i32
      %scan3A_26 = arith.constant 0 : i32
      %scan3A_27 = arith.constant 8 : i32
      %scan3A_28 = arith.addi %scan3A_26, %scan3A_27 : i32
      %scan3A_29 = arith.constant 1 : i32
      scf.for %scan3A_31 = %scan3A_26 to %scan3A_28 step %scan3A_29  : i32 {
        %mul3A_32 = arith.constant 16 : i32
        %mul3A_33 = arith.muli %scan3A_31, %mul3A_32 : i32
        %add3A_34 = arith.constant 0 : i32
        %add3A_35 = arith.addi %add3A_34, %mul3A_33 : i32
        %broadcast_in_dim3A = arith.constant 0.000000e+00 : f32
        %broadcast_in_dim3A_36 = vector.broadcast %broadcast_in_dim3A : f32 to vector<16xf32>
        %swap3A = arith.index_cast %add3A_25 : i32 to index
        %swap3A_37 = arith.index_cast %add3A_35 : i32 to index
        %swap3A_38 = tpu.vector_load %arg10[%swap3A, %swap3A_37] {strides = array<i32>} : memref<32x128xf32, #tpu.memory_space<vmem>>, vector<1x16xf32>,
        %swap3A_39 = vector.shape_cast %swap3A_38 : vector<1x16xf32> to vector<16xf32>
        %swap3A_40 = vector.shape_cast %broadcast_in_dim3A_36 : vector<16xf32> to vector<1x16xf32>
        tpu.vector_store %arg10[%swap3A, %swap3A_37], %swap3A_40 {strides = array<i32>} : memref<32x128xf32, #tpu.memory_space<vmem>>, vector<1x16xf32>,
      }
      %scan3A_30 = arith.constant 8 : i32
    }
    %scan3A_4 = arith.constant 32 : i32
    %scan3A_5 = arith.constant 0 : i32
    %scan3A_6 = arith.constant 20 : i32
    %scan3A_7 = arith.addi %scan3A_5, %scan3A_6 : i32
    %scan3A_8 = arith.constant 1 : i32
    scf.for %scan3A_21 = %scan3A_5 to %scan3A_7 step %scan3A_8  : i32 {
      %mul3A_22 = arith.constant 1 : i32
      %mul3A_23 = arith.muli %scan3A_21, %mul3A_22 : i32
      %add3A_24 = arith.constant 0 : i32
      %add3A_25 = arith.addi %add3A_24, %mul3A_23 : i32
      %mul3A_26 = arith.constant 640 : i32
      %mul3A_27 = arith.muli %arg1, %mul3A_26 : i32
      %mul3A_28 = arith.constant 32 : i32
      %mul3A_29 = arith.muli %add3A_25, %mul3A_28 : i32
      %add3A_30 = arith.addi %mul3A_27, %mul3A_29 : i32
      "tpu.region"() ({
        %run_scoped3A = tpu.sem_alloc : memref<!tpu.dma_semaphore, #tpu.memory_space<semaphore_mem>>
        %dma_start3A = arith.constant 0 : i32
        %dma_start3A_31 = tpu.memref_slice %arg11[%add3A_30, %dma_start3A] : memref<10240x128xf32, #tpu.memory_space<vmem_shared>> -> memref<32x128xf32, #tpu.memory_space<vmem_shared>>
        %dma_start3A_32 = arith.constant 0 : i32
        %dma_start3A_33 = tpu.memref_slice %arg11[%add3A_30, %dma_start3A_32] : memref<10240x128xf32, #tpu.memory_space<vmem_shared>> -> memref<32x128xf32, #tpu.memory_space<vmem_shared>>
        tpu.enqueue_dma source(%arg10 : memref<32x128xf32, #tpu.memory_space<vmem>>) target(%dma_start3A_33 : memref<32x128xf32, #tpu.memory_space<vmem_shared>>) target_semaphore(%run_scoped3A : memref<!tpu.dma_semaphore, #tpu.memory_space<semaphore_mem>>)
        %dma_wait3A = arith.constant 0 : i32
        %dma_wait3A_34 = tpu.memref_slice %arg11[%add3A_30, %dma_wait3A] : memref<10240x128xf32, #tpu.memory_space<vmem_shared>> -> memref<32x128xf32, #tpu.memory_space<vmem_shared>>
        %dma_wait3A_35 = arith.constant 0 : i32
        %dma_wait3A_36 = tpu.memref_slice %arg11[%add3A_30, %dma_wait3A_35] : memref<10240x128xf32, #tpu.memory_space<vmem_shared>> -> memref<32x128xf32, #tpu.memory_space<vmem_shared>>
        tpu.wait_dma2 semaphore(%run_scoped3A : memref<!tpu.dma_semaphore, #tpu.memory_space<semaphore_mem>>) src(%arg10 : memref<32x128xf32, #tpu.memory_space<vmem>>) dst(%dma_wait3A_36 : memref<32x128xf32, #tpu.memory_space<vmem_shared>>)
        tpu.yield
      }) : () -> ()
    }
    %scan3A_9 = arith.constant 20 : i32
    %barrier3A = arith.constant 0 : index
    tpu.barrier barrier_id(%barrier3A)
    %scan3A_10 = arith.constant 0 : i32
    %scan3A_11 = arith.constant 5 : i32
    %scan3A_12 = arith.addi %scan3A_10, %scan3A_11 : i32
    %scan3A_13 = arith.constant 1 : i32
    scf.for %scan3A_21 = %scan3A_10 to %scan3A_12 step %scan3A_13  : i32 {
      %mul3A_22 = arith.constant 1 : i32
      %mul3A_23 = arith.muli %scan3A_21, %mul3A_22 : i32
      %add3A_24 = arith.constant 0 : i32
      %add3A_25 = arith.addi %add3A_24, %mul3A_23 : i32
      %mul3A_26 = arith.constant 16 : i32
      %mul3A_27 = arith.muli %add3A_25, %mul3A_26 : i32
      "tpu.region"() ({
        %run_scoped3A = tpu.sem_alloc : memref<!tpu.dma_semaphore, #tpu.memory_space<semaphore_mem>>
        %dma_start3A_41 = arith.constant 0 : i32
        %dma_start3A_42 = arith.constant 0 : i32
        %dma_start3A_43 = tpu.memref_slice %arg3[%add3A, %dma_start3A_41, %dma_start3A_42] : memref<32x80x125xi32, #tpu.memory_space<hbm>> -> memref<1x80x125xi32, #tpu.memory_space<hbm>>
        %dma_start3A_44 = tpu.memref_squeeze %dma_start3A_43 : memref<1x80x125xi32, #tpu.memory_space<hbm>> -> memref<80x125xi32, #tpu.memory_space<hbm>>
        %dma_start3A_45 = arith.constant 0 : i32
        %dma_start3A_46 = tpu.memref_slice %dma_start3A_44[%mul3A_27, %dma_start3A_45] : memref<80x125xi32, #tpu.memory_space<hbm>> -> memref<16x125xi32, #tpu.memory_space<hbm>>
        %dma_start3A_47 = arith.constant 0 : i32
        %dma_start3A_48 = arith.constant 0 : i32
        %dma_start3A_49 = tpu.memref_slice %arg3[%add3A, %dma_start3A_47, %dma_start3A_48] : memref<32x80x125xi32, #tpu.memory_space<hbm>> -> memref<1x80x125xi32, #tpu.memory_space<hbm>>
        %dma_start3A_50 = tpu.memref_squeeze %dma_start3A_49 : memref<1x80x125xi32, #tpu.memory_space<hbm>> -> memref<80x125xi32, #tpu.memory_space<hbm>>
        %dma_start3A_51 = arith.constant 0 : i32
        %dma_start3A_52 = tpu.memref_slice %dma_start3A_50[%mul3A_27, %dma_start3A_51] : memref<80x125xi32, #tpu.memory_space<hbm>> -> memref<16x125xi32, #tpu.memory_space<hbm>>
        tpu.enqueue_dma source(%dma_start3A_52 : memref<16x125xi32, #tpu.memory_space<hbm>>) target(%arg6 : memref<16x125xi32, #tpu.memory_space<vmem>>) target_semaphore(%run_scoped3A : memref<!tpu.dma_semaphore, #tpu.memory_space<semaphore_mem>>)
        %dma_wait3A = arith.constant 0 : i32
        %dma_wait3A_53 = arith.constant 0 : i32
        %dma_wait3A_54 = tpu.memref_slice %arg3[%add3A, %dma_wait3A, %dma_wait3A_53] : memref<32x80x125xi32, #tpu.memory_space<hbm>> -> memref<1x80x125xi32, #tpu.memory_space<hbm>>
        %dma_wait3A_55 = tpu.memref_squeeze %dma_wait3A_54 : memref<1x80x125xi32, #tpu.memory_space<hbm>> -> memref<80x125xi32, #tpu.memory_space<hbm>>
        %dma_wait3A_56 = arith.constant 0 : i32
        %dma_wait3A_57 = tpu.memref_slice %dma_wait3A_55[%mul3A_27, %dma_wait3A_56] : memref<80x125xi32, #tpu.memory_space<hbm>> -> memref<16x125xi32, #tpu.memory_space<hbm>>
        %dma_wait3A_58 = arith.constant 0 : i32
        %dma_wait3A_59 = arith.constant 0 : i32
        %dma_wait3A_60 = tpu.memref_slice %arg3[%add3A, %dma_wait3A_58, %dma_wait3A_59] : memref<32x80x125xi32, #tpu.memory_space<hbm>> -> memref<1x80x125xi32, #tpu.memory_space<hbm>>
        %dma_wait3A_61 = tpu.memref_squeeze %dma_wait3A_60 : memref<1x80x125xi32, #tpu.memory_space<hbm>> -> memref<80x125xi32, #tpu.memory_space<hbm>>
        %dma_wait3A_62 = arith.constant 0 : i32
        %dma_wait3A_63 = tpu.memref_slice %dma_wait3A_61[%mul3A_27, %dma_wait3A_62] : memref<80x125xi32, #tpu.memory_space<hbm>> -> memref<16x125xi32, #tpu.memory_space<hbm>>
        tpu.wait_dma2 semaphore(%run_scoped3A : memref<!tpu.dma_semaphore, #tpu.memory_space<semaphore_mem>>) src(%dma_wait3A_63 : memref<16x125xi32, #tpu.memory_space<hbm>>) dst(%arg6 : memref<16x125xi32, #tpu.memory_space<vmem>>)
        tpu.yield
      }) : () -> ()
      %mul3A_28 = arith.constant 16 : i32
      %mul3A_29 = arith.muli %add3A_25, %mul3A_28 : i32
      "tpu.region"() ({
        %run_scoped3A = tpu.sem_alloc : memref<!tpu.dma_semaphore, #tpu.memory_space<semaphore_mem>>
        %dma_start3A_41 = arith.constant 0 : i32
        %dma_start3A_42 = arith.constant 0 : i32
        %dma_start3A_43 = tpu.memref_slice %arg4[%add3A, %dma_start3A_41, %dma_start3A_42] : memref<32x80x125xi32, #tpu.memory_space<hbm>> -> memref<1x80x125xi32, #tpu.memory_space<hbm>>
        %dma_start3A_44 = tpu.memref_squeeze %dma_start3A_43 : memref<1x80x125xi32, #tpu.memory_space<hbm>> -> memref<80x125xi32, #tpu.memory_space<hbm>>
        %dma_start3A_45 = arith.constant 0 : i32
        %dma_start3A_46 = tpu.memref_slice %dma_start3A_44[%mul3A_29, %dma_start3A_45] : memref<80x125xi32, #tpu.memory_space<hbm>> -> memref<16x125xi32, #tpu.memory_space<hbm>>
        %dma_start3A_47 = arith.constant 0 : i32
        %dma_start3A_48 = arith.constant 0 : i32
        %dma_start3A_49 = tpu.memref_slice %arg4[%add3A, %dma_start3A_47, %dma_start3A_48] : memref<32x80x125xi32, #tpu.memory_space<hbm>> -> memref<1x80x125xi32, #tpu.memory_space<hbm>>
        %dma_start3A_50 = tpu.memref_squeeze %dma_start3A_49 : memref<1x80x125xi32, #tpu.memory_space<hbm>> -> memref<80x125xi32, #tpu.memory_space<hbm>>
        %dma_start3A_51 = arith.constant 0 : i32
        %dma_start3A_52 = tpu.memref_slice %dma_start3A_50[%mul3A_29, %dma_start3A_51] : memref<80x125xi32, #tpu.memory_space<hbm>> -> memref<16x125xi32, #tpu.memory_space<hbm>>
        tpu.enqueue_dma source(%dma_start3A_52 : memref<16x125xi32, #tpu.memory_space<hbm>>) target(%arg7 : memref<16x125xi32, #tpu.memory_space<vmem>>) target_semaphore(%run_scoped3A : memref<!tpu.dma_semaphore, #tpu.memory_space<semaphore_mem>>)
        %dma_wait3A = arith.constant 0 : i32
        %dma_wait3A_53 = arith.constant 0 : i32
        %dma_wait3A_54 = tpu.memref_slice %arg4[%add3A, %dma_wait3A, %dma_wait3A_53] : memref<32x80x125xi32, #tpu.memory_space<hbm>> -> memref<1x80x125xi32, #tpu.memory_space<hbm>>
        %dma_wait3A_55 = tpu.memref_squeeze %dma_wait3A_54 : memref<1x80x125xi32, #tpu.memory_space<hbm>> -> memref<80x125xi32, #tpu.memory_space<hbm>>
        %dma_wait3A_56 = arith.constant 0 : i32
        %dma_wait3A_57 = tpu.memref_slice %dma_wait3A_55[%mul3A_29, %dma_wait3A_56] : memref<80x125xi32, #tpu.memory_space<hbm>> -> memref<16x125xi32, #tpu.memory_space<hbm>>
        %dma_wait3A_58 = arith.constant 0 : i32
        %dma_wait3A_59 = arith.constant 0 : i32
        %dma_wait3A_60 = tpu.memref_slice %arg4[%add3A, %dma_wait3A_58, %dma_wait3A_59] : memref<32x80x125xi32, #tpu.memory_space<hbm>> -> memref<1x80x125xi32, #tpu.memory_space<hbm>>
        %dma_wait3A_61 = tpu.memref_squeeze %dma_wait3A_60 : memref<1x80x125xi32, #tpu.memory_space<hbm>> -> memref<80x125xi32, #tpu.memory_space<hbm>>
        %dma_wait3A_62 = arith.constant 0 : i32
        %dma_wait3A_63 = tpu.memref_slice %dma_wait3A_61[%mul3A_29, %dma_wait3A_62] : memref<80x125xi32, #tpu.memory_space<hbm>> -> memref<16x125xi32, #tpu.memory_space<hbm>>
        tpu.wait_dma2 semaphore(%run_scoped3A : memref<!tpu.dma_semaphore, #tpu.memory_space<semaphore_mem>>) src(%dma_wait3A_63 : memref<16x125xi32, #tpu.memory_space<hbm>>) dst(%arg7 : memref<16x125xi32, #tpu.memory_space<vmem>>)
        tpu.yield
      }) : () -> ()
      %dma_start3A = arith.constant 0 : i32
      %dma_start3A_30 = arith.constant 0 : i32
      %dma_start3A_31 = tpu.memref_slice %arg6[%dma_start3A, %dma_start3A_30] : memref<16x125xi32, #tpu.memory_space<vmem>> -> memref<1x125xi32, #tpu.memory_space<vmem>>
      %dma_start3A_32 = tpu.memref_squeeze %dma_start3A_31 : memref<1x125xi32, #tpu.memory_space<vmem>> -> memref<125xi32, #tpu.memory_space<vmem>>
      %dma_start3A_33 = arith.constant 0 : i32
      %dma_start3A_34 = arith.constant 0 : i32
      %dma_start3A_35 = tpu.memref_slice %arg2[%dma_start3A_33, %dma_start3A_34] : memref<10000x128xf32, #tpu.memory_space<hbm>> -> memref<10000x128xf32, #tpu.memory_space<hbm>>
      tpu.enqueue_indirect_dma source(%dma_start3A_35 : memref<10000x128xf32, #tpu.memory_space<hbm>>) target(%arg8 : memref<125x128xf32, #tpu.memory_space<vmem>>) offsets(%dma_start3A_32 : memref<125xi32, #tpu.memory_space<vmem>>) semaphore(%arg12 : memref<!tpu.dma_semaphore, #tpu.memory_space<semaphore_mem>>)
      %scan3A_36 = arith.constant 0 : i32
      %scan3A_37 = arith.constant 8 : i32
      %scan3A_38 = arith.addi %scan3A_36, %scan3A_37 : i32
      %scan3A_39 = arith.constant 1 : i32
      scf.for %scan3A_41 = %scan3A_36 to %scan3A_38 step %scan3A_39  : i32 {
        %mul3A_42 = arith.constant 1 : i32
        %mul3A_43 = arith.muli %scan3A_41, %mul3A_42 : i32
        %add3A_44 = arith.constant 0 : i32
        %add3A_45 = arith.addi %add3A_44, %mul3A_43 : i32
        %mul3A_46 = arith.constant 2 : i32
        %mul3A_47 = arith.muli %mul3A_46, %add3A_45 : i32
        %dma_wait3A = arith.constant 0 : i32
        %dma_wait3A_48 = tpu.memref_slice %arg6[%mul3A_47, %dma_wait3A] : memref<16x125xi32, #tpu.memory_space<vmem>> -> memref<1x125xi32, #tpu.memory_space<vmem>>
        %dma_wait3A_49 = tpu.memref_squeeze %dma_wait3A_48 : memref<1x125xi32, #tpu.memory_space<vmem>> -> memref<125xi32, #tpu.memory_space<vmem>>
        %dma_wait3A_50 = arith.constant 0 : i32
        %dma_wait3A_51 = arith.constant 0 : i32
        %dma_wait3A_52 = tpu.memref_slice %arg2[%dma_wait3A_50, %dma_wait3A_51] : memref<10000x128xf32, #tpu.memory_space<hbm>> -> memref<10000x128xf32, #tpu.memory_space<hbm>>
        tpu.wait_indirect_dma semaphore(%arg12 : memref<!tpu.dma_semaphore, #tpu.memory_space<semaphore_mem>>) src(%dma_wait3A_52 : memref<10000x128xf32, #tpu.memory_space<hbm>>) dst(%arg8 : memref<125x128xf32, #tpu.memory_space<vmem>>)
        %add3A_53 = arith.constant 1 : i32
        %add3A_54 = arith.addi %mul3A_47, %add3A_53 : i32
        %dma_start3A_55 = arith.constant 0 : i32
        %dma_start3A_56 = tpu.memref_slice %arg6[%add3A_54, %dma_start3A_55] : memref<16x125xi32, #tpu.memory_space<vmem>> -> memref<1x125xi32, #tpu.memory_space<vmem>>
        %dma_start3A_57 = tpu.memref_squeeze %dma_start3A_56 : memref<1x125xi32, #tpu.memory_space<vmem>> -> memref<125xi32, #tpu.memory_space<vmem>>
        %dma_start3A_58 = arith.constant 0 : i32
        %dma_start3A_59 = arith.constant 0 : i32
        %dma_start3A_60 = tpu.memref_slice %arg2[%dma_start3A_58, %dma_start3A_59] : memref<10000x128xf32, #tpu.memory_space<hbm>> -> memref<10000x128xf32, #tpu.memory_space<hbm>>
        tpu.enqueue_indirect_dma source(%dma_start3A_60 : memref<10000x128xf32, #tpu.memory_space<hbm>>) target(%arg9 : memref<125x128xf32, #tpu.memory_space<vmem>>) offsets(%dma_start3A_57 : memref<125xi32, #tpu.memory_space<vmem>>) semaphore(%arg13 : memref<!tpu.dma_semaphore, #tpu.memory_space<semaphore_mem>>)
        "tpu.region"() ({
          %run_scoped3A = tpu.sem_alloc : memref<!tpu.dma_semaphore, #tpu.memory_space<semaphore_mem>>
          %dma_start3A_73 = arith.constant 0 : i32
          %dma_start3A_74 = tpu.memref_slice %arg7[%mul3A_47, %dma_start3A_73] : memref<16x125xi32, #tpu.memory_space<vmem>> -> memref<1x125xi32, #tpu.memory_space<vmem>>
          %dma_start3A_75 = tpu.memref_squeeze %dma_start3A_74 : memref<1x125xi32, #tpu.memory_space<vmem>> -> memref<125xi32, #tpu.memory_space<vmem>>
          %dma_start3A_76 = arith.constant 0 : i32
          %dma_start3A_77 = arith.constant 0 : i32
          %dma_start3A_78 = tpu.memref_slice %arg11[%dma_start3A_76, %dma_start3A_77] : memref<10240x128xf32, #tpu.memory_space<vmem_shared>> -> memref<10240x128xf32, #tpu.memory_space<vmem_shared>>
          tpu.enqueue_indirect_dma source(%arg8 : memref<125x128xf32, #tpu.memory_space<vmem>>) target(%dma_start3A_78 : memref<10240x128xf32, #tpu.memory_space<vmem_shared>>) offsets(%dma_start3A_75 : memref<125xi32, #tpu.memory_space<vmem>>) semaphore(%run_scoped3A : memref<!tpu.dma_semaphore, #tpu.memory_space<semaphore_mem>>) {add = true}
          %dma_wait3A_79 = arith.constant 0 : i32
          %dma_wait3A_80 = tpu.memref_slice %arg7[%mul3A_47, %dma_wait3A_79] : memref<16x125xi32, #tpu.memory_space<vmem>> -> memref<1x125xi32, #tpu.memory_space<vmem>>
          %dma_wait3A_81 = tpu.memref_squeeze %dma_wait3A_80 : memref<1x125xi32, #tpu.memory_space<vmem>> -> memref<125xi32, #tpu.memory_space<vmem>>
          %dma_wait3A_82 = arith.constant 0 : i32
          %dma_wait3A_83 = arith.constant 0 : i32
          %dma_wait3A_84 = tpu.memref_slice %arg11[%dma_wait3A_82, %dma_wait3A_83] : memref<10240x128xf32, #tpu.memory_space<vmem_shared>> -> memref<10240x128xf32, #tpu.memory_space<vmem_shared>>
          tpu.wait_indirect_dma semaphore(%run_scoped3A : memref<!tpu.dma_semaphore, #tpu.memory_space<semaphore_mem>>) src(%arg8 : memref<125x128xf32, #tpu.memory_space<vmem>>) dst(%dma_wait3A_84 : memref<10240x128xf32, #tpu.memory_space<vmem_shared>>)
          tpu.yield
        }) : () -> ()
        %lt3A = arith.constant 7 : i32
        %lt3A_61 = arith.cmpi slt, %add3A_45, %lt3A : i32
        %convert_element_type3A = arith.extui %lt3A_61 : i1 to i32
        %cond3A = arith.constant 0 : i32
        %cond3A_62 = arith.cmpi ne, %convert_element_type3A, %cond3A : i32
        scf.if %cond3A_62 {
          %add3A_73 = arith.constant 2 : i32
          %add3A_74 = arith.addi %mul3A_47, %add3A_73 : i32
          %dma_start3A_75 = arith.constant 0 : i32
          %dma_start3A_76 = tpu.memref_slice %arg6[%add3A_74, %dma_start3A_75] : memref<16x125xi32, #tpu.memory_space<vmem>> -> memref<1x125xi32, #tpu.memory_space<vmem>>
          %dma_start3A_77 = tpu.memref_squeeze %dma_start3A_76 : memref<1x125xi32, #tpu.memory_space<vmem>> -> memref<125xi32, #tpu.memory_space<vmem>>
          %dma_start3A_78 = arith.constant 0 : i32
          %dma_start3A_79 = arith.constant 0 : i32
          %dma_start3A_80 = tpu.memref_slice %arg2[%dma_start3A_78, %dma_start3A_79] : memref<10000x128xf32, #tpu.memory_space<hbm>> -> memref<10000x128xf32, #tpu.memory_space<hbm>>
          tpu.enqueue_indirect_dma source(%dma_start3A_80 : memref<10000x128xf32, #tpu.memory_space<hbm>>) target(%arg8 : memref<125x128xf32, #tpu.memory_space<vmem>>) offsets(%dma_start3A_77 : memref<125xi32, #tpu.memory_space<vmem>>) semaphore(%arg12 : memref<!tpu.dma_semaphore, #tpu.memory_space<semaphore_mem>>)
        } else {
        }
        %add3A_63 = arith.constant 1 : i32
        %add3A_64 = arith.addi %mul3A_47, %add3A_63 : i32
        %dma_wait3A_65 = arith.constant 0 : i32
        %dma_wait3A_66 = tpu.memref_slice %arg6[%add3A_64, %dma_wait3A_65] : memref<16x125xi32, #tpu.memory_space<vmem>> -> memref<1x125xi32, #tpu.memory_space<vmem>>
        %dma_wait3A_67 = tpu.memref_squeeze %dma_wait3A_66 : memref<1x125xi32, #tpu.memory_space<vmem>> -> memref<125xi32, #tpu.memory_space<vmem>>
        %dma_wait3A_68 = arith.constant 0 : i32
        %dma_wait3A_69 = arith.constant 0 : i32
        %dma_wait3A_70 = tpu.memref_slice %arg2[%dma_wait3A_68, %dma_wait3A_69] : memref<10000x128xf32, #tpu.memory_space<hbm>> -> memref<10000x128xf32, #tpu.memory_space<hbm>>
        tpu.wait_indirect_dma semaphore(%arg13 : memref<!tpu.dma_semaphore, #tpu.memory_space<semaphore_mem>>) src(%dma_wait3A_70 : memref<10000x128xf32, #tpu.memory_space<hbm>>) dst(%arg9 : memref<125x128xf32, #tpu.memory_space<vmem>>)
        %add3A_71 = arith.constant 1 : i32
        %add3A_72 = arith.addi %mul3A_47, %add3A_71 : i32
        "tpu.region"() ({
          %run_scoped3A = tpu.sem_alloc : memref<!tpu.dma_semaphore, #tpu.memory_space<semaphore_mem>>
          %dma_start3A_73 = arith.constant 0 : i32
          %dma_start3A_74 = tpu.memref_slice %arg7[%add3A_72, %dma_start3A_73] : memref<16x125xi32, #tpu.memory_space<vmem>> -> memref<1x125xi32, #tpu.memory_space<vmem>>
          %dma_start3A_75 = tpu.memref_squeeze %dma_start3A_74 : memref<1x125xi32, #tpu.memory_space<vmem>> -> memref<125xi32, #tpu.memory_space<vmem>>
          %dma_start3A_76 = arith.constant 0 : i32
          %dma_start3A_77 = arith.constant 0 : i32
          %dma_start3A_78 = tpu.memref_slice %arg11[%dma_start3A_76, %dma_start3A_77] : memref<10240x128xf32, #tpu.memory_space<vmem_shared>> -> memref<10240x128xf32, #tpu.memory_space<vmem_shared>>
          tpu.enqueue_indirect_dma source(%arg9 : memref<125x128xf32, #tpu.memory_space<vmem>>) target(%dma_start3A_78 : memref<10240x128xf32, #tpu.memory_space<vmem_shared>>) offsets(%dma_start3A_75 : memref<125xi32, #tpu.memory_space<vmem>>) semaphore(%run_scoped3A : memref<!tpu.dma_semaphore, #tpu.memory_space<semaphore_mem>>) {add = true}
          %dma_wait3A_79 = arith.constant 0 : i32
          %dma_wait3A_80 = tpu.memref_slice %arg7[%add3A_72, %dma_wait3A_79] : memref<16x125xi32, #tpu.memory_space<vmem>> -> memref<1x125xi32, #tpu.memory_space<vmem>>
          %dma_wait3A_81 = tpu.memref_squeeze %dma_wait3A_80 : memref<1x125xi32, #tpu.memory_space<vmem>> -> memref<125xi32, #tpu.memory_space<vmem>>
          %dma_wait3A_82 = arith.constant 0 : i32
          %dma_wait3A_83 = arith.constant 0 : i32
          %dma_wait3A_84 = tpu.memref_slice %arg11[%dma_wait3A_82, %dma_wait3A_83] : memref<10240x128xf32, #tpu.memory_space<vmem_shared>> -> memref<10240x128xf32, #tpu.memory_space<vmem_shared>>
          tpu.wait_indirect_dma semaphore(%run_scoped3A : memref<!tpu.dma_semaphore, #tpu.memory_space<semaphore_mem>>) src(%arg9 : memref<125x128xf32, #tpu.memory_space<vmem>>) dst(%dma_wait3A_84 : memref<10240x128xf32, #tpu.memory_space<vmem_shared>>)
          tpu.yield
        }) : () -> ()
      }
      %scan3A_40 = arith.constant 8 : i32
    }
    %scan3A_14 = arith.constant 5 : i32
    %barrier3A_15 = arith.constant 0 : index
    tpu.barrier barrier_id(%barrier3A_15)
    %scan3A_16 = arith.constant 0 : i32
    %scan3A_17 = arith.constant 20 : i32
    %scan3A_18 = arith.addi %scan3A_16, %scan3A_17 : i32
    %scan3A_19 = arith.constant 1 : i32
    scf.for %scan3A_21 = %scan3A_16 to %scan3A_18 step %scan3A_19  : i32 {
      %mul3A_22 = arith.constant 1 : i32
      %mul3A_23 = arith.muli %scan3A_21, %mul3A_22 : i32
      %add3A_24 = arith.constant 0 : i32
      %add3A_25 = arith.addi %add3A_24, %mul3A_23 : i32
      %mul3A_26 = arith.constant 640 : i32
      %mul3A_27 = arith.muli %arg1, %mul3A_26 : i32
      %mul3A_28 = arith.constant 32 : i32
      %mul3A_29 = arith.muli %add3A_25, %mul3A_28 : i32
      %add3A_30 = arith.addi %mul3A_27, %mul3A_29 : i32
      "tpu.region"() ({
        %run_scoped3A = tpu.sem_alloc : memref<!tpu.dma_semaphore, #tpu.memory_space<semaphore_mem>>
        %dma_start3A = arith.constant 0 : i32
        %dma_start3A_31 = arith.constant 0 : i32
        %dma_start3A_32 = tpu.memref_slice %arg5[%arg0, %dma_start3A, %dma_start3A_31] : memref<2x10240x128xf32, #tpu.memory_space<hbm>> -> memref<1x10240x128xf32, #tpu.memory_space<hbm>>
        %dma_start3A_33 = tpu.memref_squeeze %dma_start3A_32 : memref<1x10240x128xf32, #tpu.memory_space<hbm>> -> memref<10240x128xf32, #tpu.memory_space<hbm>>
        %dma_start3A_34 = arith.constant 0 : i32
        %dma_start3A_35 = tpu.memref_slice %dma_start3A_33[%add3A_30, %dma_start3A_34] : memref<10240x128xf32, #tpu.memory_space<hbm>> -> memref<32x128xf32, #tpu.memory_space<hbm>>
        %dma_start3A_36 = arith.constant 0 : i32
        %dma_start3A_37 = tpu.memref_slice %arg11[%add3A_30, %dma_start3A_36] : memref<10240x128xf32, #tpu.memory_space<vmem_shared>> -> memref<32x128xf32, #tpu.memory_space<vmem_shared>>
        tpu.enqueue_dma source(%dma_start3A_37 : memref<32x128xf32, #tpu.memory_space<vmem_shared>>) target(%dma_start3A_35 : memref<32x128xf32, #tpu.memory_space<hbm>>) target_semaphore(%run_scoped3A : memref<!tpu.dma_semaphore, #tpu.memory_space<semaphore_mem>>)
        %dma_wait3A = arith.constant 0 : i32
        %dma_wait3A_38 = arith.constant 0 : i32
        %dma_wait3A_39 = tpu.memref_slice %arg5[%arg0, %dma_wait3A, %dma_wait3A_38] : memref<2x10240x128xf32, #tpu.memory_space<hbm>> -> memref<1x10240x128xf32, #tpu.memory_space<hbm>>
        %dma_wait3A_40 = tpu.memref_squeeze %dma_wait3A_39 : memref<1x10240x128xf32, #tpu.memory_space<hbm>> -> memref<10240x128xf32, #tpu.memory_space<hbm>>
        %dma_wait3A_41 = arith.constant 0 : i32
        %dma_wait3A_42 = tpu.memref_slice %dma_wait3A_40[%add3A_30, %dma_wait3A_41] : memref<10240x128xf32, #tpu.memory_space<hbm>> -> memref<32x128xf32, #tpu.memory_space<hbm>>
        %dma_wait3A_43 = arith.constant 0 : i32
        %dma_wait3A_44 = tpu.memref_slice %arg11[%add3A_30, %dma_wait3A_43] : memref<10240x128xf32, #tpu.memory_space<vmem_shared>> -> memref<32x128xf32, #tpu.memory_space<vmem_shared>>
        tpu.wait_dma2 semaphore(%run_scoped3A : memref<!tpu.dma_semaphore, #tpu.memory_space<semaphore_mem>>) src(%dma_wait3A_44 : memref<32x128xf32, #tpu.memory_space<vmem_shared>>) dst(%dma_wait3A_42 : memref<32x128xf32, #tpu.memory_space<hbm>>)
        tpu.yield
      }) : () -> ()
    }
    %scan3A_20 = arith.constant 20 : i32
    return
  }
}

#map = affine_map<(d0, d1) -> (0, 0)>
#map1 = affine_map<(d0, d1) -> (0, 0, 0)>
module attributes {stable_mosaic.version = 14 : i64} {
  func.func @body(%arg0: i32, %arg1: i32, %arg2: memref<10000x128xf32, #tpu.memory_space<hbm>>, %arg3: memref<32x80x125xi32, #tpu.memory_space<hbm>>, %arg4: memref<32x80x125xi32, #tpu.memory_space<hbm>>, %arg5: memref<2x10240x128xf32, #tpu.memory_space<hbm>>, %arg6: memref<16x125xi32, #tpu.memory_space<vmem>>, %arg7: memref<16x125xi32, #tpu.memory_space<vmem>>, %arg8: memref<125x128xf32, #tpu.memory_space<vmem>>, %arg9: memref<125x128xf32, #tpu.memory_space<vmem>>, %arg10: memref<32x128xf32, #tpu.memory_space<vmem>>, %arg11: memref<10240x128xf32, #tpu.memory_space<vmem_shared>>, %arg12: memref<!tpu.dma_semaphore, #tpu.memory_space<semaphore_mem>>, %arg13: memref<!tpu.dma_semaphore, #tpu.memory_space<semaphore_mem>>) attributes {dimension_semantics = [#tpu.dimension_semantics<core_parallel>, #tpu.dimension_semantics<subcore_parallel>], iteration_bounds = array<i64: 2, 16>, scalar_prefetch = 0 : i64, scratch_operands = 8 : i64, tpu.core_type = #tpu.core_type<sc_vector_subcore>, window_params = [{transform_indices = #map}, {transform_indices = #map1}, {transform_indices = #map1}, {transform_indices = #map1}]} {
    %mul3A = arith.constant 2 : i32
    %mul3A_0 = arith.muli %arg1, %mul3A : i32
    %add3A = arith.addi %mul3A_0, %arg0 : i32
    %scan3A = arith.constant 0 : i32
    %scan3A_1 = arith.constant 32 : i32
    %scan3A_2 = arith.addi %scan3A, %scan3A_1 : i32
    %scan3A_3 = arith.constant 1 : i32
    scf.for %scan3A_21 = %scan3A to %scan3A_2 step %scan3A_3  : i32 {
      %mul3A_22 = arith.constant 1 : i32
      %mul3A_23 = arith.muli %scan3A_21, %mul3A_22 : i32
      %add3A_24 = arith.constant 0 : i32
      %add3A_25 = arith.addi %add3A_24, %mul3A_23 : i32
      %scan3A_26 = arith.constant 0 : i32
      %scan3A_27 = arith.constant 8 : i32
      %scan3A_28 = arith.addi %scan3A_26, %scan3A_27 : i32
      %scan3A_29 = arith.constant 1 : i32
      scf.for %scan3A_31 = %scan3A_26 to %scan3A_28 step %scan3A_29  : i32 {
        %mul3A_32 = arith.constant 16 : i32
        %mul3A_33 = arith.muli %scan3A_31, %mul3A_32 : i32
        %add3A_34 = arith.constant 0 : i32
        %add3A_35 = arith.addi %add3A_34, %mul3A_33 : i32
        %broadcast_in_dim3A = arith.constant 0.000000e+00 : f32
        %broadcast_in_dim3A_36 = vector.broadcast %broadcast_in_dim3A : f32 to vector<16xf32>
        %swap3A = arith.index_cast %add3A_25 : i32 to index
        %swap3A_37 = arith.index_cast %add3A_35 : i32 to index
        %swap3A_38 = tpu.vector_load %arg10[%swap3A, %swap3A_37] {strides = array<i32>} : memref<32x128xf32, #tpu.memory_space<vmem>>, vector<1x16xf32>,
        %swap3A_39 = vector.shape_cast %swap3A_38 : vector<1x16xf32> to vector<16xf32>
        %swap3A_40 = vector.shape_cast %broadcast_in_dim3A_36 : vector<16xf32> to vector<1x16xf32>
        tpu.vector_store %arg10[%swap3A, %swap3A_37], %swap3A_40 {strides = array<i32>} : memref<32x128xf32, #tpu.memory_space<vmem>>, vector<1x16xf32>,
      }
      %scan3A_30 = arith.constant 8 : i32
    }
    %scan3A_4 = arith.constant 32 : i32
    %scan3A_5 = arith.constant 0 : i32
    %scan3A_6 = arith.constant 20 : i32
    %scan3A_7 = arith.addi %scan3A_5, %scan3A_6 : i32
    %scan3A_8 = arith.constant 1 : i32
    scf.for %scan3A_21 = %scan3A_5 to %scan3A_7 step %scan3A_8  : i32 {
      %mul3A_22 = arith.constant 1 : i32
      %mul3A_23 = arith.muli %scan3A_21, %mul3A_22 : i32
      %add3A_24 = arith.constant 0 : i32
      %add3A_25 = arith.addi %add3A_24, %mul3A_23 : i32
      %mul3A_26 = arith.constant 640 : i32
      %mul3A_27 = arith.muli %arg1, %mul3A_26 : i32
      %mul3A_28 = arith.constant 32 : i32
      %mul3A_29 = arith.muli %add3A_25, %mul3A_28 : i32
      %add3A_30 = arith.addi %mul3A_27, %mul3A_29 : i32
      "tpu.region"() ({
        %run_scoped3A = tpu.sem_alloc : memref<!tpu.dma_semaphore, #tpu.memory_space<semaphore_mem>>
        %dma_start3A = arith.constant 0 : i32
        %dma_start3A_31 = tpu.memref_slice %arg11[%add3A_30, %dma_start3A] : memref<10240x128xf32, #tpu.memory_space<vmem_shared>> -> memref<32x128xf32, #tpu.memory_space<vmem_shared>>
        %dma_start3A_32 = arith.constant 0 : i32
        %dma_start3A_33 = tpu.memref_slice %arg11[%add3A_30, %dma_start3A_32] : memref<10240x128xf32, #tpu.memory_space<vmem_shared>> -> memref<32x128xf32, #tpu.memory_space<vmem_shared>>
        tpu.enqueue_dma source(%arg10 : memref<32x128xf32, #tpu.memory_space<vmem>>) target(%dma_start3A_33 : memref<32x128xf32, #tpu.memory_space<vmem_shared>>) target_semaphore(%run_scoped3A : memref<!tpu.dma_semaphore, #tpu.memory_space<semaphore_mem>>)
        %dma_wait3A = arith.constant 0 : i32
        %dma_wait3A_34 = tpu.memref_slice %arg11[%add3A_30, %dma_wait3A] : memref<10240x128xf32, #tpu.memory_space<vmem_shared>> -> memref<32x128xf32, #tpu.memory_space<vmem_shared>>
        %dma_wait3A_35 = arith.constant 0 : i32
        %dma_wait3A_36 = tpu.memref_slice %arg11[%add3A_30, %dma_wait3A_35] : memref<10240x128xf32, #tpu.memory_space<vmem_shared>> -> memref<32x128xf32, #tpu.memory_space<vmem_shared>>
        tpu.wait_dma2 semaphore(%run_scoped3A : memref<!tpu.dma_semaphore, #tpu.memory_space<semaphore_mem>>) src(%arg10 : memref<32x128xf32, #tpu.memory_space<vmem>>) dst(%dma_wait3A_36 : memref<32x128xf32, #tpu.memory_space<vmem_shared>>)
        tpu.yield
      }) : () -> ()
    }
    %scan3A_9 = arith.constant 20 : i32
    %barrier3A = arith.constant 0 : index
    tpu.barrier barrier_id(%barrier3A)
    %scan3A_10 = arith.constant 0 : i32
    %scan3A_11 = arith.constant 5 : i32
    %scan3A_12 = arith.addi %scan3A_10, %scan3A_11 : i32
    %scan3A_13 = arith.constant 1 : i32
    scf.for %scan3A_21 = %scan3A_10 to %scan3A_12 step %scan3A_13  : i32 {
      %mul3A_22 = arith.constant 1 : i32
      %mul3A_23 = arith.muli %scan3A_21, %mul3A_22 : i32
      %add3A_24 = arith.constant 0 : i32
      %add3A_25 = arith.addi %add3A_24, %mul3A_23 : i32
      %mul3A_26 = arith.constant 16 : i32
      %mul3A_27 = arith.muli %add3A_25, %mul3A_26 : i32
      "tpu.region"() ({
        %run_scoped3A = tpu.sem_alloc : memref<!tpu.dma_semaphore, #tpu.memory_space<semaphore_mem>>
        %dma_start3A_41 = arith.constant 0 : i32
        %dma_start3A_42 = arith.constant 0 : i32
        %dma_start3A_43 = tpu.memref_slice %arg3[%add3A, %dma_start3A_41, %dma_start3A_42] : memref<32x80x125xi32, #tpu.memory_space<hbm>> -> memref<1x80x125xi32, #tpu.memory_space<hbm>>
        %dma_start3A_44 = tpu.memref_squeeze %dma_start3A_43 : memref<1x80x125xi32, #tpu.memory_space<hbm>> -> memref<80x125xi32, #tpu.memory_space<hbm>>
        %dma_start3A_45 = arith.constant 0 : i32
        %dma_start3A_46 = tpu.memref_slice %dma_start3A_44[%mul3A_27, %dma_start3A_45] : memref<80x125xi32, #tpu.memory_space<hbm>> -> memref<16x125xi32, #tpu.memory_space<hbm>>
        %dma_start3A_47 = arith.constant 0 : i32
        %dma_start3A_48 = arith.constant 0 : i32
        %dma_start3A_49 = tpu.memref_slice %arg3[%add3A, %dma_start3A_47, %dma_start3A_48] : memref<32x80x125xi32, #tpu.memory_space<hbm>> -> memref<1x80x125xi32, #tpu.memory_space<hbm>>
        %dma_start3A_50 = tpu.memref_squeeze %dma_start3A_49 : memref<1x80x125xi32, #tpu.memory_space<hbm>> -> memref<80x125xi32, #tpu.memory_space<hbm>>
        %dma_start3A_51 = arith.constant 0 : i32
        %dma_start3A_52 = tpu.memref_slice %dma_start3A_50[%mul3A_27, %dma_start3A_51] : memref<80x125xi32, #tpu.memory_space<hbm>> -> memref<16x125xi32, #tpu.memory_space<hbm>>
        tpu.enqueue_dma source(%dma_start3A_52 : memref<16x125xi32, #tpu.memory_space<hbm>>) target(%arg6 : memref<16x125xi32, #tpu.memory_space<vmem>>) target_semaphore(%run_scoped3A : memref<!tpu.dma_semaphore, #tpu.memory_space<semaphore_mem>>)
        %dma_wait3A = arith.constant 0 : i32
        %dma_wait3A_53 = arith.constant 0 : i32
        %dma_wait3A_54 = tpu.memref_slice %arg3[%add3A, %dma_wait3A, %dma_wait3A_53] : memref<32x80x125xi32, #tpu.memory_space<hbm>> -> memref<1x80x125xi32, #tpu.memory_space<hbm>>
        %dma_wait3A_55 = tpu.memref_squeeze %dma_wait3A_54 : memref<1x80x125xi32, #tpu.memory_space<hbm>> -> memref<80x125xi32, #tpu.memory_space<hbm>>
        %dma_wait3A_56 = arith.constant 0 : i32
        %dma_wait3A_57 = tpu.memref_slice %dma_wait3A_55[%mul3A_27, %dma_wait3A_56] : memref<80x125xi32, #tpu.memory_space<hbm>> -> memref<16x125xi32, #tpu.memory_space<hbm>>
        %dma_wait3A_58 = arith.constant 0 : i32
        %dma_wait3A_59 = arith.constant 0 : i32
        %dma_wait3A_60 = tpu.memref_slice %arg3[%add3A, %dma_wait3A_58, %dma_wait3A_59] : memref<32x80x125xi32, #tpu.memory_space<hbm>> -> memref<1x80x125xi32, #tpu.memory_space<hbm>>
        %dma_wait3A_61 = tpu.memref_squeeze %dma_wait3A_60 : memref<1x80x125xi32, #tpu.memory_space<hbm>> -> memref<80x125xi32, #tpu.memory_space<hbm>>
        %dma_wait3A_62 = arith.constant 0 : i32
        %dma_wait3A_63 = tpu.memref_slice %dma_wait3A_61[%mul3A_27, %dma_wait3A_62] : memref<80x125xi32, #tpu.memory_space<hbm>> -> memref<16x125xi32, #tpu.memory_space<hbm>>
        tpu.wait_dma2 semaphore(%run_scoped3A : memref<!tpu.dma_semaphore, #tpu.memory_space<semaphore_mem>>) src(%dma_wait3A_63 : memref<16x125xi32, #tpu.memory_space<hbm>>) dst(%arg6 : memref<16x125xi32, #tpu.memory_space<vmem>>)
        tpu.yield
      }) : () -> ()
      %mul3A_28 = arith.constant 16 : i32
      %mul3A_29 = arith.muli %add3A_25, %mul3A_28 : i32
      "tpu.region"() ({
        %run_scoped3A = tpu.sem_alloc : memref<!tpu.dma_semaphore, #tpu.memory_space<semaphore_mem>>
        %dma_start3A_41 = arith.constant 0 : i32
        %dma_start3A_42 = arith.constant 0 : i32
        %dma_start3A_43 = tpu.memref_slice %arg4[%add3A, %dma_start3A_41, %dma_start3A_42] : memref<32x80x125xi32, #tpu.memory_space<hbm>> -> memref<1x80x125xi32, #tpu.memory_space<hbm>>
        %dma_start3A_44 = tpu.memref_squeeze %dma_start3A_43 : memref<1x80x125xi32, #tpu.memory_space<hbm>> -> memref<80x125xi32, #tpu.memory_space<hbm>>
        %dma_start3A_45 = arith.constant 0 : i32
        %dma_start3A_46 = tpu.memref_slice %dma_start3A_44[%mul3A_29, %dma_start3A_45] : memref<80x125xi32, #tpu.memory_space<hbm>> -> memref<16x125xi32, #tpu.memory_space<hbm>>
        %dma_start3A_47 = arith.constant 0 : i32
        %dma_start3A_48 = arith.constant 0 : i32
        %dma_start3A_49 = tpu.memref_slice %arg4[%add3A, %dma_start3A_47, %dma_start3A_48] : memref<32x80x125xi32, #tpu.memory_space<hbm>> -> memref<1x80x125xi32, #tpu.memory_space<hbm>>
        %dma_start3A_50 = tpu.memref_squeeze %dma_start3A_49 : memref<1x80x125xi32, #tpu.memory_space<hbm>> -> memref<80x125xi32, #tpu.memory_space<hbm>>
        %dma_start3A_51 = arith.constant 0 : i32
        %dma_start3A_52 = tpu.memref_slice %dma_start3A_50[%mul3A_29, %dma_start3A_51] : memref<80x125xi32, #tpu.memory_space<hbm>> -> memref<16x125xi32, #tpu.memory_space<hbm>>
        tpu.enqueue_dma source(%dma_start3A_52 : memref<16x125xi32, #tpu.memory_space<hbm>>) target(%arg7 : memref<16x125xi32, #tpu.memory_space<vmem>>) target_semaphore(%run_scoped3A : memref<!tpu.dma_semaphore, #tpu.memory_space<semaphore_mem>>)
        %dma_wait3A = arith.constant 0 : i32
        %dma_wait3A_53 = arith.constant 0 : i32
        %dma_wait3A_54 = tpu.memref_slice %arg4[%add3A, %dma_wait3A, %dma_wait3A_53] : memref<32x80x125xi32, #tpu.memory_space<hbm>> -> memref<1x80x125xi32, #tpu.memory_space<hbm>>
        %dma_wait3A_55 = tpu.memref_squeeze %dma_wait3A_54 : memref<1x80x125xi32, #tpu.memory_space<hbm>> -> memref<80x125xi32, #tpu.memory_space<hbm>>
        %dma_wait3A_56 = arith.constant 0 : i32
        %dma_wait3A_57 = tpu.memref_slice %dma_wait3A_55[%mul3A_29, %dma_wait3A_56] : memref<80x125xi32, #tpu.memory_space<hbm>> -> memref<16x125xi32, #tpu.memory_space<hbm>>
        %dma_wait3A_58 = arith.constant 0 : i32
        %dma_wait3A_59 = arith.constant 0 : i32
        %dma_wait3A_60 = tpu.memref_slice %arg4[%add3A, %dma_wait3A_58, %dma_wait3A_59] : memref<32x80x125xi32, #tpu.memory_space<hbm>> -> memref<1x80x125xi32, #tpu.memory_space<hbm>>
        %dma_wait3A_61 = tpu.memref_squeeze %dma_wait3A_60 : memref<1x80x125xi32, #tpu.memory_space<hbm>> -> memref<80x125xi32, #tpu.memory_space<hbm>>
        %dma_wait3A_62 = arith.constant 0 : i32
        %dma_wait3A_63 = tpu.memref_slice %dma_wait3A_61[%mul3A_29, %dma_wait3A_62] : memref<80x125xi32, #tpu.memory_space<hbm>> -> memref<16x125xi32, #tpu.memory_space<hbm>>
        tpu.wait_dma2 semaphore(%run_scoped3A : memref<!tpu.dma_semaphore, #tpu.memory_space<semaphore_mem>>) src(%dma_wait3A_63 : memref<16x125xi32, #tpu.memory_space<hbm>>) dst(%arg7 : memref<16x125xi32, #tpu.memory_space<vmem>>)
        tpu.yield
      }) : () -> ()
      %dma_start3A = arith.constant 0 : i32
      %dma_start3A_30 = arith.constant 0 : i32
      %dma_start3A_31 = tpu.memref_slice %arg6[%dma_start3A, %dma_start3A_30] : memref<16x125xi32, #tpu.memory_space<vmem>> -> memref<1x125xi32, #tpu.memory_space<vmem>>
      %dma_start3A_32 = tpu.memref_squeeze %dma_start3A_31 : memref<1x125xi32, #tpu.memory_space<vmem>> -> memref<125xi32, #tpu.memory_space<vmem>>
      %dma_start3A_33 = arith.constant 0 : i32
      %dma_start3A_34 = arith.constant 0 : i32
      %dma_start3A_35 = tpu.memref_slice %arg2[%dma_start3A_33, %dma_start3A_34] : memref<10000x128xf32, #tpu.memory_space<hbm>> -> memref<10000x128xf32, #tpu.memory_space<hbm>>
      tpu.enqueue_indirect_dma source(%dma_start3A_35 : memref<10000x128xf32, #tpu.memory_space<hbm>>) target(%arg8 : memref<125x128xf32, #tpu.memory_space<vmem>>) offsets(%dma_start3A_32 : memref<125xi32, #tpu.memory_space<vmem>>) semaphore(%arg12 : memref<!tpu.dma_semaphore, #tpu.memory_space<semaphore_mem>>)
      %scan3A_36 = arith.constant 0 : i32
      %scan3A_37 = arith.constant 8 : i32
      %scan3A_38 = arith.addi %scan3A_36, %scan3A_37 : i32
      %scan3A_39 = arith.constant 1 : i32
      scf.for %scan3A_41 = %scan3A_36 to %scan3A_38 step %scan3A_39  : i32 {
        %mul3A_42 = arith.constant 1 : i32
        %mul3A_43 = arith.muli %scan3A_41, %mul3A_42 : i32
        %add3A_44 = arith.constant 0 : i32
        %add3A_45 = arith.addi %add3A_44, %mul3A_43 : i32
        %mul3A_46 = arith.constant 2 : i32
        %mul3A_47 = arith.muli %mul3A_46, %add3A_45 : i32
        %dma_wait3A = arith.constant 0 : i32
        %dma_wait3A_48 = tpu.memref_slice %arg6[%mul3A_47, %dma_wait3A] : memref<16x125xi32, #tpu.memory_space<vmem>> -> memref<1x125xi32, #tpu.memory_space<vmem>>
        %dma_wait3A_49 = tpu.memref_squeeze %dma_wait3A_48 : memref<1x125xi32, #tpu.memory_space<vmem>> -> memref<125xi32, #tpu.memory_space<vmem>>
        %dma_wait3A_50 = arith.constant 0 : i32
        %dma_wait3A_51 = arith.constant 0 : i32
        %dma_wait3A_52 = tpu.memref_slice %arg2[%dma_wait3A_50, %dma_wait3A_51] : memref<10000x128xf32, #tpu.memory_space<hbm>> -> memref<10000x128xf32, #tpu.memory_space<hbm>>
        tpu.wait_indirect_dma semaphore(%arg12 : memref<!tpu.dma_semaphore, #tpu.memory_space<semaphore_mem>>) src(%dma_wait3A_52 : memref<10000x128xf32, #tpu.memory_space<hbm>>) dst(%arg8 : memref<125x128xf32, #tpu.memory_space<vmem>>)
        %add3A_53 = arith.constant 1 : i32
        %add3A_54 = arith.addi %mul3A_47, %add3A_53 : i32
        %dma_start3A_55 = arith.constant 0 : i32
        %dma_start3A_56 = tpu.memref_slice %arg6[%add3A_54, %dma_start3A_55] : memref<16x125xi32, #tpu.memory_space<vmem>> -> memref<1x125xi32, #tpu.memory_space<vmem>>
        %dma_start3A_57 = tpu.memref_squeeze %dma_start3A_56 : memref<1x125xi32, #tpu.memory_space<vmem>> -> memref<125xi32, #tpu.memory_space<vmem>>
        %dma_start3A_58 = arith.constant 0 : i32
        %dma_start3A_59 = arith.constant 0 : i32
        %dma_start3A_60 = tpu.memref_slice %arg2[%dma_start3A_58, %dma_start3A_59] : memref<10000x128xf32, #tpu.memory_space<hbm>> -> memref<10000x128xf32, #tpu.memory_space<hbm>>
        tpu.enqueue_indirect_dma source(%dma_start3A_60 : memref<10000x128xf32, #tpu.memory_space<hbm>>) target(%arg9 : memref<125x128xf32, #tpu.memory_space<vmem>>) offsets(%dma_start3A_57 : memref<125xi32, #tpu.memory_space<vmem>>) semaphore(%arg13 : memref<!tpu.dma_semaphore, #tpu.memory_space<semaphore_mem>>)
        "tpu.region"() ({
          %run_scoped3A = tpu.sem_alloc : memref<!tpu.dma_semaphore, #tpu.memory_space<semaphore_mem>>
          %dma_start3A_73 = arith.constant 0 : i32
          %dma_start3A_74 = tpu.memref_slice %arg7[%mul3A_47, %dma_start3A_73] : memref<16x125xi32, #tpu.memory_space<vmem>> -> memref<1x125xi32, #tpu.memory_space<vmem>>
          %dma_start3A_75 = tpu.memref_squeeze %dma_start3A_74 : memref<1x125xi32, #tpu.memory_space<vmem>> -> memref<125xi32, #tpu.memory_space<vmem>>
          %dma_start3A_76 = arith.constant 0 : i32
          %dma_start3A_77 = arith.constant 0 : i32
          %dma_start3A_78 = tpu.memref_slice %arg11[%dma_start3A_76, %dma_start3A_77] : memref<10240x128xf32, #tpu.memory_space<vmem_shared>> -> memref<10240x128xf32, #tpu.memory_space<vmem_shared>>
          tpu.enqueue_indirect_dma source(%arg8 : memref<125x128xf32, #tpu.memory_space<vmem>>) target(%dma_start3A_78 : memref<10240x128xf32, #tpu.memory_space<vmem_shared>>) offsets(%dma_start3A_75 : memref<125xi32, #tpu.memory_space<vmem>>) semaphore(%run_scoped3A : memref<!tpu.dma_semaphore, #tpu.memory_space<semaphore_mem>>) {add = true}
          %dma_wait3A_79 = arith.constant 0 : i32
          %dma_wait3A_80 = tpu.memref_slice %arg7[%mul3A_47, %dma_wait3A_79] : memref<16x125xi32, #tpu.memory_space<vmem>> -> memref<1x125xi32, #tpu.memory_space<vmem>>
          %dma_wait3A_81 = tpu.memref_squeeze %dma_wait3A_80 : memref<1x125xi32, #tpu.memory_space<vmem>> -> memref<125xi32, #tpu.memory_space<vmem>>
          %dma_wait3A_82 = arith.constant 0 : i32
          %dma_wait3A_83 = arith.constant 0 : i32
          %dma_wait3A_84 = tpu.memref_slice %arg11[%dma_wait3A_82, %dma_wait3A_83] : memref<10240x128xf32, #tpu.memory_space<vmem_shared>> -> memref<10240x128xf32, #tpu.memory_space<vmem_shared>>
          tpu.wait_indirect_dma semaphore(%run_scoped3A : memref<!tpu.dma_semaphore, #tpu.memory_space<semaphore_mem>>) src(%arg8 : memref<125x128xf32, #tpu.memory_space<vmem>>) dst(%dma_wait3A_84 : memref<10240x128xf32, #tpu.memory_space<vmem_shared>>)
          tpu.yield
        }) : () -> ()
        %lt3A = arith.constant 7 : i32
        %lt3A_61 = arith.cmpi slt, %add3A_45, %lt3A : i32
        %convert_element_type3A = arith.extui %lt3A_61 : i1 to i32
        %cond3A = arith.constant 0 : i32
        %cond3A_62 = arith.cmpi ne, %convert_element_type3A, %cond3A : i32
        scf.if %cond3A_62 {
          %add3A_73 = arith.constant 2 : i32
          %add3A_74 = arith.addi %mul3A_47, %add3A_73 : i32
          %dma_start3A_75 = arith.constant 0 : i32
          %dma_start3A_76 = tpu.memref_slice %arg6[%add3A_74, %dma_start3A_75] : memref<16x125xi32, #tpu.memory_space<vmem>> -> memref<1x125xi32, #tpu.memory_space<vmem>>
          %dma_start3A_77 = tpu.memref_squeeze %dma_start3A_76 : memref<1x125xi32, #tpu.memory_space<vmem>> -> memref<125xi32, #tpu.memory_space<vmem>>
          %dma_start3A_78 = arith.constant 0 : i32
          %dma_start3A_79 = arith.constant 0 : i32
          %dma_start3A_80 = tpu.memref_slice %arg2[%dma_start3A_78, %dma_start3A_79] : memref<10000x128xf32, #tpu.memory_space<hbm>> -> memref<10000x128xf32, #tpu.memory_space<hbm>>
          tpu.enqueue_indirect_dma source(%dma_start3A_80 : memref<10000x128xf32, #tpu.memory_space<hbm>>) target(%arg8 : memref<125x128xf32, #tpu.memory_space<vmem>>) offsets(%dma_start3A_77 : memref<125xi32, #tpu.memory_space<vmem>>) semaphore(%arg12 : memref<!tpu.dma_semaphore, #tpu.memory_space<semaphore_mem>>)
        } else {
        }
        %add3A_63 = arith.constant 1 : i32
        %add3A_64 = arith.addi %mul3A_47, %add3A_63 : i32
        %dma_wait3A_65 = arith.constant 0 : i32
        %dma_wait3A_66 = tpu.memref_slice %arg6[%add3A_64, %dma_wait3A_65] : memref<16x125xi32, #tpu.memory_space<vmem>> -> memref<1x125xi32, #tpu.memory_space<vmem>>
        %dma_wait3A_67 = tpu.memref_squeeze %dma_wait3A_66 : memref<1x125xi32, #tpu.memory_space<vmem>> -> memref<125xi32, #tpu.memory_space<vmem>>
        %dma_wait3A_68 = arith.constant 0 : i32
        %dma_wait3A_69 = arith.constant 0 : i32
        %dma_wait3A_70 = tpu.memref_slice %arg2[%dma_wait3A_68, %dma_wait3A_69] : memref<10000x128xf32, #tpu.memory_space<hbm>> -> memref<10000x128xf32, #tpu.memory_space<hbm>>
        tpu.wait_indirect_dma semaphore(%arg13 : memref<!tpu.dma_semaphore, #tpu.memory_space<semaphore_mem>>) src(%dma_wait3A_70 : memref<10000x128xf32, #tpu.memory_space<hbm>>) dst(%arg9 : memref<125x128xf32, #tpu.memory_space<vmem>>)
        %add3A_71 = arith.constant 1 : i32
        %add3A_72 = arith.addi %mul3A_47, %add3A_71 : i32
        "tpu.region"() ({
          %run_scoped3A = tpu.sem_alloc : memref<!tpu.dma_semaphore, #tpu.memory_space<semaphore_mem>>
          %dma_start3A_73 = arith.constant 0 : i32
          %dma_start3A_74 = tpu.memref_slice %arg7[%add3A_72, %dma_start3A_73] : memref<16x125xi32, #tpu.memory_space<vmem>> -> memref<1x125xi32, #tpu.memory_space<vmem>>
          %dma_start3A_75 = tpu.memref_squeeze %dma_start3A_74 : memref<1x125xi32, #tpu.memory_space<vmem>> -> memref<125xi32, #tpu.memory_space<vmem>>
          %dma_start3A_76 = arith.constant 0 : i32
          %dma_start3A_77 = arith.constant 0 : i32
          %dma_start3A_78 = tpu.memref_slice %arg11[%dma_start3A_76, %dma_start3A_77] : memref<10240x128xf32, #tpu.memory_space<vmem_shared>> -> memref<10240x128xf32, #tpu.memory_space<vmem_shared>>
          tpu.enqueue_indirect_dma source(%arg9 : memref<125x128xf32, #tpu.memory_space<vmem>>) target(%dma_start3A_78 : memref<10240x128xf32, #tpu.memory_space<vmem_shared>>) offsets(%dma_start3A_75 : memref<125xi32, #tpu.memory_space<vmem>>) semaphore(%run_scoped3A : memref<!tpu.dma_semaphore, #tpu.memory_space<semaphore_mem>>) {add = true}
          %dma_wait3A_79 = arith.constant 0 : i32
          %dma_wait3A_80 = tpu.memref_slice %arg7[%add3A_72, %dma_wait3A_79] : memref<16x125xi32, #tpu.memory_space<vmem>> -> memref<1x125xi32, #tpu.memory_space<vmem>>
          %dma_wait3A_81 = tpu.memref_squeeze %dma_wait3A_80 : memref<1x125xi32, #tpu.memory_space<vmem>> -> memref<125xi32, #tpu.memory_space<vmem>>
          %dma_wait3A_82 = arith.constant 0 : i32
          %dma_wait3A_83 = arith.constant 0 : i32
          %dma_wait3A_84 = tpu.memref_slice %arg11[%dma_wait3A_82, %dma_wait3A_83] : memref<10240x128xf32, #tpu.memory_space<vmem_shared>> -> memref<10240x128xf32, #tpu.memory_space<vmem_shared>>
          tpu.wait_indirect_dma semaphore(%run_scoped3A : memref<!tpu.dma_semaphore, #tpu.memory_space<semaphore_mem>>) src(%arg9 : memref<125x128xf32, #tpu.memory_space<vmem>>) dst(%dma_wait3A_84 : memref<10240x128xf32, #tpu.memory_space<vmem_shared>>)
          tpu.yield
        }) : () -> ()
      }
      %scan3A_40 = arith.constant 8 : i32
    }
    %scan3A_14 = arith.constant 5 : i32
    %barrier3A_15 = arith.constant 0 : index
    tpu.barrier barrier_id(%barrier3A_15)
    %scan3A_16 = arith.constant 0 : i32
    %scan3A_17 = arith.constant 20 : i32
    %scan3A_18 = arith.addi %scan3A_16, %scan3A_17 : i32
    %scan3A_19 = arith.constant 1 : i32
    scf.for %scan3A_21 = %scan3A_16 to %scan3A_18 step %scan3A_19  : i32 {
      %mul3A_22 = arith.constant 1 : i32
      %mul3A_23 = arith.muli %scan3A_21, %mul3A_22 : i32
      %add3A_24 = arith.constant 0 : i32
      %add3A_25 = arith.addi %add3A_24, %mul3A_23 : i32
      %mul3A_26 = arith.constant 640 : i32
      %mul3A_27 = arith.muli %arg1, %mul3A_26 : i32
      %mul3A_28 = arith.constant 32 : i32
      %mul3A_29 = arith.muli %add3A_25, %mul3A_28 : i32
      %add3A_30 = arith.addi %mul3A_27, %mul3A_29 : i32
      "tpu.region"() ({
        %run_scoped3A = tpu.sem_alloc : memref<!tpu.dma_semaphore, #tpu.memory_space<semaphore_mem>>
        %dma_start3A = arith.constant 0 : i32
        %dma_start3A_31 = arith.constant 0 : i32
        %dma_start3A_32 = tpu.memref_slice %arg5[%arg0, %dma_start3A, %dma_start3A_31] : memref<2x10240x128xf32, #tpu.memory_space<hbm>> -> memref<1x10240x128xf32, #tpu.memory_space<hbm>>
        %dma_start3A_33 = tpu.memref_squeeze %dma_start3A_32 : memref<1x10240x128xf32, #tpu.memory_space<hbm>> -> memref<10240x128xf32, #tpu.memory_space<hbm>>
        %dma_start3A_34 = arith.constant 0 : i32
        %dma_start3A_35 = tpu.memref_slice %dma_start3A_33[%add3A_30, %dma_start3A_34] : memref<10240x128xf32, #tpu.memory_space<hbm>> -> memref<32x128xf32, #tpu.memory_space<hbm>>
        %dma_start3A_36 = arith.constant 0 : i32
        %dma_start3A_37 = tpu.memref_slice %arg11[%add3A_30, %dma_start3A_36] : memref<10240x128xf32, #tpu.memory_space<vmem_shared>> -> memref<32x128xf32, #tpu.memory_space<vmem_shared>>
        tpu.enqueue_dma source(%dma_start3A_37 : memref<32x128xf32, #tpu.memory_space<vmem_shared>>) target(%dma_start3A_35 : memref<32x128xf32, #tpu.memory_space<hbm>>) target_semaphore(%run_scoped3A : memref<!tpu.dma_semaphore, #tpu.memory_space<semaphore_mem>>)
        %dma_wait3A = arith.constant 0 : i32
        %dma_wait3A_38 = arith.constant 0 : i32
        %dma_wait3A_39 = tpu.memref_slice %arg5[%arg0, %dma_wait3A, %dma_wait3A_38] : memref<2x10240x128xf32, #tpu.memory_space<hbm>> -> memref<1x10240x128xf32, #tpu.memory_space<hbm>>
        %dma_wait3A_40 = tpu.memref_squeeze %dma_wait3A_39 : memref<1x10240x128xf32, #tpu.memory_space<hbm>> -> memref<10240x128xf32, #tpu.memory_space<hbm>>
        %dma_wait3A_41 = arith.constant 0 : i32
        %dma_wait3A_42 = tpu.memref_slice %dma_wait3A_40[%add3A_30, %dma_wait3A_41] : memref<10240x128xf32, #tpu.memory_space<hbm>> -> memref<32x128xf32, #tpu.memory_space<hbm>>
        %dma_wait3A_43 = arith.constant 0 : i32
        %dma_wait3A_44 = tpu.memref_slice %arg11[%add3A_30, %dma_wait3A_43] : memref<10240x128xf32, #tpu.memory_space<vmem_shared>> -> memref<32x128xf32, #tpu.memory_space<vmem_shared>>
        tpu.wait_dma2 semaphore(%run_scoped3A : memref<!tpu.dma_semaphore, #tpu.memory_space<semaphore_mem>>) src(%dma_wait3A_44 : memref<32x128xf32, #tpu.memory_space<vmem_shared>>) dst(%dma_wait3A_42 : memref<32x128xf32, #tpu.memory_space<hbm>>)
        tpu.yield
      }) : () -> ()
    }
    %scan3A_20 = arith.constant 20 : i32
    return
  }
}

#map = affine_map<(d0, d1) -> (0, 0)>
#map1 = affine_map<(d0, d1) -> (0, 0, 0)>
module attributes {stable_mosaic.version = 14 : i64} {
  func.func @body(%arg0: i32, %arg1: i32, %arg2: memref<10000x32xf32, #tpu.memory_space<hbm>>, %arg3: memref<32x80x125xi32, #tpu.memory_space<hbm>>, %arg4: memref<32x80x125xi32, #tpu.memory_space<hbm>>, %arg5: memref<2x10240x32xf32, #tpu.memory_space<hbm>>, %arg6: memref<16x125xi32, #tpu.memory_space<vmem>>, %arg7: memref<16x125xi32, #tpu.memory_space<vmem>>, %arg8: memref<125x32xf32, #tpu.memory_space<vmem>>, %arg9: memref<125x32xf32, #tpu.memory_space<vmem>>, %arg10: memref<32x32xf32, #tpu.memory_space<vmem>>, %arg11: memref<10240x32xf32, #tpu.memory_space<vmem_shared>>, %arg12: memref<!tpu.dma_semaphore, #tpu.memory_space<semaphore_mem>>, %arg13: memref<!tpu.dma_semaphore, #tpu.memory_space<semaphore_mem>>) attributes {dimension_semantics = [#tpu.dimension_semantics<core_parallel>, #tpu.dimension_semantics<subcore_parallel>], iteration_bounds = array<i64: 2, 16>, scalar_prefetch = 0 : i64, scratch_operands = 8 : i64, tpu.core_type = #tpu.core_type<sc_vector_subcore>, window_params = [{transform_indices = #map}, {transform_indices = #map1}, {transform_indices = #map1}, {transform_indices = #map1}]} {
    %mul3A = arith.constant 2 : i32
    %mul3A_0 = arith.muli %arg1, %mul3A : i32
    %add3A = arith.addi %mul3A_0, %arg0 : i32
    %scan3A = arith.constant 0 : i32
    %scan3A_1 = arith.constant 32 : i32
    %scan3A_2 = arith.addi %scan3A, %scan3A_1 : i32
    %scan3A_3 = arith.constant 1 : i32
    scf.for %scan3A_21 = %scan3A to %scan3A_2 step %scan3A_3  : i32 {
      %mul3A_22 = arith.constant 1 : i32
      %mul3A_23 = arith.muli %scan3A_21, %mul3A_22 : i32
      %add3A_24 = arith.constant 0 : i32
      %add3A_25 = arith.addi %add3A_24, %mul3A_23 : i32
      %scan3A_26 = arith.constant 0 : i32
      %scan3A_27 = arith.constant 2 : i32
      %scan3A_28 = arith.addi %scan3A_26, %scan3A_27 : i32
      %scan3A_29 = arith.constant 1 : i32
      scf.for %scan3A_31 = %scan3A_26 to %scan3A_28 step %scan3A_29  : i32 {
        %mul3A_32 = arith.constant 16 : i32
        %mul3A_33 = arith.muli %scan3A_31, %mul3A_32 : i32
        %add3A_34 = arith.constant 0 : i32
        %add3A_35 = arith.addi %add3A_34, %mul3A_33 : i32
        %broadcast_in_dim3A = arith.constant 0.000000e+00 : f32
        %broadcast_in_dim3A_36 = vector.broadcast %broadcast_in_dim3A : f32 to vector<16xf32>
        %swap3A = arith.index_cast %add3A_25 : i32 to index
        %swap3A_37 = arith.index_cast %add3A_35 : i32 to index
        %swap3A_38 = tpu.vector_load %arg10[%swap3A, %swap3A_37] {strides = array<i32>} : memref<32x32xf32, #tpu.memory_space<vmem>>, vector<1x16xf32>,
        %swap3A_39 = vector.shape_cast %swap3A_38 : vector<1x16xf32> to vector<16xf32>
        %swap3A_40 = vector.shape_cast %broadcast_in_dim3A_36 : vector<16xf32> to vector<1x16xf32>
        tpu.vector_store %arg10[%swap3A, %swap3A_37], %swap3A_40 {strides = array<i32>} : memref<32x32xf32, #tpu.memory_space<vmem>>, vector<1x16xf32>,
      }
      %scan3A_30 = arith.constant 2 : i32
    }
    %scan3A_4 = arith.constant 32 : i32
    %scan3A_5 = arith.constant 0 : i32
    %scan3A_6 = arith.constant 20 : i32
    %scan3A_7 = arith.addi %scan3A_5, %scan3A_6 : i32
    %scan3A_8 = arith.constant 1 : i32
    scf.for %scan3A_21 = %scan3A_5 to %scan3A_7 step %scan3A_8  : i32 {
      %mul3A_22 = arith.constant 1 : i32
      %mul3A_23 = arith.muli %scan3A_21, %mul3A_22 : i32
      %add3A_24 = arith.constant 0 : i32
      %add3A_25 = arith.addi %add3A_24, %mul3A_23 : i32
      %mul3A_26 = arith.constant 640 : i32
      %mul3A_27 = arith.muli %arg1, %mul3A_26 : i32
      %mul3A_28 = arith.constant 32 : i32
      %mul3A_29 = arith.muli %add3A_25, %mul3A_28 : i32
      %add3A_30 = arith.addi %mul3A_27, %mul3A_29 : i32
      "tpu.region"() ({
        %run_scoped3A = tpu.sem_alloc : memref<!tpu.dma_semaphore, #tpu.memory_space<semaphore_mem>>
        %dma_start3A = arith.constant 0 : i32
        %dma_start3A_31 = tpu.memref_slice %arg11[%add3A_30, %dma_start3A] : memref<10240x32xf32, #tpu.memory_space<vmem_shared>> -> memref<32x32xf32, #tpu.memory_space<vmem_shared>>
        %dma_start3A_32 = arith.constant 0 : i32
        %dma_start3A_33 = tpu.memref_slice %arg11[%add3A_30, %dma_start3A_32] : memref<10240x32xf32, #tpu.memory_space<vmem_shared>> -> memref<32x32xf32, #tpu.memory_space<vmem_shared>>
        tpu.enqueue_dma source(%arg10 : memref<32x32xf32, #tpu.memory_space<vmem>>) target(%dma_start3A_33 : memref<32x32xf32, #tpu.memory_space<vmem_shared>>) target_semaphore(%run_scoped3A : memref<!tpu.dma_semaphore, #tpu.memory_space<semaphore_mem>>)
        %dma_wait3A = arith.constant 0 : i32
        %dma_wait3A_34 = tpu.memref_slice %arg11[%add3A_30, %dma_wait3A] : memref<10240x32xf32, #tpu.memory_space<vmem_shared>> -> memref<32x32xf32, #tpu.memory_space<vmem_shared>>
        %dma_wait3A_35 = arith.constant 0 : i32
        %dma_wait3A_36 = tpu.memref_slice %arg11[%add3A_30, %dma_wait3A_35] : memref<10240x32xf32, #tpu.memory_space<vmem_shared>> -> memref<32x32xf32, #tpu.memory_space<vmem_shared>>
        tpu.wait_dma2 semaphore(%run_scoped3A : memref<!tpu.dma_semaphore, #tpu.memory_space<semaphore_mem>>) src(%arg10 : memref<32x32xf32, #tpu.memory_space<vmem>>) dst(%dma_wait3A_36 : memref<32x32xf32, #tpu.memory_space<vmem_shared>>)
        tpu.yield
      }) : () -> ()
    }
    %scan3A_9 = arith.constant 20 : i32
    %barrier3A = arith.constant 0 : index
    tpu.barrier barrier_id(%barrier3A)
    %scan3A_10 = arith.constant 0 : i32
    %scan3A_11 = arith.constant 5 : i32
    %scan3A_12 = arith.addi %scan3A_10, %scan3A_11 : i32
    %scan3A_13 = arith.constant 1 : i32
    scf.for %scan3A_21 = %scan3A_10 to %scan3A_12 step %scan3A_13  : i32 {
      %mul3A_22 = arith.constant 1 : i32
      %mul3A_23 = arith.muli %scan3A_21, %mul3A_22 : i32
      %add3A_24 = arith.constant 0 : i32
      %add3A_25 = arith.addi %add3A_24, %mul3A_23 : i32
      %mul3A_26 = arith.constant 16 : i32
      %mul3A_27 = arith.muli %add3A_25, %mul3A_26 : i32
      "tpu.region"() ({
        %run_scoped3A = tpu.sem_alloc : memref<!tpu.dma_semaphore, #tpu.memory_space<semaphore_mem>>
        %dma_start3A_41 = arith.constant 0 : i32
        %dma_start3A_42 = arith.constant 0 : i32
        %dma_start3A_43 = tpu.memref_slice %arg3[%add3A, %dma_start3A_41, %dma_start3A_42] : memref<32x80x125xi32, #tpu.memory_space<hbm>> -> memref<1x80x125xi32, #tpu.memory_space<hbm>>
        %dma_start3A_44 = tpu.memref_squeeze %dma_start3A_43 : memref<1x80x125xi32, #tpu.memory_space<hbm>> -> memref<80x125xi32, #tpu.memory_space<hbm>>
        %dma_start3A_45 = arith.constant 0 : i32
        %dma_start3A_46 = tpu.memref_slice %dma_start3A_44[%mul3A_27, %dma_start3A_45] : memref<80x125xi32, #tpu.memory_space<hbm>> -> memref<16x125xi32, #tpu.memory_space<hbm>>
        %dma_start3A_47 = arith.constant 0 : i32
        %dma_start3A_48 = arith.constant 0 : i32
        %dma_start3A_49 = tpu.memref_slice %arg3[%add3A, %dma_start3A_47, %dma_start3A_48] : memref<32x80x125xi32, #tpu.memory_space<hbm>> -> memref<1x80x125xi32, #tpu.memory_space<hbm>>
        %dma_start3A_50 = tpu.memref_squeeze %dma_start3A_49 : memref<1x80x125xi32, #tpu.memory_space<hbm>> -> memref<80x125xi32, #tpu.memory_space<hbm>>
        %dma_start3A_51 = arith.constant 0 : i32
        %dma_start3A_52 = tpu.memref_slice %dma_start3A_50[%mul3A_27, %dma_start3A_51] : memref<80x125xi32, #tpu.memory_space<hbm>> -> memref<16x125xi32, #tpu.memory_space<hbm>>
        tpu.enqueue_dma source(%dma_start3A_52 : memref<16x125xi32, #tpu.memory_space<hbm>>) target(%arg6 : memref<16x125xi32, #tpu.memory_space<vmem>>) target_semaphore(%run_scoped3A : memref<!tpu.dma_semaphore, #tpu.memory_space<semaphore_mem>>)
        %dma_wait3A = arith.constant 0 : i32
        %dma_wait3A_53 = arith.constant 0 : i32
        %dma_wait3A_54 = tpu.memref_slice %arg3[%add3A, %dma_wait3A, %dma_wait3A_53] : memref<32x80x125xi32, #tpu.memory_space<hbm>> -> memref<1x80x125xi32, #tpu.memory_space<hbm>>
        %dma_wait3A_55 = tpu.memref_squeeze %dma_wait3A_54 : memref<1x80x125xi32, #tpu.memory_space<hbm>> -> memref<80x125xi32, #tpu.memory_space<hbm>>
        %dma_wait3A_56 = arith.constant 0 : i32
        %dma_wait3A_57 = tpu.memref_slice %dma_wait3A_55[%mul3A_27, %dma_wait3A_56] : memref<80x125xi32, #tpu.memory_space<hbm>> -> memref<16x125xi32, #tpu.memory_space<hbm>>
        %dma_wait3A_58 = arith.constant 0 : i32
        %dma_wait3A_59 = arith.constant 0 : i32
        %dma_wait3A_60 = tpu.memref_slice %arg3[%add3A, %dma_wait3A_58, %dma_wait3A_59] : memref<32x80x125xi32, #tpu.memory_space<hbm>> -> memref<1x80x125xi32, #tpu.memory_space<hbm>>
        %dma_wait3A_61 = tpu.memref_squeeze %dma_wait3A_60 : memref<1x80x125xi32, #tpu.memory_space<hbm>> -> memref<80x125xi32, #tpu.memory_space<hbm>>
        %dma_wait3A_62 = arith.constant 0 : i32
        %dma_wait3A_63 = tpu.memref_slice %dma_wait3A_61[%mul3A_27, %dma_wait3A_62] : memref<80x125xi32, #tpu.memory_space<hbm>> -> memref<16x125xi32, #tpu.memory_space<hbm>>
        tpu.wait_dma2 semaphore(%run_scoped3A : memref<!tpu.dma_semaphore, #tpu.memory_space<semaphore_mem>>) src(%dma_wait3A_63 : memref<16x125xi32, #tpu.memory_space<hbm>>) dst(%arg6 : memref<16x125xi32, #tpu.memory_space<vmem>>)
        tpu.yield
      }) : () -> ()
      %mul3A_28 = arith.constant 16 : i32
      %mul3A_29 = arith.muli %add3A_25, %mul3A_28 : i32
      "tpu.region"() ({
        %run_scoped3A = tpu.sem_alloc : memref<!tpu.dma_semaphore, #tpu.memory_space<semaphore_mem>>
        %dma_start3A_41 = arith.constant 0 : i32
        %dma_start3A_42 = arith.constant 0 : i32
        %dma_start3A_43 = tpu.memref_slice %arg4[%add3A, %dma_start3A_41, %dma_start3A_42] : memref<32x80x125xi32, #tpu.memory_space<hbm>> -> memref<1x80x125xi32, #tpu.memory_space<hbm>>
        %dma_start3A_44 = tpu.memref_squeeze %dma_start3A_43 : memref<1x80x125xi32, #tpu.memory_space<hbm>> -> memref<80x125xi32, #tpu.memory_space<hbm>>
        %dma_start3A_45 = arith.constant 0 : i32
        %dma_start3A_46 = tpu.memref_slice %dma_start3A_44[%mul3A_29, %dma_start3A_45] : memref<80x125xi32, #tpu.memory_space<hbm>> -> memref<16x125xi32, #tpu.memory_space<hbm>>
        %dma_start3A_47 = arith.constant 0 : i32
        %dma_start3A_48 = arith.constant 0 : i32
        %dma_start3A_49 = tpu.memref_slice %arg4[%add3A, %dma_start3A_47, %dma_start3A_48] : memref<32x80x125xi32, #tpu.memory_space<hbm>> -> memref<1x80x125xi32, #tpu.memory_space<hbm>>
        %dma_start3A_50 = tpu.memref_squeeze %dma_start3A_49 : memref<1x80x125xi32, #tpu.memory_space<hbm>> -> memref<80x125xi32, #tpu.memory_space<hbm>>
        %dma_start3A_51 = arith.constant 0 : i32
        %dma_start3A_52 = tpu.memref_slice %dma_start3A_50[%mul3A_29, %dma_start3A_51] : memref<80x125xi32, #tpu.memory_space<hbm>> -> memref<16x125xi32, #tpu.memory_space<hbm>>
        tpu.enqueue_dma source(%dma_start3A_52 : memref<16x125xi32, #tpu.memory_space<hbm>>) target(%arg7 : memref<16x125xi32, #tpu.memory_space<vmem>>) target_semaphore(%run_scoped3A : memref<!tpu.dma_semaphore, #tpu.memory_space<semaphore_mem>>)
        %dma_wait3A = arith.constant 0 : i32
        %dma_wait3A_53 = arith.constant 0 : i32
        %dma_wait3A_54 = tpu.memref_slice %arg4[%add3A, %dma_wait3A, %dma_wait3A_53] : memref<32x80x125xi32, #tpu.memory_space<hbm>> -> memref<1x80x125xi32, #tpu.memory_space<hbm>>
        %dma_wait3A_55 = tpu.memref_squeeze %dma_wait3A_54 : memref<1x80x125xi32, #tpu.memory_space<hbm>> -> memref<80x125xi32, #tpu.memory_space<hbm>>
        %dma_wait3A_56 = arith.constant 0 : i32
        %dma_wait3A_57 = tpu.memref_slice %dma_wait3A_55[%mul3A_29, %dma_wait3A_56] : memref<80x125xi32, #tpu.memory_space<hbm>> -> memref<16x125xi32, #tpu.memory_space<hbm>>
        %dma_wait3A_58 = arith.constant 0 : i32
        %dma_wait3A_59 = arith.constant 0 : i32
        %dma_wait3A_60 = tpu.memref_slice %arg4[%add3A, %dma_wait3A_58, %dma_wait3A_59] : memref<32x80x125xi32, #tpu.memory_space<hbm>> -> memref<1x80x125xi32, #tpu.memory_space<hbm>>
        %dma_wait3A_61 = tpu.memref_squeeze %dma_wait3A_60 : memref<1x80x125xi32, #tpu.memory_space<hbm>> -> memref<80x125xi32, #tpu.memory_space<hbm>>
        %dma_wait3A_62 = arith.constant 0 : i32
        %dma_wait3A_63 = tpu.memref_slice %dma_wait3A_61[%mul3A_29, %dma_wait3A_62] : memref<80x125xi32, #tpu.memory_space<hbm>> -> memref<16x125xi32, #tpu.memory_space<hbm>>
        tpu.wait_dma2 semaphore(%run_scoped3A : memref<!tpu.dma_semaphore, #tpu.memory_space<semaphore_mem>>) src(%dma_wait3A_63 : memref<16x125xi32, #tpu.memory_space<hbm>>) dst(%arg7 : memref<16x125xi32, #tpu.memory_space<vmem>>)
        tpu.yield
      }) : () -> ()
      %dma_start3A = arith.constant 0 : i32
      %dma_start3A_30 = arith.constant 0 : i32
      %dma_start3A_31 = tpu.memref_slice %arg6[%dma_start3A, %dma_start3A_30] : memref<16x125xi32, #tpu.memory_space<vmem>> -> memref<1x125xi32, #tpu.memory_space<vmem>>
      %dma_start3A_32 = tpu.memref_squeeze %dma_start3A_31 : memref<1x125xi32, #tpu.memory_space<vmem>> -> memref<125xi32, #tpu.memory_space<vmem>>
      %dma_start3A_33 = arith.constant 0 : i32
      %dma_start3A_34 = arith.constant 0 : i32
      %dma_start3A_35 = tpu.memref_slice %arg2[%dma_start3A_33, %dma_start3A_34] : memref<10000x32xf32, #tpu.memory_space<hbm>> -> memref<10000x32xf32, #tpu.memory_space<hbm>>
      tpu.enqueue_indirect_dma source(%dma_start3A_35 : memref<10000x32xf32, #tpu.memory_space<hbm>>) target(%arg8 : memref<125x32xf32, #tpu.memory_space<vmem>>) offsets(%dma_start3A_32 : memref<125xi32, #tpu.memory_space<vmem>>) semaphore(%arg12 : memref<!tpu.dma_semaphore, #tpu.memory_space<semaphore_mem>>)
      %scan3A_36 = arith.constant 0 : i32
      %scan3A_37 = arith.constant 8 : i32
      %scan3A_38 = arith.addi %scan3A_36, %scan3A_37 : i32
      %scan3A_39 = arith.constant 1 : i32
      scf.for %scan3A_41 = %scan3A_36 to %scan3A_38 step %scan3A_39  : i32 {
        %mul3A_42 = arith.constant 1 : i32
        %mul3A_43 = arith.muli %scan3A_41, %mul3A_42 : i32
        %add3A_44 = arith.constant 0 : i32
        %add3A_45 = arith.addi %add3A_44, %mul3A_43 : i32
        %mul3A_46 = arith.constant 2 : i32
        %mul3A_47 = arith.muli %mul3A_46, %add3A_45 : i32
        %dma_wait3A = arith.constant 0 : i32
        %dma_wait3A_48 = tpu.memref_slice %arg6[%mul3A_47, %dma_wait3A] : memref<16x125xi32, #tpu.memory_space<vmem>> -> memref<1x125xi32, #tpu.memory_space<vmem>>
        %dma_wait3A_49 = tpu.memref_squeeze %dma_wait3A_48 : memref<1x125xi32, #tpu.memory_space<vmem>> -> memref<125xi32, #tpu.memory_space<vmem>>
        %dma_wait3A_50 = arith.constant 0 : i32
        %dma_wait3A_51 = arith.constant 0 : i32
        %dma_wait3A_52 = tpu.memref_slice %arg2[%dma_wait3A_50, %dma_wait3A_51] : memref<10000x32xf32, #tpu.memory_space<hbm>> -> memref<10000x32xf32, #tpu.memory_space<hbm>>
        tpu.wait_indirect_dma semaphore(%arg12 : memref<!tpu.dma_semaphore, #tpu.memory_space<semaphore_mem>>) src(%dma_wait3A_52 : memref<10000x32xf32, #tpu.memory_space<hbm>>) dst(%arg8 : memref<125x32xf32, #tpu.memory_space<vmem>>)
        %add3A_53 = arith.constant 1 : i32
        %add3A_54 = arith.addi %mul3A_47, %add3A_53 : i32
        %dma_start3A_55 = arith.constant 0 : i32
        %dma_start3A_56 = tpu.memref_slice %arg6[%add3A_54, %dma_start3A_55] : memref<16x125xi32, #tpu.memory_space<vmem>> -> memref<1x125xi32, #tpu.memory_space<vmem>>
        %dma_start3A_57 = tpu.memref_squeeze %dma_start3A_56 : memref<1x125xi32, #tpu.memory_space<vmem>> -> memref<125xi32, #tpu.memory_space<vmem>>
        %dma_start3A_58 = arith.constant 0 : i32
        %dma_start3A_59 = arith.constant 0 : i32
        %dma_start3A_60 = tpu.memref_slice %arg2[%dma_start3A_58, %dma_start3A_59] : memref<10000x32xf32, #tpu.memory_space<hbm>> -> memref<10000x32xf32, #tpu.memory_space<hbm>>
        tpu.enqueue_indirect_dma source(%dma_start3A_60 : memref<10000x32xf32, #tpu.memory_space<hbm>>) target(%arg9 : memref<125x32xf32, #tpu.memory_space<vmem>>) offsets(%dma_start3A_57 : memref<125xi32, #tpu.memory_space<vmem>>) semaphore(%arg13 : memref<!tpu.dma_semaphore, #tpu.memory_space<semaphore_mem>>)
        "tpu.region"() ({
          %run_scoped3A = tpu.sem_alloc : memref<!tpu.dma_semaphore, #tpu.memory_space<semaphore_mem>>
          %dma_start3A_73 = arith.constant 0 : i32
          %dma_start3A_74 = tpu.memref_slice %arg7[%mul3A_47, %dma_start3A_73] : memref<16x125xi32, #tpu.memory_space<vmem>> -> memref<1x125xi32, #tpu.memory_space<vmem>>
          %dma_start3A_75 = tpu.memref_squeeze %dma_start3A_74 : memref<1x125xi32, #tpu.memory_space<vmem>> -> memref<125xi32, #tpu.memory_space<vmem>>
          %dma_start3A_76 = arith.constant 0 : i32
          %dma_start3A_77 = arith.constant 0 : i32
          %dma_start3A_78 = tpu.memref_slice %arg11[%dma_start3A_76, %dma_start3A_77] : memref<10240x32xf32, #tpu.memory_space<vmem_shared>> -> memref<10240x32xf32, #tpu.memory_space<vmem_shared>>
          tpu.enqueue_indirect_dma source(%arg8 : memref<125x32xf32, #tpu.memory_space<vmem>>) target(%dma_start3A_78 : memref<10240x32xf32, #tpu.memory_space<vmem_shared>>) offsets(%dma_start3A_75 : memref<125xi32, #tpu.memory_space<vmem>>) semaphore(%run_scoped3A : memref<!tpu.dma_semaphore, #tpu.memory_space<semaphore_mem>>) {add = true}
          %dma_wait3A_79 = arith.constant 0 : i32
          %dma_wait3A_80 = tpu.memref_slice %arg7[%mul3A_47, %dma_wait3A_79] : memref<16x125xi32, #tpu.memory_space<vmem>> -> memref<1x125xi32, #tpu.memory_space<vmem>>
          %dma_wait3A_81 = tpu.memref_squeeze %dma_wait3A_80 : memref<1x125xi32, #tpu.memory_space<vmem>> -> memref<125xi32, #tpu.memory_space<vmem>>
          %dma_wait3A_82 = arith.constant 0 : i32
          %dma_wait3A_83 = arith.constant 0 : i32
          %dma_wait3A_84 = tpu.memref_slice %arg11[%dma_wait3A_82, %dma_wait3A_83] : memref<10240x32xf32, #tpu.memory_space<vmem_shared>> -> memref<10240x32xf32, #tpu.memory_space<vmem_shared>>
          tpu.wait_indirect_dma semaphore(%run_scoped3A : memref<!tpu.dma_semaphore, #tpu.memory_space<semaphore_mem>>) src(%arg8 : memref<125x32xf32, #tpu.memory_space<vmem>>) dst(%dma_wait3A_84 : memref<10240x32xf32, #tpu.memory_space<vmem_shared>>)
          tpu.yield
        }) : () -> ()
        %lt3A = arith.constant 7 : i32
        %lt3A_61 = arith.cmpi slt, %add3A_45, %lt3A : i32
        %convert_element_type3A = arith.extui %lt3A_61 : i1 to i32
        %cond3A = arith.constant 0 : i32
        %cond3A_62 = arith.cmpi ne, %convert_element_type3A, %cond3A : i32
        scf.if %cond3A_62 {
          %add3A_73 = arith.constant 2 : i32
          %add3A_74 = arith.addi %mul3A_47, %add3A_73 : i32
          %dma_start3A_75 = arith.constant 0 : i32
          %dma_start3A_76 = tpu.memref_slice %arg6[%add3A_74, %dma_start3A_75] : memref<16x125xi32, #tpu.memory_space<vmem>> -> memref<1x125xi32, #tpu.memory_space<vmem>>
          %dma_start3A_77 = tpu.memref_squeeze %dma_start3A_76 : memref<1x125xi32, #tpu.memory_space<vmem>> -> memref<125xi32, #tpu.memory_space<vmem>>
          %dma_start3A_78 = arith.constant 0 : i32
          %dma_start3A_79 = arith.constant 0 : i32
          %dma_start3A_80 = tpu.memref_slice %arg2[%dma_start3A_78, %dma_start3A_79] : memref<10000x32xf32, #tpu.memory_space<hbm>> -> memref<10000x32xf32, #tpu.memory_space<hbm>>
          tpu.enqueue_indirect_dma source(%dma_start3A_80 : memref<10000x32xf32, #tpu.memory_space<hbm>>) target(%arg8 : memref<125x32xf32, #tpu.memory_space<vmem>>) offsets(%dma_start3A_77 : memref<125xi32, #tpu.memory_space<vmem>>) semaphore(%arg12 : memref<!tpu.dma_semaphore, #tpu.memory_space<semaphore_mem>>)
        } else {
        }
        %add3A_63 = arith.constant 1 : i32
        %add3A_64 = arith.addi %mul3A_47, %add3A_63 : i32
        %dma_wait3A_65 = arith.constant 0 : i32
        %dma_wait3A_66 = tpu.memref_slice %arg6[%add3A_64, %dma_wait3A_65] : memref<16x125xi32, #tpu.memory_space<vmem>> -> memref<1x125xi32, #tpu.memory_space<vmem>>
        %dma_wait3A_67 = tpu.memref_squeeze %dma_wait3A_66 : memref<1x125xi32, #tpu.memory_space<vmem>> -> memref<125xi32, #tpu.memory_space<vmem>>
        %dma_wait3A_68 = arith.constant 0 : i32
        %dma_wait3A_69 = arith.constant 0 : i32
        %dma_wait3A_70 = tpu.memref_slice %arg2[%dma_wait3A_68, %dma_wait3A_69] : memref<10000x32xf32, #tpu.memory_space<hbm>> -> memref<10000x32xf32, #tpu.memory_space<hbm>>
        tpu.wait_indirect_dma semaphore(%arg13 : memref<!tpu.dma_semaphore, #tpu.memory_space<semaphore_mem>>) src(%dma_wait3A_70 : memref<10000x32xf32, #tpu.memory_space<hbm>>) dst(%arg9 : memref<125x32xf32, #tpu.memory_space<vmem>>)
        %add3A_71 = arith.constant 1 : i32
        %add3A_72 = arith.addi %mul3A_47, %add3A_71 : i32
        "tpu.region"() ({
          %run_scoped3A = tpu.sem_alloc : memref<!tpu.dma_semaphore, #tpu.memory_space<semaphore_mem>>
          %dma_start3A_73 = arith.constant 0 : i32
          %dma_start3A_74 = tpu.memref_slice %arg7[%add3A_72, %dma_start3A_73] : memref<16x125xi32, #tpu.memory_space<vmem>> -> memref<1x125xi32, #tpu.memory_space<vmem>>
          %dma_start3A_75 = tpu.memref_squeeze %dma_start3A_74 : memref<1x125xi32, #tpu.memory_space<vmem>> -> memref<125xi32, #tpu.memory_space<vmem>>
          %dma_start3A_76 = arith.constant 0 : i32
          %dma_start3A_77 = arith.constant 0 : i32
          %dma_start3A_78 = tpu.memref_slice %arg11[%dma_start3A_76, %dma_start3A_77] : memref<10240x32xf32, #tpu.memory_space<vmem_shared>> -> memref<10240x32xf32, #tpu.memory_space<vmem_shared>>
          tpu.enqueue_indirect_dma source(%arg9 : memref<125x32xf32, #tpu.memory_space<vmem>>) target(%dma_start3A_78 : memref<10240x32xf32, #tpu.memory_space<vmem_shared>>) offsets(%dma_start3A_75 : memref<125xi32, #tpu.memory_space<vmem>>) semaphore(%run_scoped3A : memref<!tpu.dma_semaphore, #tpu.memory_space<semaphore_mem>>) {add = true}
          %dma_wait3A_79 = arith.constant 0 : i32
          %dma_wait3A_80 = tpu.memref_slice %arg7[%add3A_72, %dma_wait3A_79] : memref<16x125xi32, #tpu.memory_space<vmem>> -> memref<1x125xi32, #tpu.memory_space<vmem>>
          %dma_wait3A_81 = tpu.memref_squeeze %dma_wait3A_80 : memref<1x125xi32, #tpu.memory_space<vmem>> -> memref<125xi32, #tpu.memory_space<vmem>>
          %dma_wait3A_82 = arith.constant 0 : i32
          %dma_wait3A_83 = arith.constant 0 : i32
          %dma_wait3A_84 = tpu.memref_slice %arg11[%dma_wait3A_82, %dma_wait3A_83] : memref<10240x32xf32, #tpu.memory_space<vmem_shared>> -> memref<10240x32xf32, #tpu.memory_space<vmem_shared>>
          tpu.wait_indirect_dma semaphore(%run_scoped3A : memref<!tpu.dma_semaphore, #tpu.memory_space<semaphore_mem>>) src(%arg9 : memref<125x32xf32, #tpu.memory_space<vmem>>) dst(%dma_wait3A_84 : memref<10240x32xf32, #tpu.memory_space<vmem_shared>>)
          tpu.yield
        }) : () -> ()
      }
      %scan3A_40 = arith.constant 8 : i32
    }
    %scan3A_14 = arith.constant 5 : i32
    %barrier3A_15 = arith.constant 0 : index
    tpu.barrier barrier_id(%barrier3A_15)
    %scan3A_16 = arith.constant 0 : i32
    %scan3A_17 = arith.constant 20 : i32
    %scan3A_18 = arith.addi %scan3A_16, %scan3A_17 : i32
    %scan3A_19 = arith.constant 1 : i32
    scf.for %scan3A_21 = %scan3A_16 to %scan3A_18 step %scan3A_19  : i32 {
      %mul3A_22 = arith.constant 1 : i32
      %mul3A_23 = arith.muli %scan3A_21, %mul3A_22 : i32
      %add3A_24 = arith.constant 0 : i32
      %add3A_25 = arith.addi %add3A_24, %mul3A_23 : i32
      %mul3A_26 = arith.constant 640 : i32
      %mul3A_27 = arith.muli %arg1, %mul3A_26 : i32
      %mul3A_28 = arith.constant 32 : i32
      %mul3A_29 = arith.muli %add3A_25, %mul3A_28 : i32
      %add3A_30 = arith.addi %mul3A_27, %mul3A_29 : i32
      "tpu.region"() ({
        %run_scoped3A = tpu.sem_alloc : memref<!tpu.dma_semaphore, #tpu.memory_space<semaphore_mem>>
        %dma_start3A = arith.constant 0 : i32
        %dma_start3A_31 = arith.constant 0 : i32
        %dma_start3A_32 = tpu.memref_slice %arg5[%arg0, %dma_start3A, %dma_start3A_31] : memref<2x10240x32xf32, #tpu.memory_space<hbm>> -> memref<1x10240x32xf32, #tpu.memory_space<hbm>>
        %dma_start3A_33 = tpu.memref_squeeze %dma_start3A_32 : memref<1x10240x32xf32, #tpu.memory_space<hbm>> -> memref<10240x32xf32, #tpu.memory_space<hbm>>
        %dma_start3A_34 = arith.constant 0 : i32
        %dma_start3A_35 = tpu.memref_slice %dma_start3A_33[%add3A_30, %dma_start3A_34] : memref<10240x32xf32, #tpu.memory_space<hbm>> -> memref<32x32xf32, #tpu.memory_space<hbm>>
        %dma_start3A_36 = arith.constant 0 : i32
        %dma_start3A_37 = tpu.memref_slice %arg11[%add3A_30, %dma_start3A_36] : memref<10240x32xf32, #tpu.memory_space<vmem_shared>> -> memref<32x32xf32, #tpu.memory_space<vmem_shared>>
        tpu.enqueue_dma source(%dma_start3A_37 : memref<32x32xf32, #tpu.memory_space<vmem_shared>>) target(%dma_start3A_35 : memref<32x32xf32, #tpu.memory_space<hbm>>) target_semaphore(%run_scoped3A : memref<!tpu.dma_semaphore, #tpu.memory_space<semaphore_mem>>)
        %dma_wait3A = arith.constant 0 : i32
        %dma_wait3A_38 = arith.constant 0 : i32
        %dma_wait3A_39 = tpu.memref_slice %arg5[%arg0, %dma_wait3A, %dma_wait3A_38] : memref<2x10240x32xf32, #tpu.memory_space<hbm>> -> memref<1x10240x32xf32, #tpu.memory_space<hbm>>
        %dma_wait3A_40 = tpu.memref_squeeze %dma_wait3A_39 : memref<1x10240x32xf32, #tpu.memory_space<hbm>> -> memref<10240x32xf32, #tpu.memory_space<hbm>>
        %dma_wait3A_41 = arith.constant 0 : i32
        %dma_wait3A_42 = tpu.memref_slice %dma_wait3A_40[%add3A_30, %dma_wait3A_41] : memref<10240x32xf32, #tpu.memory_space<hbm>> -> memref<32x32xf32, #tpu.memory_space<hbm>>
        %dma_wait3A_43 = arith.constant 0 : i32
        %dma_wait3A_44 = tpu.memref_slice %arg11[%add3A_30, %dma_wait3A_43] : memref<10240x32xf32, #tpu.memory_space<vmem_shared>> -> memref<32x32xf32, #tpu.memory_space<vmem_shared>>
        tpu.wait_dma2 semaphore(%run_scoped3A : memref<!tpu.dma_semaphore, #tpu.memory_space<semaphore_mem>>) src(%dma_wait3A_44 : memref<32x32xf32, #tpu.memory_space<vmem_shared>>) dst(%dma_wait3A_42 : memref<32x32xf32, #tpu.memory_space<hbm>>)
        tpu.yield
      }) : () -> ()
    }
    %scan3A_20 = arith.constant 20 : i32
    return
  }
}

#map = affine_map<(d0, d1) -> (0, 0)>
#map1 = affine_map<(d0, d1) -> (0, 0, 0)>
module attributes {stable_mosaic.version = 14 : i64} {
  func.func @body(%arg0: i32, %arg1: i32, %arg2: memref<10000x128xf32, #tpu.memory_space<hbm>>, %arg3: memref<32x80x125xi32, #tpu.memory_space<hbm>>, %arg4: memref<32x80x125xi32, #tpu.memory_space<hbm>>, %arg5: memref<2x10240x128xf32, #tpu.memory_space<hbm>>, %arg6: memref<16x125xi32, #tpu.memory_space<vmem>>, %arg7: memref<16x125xi32, #tpu.memory_space<vmem>>, %arg8: memref<125x128xf32, #tpu.memory_space<vmem>>, %arg9: memref<125x128xf32, #tpu.memory_space<vmem>>, %arg10: memref<32x128xf32, #tpu.memory_space<vmem>>, %arg11: memref<10240x128xf32, #tpu.memory_space<vmem_shared>>, %arg12: memref<!tpu.dma_semaphore, #tpu.memory_space<semaphore_mem>>, %arg13: memref<!tpu.dma_semaphore, #tpu.memory_space<semaphore_mem>>) attributes {dimension_semantics = [#tpu.dimension_semantics<core_parallel>, #tpu.dimension_semantics<subcore_parallel>], iteration_bounds = array<i64: 2, 16>, scalar_prefetch = 0 : i64, scratch_operands = 8 : i64, tpu.core_type = #tpu.core_type<sc_vector_subcore>, window_params = [{transform_indices = #map}, {transform_indices = #map1}, {transform_indices = #map1}, {transform_indices = #map1}]} {
    %mul3A = arith.constant 2 : i32
    %mul3A_0 = arith.muli %arg1, %mul3A : i32
    %add3A = arith.addi %mul3A_0, %arg0 : i32
    %scan3A = arith.constant 0 : i32
    %scan3A_1 = arith.constant 32 : i32
    %scan3A_2 = arith.addi %scan3A, %scan3A_1 : i32
    %scan3A_3 = arith.constant 1 : i32
    scf.for %scan3A_21 = %scan3A to %scan3A_2 step %scan3A_3  : i32 {
      %mul3A_22 = arith.constant 1 : i32
      %mul3A_23 = arith.muli %scan3A_21, %mul3A_22 : i32
      %add3A_24 = arith.constant 0 : i32
      %add3A_25 = arith.addi %add3A_24, %mul3A_23 : i32
      %scan3A_26 = arith.constant 0 : i32
      %scan3A_27 = arith.constant 8 : i32
      %scan3A_28 = arith.addi %scan3A_26, %scan3A_27 : i32
      %scan3A_29 = arith.constant 1 : i32
      scf.for %scan3A_31 = %scan3A_26 to %scan3A_28 step %scan3A_29  : i32 {
        %mul3A_32 = arith.constant 16 : i32
        %mul3A_33 = arith.muli %scan3A_31, %mul3A_32 : i32
        %add3A_34 = arith.constant 0 : i32
        %add3A_35 = arith.addi %add3A_34, %mul3A_33 : i32
        %broadcast_in_dim3A = arith.constant 0.000000e+00 : f32
        %broadcast_in_dim3A_36 = vector.broadcast %broadcast_in_dim3A : f32 to vector<16xf32>
        %swap3A = arith.index_cast %add3A_25 : i32 to index
        %swap3A_37 = arith.index_cast %add3A_35 : i32 to index
        %swap3A_38 = tpu.vector_load %arg10[%swap3A, %swap3A_37] {strides = array<i32>} : memref<32x128xf32, #tpu.memory_space<vmem>>, vector<1x16xf32>,
        %swap3A_39 = vector.shape_cast %swap3A_38 : vector<1x16xf32> to vector<16xf32>
        %swap3A_40 = vector.shape_cast %broadcast_in_dim3A_36 : vector<16xf32> to vector<1x16xf32>
        tpu.vector_store %arg10[%swap3A, %swap3A_37], %swap3A_40 {strides = array<i32>} : memref<32x128xf32, #tpu.memory_space<vmem>>, vector<1x16xf32>,
      }
      %scan3A_30 = arith.constant 8 : i32
    }
    %scan3A_4 = arith.constant 32 : i32
    %scan3A_5 = arith.constant 0 : i32
    %scan3A_6 = arith.constant 20 : i32
    %scan3A_7 = arith.addi %scan3A_5, %scan3A_6 : i32
    %scan3A_8 = arith.constant 1 : i32
    scf.for %scan3A_21 = %scan3A_5 to %scan3A_7 step %scan3A_8  : i32 {
      %mul3A_22 = arith.constant 1 : i32
      %mul3A_23 = arith.muli %scan3A_21, %mul3A_22 : i32
      %add3A_24 = arith.constant 0 : i32
      %add3A_25 = arith.addi %add3A_24, %mul3A_23 : i32
      %mul3A_26 = arith.constant 640 : i32
      %mul3A_27 = arith.muli %arg1, %mul3A_26 : i32
      %mul3A_28 = arith.constant 32 : i32
      %mul3A_29 = arith.muli %add3A_25, %mul3A_28 : i32
      %add3A_30 = arith.addi %mul3A_27, %mul3A_29 : i32
      "tpu.region"() ({
        %run_scoped3A = tpu.sem_alloc : memref<!tpu.dma_semaphore, #tpu.memory_space<semaphore_mem>>
        %dma_start3A = arith.constant 0 : i32
        %dma_start3A_31 = tpu.memref_slice %arg11[%add3A_30, %dma_start3A] : memref<10240x128xf32, #tpu.memory_space<vmem_shared>> -> memref<32x128xf32, #tpu.memory_space<vmem_shared>>
        %dma_start3A_32 = arith.constant 0 : i32
        %dma_start3A_33 = tpu.memref_slice %arg11[%add3A_30, %dma_start3A_32] : memref<10240x128xf32, #tpu.memory_space<vmem_shared>> -> memref<32x128xf32, #tpu.memory_space<vmem_shared>>
        tpu.enqueue_dma source(%arg10 : memref<32x128xf32, #tpu.memory_space<vmem>>) target(%dma_start3A_33 : memref<32x128xf32, #tpu.memory_space<vmem_shared>>) target_semaphore(%run_scoped3A : memref<!tpu.dma_semaphore, #tpu.memory_space<semaphore_mem>>)
        %dma_wait3A = arith.constant 0 : i32
        %dma_wait3A_34 = tpu.memref_slice %arg11[%add3A_30, %dma_wait3A] : memref<10240x128xf32, #tpu.memory_space<vmem_shared>> -> memref<32x128xf32, #tpu.memory_space<vmem_shared>>
        %dma_wait3A_35 = arith.constant 0 : i32
        %dma_wait3A_36 = tpu.memref_slice %arg11[%add3A_30, %dma_wait3A_35] : memref<10240x128xf32, #tpu.memory_space<vmem_shared>> -> memref<32x128xf32, #tpu.memory_space<vmem_shared>>
        tpu.wait_dma2 semaphore(%run_scoped3A : memref<!tpu.dma_semaphore, #tpu.memory_space<semaphore_mem>>) src(%arg10 : memref<32x128xf32, #tpu.memory_space<vmem>>) dst(%dma_wait3A_36 : memref<32x128xf32, #tpu.memory_space<vmem_shared>>)
        tpu.yield
      }) : () -> ()
    }
    %scan3A_9 = arith.constant 20 : i32
    %barrier3A = arith.constant 0 : index
    tpu.barrier barrier_id(%barrier3A)
    %scan3A_10 = arith.constant 0 : i32
    %scan3A_11 = arith.constant 5 : i32
    %scan3A_12 = arith.addi %scan3A_10, %scan3A_11 : i32
    %scan3A_13 = arith.constant 1 : i32
    scf.for %scan3A_21 = %scan3A_10 to %scan3A_12 step %scan3A_13  : i32 {
      %mul3A_22 = arith.constant 1 : i32
      %mul3A_23 = arith.muli %scan3A_21, %mul3A_22 : i32
      %add3A_24 = arith.constant 0 : i32
      %add3A_25 = arith.addi %add3A_24, %mul3A_23 : i32
      %mul3A_26 = arith.constant 16 : i32
      %mul3A_27 = arith.muli %add3A_25, %mul3A_26 : i32
      "tpu.region"() ({
        %run_scoped3A = tpu.sem_alloc : memref<!tpu.dma_semaphore, #tpu.memory_space<semaphore_mem>>
        %dma_start3A_41 = arith.constant 0 : i32
        %dma_start3A_42 = arith.constant 0 : i32
        %dma_start3A_43 = tpu.memref_slice %arg3[%add3A, %dma_start3A_41, %dma_start3A_42] : memref<32x80x125xi32, #tpu.memory_space<hbm>> -> memref<1x80x125xi32, #tpu.memory_space<hbm>>
        %dma_start3A_44 = tpu.memref_squeeze %dma_start3A_43 : memref<1x80x125xi32, #tpu.memory_space<hbm>> -> memref<80x125xi32, #tpu.memory_space<hbm>>
        %dma_start3A_45 = arith.constant 0 : i32
        %dma_start3A_46 = tpu.memref_slice %dma_start3A_44[%mul3A_27, %dma_start3A_45] : memref<80x125xi32, #tpu.memory_space<hbm>> -> memref<16x125xi32, #tpu.memory_space<hbm>>
        %dma_start3A_47 = arith.constant 0 : i32
        %dma_start3A_48 = arith.constant 0 : i32
        %dma_start3A_49 = tpu.memref_slice %arg3[%add3A, %dma_start3A_47, %dma_start3A_48] : memref<32x80x125xi32, #tpu.memory_space<hbm>> -> memref<1x80x125xi32, #tpu.memory_space<hbm>>
        %dma_start3A_50 = tpu.memref_squeeze %dma_start3A_49 : memref<1x80x125xi32, #tpu.memory_space<hbm>> -> memref<80x125xi32, #tpu.memory_space<hbm>>
        %dma_start3A_51 = arith.constant 0 : i32
        %dma_start3A_52 = tpu.memref_slice %dma_start3A_50[%mul3A_27, %dma_start3A_51] : memref<80x125xi32, #tpu.memory_space<hbm>> -> memref<16x125xi32, #tpu.memory_space<hbm>>
        tpu.enqueue_dma source(%dma_start3A_52 : memref<16x125xi32, #tpu.memory_space<hbm>>) target(%arg6 : memref<16x125xi32, #tpu.memory_space<vmem>>) target_semaphore(%run_scoped3A : memref<!tpu.dma_semaphore, #tpu.memory_space<semaphore_mem>>)
        %dma_wait3A = arith.constant 0 : i32
        %dma_wait3A_53 = arith.constant 0 : i32
        %dma_wait3A_54 = tpu.memref_slice %arg3[%add3A, %dma_wait3A, %dma_wait3A_53] : memref<32x80x125xi32, #tpu.memory_space<hbm>> -> memref<1x80x125xi32, #tpu.memory_space<hbm>>
        %dma_wait3A_55 = tpu.memref_squeeze %dma_wait3A_54 : memref<1x80x125xi32, #tpu.memory_space<hbm>> -> memref<80x125xi32, #tpu.memory_space<hbm>>
        %dma_wait3A_56 = arith.constant 0 : i32
        %dma_wait3A_57 = tpu.memref_slice %dma_wait3A_55[%mul3A_27, %dma_wait3A_56] : memref<80x125xi32, #tpu.memory_space<hbm>> -> memref<16x125xi32, #tpu.memory_space<hbm>>
        %dma_wait3A_58 = arith.constant 0 : i32
        %dma_wait3A_59 = arith.constant 0 : i32
        %dma_wait3A_60 = tpu.memref_slice %arg3[%add3A, %dma_wait3A_58, %dma_wait3A_59] : memref<32x80x125xi32, #tpu.memory_space<hbm>> -> memref<1x80x125xi32, #tpu.memory_space<hbm>>
        %dma_wait3A_61 = tpu.memref_squeeze %dma_wait3A_60 : memref<1x80x125xi32, #tpu.memory_space<hbm>> -> memref<80x125xi32, #tpu.memory_space<hbm>>
        %dma_wait3A_62 = arith.constant 0 : i32
        %dma_wait3A_63 = tpu.memref_slice %dma_wait3A_61[%mul3A_27, %dma_wait3A_62] : memref<80x125xi32, #tpu.memory_space<hbm>> -> memref<16x125xi32, #tpu.memory_space<hbm>>
        tpu.wait_dma2 semaphore(%run_scoped3A : memref<!tpu.dma_semaphore, #tpu.memory_space<semaphore_mem>>) src(%dma_wait3A_63 : memref<16x125xi32, #tpu.memory_space<hbm>>) dst(%arg6 : memref<16x125xi32, #tpu.memory_space<vmem>>)
        tpu.yield
      }) : () -> ()
      %mul3A_28 = arith.constant 16 : i32
      %mul3A_29 = arith.muli %add3A_25, %mul3A_28 : i32
      "tpu.region"() ({
        %run_scoped3A = tpu.sem_alloc : memref<!tpu.dma_semaphore, #tpu.memory_space<semaphore_mem>>
        %dma_start3A_41 = arith.constant 0 : i32
        %dma_start3A_42 = arith.constant 0 : i32
        %dma_start3A_43 = tpu.memref_slice %arg4[%add3A, %dma_start3A_41, %dma_start3A_42] : memref<32x80x125xi32, #tpu.memory_space<hbm>> -> memref<1x80x125xi32, #tpu.memory_space<hbm>>
        %dma_start3A_44 = tpu.memref_squeeze %dma_start3A_43 : memref<1x80x125xi32, #tpu.memory_space<hbm>> -> memref<80x125xi32, #tpu.memory_space<hbm>>
        %dma_start3A_45 = arith.constant 0 : i32
        %dma_start3A_46 = tpu.memref_slice %dma_start3A_44[%mul3A_29, %dma_start3A_45] : memref<80x125xi32, #tpu.memory_space<hbm>> -> memref<16x125xi32, #tpu.memory_space<hbm>>
        %dma_start3A_47 = arith.constant 0 : i32
        %dma_start3A_48 = arith.constant 0 : i32
        %dma_start3A_49 = tpu.memref_slice %arg4[%add3A, %dma_start3A_47, %dma_start3A_48] : memref<32x80x125xi32, #tpu.memory_space<hbm>> -> memref<1x80x125xi32, #tpu.memory_space<hbm>>
        %dma_start3A_50 = tpu.memref_squeeze %dma_start3A_49 : memref<1x80x125xi32, #tpu.memory_space<hbm>> -> memref<80x125xi32, #tpu.memory_space<hbm>>
        %dma_start3A_51 = arith.constant 0 : i32
        %dma_start3A_52 = tpu.memref_slice %dma_start3A_50[%mul3A_29, %dma_start3A_51] : memref<80x125xi32, #tpu.memory_space<hbm>> -> memref<16x125xi32, #tpu.memory_space<hbm>>
        tpu.enqueue_dma source(%dma_start3A_52 : memref<16x125xi32, #tpu.memory_space<hbm>>) target(%arg7 : memref<16x125xi32, #tpu.memory_space<vmem>>) target_semaphore(%run_scoped3A : memref<!tpu.dma_semaphore, #tpu.memory_space<semaphore_mem>>)
        %dma_wait3A = arith.constant 0 : i32
        %dma_wait3A_53 = arith.constant 0 : i32
        %dma_wait3A_54 = tpu.memref_slice %arg4[%add3A, %dma_wait3A, %dma_wait3A_53] : memref<32x80x125xi32, #tpu.memory_space<hbm>> -> memref<1x80x125xi32, #tpu.memory_space<hbm>>
        %dma_wait3A_55 = tpu.memref_squeeze %dma_wait3A_54 : memref<1x80x125xi32, #tpu.memory_space<hbm>> -> memref<80x125xi32, #tpu.memory_space<hbm>>
        %dma_wait3A_56 = arith.constant 0 : i32
        %dma_wait3A_57 = tpu.memref_slice %dma_wait3A_55[%mul3A_29, %dma_wait3A_56] : memref<80x125xi32, #tpu.memory_space<hbm>> -> memref<16x125xi32, #tpu.memory_space<hbm>>
        %dma_wait3A_58 = arith.constant 0 : i32
        %dma_wait3A_59 = arith.constant 0 : i32
        %dma_wait3A_60 = tpu.memref_slice %arg4[%add3A, %dma_wait3A_58, %dma_wait3A_59] : memref<32x80x125xi32, #tpu.memory_space<hbm>> -> memref<1x80x125xi32, #tpu.memory_space<hbm>>
        %dma_wait3A_61 = tpu.memref_squeeze %dma_wait3A_60 : memref<1x80x125xi32, #tpu.memory_space<hbm>> -> memref<80x125xi32, #tpu.memory_space<hbm>>
        %dma_wait3A_62 = arith.constant 0 : i32
        %dma_wait3A_63 = tpu.memref_slice %dma_wait3A_61[%mul3A_29, %dma_wait3A_62] : memref<80x125xi32, #tpu.memory_space<hbm>> -> memref<16x125xi32, #tpu.memory_space<hbm>>
        tpu.wait_dma2 semaphore(%run_scoped3A : memref<!tpu.dma_semaphore, #tpu.memory_space<semaphore_mem>>) src(%dma_wait3A_63 : memref<16x125xi32, #tpu.memory_space<hbm>>) dst(%arg7 : memref<16x125xi32, #tpu.memory_space<vmem>>)
        tpu.yield
      }) : () -> ()
      %dma_start3A = arith.constant 0 : i32
      %dma_start3A_30 = arith.constant 0 : i32
      %dma_start3A_31 = tpu.memref_slice %arg6[%dma_start3A, %dma_start3A_30] : memref<16x125xi32, #tpu.memory_space<vmem>> -> memref<1x125xi32, #tpu.memory_space<vmem>>
      %dma_start3A_32 = tpu.memref_squeeze %dma_start3A_31 : memref<1x125xi32, #tpu.memory_space<vmem>> -> memref<125xi32, #tpu.memory_space<vmem>>
      %dma_start3A_33 = arith.constant 0 : i32
      %dma_start3A_34 = arith.constant 0 : i32
      %dma_start3A_35 = tpu.memref_slice %arg2[%dma_start3A_33, %dma_start3A_34] : memref<10000x128xf32, #tpu.memory_space<hbm>> -> memref<10000x128xf32, #tpu.memory_space<hbm>>
      tpu.enqueue_indirect_dma source(%dma_start3A_35 : memref<10000x128xf32, #tpu.memory_space<hbm>>) target(%arg8 : memref<125x128xf32, #tpu.memory_space<vmem>>) offsets(%dma_start3A_32 : memref<125xi32, #tpu.memory_space<vmem>>) semaphore(%arg12 : memref<!tpu.dma_semaphore, #tpu.memory_space<semaphore_mem>>)
      %scan3A_36 = arith.constant 0 : i32
      %scan3A_37 = arith.constant 8 : i32
      %scan3A_38 = arith.addi %scan3A_36, %scan3A_37 : i32
      %scan3A_39 = arith.constant 1 : i32
      scf.for %scan3A_41 = %scan3A_36 to %scan3A_38 step %scan3A_39  : i32 {
        %mul3A_42 = arith.constant 1 : i32
        %mul3A_43 = arith.muli %scan3A_41, %mul3A_42 : i32
        %add3A_44 = arith.constant 0 : i32
        %add3A_45 = arith.addi %add3A_44, %mul3A_43 : i32
        %mul3A_46 = arith.constant 2 : i32
        %mul3A_47 = arith.muli %mul3A_46, %add3A_45 : i32
        %dma_wait3A = arith.constant 0 : i32
        %dma_wait3A_48 = tpu.memref_slice %arg6[%mul3A_47, %dma_wait3A] : memref<16x125xi32, #tpu.memory_space<vmem>> -> memref<1x125xi32, #tpu.memory_space<vmem>>
        %dma_wait3A_49 = tpu.memref_squeeze %dma_wait3A_48 : memref<1x125xi32, #tpu.memory_space<vmem>> -> memref<125xi32, #tpu.memory_space<vmem>>
        %dma_wait3A_50 = arith.constant 0 : i32
        %dma_wait3A_51 = arith.constant 0 : i32
        %dma_wait3A_52 = tpu.memref_slice %arg2[%dma_wait3A_50, %dma_wait3A_51] : memref<10000x128xf32, #tpu.memory_space<hbm>> -> memref<10000x128xf32, #tpu.memory_space<hbm>>
        tpu.wait_indirect_dma semaphore(%arg12 : memref<!tpu.dma_semaphore, #tpu.memory_space<semaphore_mem>>) src(%dma_wait3A_52 : memref<10000x128xf32, #tpu.memory_space<hbm>>) dst(%arg8 : memref<125x128xf32, #tpu.memory_space<vmem>>)
        %add3A_53 = arith.constant 1 : i32
        %add3A_54 = arith.addi %mul3A_47, %add3A_53 : i32
        %dma_start3A_55 = arith.constant 0 : i32
        %dma_start3A_56 = tpu.memref_slice %arg6[%add3A_54, %dma_start3A_55] : memref<16x125xi32, #tpu.memory_space<vmem>> -> memref<1x125xi32, #tpu.memory_space<vmem>>
        %dma_start3A_57 = tpu.memref_squeeze %dma_start3A_56 : memref<1x125xi32, #tpu.memory_space<vmem>> -> memref<125xi32, #tpu.memory_space<vmem>>
        %dma_start3A_58 = arith.constant 0 : i32
        %dma_start3A_59 = arith.constant 0 : i32
        %dma_start3A_60 = tpu.memref_slice %arg2[%dma_start3A_58, %dma_start3A_59] : memref<10000x128xf32, #tpu.memory_space<hbm>> -> memref<10000x128xf32, #tpu.memory_space<hbm>>
        tpu.enqueue_indirect_dma source(%dma_start3A_60 : memref<10000x128xf32, #tpu.memory_space<hbm>>) target(%arg9 : memref<125x128xf32, #tpu.memory_space<vmem>>) offsets(%dma_start3A_57 : memref<125xi32, #tpu.memory_space<vmem>>) semaphore(%arg13 : memref<!tpu.dma_semaphore, #tpu.memory_space<semaphore_mem>>)
        "tpu.region"() ({
          %run_scoped3A = tpu.sem_alloc : memref<!tpu.dma_semaphore, #tpu.memory_space<semaphore_mem>>
          %dma_start3A_73 = arith.constant 0 : i32
          %dma_start3A_74 = tpu.memref_slice %arg7[%mul3A_47, %dma_start3A_73] : memref<16x125xi32, #tpu.memory_space<vmem>> -> memref<1x125xi32, #tpu.memory_space<vmem>>
          %dma_start3A_75 = tpu.memref_squeeze %dma_start3A_74 : memref<1x125xi32, #tpu.memory_space<vmem>> -> memref<125xi32, #tpu.memory_space<vmem>>
          %dma_start3A_76 = arith.constant 0 : i32
          %dma_start3A_77 = arith.constant 0 : i32
          %dma_start3A_78 = tpu.memref_slice %arg11[%dma_start3A_76, %dma_start3A_77] : memref<10240x128xf32, #tpu.memory_space<vmem_shared>> -> memref<10240x128xf32, #tpu.memory_space<vmem_shared>>
          tpu.enqueue_indirect_dma source(%arg8 : memref<125x128xf32, #tpu.memory_space<vmem>>) target(%dma_start3A_78 : memref<10240x128xf32, #tpu.memory_space<vmem_shared>>) offsets(%dma_start3A_75 : memref<125xi32, #tpu.memory_space<vmem>>) semaphore(%run_scoped3A : memref<!tpu.dma_semaphore, #tpu.memory_space<semaphore_mem>>) {add = true}
          %dma_wait3A_79 = arith.constant 0 : i32
          %dma_wait3A_80 = tpu.memref_slice %arg7[%mul3A_47, %dma_wait3A_79] : memref<16x125xi32, #tpu.memory_space<vmem>> -> memref<1x125xi32, #tpu.memory_space<vmem>>
          %dma_wait3A_81 = tpu.memref_squeeze %dma_wait3A_80 : memref<1x125xi32, #tpu.memory_space<vmem>> -> memref<125xi32, #tpu.memory_space<vmem>>
          %dma_wait3A_82 = arith.constant 0 : i32
          %dma_wait3A_83 = arith.constant 0 : i32
          %dma_wait3A_84 = tpu.memref_slice %arg11[%dma_wait3A_82, %dma_wait3A_83] : memref<10240x128xf32, #tpu.memory_space<vmem_shared>> -> memref<10240x128xf32, #tpu.memory_space<vmem_shared>>
          tpu.wait_indirect_dma semaphore(%run_scoped3A : memref<!tpu.dma_semaphore, #tpu.memory_space<semaphore_mem>>) src(%arg8 : memref<125x128xf32, #tpu.memory_space<vmem>>) dst(%dma_wait3A_84 : memref<10240x128xf32, #tpu.memory_space<vmem_shared>>)
          tpu.yield
        }) : () -> ()
        %lt3A = arith.constant 7 : i32
        %lt3A_61 = arith.cmpi slt, %add3A_45, %lt3A : i32
        %convert_element_type3A = arith.extui %lt3A_61 : i1 to i32
        %cond3A = arith.constant 0 : i32
        %cond3A_62 = arith.cmpi ne, %convert_element_type3A, %cond3A : i32
        scf.if %cond3A_62 {
          %add3A_73 = arith.constant 2 : i32
          %add3A_74 = arith.addi %mul3A_47, %add3A_73 : i32
          %dma_start3A_75 = arith.constant 0 : i32
          %dma_start3A_76 = tpu.memref_slice %arg6[%add3A_74, %dma_start3A_75] : memref<16x125xi32, #tpu.memory_space<vmem>> -> memref<1x125xi32, #tpu.memory_space<vmem>>
          %dma_start3A_77 = tpu.memref_squeeze %dma_start3A_76 : memref<1x125xi32, #tpu.memory_space<vmem>> -> memref<125xi32, #tpu.memory_space<vmem>>
          %dma_start3A_78 = arith.constant 0 : i32
          %dma_start3A_79 = arith.constant 0 : i32
          %dma_start3A_80 = tpu.memref_slice %arg2[%dma_start3A_78, %dma_start3A_79] : memref<10000x128xf32, #tpu.memory_space<hbm>> -> memref<10000x128xf32, #tpu.memory_space<hbm>>
          tpu.enqueue_indirect_dma source(%dma_start3A_80 : memref<10000x128xf32, #tpu.memory_space<hbm>>) target(%arg8 : memref<125x128xf32, #tpu.memory_space<vmem>>) offsets(%dma_start3A_77 : memref<125xi32, #tpu.memory_space<vmem>>) semaphore(%arg12 : memref<!tpu.dma_semaphore, #tpu.memory_space<semaphore_mem>>)
        } else {
        }
        %add3A_63 = arith.constant 1 : i32
        %add3A_64 = arith.addi %mul3A_47, %add3A_63 : i32
        %dma_wait3A_65 = arith.constant 0 : i32
        %dma_wait3A_66 = tpu.memref_slice %arg6[%add3A_64, %dma_wait3A_65] : memref<16x125xi32, #tpu.memory_space<vmem>> -> memref<1x125xi32, #tpu.memory_space<vmem>>
        %dma_wait3A_67 = tpu.memref_squeeze %dma_wait3A_66 : memref<1x125xi32, #tpu.memory_space<vmem>> -> memref<125xi32, #tpu.memory_space<vmem>>
        %dma_wait3A_68 = arith.constant 0 : i32
        %dma_wait3A_69 = arith.constant 0 : i32
        %dma_wait3A_70 = tpu.memref_slice %arg2[%dma_wait3A_68, %dma_wait3A_69] : memref<10000x128xf32, #tpu.memory_space<hbm>> -> memref<10000x128xf32, #tpu.memory_space<hbm>>
        tpu.wait_indirect_dma semaphore(%arg13 : memref<!tpu.dma_semaphore, #tpu.memory_space<semaphore_mem>>) src(%dma_wait3A_70 : memref<10000x128xf32, #tpu.memory_space<hbm>>) dst(%arg9 : memref<125x128xf32, #tpu.memory_space<vmem>>)
        %add3A_71 = arith.constant 1 : i32
        %add3A_72 = arith.addi %mul3A_47, %add3A_71 : i32
        "tpu.region"() ({
          %run_scoped3A = tpu.sem_alloc : memref<!tpu.dma_semaphore, #tpu.memory_space<semaphore_mem>>
          %dma_start3A_73 = arith.constant 0 : i32
          %dma_start3A_74 = tpu.memref_slice %arg7[%add3A_72, %dma_start3A_73] : memref<16x125xi32, #tpu.memory_space<vmem>> -> memref<1x125xi32, #tpu.memory_space<vmem>>
          %dma_start3A_75 = tpu.memref_squeeze %dma_start3A_74 : memref<1x125xi32, #tpu.memory_space<vmem>> -> memref<125xi32, #tpu.memory_space<vmem>>
          %dma_start3A_76 = arith.constant 0 : i32
          %dma_start3A_77 = arith.constant 0 : i32
          %dma_start3A_78 = tpu.memref_slice %arg11[%dma_start3A_76, %dma_start3A_77] : memref<10240x128xf32, #tpu.memory_space<vmem_shared>> -> memref<10240x128xf32, #tpu.memory_space<vmem_shared>>
          tpu.enqueue_indirect_dma source(%arg9 : memref<125x128xf32, #tpu.memory_space<vmem>>) target(%dma_start3A_78 : memref<10240x128xf32, #tpu.memory_space<vmem_shared>>) offsets(%dma_start3A_75 : memref<125xi32, #tpu.memory_space<vmem>>) semaphore(%run_scoped3A : memref<!tpu.dma_semaphore, #tpu.memory_space<semaphore_mem>>) {add = true}
          %dma_wait3A_79 = arith.constant 0 : i32
          %dma_wait3A_80 = tpu.memref_slice %arg7[%add3A_72, %dma_wait3A_79] : memref<16x125xi32, #tpu.memory_space<vmem>> -> memref<1x125xi32, #tpu.memory_space<vmem>>
          %dma_wait3A_81 = tpu.memref_squeeze %dma_wait3A_80 : memref<1x125xi32, #tpu.memory_space<vmem>> -> memref<125xi32, #tpu.memory_space<vmem>>
          %dma_wait3A_82 = arith.constant 0 : i32
          %dma_wait3A_83 = arith.constant 0 : i32
          %dma_wait3A_84 = tpu.memref_slice %arg11[%dma_wait3A_82, %dma_wait3A_83] : memref<10240x128xf32, #tpu.memory_space<vmem_shared>> -> memref<10240x128xf32, #tpu.memory_space<vmem_shared>>
          tpu.wait_indirect_dma semaphore(%run_scoped3A : memref<!tpu.dma_semaphore, #tpu.memory_space<semaphore_mem>>) src(%arg9 : memref<125x128xf32, #tpu.memory_space<vmem>>) dst(%dma_wait3A_84 : memref<10240x128xf32, #tpu.memory_space<vmem_shared>>)
          tpu.yield
        }) : () -> ()
      }
      %scan3A_40 = arith.constant 8 : i32
    }
    %scan3A_14 = arith.constant 5 : i32
    %barrier3A_15 = arith.constant 0 : index
    tpu.barrier barrier_id(%barrier3A_15)
    %scan3A_16 = arith.constant 0 : i32
    %scan3A_17 = arith.constant 20 : i32
    %scan3A_18 = arith.addi %scan3A_16, %scan3A_17 : i32
    %scan3A_19 = arith.constant 1 : i32
    scf.for %scan3A_21 = %scan3A_16 to %scan3A_18 step %scan3A_19  : i32 {
      %mul3A_22 = arith.constant 1 : i32
      %mul3A_23 = arith.muli %scan3A_21, %mul3A_22 : i32
      %add3A_24 = arith.constant 0 : i32
      %add3A_25 = arith.addi %add3A_24, %mul3A_23 : i32
      %mul3A_26 = arith.constant 640 : i32
      %mul3A_27 = arith.muli %arg1, %mul3A_26 : i32
      %mul3A_28 = arith.constant 32 : i32
      %mul3A_29 = arith.muli %add3A_25, %mul3A_28 : i32
      %add3A_30 = arith.addi %mul3A_27, %mul3A_29 : i32
      "tpu.region"() ({
        %run_scoped3A = tpu.sem_alloc : memref<!tpu.dma_semaphore, #tpu.memory_space<semaphore_mem>>
        %dma_start3A = arith.constant 0 : i32
        %dma_start3A_31 = arith.constant 0 : i32
        %dma_start3A_32 = tpu.memref_slice %arg5[%arg0, %dma_start3A, %dma_start3A_31] : memref<2x10240x128xf32, #tpu.memory_space<hbm>> -> memref<1x10240x128xf32, #tpu.memory_space<hbm>>
        %dma_start3A_33 = tpu.memref_squeeze %dma_start3A_32 : memref<1x10240x128xf32, #tpu.memory_space<hbm>> -> memref<10240x128xf32, #tpu.memory_space<hbm>>
        %dma_start3A_34 = arith.constant 0 : i32
        %dma_start3A_35 = tpu.memref_slice %dma_start3A_33[%add3A_30, %dma_start3A_34] : memref<10240x128xf32, #tpu.memory_space<hbm>> -> memref<32x128xf32, #tpu.memory_space<hbm>>
        %dma_start3A_36 = arith.constant 0 : i32
        %dma_start3A_37 = tpu.memref_slice %arg11[%add3A_30, %dma_start3A_36] : memref<10240x128xf32, #tpu.memory_space<vmem_shared>> -> memref<32x128xf32, #tpu.memory_space<vmem_shared>>
        tpu.enqueue_dma source(%dma_start3A_37 : memref<32x128xf32, #tpu.memory_space<vmem_shared>>) target(%dma_start3A_35 : memref<32x128xf32, #tpu.memory_space<hbm>>) target_semaphore(%run_scoped3A : memref<!tpu.dma_semaphore, #tpu.memory_space<semaphore_mem>>)
        %dma_wait3A = arith.constant 0 : i32
        %dma_wait3A_38 = arith.constant 0 : i32
        %dma_wait3A_39 = tpu.memref_slice %arg5[%arg0, %dma_wait3A, %dma_wait3A_38] : memref<2x10240x128xf32, #tpu.memory_space<hbm>> -> memref<1x10240x128xf32, #tpu.memory_space<hbm>>
        %dma_wait3A_40 = tpu.memref_squeeze %dma_wait3A_39 : memref<1x10240x128xf32, #tpu.memory_space<hbm>> -> memref<10240x128xf32, #tpu.memory_space<hbm>>
        %dma_wait3A_41 = arith.constant 0 : i32
        %dma_wait3A_42 = tpu.memref_slice %dma_wait3A_40[%add3A_30, %dma_wait3A_41] : memref<10240x128xf32, #tpu.memory_space<hbm>> -> memref<32x128xf32, #tpu.memory_space<hbm>>
        %dma_wait3A_43 = arith.constant 0 : i32
        %dma_wait3A_44 = tpu.memref_slice %arg11[%add3A_30, %dma_wait3A_43] : memref<10240x128xf32, #tpu.memory_space<vmem_shared>> -> memref<32x128xf32, #tpu.memory_space<vmem_shared>>
        tpu.wait_dma2 semaphore(%run_scoped3A : memref<!tpu.dma_semaphore, #tpu.memory_space<semaphore_mem>>) src(%dma_wait3A_44 : memref<32x128xf32, #tpu.memory_space<vmem_shared>>) dst(%dma_wait3A_42 : memref<32x128xf32, #tpu.memory_space<hbm>>)
        tpu.yield
      }) : () -> ()
    }
    %scan3A_20 = arith.constant 20 : i32
    return
  }
}

#map = affine_map<(d0, d1) -> (0)>
#map1 = affine_map<(d0, d1) -> (0, 0, 0)>
module attributes {stable_mosaic.version = 14 : i64} {
  func.func @_sc_edge_body(%arg0: i32, %arg1: i32, %arg2: memref<10000xf32, #tpu.memory_space<hbm>>, %arg3: memref<10000xf32, #tpu.memory_space<hbm>>, %arg4: memref<32x125x80xi32, #tpu.memory_space<hbm>>, %arg5: memref<32x125x80xi32, #tpu.memory_space<hbm>>, %arg6: memref<2x10240x16xf32, #tpu.memory_space<hbm>>, %arg7: memref<10000xf32, #tpu.memory_space<vmem>>, %arg8: memref<10000xf32, #tpu.memory_space<vmem>>, %arg9: memref<125x80xi32, #tpu.memory_space<vmem>>, %arg10: memref<125x80xi32, #tpu.memory_space<vmem>>, %arg11: memref<80x16xf32, #tpu.memory_space<vmem>>, %arg12: memref<640x16xf32, #tpu.memory_space<vmem>>, %arg13: memref<10240x16xf32, #tpu.memory_space<vmem_shared>>) attributes {dimension_semantics = [#tpu.dimension_semantics<core_parallel>, #tpu.dimension_semantics<subcore_parallel>], iteration_bounds = array<i64: 2, 16>, scalar_prefetch = 0 : i64, scratch_operands = 7 : i64, tpu.core_type = #tpu.core_type<sc_vector_subcore>, window_params = [{transform_indices = #map}, {transform_indices = #map}, {transform_indices = #map1}, {transform_indices = #map1}, {transform_indices = #map1}]} {
    %mul3A = arith.constant 2 : i32
    %mul3A_0 = arith.muli %arg1, %mul3A : i32
    %add3A = arith.addi %mul3A_0, %arg0 : i32
    %scan3A = arith.constant 0 : i32
    %scan3A_1 = arith.constant 640 : i32
    %scan3A_2 = arith.addi %scan3A, %scan3A_1 : i32
    %scan3A_3 = arith.constant 1 : i32
    scf.for %scan3A_26 = %scan3A to %scan3A_2 step %scan3A_3  : i32 {
      %mul3A_27 = arith.constant 1 : i32
      %mul3A_28 = arith.muli %scan3A_26, %mul3A_27 : i32
      %add3A_29 = arith.constant 0 : i32
      %add3A_30 = arith.addi %add3A_29, %mul3A_28 : i32
      %broadcast_in_dim3A_31 = arith.constant 0.000000e+00 : f32
      %broadcast_in_dim3A_32 = vector.broadcast %broadcast_in_dim3A_31 : f32 to vector<16xf32>
      %swap3A = arith.index_cast %add3A_30 : i32 to index
      %swap3A_33 = arith.constant 0 : index
      %swap3A_34 = tpu.vector_load %arg12[%swap3A, %swap3A_33] {strides = array<i32>} : memref<640x16xf32, #tpu.memory_space<vmem>>, vector<16xf32>,
      tpu.vector_store %arg12[%swap3A, %swap3A_33], %broadcast_in_dim3A_32 {strides = array<i32>} : memref<640x16xf32, #tpu.memory_space<vmem>>, vector<16xf32>,
    }
    %scan3A_4 = arith.constant 640 : i32
    %scan3A_5 = arith.constant 0 : i32
    %scan3A_6 = arith.constant 80 : i32
    %scan3A_7 = arith.addi %scan3A_5, %scan3A_6 : i32
    %scan3A_8 = arith.constant 1 : i32
    scf.for %scan3A_26 = %scan3A_5 to %scan3A_7 step %scan3A_8  : i32 {
      %mul3A_27 = arith.constant 1 : i32
      %mul3A_28 = arith.muli %scan3A_26, %mul3A_27 : i32
      %add3A_29 = arith.constant 0 : i32
      %add3A_30 = arith.addi %add3A_29, %mul3A_28 : i32
      %broadcast_in_dim3A_31 = arith.constant 0.000000e+00 : f32
      %broadcast_in_dim3A_32 = vector.broadcast %broadcast_in_dim3A_31 : f32 to vector<16xf32>
      %swap3A = arith.index_cast %add3A_30 : i32 to index
      %swap3A_33 = arith.constant 0 : index
      %swap3A_34 = tpu.vector_load %arg11[%swap3A, %swap3A_33] {strides = array<i32>} : memref<80x16xf32, #tpu.memory_space<vmem>>, vector<16xf32>,
      tpu.vector_store %arg11[%swap3A, %swap3A_33], %broadcast_in_dim3A_32 {strides = array<i32>} : memref<80x16xf32, #tpu.memory_space<vmem>>, vector<16xf32>,
    }
    %scan3A_9 = arith.constant 80 : i32
    %mul3A_10 = arith.constant 640 : i32
    %mul3A_11 = arith.muli %arg1, %mul3A_10 : i32
    "tpu.region"() ({
      %run_scoped3A = tpu.sem_alloc : memref<!tpu.dma_semaphore, #tpu.memory_space<semaphore_mem>>
      %dma_start3A = arith.constant 0 : i32
      %dma_start3A_26 = tpu.memref_slice %arg13[%mul3A_11, %dma_start3A] : memref<10240x16xf32, #tpu.memory_space<vmem_shared>> -> memref<640x16xf32, #tpu.memory_space<vmem_shared>>
      %dma_start3A_27 = arith.constant 0 : i32
      %dma_start3A_28 = tpu.memref_slice %arg13[%mul3A_11, %dma_start3A_27] : memref<10240x16xf32, #tpu.memory_space<vmem_shared>> -> memref<640x16xf32, #tpu.memory_space<vmem_shared>>
      tpu.enqueue_dma source(%arg12 : memref<640x16xf32, #tpu.memory_space<vmem>>) target(%dma_start3A_28 : memref<640x16xf32, #tpu.memory_space<vmem_shared>>) target_semaphore(%run_scoped3A : memref<!tpu.dma_semaphore, #tpu.memory_space<semaphore_mem>>)
      %dma_wait3A = arith.constant 0 : i32
      %dma_wait3A_29 = tpu.memref_slice %arg13[%mul3A_11, %dma_wait3A] : memref<10240x16xf32, #tpu.memory_space<vmem_shared>> -> memref<640x16xf32, #tpu.memory_space<vmem_shared>>
      %dma_wait3A_30 = arith.constant 0 : i32
      %dma_wait3A_31 = tpu.memref_slice %arg13[%mul3A_11, %dma_wait3A_30] : memref<10240x16xf32, #tpu.memory_space<vmem_shared>> -> memref<640x16xf32, #tpu.memory_space<vmem_shared>>
      tpu.wait_dma2 semaphore(%run_scoped3A : memref<!tpu.dma_semaphore, #tpu.memory_space<semaphore_mem>>) src(%arg12 : memref<640x16xf32, #tpu.memory_space<vmem>>) dst(%dma_wait3A_31 : memref<640x16xf32, #tpu.memory_space<vmem_shared>>)
      tpu.yield
    }) : () -> ()
    "tpu.region"() ({
      %run_scoped3A = tpu.sem_alloc : memref<!tpu.dma_semaphore, #tpu.memory_space<semaphore_mem>>
      tpu.enqueue_dma source(%arg2 : memref<10000xf32, #tpu.memory_space<hbm>>) target(%arg7 : memref<10000xf32, #tpu.memory_space<vmem>>) target_semaphore(%run_scoped3A : memref<!tpu.dma_semaphore, #tpu.memory_space<semaphore_mem>>)
      tpu.wait_dma2 semaphore(%run_scoped3A : memref<!tpu.dma_semaphore, #tpu.memory_space<semaphore_mem>>) src(%arg2 : memref<10000xf32, #tpu.memory_space<hbm>>) dst(%arg7 : memref<10000xf32, #tpu.memory_space<vmem>>)
      tpu.yield
    }) : () -> ()
    "tpu.region"() ({
      %run_scoped3A = tpu.sem_alloc : memref<!tpu.dma_semaphore, #tpu.memory_space<semaphore_mem>>
      tpu.enqueue_dma source(%arg3 : memref<10000xf32, #tpu.memory_space<hbm>>) target(%arg8 : memref<10000xf32, #tpu.memory_space<vmem>>) target_semaphore(%run_scoped3A : memref<!tpu.dma_semaphore, #tpu.memory_space<semaphore_mem>>)
      tpu.wait_dma2 semaphore(%run_scoped3A : memref<!tpu.dma_semaphore, #tpu.memory_space<semaphore_mem>>) src(%arg3 : memref<10000xf32, #tpu.memory_space<hbm>>) dst(%arg8 : memref<10000xf32, #tpu.memory_space<vmem>>)
      tpu.yield
    }) : () -> ()
    "tpu.region"() ({
      %run_scoped3A = tpu.sem_alloc : memref<!tpu.dma_semaphore, #tpu.memory_space<semaphore_mem>>
      %dma_start3A = arith.constant 0 : i32
      %dma_start3A_26 = arith.constant 0 : i32
      %dma_start3A_27 = tpu.memref_slice %arg4[%add3A, %dma_start3A, %dma_start3A_26] : memref<32x125x80xi32, #tpu.memory_space<hbm>> -> memref<1x125x80xi32, #tpu.memory_space<hbm>>
      %dma_start3A_28 = tpu.memref_squeeze %dma_start3A_27 : memref<1x125x80xi32, #tpu.memory_space<hbm>> -> memref<125x80xi32, #tpu.memory_space<hbm>>
      %dma_start3A_29 = arith.constant 0 : i32
      %dma_start3A_30 = arith.constant 0 : i32
      %dma_start3A_31 = tpu.memref_slice %arg4[%add3A, %dma_start3A_29, %dma_start3A_30] : memref<32x125x80xi32, #tpu.memory_space<hbm>> -> memref<1x125x80xi32, #tpu.memory_space<hbm>>
      %dma_start3A_32 = tpu.memref_squeeze %dma_start3A_31 : memref<1x125x80xi32, #tpu.memory_space<hbm>> -> memref<125x80xi32, #tpu.memory_space<hbm>>
      tpu.enqueue_dma source(%dma_start3A_32 : memref<125x80xi32, #tpu.memory_space<hbm>>) target(%arg9 : memref<125x80xi32, #tpu.memory_space<vmem>>) target_semaphore(%run_scoped3A : memref<!tpu.dma_semaphore, #tpu.memory_space<semaphore_mem>>)
      %dma_wait3A = arith.constant 0 : i32
      %dma_wait3A_33 = arith.constant 0 : i32
      %dma_wait3A_34 = tpu.memref_slice %arg4[%add3A, %dma_wait3A, %dma_wait3A_33] : memref<32x125x80xi32, #tpu.memory_space<hbm>> -> memref<1x125x80xi32, #tpu.memory_space<hbm>>
      %dma_wait3A_35 = tpu.memref_squeeze %dma_wait3A_34 : memref<1x125x80xi32, #tpu.memory_space<hbm>> -> memref<125x80xi32, #tpu.memory_space<hbm>>
      %dma_wait3A_36 = arith.constant 0 : i32
      %dma_wait3A_37 = arith.constant 0 : i32
      %dma_wait3A_38 = tpu.memref_slice %arg4[%add3A, %dma_wait3A_36, %dma_wait3A_37] : memref<32x125x80xi32, #tpu.memory_space<hbm>> -> memref<1x125x80xi32, #tpu.memory_space<hbm>>
      %dma_wait3A_39 = tpu.memref_squeeze %dma_wait3A_38 : memref<1x125x80xi32, #tpu.memory_space<hbm>> -> memref<125x80xi32, #tpu.memory_space<hbm>>
      tpu.wait_dma2 semaphore(%run_scoped3A : memref<!tpu.dma_semaphore, #tpu.memory_space<semaphore_mem>>) src(%dma_wait3A_39 : memref<125x80xi32, #tpu.memory_space<hbm>>) dst(%arg9 : memref<125x80xi32, #tpu.memory_space<vmem>>)
      tpu.yield
    }) : () -> ()
    "tpu.region"() ({
      %run_scoped3A = tpu.sem_alloc : memref<!tpu.dma_semaphore, #tpu.memory_space<semaphore_mem>>
      %dma_start3A = arith.constant 0 : i32
      %dma_start3A_26 = arith.constant 0 : i32
      %dma_start3A_27 = tpu.memref_slice %arg5[%add3A, %dma_start3A, %dma_start3A_26] : memref<32x125x80xi32, #tpu.memory_space<hbm>> -> memref<1x125x80xi32, #tpu.memory_space<hbm>>
      %dma_start3A_28 = tpu.memref_squeeze %dma_start3A_27 : memref<1x125x80xi32, #tpu.memory_space<hbm>> -> memref<125x80xi32, #tpu.memory_space<hbm>>
      %dma_start3A_29 = arith.constant 0 : i32
      %dma_start3A_30 = arith.constant 0 : i32
      %dma_start3A_31 = tpu.memref_slice %arg5[%add3A, %dma_start3A_29, %dma_start3A_30] : memref<32x125x80xi32, #tpu.memory_space<hbm>> -> memref<1x125x80xi32, #tpu.memory_space<hbm>>
      %dma_start3A_32 = tpu.memref_squeeze %dma_start3A_31 : memref<1x125x80xi32, #tpu.memory_space<hbm>> -> memref<125x80xi32, #tpu.memory_space<hbm>>
      tpu.enqueue_dma source(%dma_start3A_32 : memref<125x80xi32, #tpu.memory_space<hbm>>) target(%arg10 : memref<125x80xi32, #tpu.memory_space<vmem>>) target_semaphore(%run_scoped3A : memref<!tpu.dma_semaphore, #tpu.memory_space<semaphore_mem>>)
      %dma_wait3A = arith.constant 0 : i32
      %dma_wait3A_33 = arith.constant 0 : i32
      %dma_wait3A_34 = tpu.memref_slice %arg5[%add3A, %dma_wait3A, %dma_wait3A_33] : memref<32x125x80xi32, #tpu.memory_space<hbm>> -> memref<1x125x80xi32, #tpu.memory_space<hbm>>
      %dma_wait3A_35 = tpu.memref_squeeze %dma_wait3A_34 : memref<1x125x80xi32, #tpu.memory_space<hbm>> -> memref<125x80xi32, #tpu.memory_space<hbm>>
      %dma_wait3A_36 = arith.constant 0 : i32
      %dma_wait3A_37 = arith.constant 0 : i32
      %dma_wait3A_38 = tpu.memref_slice %arg5[%add3A, %dma_wait3A_36, %dma_wait3A_37] : memref<32x125x80xi32, #tpu.memory_space<hbm>> -> memref<1x125x80xi32, #tpu.memory_space<hbm>>
      %dma_wait3A_39 = tpu.memref_squeeze %dma_wait3A_38 : memref<1x125x80xi32, #tpu.memory_space<hbm>> -> memref<125x80xi32, #tpu.memory_space<hbm>>
      tpu.wait_dma2 semaphore(%run_scoped3A : memref<!tpu.dma_semaphore, #tpu.memory_space<semaphore_mem>>) src(%dma_wait3A_39 : memref<125x80xi32, #tpu.memory_space<hbm>>) dst(%arg10 : memref<125x80xi32, #tpu.memory_space<vmem>>)
      tpu.yield
    }) : () -> ()
    %barrier3A = arith.constant 0 : index
    tpu.barrier barrier_id(%barrier3A)
    %broadcast_in_dim3A = arith.constant 0 : i32
    %broadcast_in_dim3A_12 = vector.broadcast %broadcast_in_dim3A : i32 to vector<16xi32>
    %add3A_13 = arith.constant 1 : i32
    %add3A_14 = vector.broadcast %add3A_13 : i32 to vector<16xi32>
    %add3A_15 = arith.addi %broadcast_in_dim3A_12, %add3A_14 : vector<16xi32>
    %scan3A_16 = arith.constant 0 : i32
    %scan3A_17 = arith.constant 125 : i32
    %scan3A_18 = arith.addi %scan3A_16, %scan3A_17 : i32
    %scan3A_19 = arith.constant 1 : i32
    scf.for %scan3A_26 = %scan3A_16 to %scan3A_18 step %scan3A_19  : i32 {
      %mul3A_27 = arith.constant 1 : i32
      %mul3A_28 = arith.muli %scan3A_26, %mul3A_27 : i32
      %add3A_29 = arith.constant 0 : i32
      %add3A_30 = arith.addi %add3A_29, %mul3A_28 : i32
      %scan3A_31 = arith.constant 0 : i32
      %scan3A_32 = arith.constant 5 : i32
      %scan3A_33 = arith.addi %scan3A_31, %scan3A_32 : i32
      %scan3A_34 = arith.constant 1 : i32
      scf.for %scan3A_36 = %scan3A_31 to %scan3A_33 step %scan3A_34  : i32 {
        %mul3A_37 = arith.constant 1 : i32
        %mul3A_38 = arith.muli %scan3A_36, %mul3A_37 : i32
        %add3A_39 = arith.constant 0 : i32
        %add3A_40 = arith.addi %add3A_39, %mul3A_38 : i32
        %mul3A_41 = arith.constant 16 : i32
        %mul3A_42 = arith.muli %add3A_40, %mul3A_41 : i32
        %get3A = arith.index_cast %add3A_30 : i32 to index
        %get3A_43 = arith.index_cast %mul3A_42 : i32 to index
        %get3A_44 = tpu.vector_load %arg9[%get3A, %get3A_43] {strides = array<i32>} : memref<125x80xi32, #tpu.memory_space<vmem>>, vector<16xi32>,
        %mul3A_45 = arith.constant 16 : i32
        %mul3A_46 = arith.muli %add3A_40, %mul3A_45 : i32
        %get3A_47 = arith.index_cast %add3A_30 : i32 to index
        %get3A_48 = arith.index_cast %mul3A_46 : i32 to index
        %get3A_49 = tpu.vector_load %arg10[%get3A_47, %get3A_48] {strides = array<i32>} : memref<125x80xi32, #tpu.memory_space<vmem>>, vector<16xi32>,
        %gather3A = tpu.vector_load_idx %arg7[%get3A_44] : memref<10000xf32, #tpu.memory_space<vmem>>[vector<16xi32>], vector<16xf32>,
        %gather3A_50 = tpu.vector_load_idx %arg7[%get3A_49] : memref<10000xf32, #tpu.memory_space<vmem>>[vector<16xi32>], vector<16xf32>,
        %gather3A_51 = tpu.vector_load_idx %arg8[%get3A_49] : memref<10000xf32, #tpu.memory_space<vmem>>[vector<16xi32>], vector<16xf32>,
        %mul3A_52 = arith.mulf %gather3A, %gather3A_50 : vector<16xf32>
        %sub3A = arith.subf %mul3A_52, %gather3A_51 : vector<16xf32>
        %exp3A = math.exp %sub3A : vector<16xf32>
        %iota3A = tpu.iota {dimensions = array<i32: 0>} : vector<16xi32>
        %mul3A_53 = arith.constant 16 : i32
        %mul3A_54 = arith.muli %add3A_40, %mul3A_53 : i32
        %add3A_55 = vector.broadcast %mul3A_54 : i32 to vector<16xi32>
        %add3A_56 = arith.addi %iota3A, %add3A_55 : vector<16xi32>
        tpu.vector_store_idx %arg11[%add3A_56, %broadcast_in_dim3A_12], %exp3A : memref<80x16xf32, #tpu.memory_space<vmem>>[vector<16xi32>, vector<16xi32>], vector<16xf32>,
        %mul3A_57 = arith.mulf %gather3A, %exp3A : vector<16xf32>
        tpu.vector_store_idx %arg11[%add3A_56, %add3A_15], %mul3A_57 : memref<80x16xf32, #tpu.memory_space<vmem>>[vector<16xi32>, vector<16xi32>], vector<16xf32>,
      }
      %scan3A_35 = arith.constant 5 : i32
      "tpu.region"() ({
        %run_scoped3A = tpu.sem_alloc : memref<!tpu.dma_semaphore, #tpu.memory_space<semaphore_mem>>
        %dma_start3A = arith.constant 0 : i32
        %dma_start3A_36 = tpu.memref_slice %arg10[%add3A_30, %dma_start3A] : memref<125x80xi32, #tpu.memory_space<vmem>> -> memref<1x80xi32, #tpu.memory_space<vmem>>
        %dma_start3A_37 = tpu.memref_squeeze %dma_start3A_36 : memref<1x80xi32, #tpu.memory_space<vmem>> -> memref<80xi32, #tpu.memory_space<vmem>>
        %dma_start3A_38 = arith.constant 0 : i32
        %dma_start3A_39 = arith.constant 0 : i32
        %dma_start3A_40 = tpu.memref_slice %arg13[%dma_start3A_38, %dma_start3A_39] : memref<10240x16xf32, #tpu.memory_space<vmem_shared>> -> memref<10240x16xf32, #tpu.memory_space<vmem_shared>>
        tpu.enqueue_indirect_dma source(%arg11 : memref<80x16xf32, #tpu.memory_space<vmem>>) target(%dma_start3A_40 : memref<10240x16xf32, #tpu.memory_space<vmem_shared>>) offsets(%dma_start3A_37 : memref<80xi32, #tpu.memory_space<vmem>>) semaphore(%run_scoped3A : memref<!tpu.dma_semaphore, #tpu.memory_space<semaphore_mem>>) {add = true}
        %dma_wait3A = arith.constant 0 : i32
        %dma_wait3A_41 = tpu.memref_slice %arg10[%add3A_30, %dma_wait3A] : memref<125x80xi32, #tpu.memory_space<vmem>> -> memref<1x80xi32, #tpu.memory_space<vmem>>
        %dma_wait3A_42 = tpu.memref_squeeze %dma_wait3A_41 : memref<1x80xi32, #tpu.memory_space<vmem>> -> memref<80xi32, #tpu.memory_space<vmem>>
        %dma_wait3A_43 = arith.constant 0 : i32
        %dma_wait3A_44 = arith.constant 0 : i32
        %dma_wait3A_45 = tpu.memref_slice %arg13[%dma_wait3A_43, %dma_wait3A_44] : memref<10240x16xf32, #tpu.memory_space<vmem_shared>> -> memref<10240x16xf32, #tpu.memory_space<vmem_shared>>
        tpu.wait_indirect_dma semaphore(%run_scoped3A : memref<!tpu.dma_semaphore, #tpu.memory_space<semaphore_mem>>) src(%arg11 : memref<80x16xf32, #tpu.memory_space<vmem>>) dst(%dma_wait3A_45 : memref<10240x16xf32, #tpu.memory_space<vmem_shared>>)
        tpu.yield
      }) : () -> ()
    }
    %scan3A_20 = arith.constant 125 : i32
    %barrier3A_21 = arith.constant 0 : index
    tpu.barrier barrier_id(%barrier3A_21)
    %mul3A_22 = arith.constant 640 : i32
    %mul3A_23 = arith.muli %arg1, %mul3A_22 : i32
    %mul3A_24 = arith.constant 640 : i32
    %mul3A_25 = arith.muli %arg1, %mul3A_24 : i32
    "tpu.region"() ({
      %run_scoped3A = tpu.sem_alloc : memref<!tpu.dma_semaphore, #tpu.memory_space<semaphore_mem>>
      %dma_start3A = arith.constant 0 : i32
      %dma_start3A_26 = arith.constant 0 : i32
      %dma_start3A_27 = tpu.memref_slice %arg6[%arg0, %dma_start3A, %dma_start3A_26] : memref<2x10240x16xf32, #tpu.memory_space<hbm>> -> memref<1x10240x16xf32, #tpu.memory_space<hbm>>
      %dma_start3A_28 = tpu.memref_squeeze %dma_start3A_27 : memref<1x10240x16xf32, #tpu.memory_space<hbm>> -> memref<10240x16xf32, #tpu.memory_space<hbm>>
      %dma_start3A_29 = arith.constant 0 : i32
      %dma_start3A_30 = tpu.memref_slice %dma_start3A_28[%mul3A_25, %dma_start3A_29] : memref<10240x16xf32, #tpu.memory_space<hbm>> -> memref<640x16xf32, #tpu.memory_space<hbm>>
      %dma_start3A_31 = arith.constant 0 : i32
      %dma_start3A_32 = tpu.memref_slice %arg13[%mul3A_23, %dma_start3A_31] : memref<10240x16xf32, #tpu.memory_space<vmem_shared>> -> memref<640x16xf32, #tpu.memory_space<vmem_shared>>
      tpu.enqueue_dma source(%dma_start3A_32 : memref<640x16xf32, #tpu.memory_space<vmem_shared>>) target(%dma_start3A_30 : memref<640x16xf32, #tpu.memory_space<hbm>>) target_semaphore(%run_scoped3A : memref<!tpu.dma_semaphore, #tpu.memory_space<semaphore_mem>>)
      %dma_wait3A = arith.constant 0 : i32
      %dma_wait3A_33 = arith.constant 0 : i32
      %dma_wait3A_34 = tpu.memref_slice %arg6[%arg0, %dma_wait3A, %dma_wait3A_33] : memref<2x10240x16xf32, #tpu.memory_space<hbm>> -> memref<1x10240x16xf32, #tpu.memory_space<hbm>>
      %dma_wait3A_35 = tpu.memref_squeeze %dma_wait3A_34 : memref<1x10240x16xf32, #tpu.memory_space<hbm>> -> memref<10240x16xf32, #tpu.memory_space<hbm>>
      %dma_wait3A_36 = arith.constant 0 : i32
      %dma_wait3A_37 = tpu.memref_slice %dma_wait3A_35[%mul3A_25, %dma_wait3A_36] : memref<10240x16xf32, #tpu.memory_space<hbm>> -> memref<640x16xf32, #tpu.memory_space<hbm>>
      %dma_wait3A_38 = arith.constant 0 : i32
      %dma_wait3A_39 = tpu.memref_slice %arg13[%mul3A_23, %dma_wait3A_38] : memref<10240x16xf32, #tpu.memory_space<vmem_shared>> -> memref<640x16xf32, #tpu.memory_space<vmem_shared>>
      tpu.wait_dma2 semaphore(%run_scoped3A : memref<!tpu.dma_semaphore, #tpu.memory_space<semaphore_mem>>) src(%dma_wait3A_39 : memref<640x16xf32, #tpu.memory_space<vmem_shared>>) dst(%dma_wait3A_37 : memref<640x16xf32, #tpu.memory_space<hbm>>)
      tpu.yield
    }) : () -> ()
    return
  }
}

module attributes {stable_mosaic.version = 14 : i64} {
  func.func @_mlp_body(%arg0: i32, %arg1: memref<1000x128xf32, #tpu.memory_space<vmem>>, %arg2: memref<2x1000x128xf32, #tpu.memory_space<vmem>>, %arg3: memref<128x128xf32, #tpu.memory_space<vmem>>, %arg4: memref<1x128xf32, #tpu.memory_space<vmem>>, %arg5: memref<128x128xf32, #tpu.memory_space<vmem>>, %arg6: memref<1x128xf32, #tpu.memory_space<vmem>>, %arg7: memref<128x1xf32, #tpu.memory_space<vmem>>, %arg8: memref<1000x128xf32, #tpu.memory_space<vmem>>, %arg9: memref<1000x1xf32, #tpu.memory_space<vmem>>) attributes {dimension_semantics = [#tpu.dimension_semantics<arbitrary>], iteration_bounds = array<i64: 10>, scalar_prefetch = 0 : i64, scratch_operands = 0 : i64, tpu.core_type = #tpu.core_type<tc>, window_params = [{transform_indices = @transform_0, window_bounds = array<i64: 1000, 128>}, {transform_indices = @transform_1, window_bounds = array<i64: 2, 1000, 128>}, {pipeline_mode = #tpu.pipeline_mode<synchronous>, transform_indices = @transform_2, window_bounds = array<i64: 128, 128>}, {pipeline_mode = #tpu.pipeline_mode<synchronous>, transform_indices = @transform_3, window_bounds = array<i64: 1, 128>}, {pipeline_mode = #tpu.pipeline_mode<synchronous>, transform_indices = @transform_4, window_bounds = array<i64: 128, 128>}, {pipeline_mode = #tpu.pipeline_mode<synchronous>, transform_indices = @transform_5, window_bounds = array<i64: 1, 128>}, {pipeline_mode = #tpu.pipeline_mode<synchronous>, transform_indices = @transform_6, window_bounds = array<i64: 128, 1>}, {transform_indices = @transform_7, window_bounds = array<i64: 1000, 128>}, {transform_indices = @transform_8, window_bounds = array<i64: 1000, 1>}]} {
    %get3A = arith.constant 0 : index
    %get3A_0 = arith.constant 0 : index
    %get3A_1 = vector.load %arg1[%get3A, %get3A_0] : memref<1000x128xf32, #tpu.memory_space<vmem>>, vector<1000x128xf32>
    %get3A_2 = arith.constant 0 : index
    %get3A_3 = arith.constant 0 : index
    %get3A_4 = arith.constant 0 : index
    %get3A_5 = vector.load %arg2[%get3A_2, %get3A_3, %get3A_4] : memref<2x1000x128xf32, #tpu.memory_space<vmem>>, vector<1x1000x128xf32>
    %get3A_6 = vector.shape_cast %get3A_5 : vector<1x1000x128xf32> to vector<1000x128xf32>
    %add3A = arith.addf %get3A_1, %get3A_6 : vector<1000x128xf32>
    %get3A_7 = arith.constant 1 : index
    %get3A_8 = arith.constant 0 : index
    %get3A_9 = arith.constant 0 : index
    %get3A_10 = vector.load %arg2[%get3A_7, %get3A_8, %get3A_9] : memref<2x1000x128xf32, #tpu.memory_space<vmem>>, vector<1x1000x128xf32>
    %get3A_11 = vector.shape_cast %get3A_10 : vector<1x1000x128xf32> to vector<1000x128xf32>
    %add3A_12 = arith.addf %add3A, %get3A_11 : vector<1000x128xf32>
    %get3A_13 = arith.constant 0 : index
    %get3A_14 = arith.constant 0 : index
    %get3A_15 = vector.load %arg3[%get3A_13, %get3A_14] : memref<128x128xf32, #tpu.memory_space<vmem>>, vector<128x128xf32>
    %dot_general3A = arith.constant dense<0.000000e+00> : vector<1000x128xf32>
    %dot_general3A_16 = tpu.matmul %add3A_12, %get3A_15, %dot_general3A {dimension_numbers = #tpu.dot_dimension_numbers<[1], [0], [0], [1], [0, 0, 1, 1], [], []>, transpose_lhs_hint = false} : vector<1000x128xf32>, vector<128x128xf32>, vector<1000x128xf32> -> vector<1000x128xf32>
    %get3A_17 = arith.constant 0 : index
    %get3A_18 = arith.constant 0 : index
    %get3A_19 = vector.load %arg4[%get3A_17, %get3A_18] : memref<1x128xf32, #tpu.memory_space<vmem>>, vector<1x128xf32>
    %add3A_20 = vector.broadcast %get3A_19 : vector<1x128xf32> to vector<1000x128xf32>
    %add3A_21 = arith.addf %dot_general3A_16, %add3A_20 : vector<1000x128xf32>
    %max3A = arith.constant 0.000000e+00 : f32
    %max3A_22 = vector.broadcast %max3A : f32 to vector<1000x128xf32>
    %max3A_23 = arith.maximumf %add3A_21, %max3A_22 : vector<1000x128xf32>
    %get3A_24 = arith.constant 0 : index
    %get3A_25 = arith.constant 0 : index
    %get3A_26 = vector.load %arg5[%get3A_24, %get3A_25] : memref<128x128xf32, #tpu.memory_space<vmem>>, vector<128x128xf32>
    %dot_general3A_27 = arith.constant dense<0.000000e+00> : vector<1000x128xf32>
    %dot_general3A_28 = tpu.matmul %max3A_23, %get3A_26, %dot_general3A_27 {dimension_numbers = #tpu.dot_dimension_numbers<[1], [0], [0], [1], [0, 0, 1, 1], [], []>, transpose_lhs_hint = false} : vector<1000x128xf32>, vector<128x128xf32>, vector<1000x128xf32> -> vector<1000x128xf32>
    %get3A_29 = arith.constant 0 : index
    %get3A_30 = arith.constant 0 : index
    %get3A_31 = vector.load %arg6[%get3A_29, %get3A_30] : memref<1x128xf32, #tpu.memory_space<vmem>>, vector<1x128xf32>
    %add3A_32 = vector.broadcast %get3A_31 : vector<1x128xf32> to vector<1000x128xf32>
    %add3A_33 = arith.addf %dot_general3A_28, %add3A_32 : vector<1000x128xf32>
    %max3A_34 = arith.constant 0.000000e+00 : f32
    %max3A_35 = vector.broadcast %max3A_34 : f32 to vector<1000x128xf32>
    %max3A_36 = arith.maximumf %add3A_33, %max3A_35 : vector<1000x128xf32>
    %swap3A = arith.constant 0 : index
    %swap3A_37 = arith.constant 0 : index
    %swap3A_38 = vector.load %arg8[%swap3A, %swap3A_37] : memref<1000x128xf32, #tpu.memory_space<vmem>>, vector<1000x128xf32>
    tpu.vector_store %arg8[%swap3A, %swap3A_37], %max3A_36 {strides = array<i32>} : memref<1000x128xf32, #tpu.memory_space<vmem>>, vector<1000x128xf32>,
    %get3A_39 = arith.constant 0 : index
    %get3A_40 = arith.constant 0 : index
    %get3A_41 = vector.load %arg7[%get3A_39, %get3A_40] : memref<128x1xf32, #tpu.memory_space<vmem>>, vector<128x1xf32>
    %dot_general3A_42 = arith.constant dense<0.000000e+00> : vector<1000x1xf32>
    %dot_general3A_43 = tpu.matmul %max3A_36, %get3A_41, %dot_general3A_42 {dimension_numbers = #tpu.dot_dimension_numbers<[1], [0], [0], [1], [0, 0, 1, 1], [], []>, transpose_lhs_hint = false} : vector<1000x128xf32>, vector<128x1xf32>, vector<1000x1xf32> -> vector<1000x1xf32>
    %swap3A_44 = arith.constant 0 : index
    %swap3A_45 = arith.constant 0 : index
    %swap3A_46 = vector.load %arg9[%swap3A_44, %swap3A_45] : memref<1000x1xf32, #tpu.memory_space<vmem>>, vector<1000x1xf32>
    tpu.vector_store %arg9[%swap3A_44, %swap3A_45], %dot_general3A_43 {strides = array<i32>} : memref<1000x1xf32, #tpu.memory_space<vmem>>, vector<1000x1xf32>,
    return
  }
  func.func @transform_0(%arg0: i32) -> (i32, i32) {
    %c0_i32 = arith.constant 0 : i32
    %c0_i32_0 = arith.constant 0 : i32
    return %arg0, %c0_i32 : i32, i32
  }
  func.func @transform_1(%arg0: i32) -> (i32, i32, i32) {
    %c0_i32 = arith.constant 0 : i32
    %c0_i32_0 = arith.constant 0 : i32
    %c0_i32_1 = arith.constant 0 : i32
    return %c0_i32, %arg0, %c0_i32_0 : i32, i32, i32
  }
  func.func @transform_2(%arg0: i32) -> (i32, i32) {
    %c0_i32 = arith.constant 0 : i32
    %c0_i32_0 = arith.constant 0 : i32
    %c0_i32_1 = arith.constant 0 : i32
    return %c0_i32, %c0_i32_0 : i32, i32
  }
  func.func @transform_3(%arg0: i32) -> (i32, i32) {
    %c0_i32 = arith.constant 0 : i32
    %c0_i32_0 = arith.constant 0 : i32
    %c0_i32_1 = arith.constant 0 : i32
    return %c0_i32, %c0_i32_0 : i32, i32
  }
  func.func @transform_4(%arg0: i32) -> (i32, i32) {
    %c0_i32 = arith.constant 0 : i32
    %c0_i32_0 = arith.constant 0 : i32
    %c0_i32_1 = arith.constant 0 : i32
    return %c0_i32, %c0_i32_0 : i32, i32
  }
  func.func @transform_5(%arg0: i32) -> (i32, i32) {
    %c0_i32 = arith.constant 0 : i32
    %c0_i32_0 = arith.constant 0 : i32
    %c0_i32_1 = arith.constant 0 : i32
    return %c0_i32, %c0_i32_0 : i32, i32
  }
  func.func @transform_6(%arg0: i32) -> (i32, i32) {
    %c0_i32 = arith.constant 0 : i32
    %c0_i32_0 = arith.constant 0 : i32
    %c0_i32_1 = arith.constant 0 : i32
    return %c0_i32, %c0_i32_0 : i32, i32
  }
  func.func @transform_7(%arg0: i32) -> (i32, i32) {
    %c0_i32 = arith.constant 0 : i32
    %c0_i32_0 = arith.constant 0 : i32
    return %arg0, %c0_i32 : i32, i32
  }
  func.func @transform_8(%arg0: i32) -> (i32, i32) {
    %c0_i32 = arith.constant 0 : i32
    %c0_i32_0 = arith.constant 0 : i32
    return %arg0, %c0_i32 : i32, i32
  }
}

module attributes {stable_mosaic.version = 14 : i64} {
  func.func @_mlp_body(%arg0: i32, %arg1: memref<1000x128xf32, #tpu.memory_space<vmem>>, %arg2: memref<2x1000x128xf32, #tpu.memory_space<vmem>>, %arg3: memref<128x128xf32, #tpu.memory_space<vmem>>, %arg4: memref<1x128xf32, #tpu.memory_space<vmem>>, %arg5: memref<128x128xf32, #tpu.memory_space<vmem>>, %arg6: memref<1x128xf32, #tpu.memory_space<vmem>>, %arg7: memref<128x1xf32, #tpu.memory_space<vmem>>, %arg8: memref<1000x128xf32, #tpu.memory_space<vmem>>, %arg9: memref<1000x1xf32, #tpu.memory_space<vmem>>) attributes {dimension_semantics = [#tpu.dimension_semantics<arbitrary>], iteration_bounds = array<i64: 10>, scalar_prefetch = 0 : i64, scratch_operands = 0 : i64, tpu.core_type = #tpu.core_type<tc>, window_params = [{transform_indices = @transform_0, window_bounds = array<i64: 1000, 128>}, {transform_indices = @transform_1, window_bounds = array<i64: 2, 1000, 128>}, {pipeline_mode = #tpu.pipeline_mode<synchronous>, transform_indices = @transform_2, window_bounds = array<i64: 128, 128>}, {pipeline_mode = #tpu.pipeline_mode<synchronous>, transform_indices = @transform_3, window_bounds = array<i64: 1, 128>}, {pipeline_mode = #tpu.pipeline_mode<synchronous>, transform_indices = @transform_4, window_bounds = array<i64: 128, 128>}, {pipeline_mode = #tpu.pipeline_mode<synchronous>, transform_indices = @transform_5, window_bounds = array<i64: 1, 128>}, {pipeline_mode = #tpu.pipeline_mode<synchronous>, transform_indices = @transform_6, window_bounds = array<i64: 128, 1>}, {transform_indices = @transform_7, window_bounds = array<i64: 1000, 128>}, {transform_indices = @transform_8, window_bounds = array<i64: 1000, 1>}]} {
    %get3A = arith.constant 0 : index
    %get3A_0 = arith.constant 0 : index
    %get3A_1 = vector.load %arg1[%get3A, %get3A_0] : memref<1000x128xf32, #tpu.memory_space<vmem>>, vector<1000x128xf32>
    %get3A_2 = arith.constant 0 : index
    %get3A_3 = arith.constant 0 : index
    %get3A_4 = arith.constant 0 : index
    %get3A_5 = vector.load %arg2[%get3A_2, %get3A_3, %get3A_4] : memref<2x1000x128xf32, #tpu.memory_space<vmem>>, vector<1x1000x128xf32>
    %get3A_6 = vector.shape_cast %get3A_5 : vector<1x1000x128xf32> to vector<1000x128xf32>
    %add3A = arith.addf %get3A_1, %get3A_6 : vector<1000x128xf32>
    %get3A_7 = arith.constant 1 : index
    %get3A_8 = arith.constant 0 : index
    %get3A_9 = arith.constant 0 : index
    %get3A_10 = vector.load %arg2[%get3A_7, %get3A_8, %get3A_9] : memref<2x1000x128xf32, #tpu.memory_space<vmem>>, vector<1x1000x128xf32>
    %get3A_11 = vector.shape_cast %get3A_10 : vector<1x1000x128xf32> to vector<1000x128xf32>
    %add3A_12 = arith.addf %add3A, %get3A_11 : vector<1000x128xf32>
    %get3A_13 = arith.constant 0 : index
    %get3A_14 = arith.constant 0 : index
    %get3A_15 = vector.load %arg3[%get3A_13, %get3A_14] : memref<128x128xf32, #tpu.memory_space<vmem>>, vector<128x128xf32>
    %dot_general3A = arith.constant dense<0.000000e+00> : vector<1000x128xf32>
    %dot_general3A_16 = tpu.matmul %add3A_12, %get3A_15, %dot_general3A {dimension_numbers = #tpu.dot_dimension_numbers<[1], [0], [0], [1], [0, 0, 1, 1], [], []>, transpose_lhs_hint = false} : vector<1000x128xf32>, vector<128x128xf32>, vector<1000x128xf32> -> vector<1000x128xf32>
    %get3A_17 = arith.constant 0 : index
    %get3A_18 = arith.constant 0 : index
    %get3A_19 = vector.load %arg4[%get3A_17, %get3A_18] : memref<1x128xf32, #tpu.memory_space<vmem>>, vector<1x128xf32>
    %add3A_20 = vector.broadcast %get3A_19 : vector<1x128xf32> to vector<1000x128xf32>
    %add3A_21 = arith.addf %dot_general3A_16, %add3A_20 : vector<1000x128xf32>
    %max3A = arith.constant 0.000000e+00 : f32
    %max3A_22 = vector.broadcast %max3A : f32 to vector<1000x128xf32>
    %max3A_23 = arith.maximumf %add3A_21, %max3A_22 : vector<1000x128xf32>
    %get3A_24 = arith.constant 0 : index
    %get3A_25 = arith.constant 0 : index
    %get3A_26 = vector.load %arg5[%get3A_24, %get3A_25] : memref<128x128xf32, #tpu.memory_space<vmem>>, vector<128x128xf32>
    %dot_general3A_27 = arith.constant dense<0.000000e+00> : vector<1000x128xf32>
    %dot_general3A_28 = tpu.matmul %max3A_23, %get3A_26, %dot_general3A_27 {dimension_numbers = #tpu.dot_dimension_numbers<[1], [0], [0], [1], [0, 0, 1, 1], [], []>, transpose_lhs_hint = false} : vector<1000x128xf32>, vector<128x128xf32>, vector<1000x128xf32> -> vector<1000x128xf32>
    %get3A_29 = arith.constant 0 : index
    %get3A_30 = arith.constant 0 : index
    %get3A_31 = vector.load %arg6[%get3A_29, %get3A_30] : memref<1x128xf32, #tpu.memory_space<vmem>>, vector<1x128xf32>
    %add3A_32 = vector.broadcast %get3A_31 : vector<1x128xf32> to vector<1000x128xf32>
    %add3A_33 = arith.addf %dot_general3A_28, %add3A_32 : vector<1000x128xf32>
    %swap3A = arith.constant 0 : index
    %swap3A_34 = arith.constant 0 : index
    %swap3A_35 = vector.load %arg8[%swap3A, %swap3A_34] : memref<1000x128xf32, #tpu.memory_space<vmem>>, vector<1000x128xf32>
    tpu.vector_store %arg8[%swap3A, %swap3A_34], %add3A_33 {strides = array<i32>} : memref<1000x128xf32, #tpu.memory_space<vmem>>, vector<1000x128xf32>,
    %get3A_36 = arith.constant 0 : index
    %get3A_37 = arith.constant 0 : index
    %get3A_38 = vector.load %arg7[%get3A_36, %get3A_37] : memref<128x1xf32, #tpu.memory_space<vmem>>, vector<128x1xf32>
    %dot_general3A_39 = arith.constant dense<0.000000e+00> : vector<1000x1xf32>
    %dot_general3A_40 = tpu.matmul %add3A_33, %get3A_38, %dot_general3A_39 {dimension_numbers = #tpu.dot_dimension_numbers<[1], [0], [0], [1], [0, 0, 1, 1], [], []>, transpose_lhs_hint = false} : vector<1000x128xf32>, vector<128x1xf32>, vector<1000x1xf32> -> vector<1000x1xf32>
    %swap3A_41 = arith.constant 0 : index
    %swap3A_42 = arith.constant 0 : index
    %swap3A_43 = vector.load %arg9[%swap3A_41, %swap3A_42] : memref<1000x1xf32, #tpu.memory_space<vmem>>, vector<1000x1xf32>
    tpu.vector_store %arg9[%swap3A_41, %swap3A_42], %dot_general3A_40 {strides = array<i32>} : memref<1000x1xf32, #tpu.memory_space<vmem>>, vector<1000x1xf32>,
    return
  }
  func.func @transform_0(%arg0: i32) -> (i32, i32) {
    %c0_i32 = arith.constant 0 : i32
    %c0_i32_0 = arith.constant 0 : i32
    return %arg0, %c0_i32 : i32, i32
  }
  func.func @transform_1(%arg0: i32) -> (i32, i32, i32) {
    %c0_i32 = arith.constant 0 : i32
    %c0_i32_0 = arith.constant 0 : i32
    %c0_i32_1 = arith.constant 0 : i32
    return %c0_i32, %arg0, %c0_i32_0 : i32, i32, i32
  }
  func.func @transform_2(%arg0: i32) -> (i32, i32) {
    %c0_i32 = arith.constant 0 : i32
    %c0_i32_0 = arith.constant 0 : i32
    %c0_i32_1 = arith.constant 0 : i32
    return %c0_i32, %c0_i32_0 : i32, i32
  }
  func.func @transform_3(%arg0: i32) -> (i32, i32) {
    %c0_i32 = arith.constant 0 : i32
    %c0_i32_0 = arith.constant 0 : i32
    %c0_i32_1 = arith.constant 0 : i32
    return %c0_i32, %c0_i32_0 : i32, i32
  }
  func.func @transform_4(%arg0: i32) -> (i32, i32) {
    %c0_i32 = arith.constant 0 : i32
    %c0_i32_0 = arith.constant 0 : i32
    %c0_i32_1 = arith.constant 0 : i32
    return %c0_i32, %c0_i32_0 : i32, i32
  }
  func.func @transform_5(%arg0: i32) -> (i32, i32) {
    %c0_i32 = arith.constant 0 : i32
    %c0_i32_0 = arith.constant 0 : i32
    %c0_i32_1 = arith.constant 0 : i32
    return %c0_i32, %c0_i32_0 : i32, i32
  }
  func.func @transform_6(%arg0: i32) -> (i32, i32) {
    %c0_i32 = arith.constant 0 : i32
    %c0_i32_0 = arith.constant 0 : i32
    %c0_i32_1 = arith.constant 0 : i32
    return %c0_i32, %c0_i32_0 : i32, i32
  }
  func.func @transform_7(%arg0: i32) -> (i32, i32) {
    %c0_i32 = arith.constant 0 : i32
    %c0_i32_0 = arith.constant 0 : i32
    return %arg0, %c0_i32 : i32, i32
  }
  func.func @transform_8(%arg0: i32) -> (i32, i32) {
    %c0_i32 = arith.constant 0 : i32
    %c0_i32_0 = arith.constant 0 : i32
    return %arg0, %c0_i32 : i32, i32
  }
}

module attributes {stable_mosaic.version = 14 : i64} {
  func.func @_prep_body(%arg0: memref<10000x1xf32, #tpu.memory_space<vmem>>, %arg1: memref<10000x1xf32, #tpu.memory_space<vmem>>, %arg2: memref<10000x1xf32, #tpu.memory_space<vmem>>, %arg3: memref<1x1xf32, #tpu.memory_space<vmem>>, %arg4: memref<10000x1xf32, #tpu.memory_space<vmem>>, %arg5: memref<10000x32xf32, #tpu.memory_space<vmem>>) attributes {dimension_semantics = [], scalar_prefetch = 0 : i64, scratch_operands = 0 : i64, tpu.core_type = #tpu.core_type<tc>} {
    %get3A = arith.constant 0 : index
    %get3A_0 = arith.constant 0 : index
    %get3A_1 = vector.load %arg0[%get3A, %get3A_0] : memref<10000x1xf32, #tpu.memory_space<vmem>>, vector<10000x1xf32>
    %get3A_2 = arith.constant 0 : index
    %get3A_3 = arith.constant 0 : index
    %get3A_4 = vector.load %arg1[%get3A_2, %get3A_3] : memref<10000x1xf32, #tpu.memory_space<vmem>>, vector<10000x1xf32>
    %add3A = arith.addf %get3A_1, %get3A_4 : vector<10000x1xf32>
    %get3A_5 = arith.constant 0 : index
    %get3A_6 = arith.constant 0 : index
    %get3A_7 = vector.load %arg2[%get3A_5, %get3A_6] : memref<10000x1xf32, #tpu.memory_space<vmem>>, vector<10000x1xf32>
    %add3A_8 = arith.addf %add3A, %get3A_7 : vector<10000x1xf32>
    %get3A_9 = arith.constant 0 : index
    %get3A_10 = arith.constant 0 : index
    %get3A_11 = vector.load %arg3[%get3A_9, %get3A_10] : memref<1x1xf32, #tpu.memory_space<vmem>>, vector<1x1xf32>
    %get3A_12 = vector.extract %get3A_11[0, 0] : f32 from vector<1x1xf32>
    %add3A_13 = vector.broadcast %get3A_12 : f32 to vector<10000x1xf32>
    %add3A_14 = arith.addf %add3A_8, %add3A_13 : vector<10000x1xf32>
    %reduce_max3A = vector.shape_cast %add3A_14 : vector<10000x1xf32> to vector<1x10000x1xf32>
    %reduce_max3A_15 = arith.constant dense<0xFF800000> : vector<1xf32>
    %reduce_max3A_16 = vector.multi_reduction <maximumf>, %reduce_max3A, %reduce_max3A_15 [1, 2] : vector<1x10000x1xf32> to vector<1xf32>
    %reduce_max3A_17 = vector.shape_cast %reduce_max3A_16 : vector<1xf32> to vector<1x1x1xf32>
    %reduce_max3A_18 = vector.extract %reduce_max3A_17[0, 0, 0] : f32 from vector<1x1x1xf32>
    %reduce_min3A = vector.shape_cast %add3A_14 : vector<10000x1xf32> to vector<1x10000x1xf32>
    %reduce_min3A_19 = arith.constant dense<0x7F800000> : vector<1xf32>
    %reduce_min3A_20 = vector.multi_reduction <minimumf>, %reduce_min3A, %reduce_min3A_19 [1, 2] : vector<1x10000x1xf32> to vector<1xf32>
    %reduce_min3A_21 = vector.shape_cast %reduce_min3A_20 : vector<1xf32> to vector<1x1x1xf32>
    %reduce_min3A_22 = vector.extract %reduce_min3A_21[0, 0, 0] : f32 from vector<1x1x1xf32>
    %sub3A = arith.subf %reduce_max3A_18, %reduce_min3A_22 : f32
    %div3A = arith.constant 3.200000e+01 : f32
    %div3A_23 = arith.divf %sub3A, %div3A : f32
    %add3A_24 = arith.constant 1.000000e-30 : f32
    %add3A_25 = arith.addf %div3A_23, %add3A_24 : f32
    %sub3A_26 = vector.broadcast %reduce_min3A_22 : f32 to vector<10000x1xf32>
    %sub3A_27 = arith.subf %add3A_14, %sub3A_26 : vector<10000x1xf32>
    %div3A_28 = vector.broadcast %add3A_25 : f32 to vector<10000x1xf32>
    %div3A_29 = arith.divf %sub3A_27, %div3A_28 : vector<10000x1xf32>
    %convert_element_type3A = arith.fptosi %div3A_29 : vector<10000x1xf32> to vector<10000x1xi32>
    %jit3A = arith.constant 0 : i32
    %jit3A_30 = arith.constant 31 : i32
    %max3A = vector.broadcast %jit3A : i32 to vector<10000x1xi32>
    %max3A_31 = arith.maxsi %max3A, %convert_element_type3A : vector<10000x1xi32>
    %min3A = vector.broadcast %jit3A_30 : i32 to vector<10000x1xi32>
    %min3A_32 = arith.minsi %min3A, %max3A_31 : vector<10000x1xi32>
    %iota3A = tpu.iota {dimensions = array<i32: 1>} : vector<1x32xi32>
    %swap3A = arith.constant 0 : index
    %swap3A_33 = arith.constant 0 : index
    %swap3A_34 = vector.load %arg4[%swap3A, %swap3A_33] : memref<10000x1xf32, #tpu.memory_space<vmem>>, vector<10000x1xf32>
    tpu.vector_store %arg4[%swap3A, %swap3A_33], %add3A_14 {strides = array<i32>} : memref<10000x1xf32, #tpu.memory_space<vmem>>, vector<10000x1xf32>,
    %eq3A = vector.broadcast %min3A_32 : vector<10000x1xi32> to vector<10000x32xi32>
    %eq3A_35 = vector.broadcast %iota3A : vector<1x32xi32> to vector<10000x32xi32>
    %eq3A_36 = arith.cmpi eq, %eq3A, %eq3A_35 : vector<10000x32xi32>
    %convert_element_type3A_37 = arith.extui %eq3A_36 : vector<10000x32xi1> to vector<10000x32xi32>
    %convert_element_type3A_38 = arith.sitofp %convert_element_type3A_37 : vector<10000x32xi32> to vector<10000x32xf32>
    %swap3A_39 = arith.constant 0 : index
    %swap3A_40 = arith.constant 0 : index
    %swap3A_41 = vector.load %arg5[%swap3A_39, %swap3A_40] : memref<10000x32xf32, #tpu.memory_space<vmem>>, vector<10000x32xf32>
    tpu.vector_store %arg5[%swap3A_39, %swap3A_40], %convert_element_type3A_38 {strides = array<i32>} : memref<10000x32xf32, #tpu.memory_space<vmem>>, vector<10000x32xf32>,
    return
  }
}

module attributes {stable_mosaic.version = 14 : i64} {
  func.func @_bound_body(%arg0: i32, %arg1: memref<10000x1xf32, #tpu.memory_space<vmem>>, %arg2: memref<2x10000x32xf32, #tpu.memory_space<vmem>>, %arg3: memref<10000x1xf32, #tpu.memory_space<vmem>>) attributes {dimension_semantics = [#tpu.dimension_semantics<arbitrary>], iteration_bounds = array<i64: 1>, scalar_prefetch = 0 : i64, scratch_operands = 0 : i64, tpu.core_type = #tpu.core_type<tc>, window_params = [{pipeline_mode = #tpu.pipeline_mode<synchronous>, transform_indices = @transform_0, window_bounds = array<i64: 10000, 1>}, {transform_indices = @transform_1, window_bounds = array<i64: 2, 10000, 32>}, {pipeline_mode = #tpu.pipeline_mode<synchronous>, transform_indices = @transform_2, window_bounds = array<i64: 10000, 1>}]} {
    %get3A = arith.constant 0 : index
    %get3A_0 = arith.constant 0 : index
    %get3A_1 = vector.load %arg1[%get3A, %get3A_0] : memref<10000x1xf32, #tpu.memory_space<vmem>>, vector<10000x1xf32>
    %get3A_2 = arith.constant 0 : index
    %get3A_3 = arith.constant 0 : index
    %get3A_4 = arith.constant 0 : index
    %get3A_5 = vector.load %arg2[%get3A_2, %get3A_3, %get3A_4] : memref<2x10000x32xf32, #tpu.memory_space<vmem>>, vector<1x10000x32xf32>
    %get3A_6 = vector.shape_cast %get3A_5 : vector<1x10000x32xf32> to vector<10000x32xf32>
    %get3A_7 = arith.constant 1 : index
    %get3A_8 = arith.constant 0 : index
    %get3A_9 = arith.constant 0 : index
    %get3A_10 = vector.load %arg2[%get3A_7, %get3A_8, %get3A_9] : memref<2x10000x32xf32, #tpu.memory_space<vmem>>, vector<1x10000x32xf32>
    %get3A_11 = vector.shape_cast %get3A_10 : vector<1x10000x32xf32> to vector<10000x32xf32>
    %add3A = arith.addf %get3A_6, %get3A_11 : vector<10000x32xf32>
    %reduce_max3A = vector.shape_cast %get3A_1 : vector<10000x1xf32> to vector<1x10000x1xf32>
    %reduce_max3A_12 = arith.constant dense<0xFF800000> : vector<1xf32>
    %reduce_max3A_13 = vector.multi_reduction <maximumf>, %reduce_max3A, %reduce_max3A_12 [1, 2] : vector<1x10000x1xf32> to vector<1xf32>
    %reduce_max3A_14 = vector.shape_cast %reduce_max3A_13 : vector<1xf32> to vector<1x1x1xf32>
    %reduce_max3A_15 = vector.extract %reduce_max3A_14[0, 0, 0] : f32 from vector<1x1x1xf32>
    %reduce_min3A = vector.shape_cast %get3A_1 : vector<10000x1xf32> to vector<1x10000x1xf32>
    %reduce_min3A_16 = arith.constant dense<0x7F800000> : vector<1xf32>
    %reduce_min3A_17 = vector.multi_reduction <minimumf>, %reduce_min3A, %reduce_min3A_16 [1, 2] : vector<1x10000x1xf32> to vector<1xf32>
    %reduce_min3A_18 = vector.shape_cast %reduce_min3A_17 : vector<1xf32> to vector<1x1x1xf32>
    %reduce_min3A_19 = vector.extract %reduce_min3A_18[0, 0, 0] : f32 from vector<1x1x1xf32>
    %sub3A = arith.subf %reduce_max3A_15, %reduce_min3A_19 : f32
    %div3A = arith.constant 3.200000e+01 : f32
    %div3A_20 = arith.divf %sub3A, %div3A : f32
    %add3A_21 = arith.constant 1.000000e-30 : f32
    %add3A_22 = arith.addf %div3A_20, %add3A_21 : f32
    %iota3A = tpu.iota {dimensions = array<i32: 1>} : vector<1x32xi32>
    %convert_element_type3A = arith.sitofp %iota3A : vector<1x32xi32> to vector<1x32xf32>
    %gt3A = arith.constant 0.000000e+00 : f32
    %gt3A_23 = vector.broadcast %gt3A : f32 to vector<10000x32xf32>
    %gt3A_24 = arith.cmpf ogt, %add3A, %gt3A_23 : vector<10000x32xf32>
    %jit3A = arith.constant -1.000000e+00 : f32
    %broadcast_in_dim3A = vector.shape_cast %convert_element_type3A : vector<1x32xf32> to vector<1x32xf32>
    %broadcast_in_dim3A_25 = vector.broadcast %broadcast_in_dim3A : vector<1x32xf32> to vector<10000x32xf32>
    %broadcast_in_dim3A_26 = vector.broadcast %jit3A : f32 to vector<10000x32xf32>
    %select_n3A = arith.select %gt3A_24, %broadcast_in_dim3A_25, %broadcast_in_dim3A_26 : vector<10000x32xi1>, vector<10000x32xf32>
    %reduce_max3A_27 = arith.constant dense<0xFF800000> : vector<10000xf32>
    %reduce_max3A_28 = vector.multi_reduction <maximumf>, %select_n3A, %reduce_max3A_27 [1] : vector<10000x32xf32> to vector<10000xf32>
    %broadcast_in_dim3A_29 = vector.shape_cast %reduce_max3A_28 : vector<10000xf32> to vector<10000x1xf32>
    %jit3A_30 = arith.constant 2.000000e+02 : f32
    %broadcast_in_dim3A_31 = vector.shape_cast %convert_element_type3A : vector<1x32xf32> to vector<1x32xf32>
    %broadcast_in_dim3A_32 = vector.broadcast %broadcast_in_dim3A_31 : vector<1x32xf32> to vector<10000x32xf32>
    %broadcast_in_dim3A_33 = vector.broadcast %jit3A_30 : f32 to vector<10000x32xf32>
    %select_n3A_34 = arith.select %gt3A_24, %broadcast_in_dim3A_32, %broadcast_in_dim3A_33 : vector<10000x32xi1>, vector<10000x32xf32>
    %reduce_min3A_35 = arith.constant dense<0x7F800000> : vector<10000xf32>
    %reduce_min3A_36 = vector.multi_reduction <minimumf>, %select_n3A_34, %reduce_min3A_35 [1] : vector<10000x32xf32> to vector<10000xf32>
    %broadcast_in_dim3A_37 = vector.shape_cast %reduce_min3A_36 : vector<10000xf32> to vector<10000x1xf32>
    %add3A_38 = arith.constant 1.000000e+00 : f32
    %add3A_39 = vector.broadcast %add3A_38 : f32 to vector<10000x1xf32>
    %add3A_40 = arith.addf %broadcast_in_dim3A_29, %add3A_39 : vector<10000x1xf32>
    %mul3A = vector.broadcast %add3A_22 : f32 to vector<10000x1xf32>
    %mul3A_41 = arith.mulf %mul3A, %add3A_40 : vector<10000x1xf32>
    %add3A_42 = vector.broadcast %reduce_min3A_19 : f32 to vector<10000x1xf32>
    %add3A_43 = arith.addf %add3A_42, %mul3A_41 : vector<10000x1xf32>
    %mul3A_44 = vector.broadcast %add3A_22 : f32 to vector<10000x1xf32>
    %mul3A_45 = arith.mulf %mul3A_44, %broadcast_in_dim3A_37 : vector<10000x1xf32>
    %add3A_46 = vector.broadcast %reduce_min3A_19 : f32 to vector<10000x1xf32>
    %add3A_47 = arith.addf %add3A_46, %mul3A_45 : vector<10000x1xf32>
    %mul3A_48 = arith.mulf %get3A_1, %add3A_43 : vector<10000x1xf32>
    %mul3A_49 = arith.mulf %get3A_1, %add3A_47 : vector<10000x1xf32>
    %max3A = arith.maximumf %mul3A_48, %mul3A_49 : vector<10000x1xf32>
    %swap3A = arith.constant 0 : index
    %swap3A_50 = arith.constant 0 : index
    %swap3A_51 = vector.load %arg3[%swap3A, %swap3A_50] : memref<10000x1xf32, #tpu.memory_space<vmem>>, vector<10000x1xf32>
    tpu.vector_store %arg3[%swap3A, %swap3A_50], %max3A {strides = array<i32>} : memref<10000x1xf32, #tpu.memory_space<vmem>>, vector<10000x1xf32>,
    return
  }
  func.func @transform_0(%arg0: i32) -> (i32, i32) {
    %c0_i32 = arith.constant 0 : i32
    %c0_i32_0 = arith.constant 0 : i32
    %c0_i32_1 = arith.constant 0 : i32
    return %c0_i32, %c0_i32_0 : i32, i32
  }
  func.func @transform_1(%arg0: i32) -> (i32, i32, i32) {
    %c0_i32 = arith.constant 0 : i32
    %c0_i32_0 = arith.constant 0 : i32
    %c0_i32_1 = arith.constant 0 : i32
    %c0_i32_2 = arith.constant 0 : i32
    return %c0_i32, %c0_i32_0, %c0_i32_1 : i32, i32, i32
  }
  func.func @transform_2(%arg0: i32) -> (i32, i32) {
    %c0_i32 = arith.constant 0 : i32
    %c0_i32_0 = arith.constant 0 : i32
    %c0_i32_1 = arith.constant 0 : i32
    return %c0_i32, %c0_i32_0 : i32, i32
  }
}

module attributes {stable_mosaic.version = 14 : i64} {
  func.func @_final_body(%arg0: i32, %arg1: memref<10000x1xf32, #tpu.memory_space<vmem>>, %arg2: memref<2x10000x16xf32, #tpu.memory_space<vmem>>, %arg3: memref<10000x1xi32, #tpu.memory_space<vmem>>, %arg4: memref<10000x1xf32, #tpu.memory_space<vmem>>) attributes {dimension_semantics = [#tpu.dimension_semantics<arbitrary>], iteration_bounds = array<i64: 1>, scalar_prefetch = 0 : i64, scratch_operands = 0 : i64, tpu.core_type = #tpu.core_type<tc>, window_params = [{pipeline_mode = #tpu.pipeline_mode<synchronous>, transform_indices = @transform_0, window_bounds = array<i64: 10000, 1>}, {transform_indices = @transform_1, window_bounds = array<i64: 2, 10000, 16>}, {pipeline_mode = #tpu.pipeline_mode<synchronous>, transform_indices = @transform_2, window_bounds = array<i64: 10000, 1>}, {pipeline_mode = #tpu.pipeline_mode<synchronous>, transform_indices = @transform_3, window_bounds = array<i64: 10000, 1>}]} {
    %get3A = arith.constant 0 : index
    %get3A_0 = arith.constant 0 : index
    %get3A_1 = arith.constant 0 : index
    %get3A_2 = vector.load %arg2[%get3A, %get3A_0, %get3A_1] : memref<2x10000x16xf32, #tpu.memory_space<vmem>>, vector<1x10000x1xf32>
    %get3A_3 = vector.shape_cast %get3A_2 : vector<1x10000x1xf32> to vector<10000x1xf32>
    %get3A_4 = arith.constant 1 : index
    %get3A_5 = arith.constant 0 : index
    %get3A_6 = arith.constant 0 : index
    %get3A_7 = vector.load %arg2[%get3A_4, %get3A_5, %get3A_6] : memref<2x10000x16xf32, #tpu.memory_space<vmem>>, vector<1x10000x1xf32>
    %get3A_8 = vector.shape_cast %get3A_7 : vector<1x10000x1xf32> to vector<10000x1xf32>
    %add3A = arith.addf %get3A_3, %get3A_8 : vector<10000x1xf32>
    %get3A_9 = arith.constant 0 : index
    %get3A_10 = arith.constant 0 : index
    %get3A_11 = arith.constant 1 : index
    %get3A_12 = vector.load %arg2[%get3A_9, %get3A_10, %get3A_11] : memref<2x10000x16xf32, #tpu.memory_space<vmem>>, vector<1x10000x1xf32>
    %get3A_13 = vector.shape_cast %get3A_12 : vector<1x10000x1xf32> to vector<10000x1xf32>
    %get3A_14 = arith.constant 1 : index
    %get3A_15 = arith.constant 0 : index
    %get3A_16 = arith.constant 1 : index
    %get3A_17 = vector.load %arg2[%get3A_14, %get3A_15, %get3A_16] : memref<2x10000x16xf32, #tpu.memory_space<vmem>>, vector<1x10000x1xf32>
    %get3A_18 = vector.shape_cast %get3A_17 : vector<1x10000x1xf32> to vector<10000x1xf32>
    %add3A_19 = arith.addf %get3A_13, %get3A_18 : vector<10000x1xf32>
    %gt3A = arith.constant 0.000000e+00 : f32
    %gt3A_20 = vector.broadcast %gt3A : f32 to vector<10000x1xf32>
    %gt3A_21 = arith.cmpf ogt, %add3A, %gt3A_20 : vector<10000x1xf32>
    %div3A = arith.divf %add3A_19, %add3A : vector<10000x1xf32>
    %jit3A = arith.constant 0.000000e+00 : f32
    %broadcast_in_dim3A = vector.broadcast %jit3A : f32 to vector<10000x1xf32>
    %select_n3A = arith.select %gt3A_21, %div3A, %broadcast_in_dim3A : vector<10000x1xi1>, vector<10000x1xf32>
    %get3A_22 = arith.constant 0 : index
    %get3A_23 = arith.constant 0 : index
    %get3A_24 = vector.load %arg1[%get3A_22, %get3A_23] : memref<10000x1xf32, #tpu.memory_space<vmem>>, vector<10000x1xf32>
    %add3A_25 = arith.addf %get3A_24, %select_n3A : vector<10000x1xf32>
    %iota3A = tpu.iota {dimensions = array<i32: 1>} : vector<1x128xi32>
    %get3A_26 = arith.constant 0 : index
    %get3A_27 = arith.constant 0 : index
    %get3A_28 = vector.load %arg3[%get3A_26, %get3A_27] : memref<10000x1xi32, #tpu.memory_space<vmem>>, vector<10000x1xi32>
    %eq3A = vector.broadcast %get3A_28 : vector<10000x1xi32> to vector<10000x128xi32>
    %eq3A_29 = vector.broadcast %iota3A : vector<1x128xi32> to vector<10000x128xi32>
    %eq3A_30 = arith.cmpi eq, %eq3A, %eq3A_29 : vector<10000x128xi32>
    %jit3A_31 = arith.constant -3.000000e+38 : f32
    %broadcast_in_dim3A_32 = vector.shape_cast %add3A_25 : vector<10000x1xf32> to vector<10000x1xf32>
    %broadcast_in_dim3A_33 = vector.broadcast %broadcast_in_dim3A_32 : vector<10000x1xf32> to vector<10000x128xf32>
    %broadcast_in_dim3A_34 = vector.broadcast %jit3A_31 : f32 to vector<10000x128xf32>
    %select_n3A_35 = arith.select %eq3A_30, %broadcast_in_dim3A_33, %broadcast_in_dim3A_34 : vector<10000x128xi1>, vector<10000x128xf32>
    %reduce_max3A = arith.constant dense<0xFF800000> : vector<128xf32>
    %reduce_max3A_36 = vector.multi_reduction <maximumf>, %select_n3A_35, %reduce_max3A [0] : vector<10000x128xf32> to vector<128xf32>
    %broadcast_in_dim3A_37 = vector.shape_cast %reduce_max3A_36 : vector<128xf32> to vector<1x128xf32>
    %jit3A_38 = arith.constant -3.000000e+38 : f32
    %broadcast_in_dim3A_39 = vector.shape_cast %broadcast_in_dim3A_37 : vector<1x128xf32> to vector<1x128xf32>
    %broadcast_in_dim3A_40 = vector.broadcast %broadcast_in_dim3A_39 : vector<1x128xf32> to vector<10000x128xf32>
    %broadcast_in_dim3A_41 = vector.broadcast %jit3A_38 : f32 to vector<10000x128xf32>
    %select_n3A_42 = arith.select %eq3A_30, %broadcast_in_dim3A_40, %broadcast_in_dim3A_41 : vector<10000x128xi1>, vector<10000x128xf32>
    %reduce_max3A_43 = arith.constant dense<0xFF800000> : vector<10000xf32>
    %reduce_max3A_44 = vector.multi_reduction <maximumf>, %select_n3A_42, %reduce_max3A_43 [1] : vector<10000x128xf32> to vector<10000xf32>
    %broadcast_in_dim3A_45 = vector.shape_cast %reduce_max3A_44 : vector<10000xf32> to vector<10000x1xf32>
    %sub3A = arith.subf %add3A_25, %broadcast_in_dim3A_45 : vector<10000x1xf32>
    %exp3A = math.exp %sub3A : vector<10000x1xf32>
    %jit3A_46 = arith.constant 0.000000e+00 : f32
    %broadcast_in_dim3A_47 = vector.shape_cast %exp3A : vector<10000x1xf32> to vector<10000x1xf32>
    %broadcast_in_dim3A_48 = vector.broadcast %broadcast_in_dim3A_47 : vector<10000x1xf32> to vector<10000x128xf32>
    %broadcast_in_dim3A_49 = vector.broadcast %jit3A_46 : f32 to vector<10000x128xf32>
    %select_n3A_50 = arith.select %eq3A_30, %broadcast_in_dim3A_48, %broadcast_in_dim3A_49 : vector<10000x128xi1>, vector<10000x128xf32>
    %reduce_sum3A = arith.constant dense<0.000000e+00> : vector<128xf32>
    %reduce_sum3A_51 = vector.multi_reduction <add>, %select_n3A_50, %reduce_sum3A [0] : vector<10000x128xf32> to vector<128xf32>
    %broadcast_in_dim3A_52 = vector.shape_cast %reduce_sum3A_51 : vector<128xf32> to vector<1x128xf32>
    %jit3A_53 = arith.constant 0.000000e+00 : f32
    %broadcast_in_dim3A_54 = vector.shape_cast %broadcast_in_dim3A_52 : vector<1x128xf32> to vector<1x128xf32>
    %broadcast_in_dim3A_55 = vector.broadcast %broadcast_in_dim3A_54 : vector<1x128xf32> to vector<10000x128xf32>
    %broadcast_in_dim3A_56 = vector.broadcast %jit3A_53 : f32 to vector<10000x128xf32>
    %select_n3A_57 = arith.select %eq3A_30, %broadcast_in_dim3A_55, %broadcast_in_dim3A_56 : vector<10000x128xi1>, vector<10000x128xf32>
    %reduce_sum3A_58 = arith.constant dense<0.000000e+00> : vector<10000xf32>
    %reduce_sum3A_59 = vector.multi_reduction <add>, %select_n3A_57, %reduce_sum3A_58 [1] : vector<10000x128xf32> to vector<10000xf32>
    %broadcast_in_dim3A_60 = vector.shape_cast %reduce_sum3A_59 : vector<10000xf32> to vector<10000x1xf32>
    %add3A_61 = arith.constant 1.000000e-16 : f32
    %add3A_62 = vector.broadcast %add3A_61 : f32 to vector<10000x1xf32>
    %add3A_63 = arith.addf %broadcast_in_dim3A_60, %add3A_62 : vector<10000x1xf32>
    %div3A_64 = arith.divf %exp3A, %add3A_63 : vector<10000x1xf32>
    %swap3A = arith.constant 0 : index
    %swap3A_65 = arith.constant 0 : index
    %swap3A_66 = vector.load %arg4[%swap3A, %swap3A_65] : memref<10000x1xf32, #tpu.memory_space<vmem>>, vector<10000x1xf32>
    tpu.vector_store %arg4[%swap3A, %swap3A_65], %div3A_64 {strides = array<i32>} : memref<10000x1xf32, #tpu.memory_space<vmem>>, vector<10000x1xf32>,
    return
  }
  func.func @transform_0(%arg0: i32) -> (i32, i32) {
    %c0_i32 = arith.constant 0 : i32
    %c0_i32_0 = arith.constant 0 : i32
    %c0_i32_1 = arith.constant 0 : i32
    return %c0_i32, %c0_i32_0 : i32, i32
  }
  func.func @transform_1(%arg0: i32) -> (i32, i32, i32) {
    %c0_i32 = arith.constant 0 : i32
    %c0_i32_0 = arith.constant 0 : i32
    %c0_i32_1 = arith.constant 0 : i32
    %c0_i32_2 = arith.constant 0 : i32
    return %c0_i32, %c0_i32_0, %c0_i32_1 : i32, i32, i32
  }
  func.func @transform_2(%arg0: i32) -> (i32, i32) {
    %c0_i32 = arith.constant 0 : i32
    %c0_i32_0 = arith.constant 0 : i32
    %c0_i32_1 = arith.constant 0 : i32
    return %c0_i32, %c0_i32_0 : i32, i32
  }
  func.func @transform_3(%arg0: i32) -> (i32, i32) {
    %c0_i32 = arith.constant 0 : i32
    %c0_i32_0 = arith.constant 0 : i32
    %c0_i32_1 = arith.constant 0 : i32
    return %c0_i32, %c0_i32_0 : i32, i32
  }
}

</mosaic_0001>

<sc_bundles>
// kernel: kernel.13.cloned.1.call-start
scs
__scs_entry_jumppad:
0x0: {  	(pc) =	sbr.rel $0x88, $3  }
0x1: {  	(tag) =	ssettag $0x0;
	lr =	simm.s32 $0x1  }
0x2: {  	[smem:$0x3F90] =	sst lr;
	_ =	strace $0xD0000000  }
0x3: {  	_ = 	snop  }
0x4: {  	_ = 	snop  }
0x5: {  	_ = 	snop  }
0x6: {  	_ = 	snop  }
0x7: {  	_ = 	snop  }
__scs_overlays_trampoline_lowered:
0x8: {  	[smem:$0x3F9F] =	sst s0  }
0x9: {  	[smem:$0x3FA0] =	sst s1  }
0xa: {  	[smem:$0x3FA1] =	sst s2  }
0xb: {  	[smem:$0x3FA2] =	sst s3  }
0xc: {  	[smem:$0x3FA3] =	sst s4  }
0xd: {  	[smem:$0x3FA4] =	sst s5  }
0xe: {  	[smem:$0x3FA5] =	sst s6  }
0xf: {  	[smem:$0x3FA6] =	sst s7  }
0x10: {  	[smem:$0x3FA7] =	sst s8  }
0x11: {  	[smem:$0x3FA8] =	sst s9;
	s0 =	simm.s32 @!p0 $0x0  }
0x12: {  	s1 =	sld [smem:$0x3F8E];
	s0 =	simm.s32 @p0 $0x1  }
0x13: {  	[smem:$0x3FA9] =	sst s0;
	s0 =	simm.s32 @!p1 $0x0  }
0x14: {  	s2 =	sld [smem:$0x3F8D];
	s0 =	simm.s32 @p1 $0x1  }
0x15: {  	[smem:$0x3FAA] =	sst s0;
	s0 =	simm.s32 @!p2 $0x0  }
0x16: {  	s3 =	sld [smem:$0x3FDB];
	s0 =	simm.s32 @p2 $0x1  }
0x17: {  	s4 =	simm.s32 $0x1BF5;
	[smem:$0x3FAC] =	sst s0  }
0x18: {  	s0 =	sld [smem:$0x3F8F];
	_ =	swait.ge [sflag:s4], $0x0  }
0x19: {  	s7 =	sld [smem:$0x3F90]  }
0x1a: {  	s8 =	sadd.s32 $0xFFFFE003, lr  }
0x1b: {  	s9 =	sadd.s32 $0xFFFFFEF7, lr;
	s5 =	simm.s32 $0xFFFFFFFF;
	p2 =	slt.u32 s8, $0xFFFFF086  }
0x1c: {  	p1 =	slt.u32 s9, $0xF7A;
	s5 =	simm.s32 @!p2 $0x0  }
0x1d: {  	s5 =	simm.s32 @p1 $0x1;
	p0 =	seq.s32 s7, s2  }
0x1e: {  	s7 =	smul.u32 @!p0 $0xF7A, s2;
	p2 =	seq.s32 @!p0 s5, $0x0  }
0x1f: {  	s9 =	smul.u32 $0xF7A, s1;
	s8 =	simm.s32 @!p0 $0x1BF5;
	p2 =	por !p2, p0  }
0x20: {  	[sflag:s8] =	ssyncset.s32 @!p0 $0xFFFFF086;
	s6 =	sadd.s32 @!p0 s3, s7;
	s7 =	simm.s32 @!p0 $0x108  }
0x21: {  	s3 =	sadd.s32 s3, s9;
	s6 =	sadd.s32 @!p0 $0x88, s6;
	s7 =	simm.s32 @p2 $0x1082  }
0x22: {  	[simem:s7], [sflag:s8] =	dma.local @!p0 [hbm:s6], $0xF7A  }
0x23: {  	s9 =	sor.u32 $0xD0000000, s2;
	s6 =	simm.s32 $0x108;
	_ =	swait.ge @!p0 [sflag:s8], $0x0  }
0x24: {  	s3 =	sadd.s32 $0x88, s3;
	s6 =	simm.s32 @!p1 $0x1082;
	[sflag:s4] =	ssyncset.s32 $0xFFFFF086  }
0x25: {  	[simem:s6], [sflag:s4] =	dma.local [hbm:s3], $0xF7A  }
0x26: {  	[smem:$0x3F90] =	sst s1;
	(tag) =	ssettag s2;
	_ =	strace s9  }
0x27: {  	s1 =	sld [smem:$0x3FA0]  }
0x28: {  	s2 =	sld [smem:$0x3FA1]  }
0x29: {  	s4 =	sld [smem:$0x3FA3]  }
0x2a: {  	p0 =	seq.s32 s5, $0x0;
	s5 =	sld [smem:$0x3FA4]  }
0x2b: {  	s6 =	sld [smem:$0x3FA5]  }
0x2c: {  	s7 =	sld [smem:$0x3FA6]  }
0x2d: {  	s3 =	simm.s32 $0x108;
	s8 =	sld [smem:$0x3FA7]  }
0x2e: {  	s3 =	simm.s32 @!p0 $0x1082;
	s9 =	sld [smem:$0x3FA8]  }
0x2f: {  	lr =	sadd.s32 s0, s3;
	s0 =	sld [smem:$0x3F9F]  }
0x30: {  	s3 =	sld [smem:$0x3FA2]  }
0x31: {  	[smem:$0x3FAB] =	sst s10  }
0x32: {  	s10 =	sld [smem:$0x3FA9];
	_ =	sdelay $0x3  }
0x33: {  	p0 =	seq.s32 s10, $0x1;
	s10 =	sld [smem:$0x3FAB];
	_ =	sdelay $0x3  }
0x34: {  	[smem:$0x3FAB] =	sst s10  }
0x35: {  	s10 =	sld [smem:$0x3FAA];
	_ =	sdelay $0x3  }
0x36: {  	p1 =	seq.s32 s10, $0x1;
	s10 =	sld [smem:$0x3FAB];
	_ =	sdelay $0x3  }
0x37: {  	[smem:$0x3FAB] =	sst s10  }
0x38: {  	s10 =	sld [smem:$0x3FAC]  }
0x39: {  	_ = 	snop;
	(pc) =	sbr.ind lr, $3  }
0x3a: {  	_ = 	snop  }
0x3b: {  	_ = 	snop  }
0x3c: {  	p2 =	seq.s32 s10, $0x1;
	s10 =	sld [smem:$0x3FAB]  }
0x3d: {  	_ =	shalt  }
0x3e: {  	_ =	shalt  }
0x3f: {  	_ =	shalt  }
0x40: {  	_ =	shalt  }
0x41: {  	_ =	shalt  }
0x42: {  	_ =	shalt  }
0x43: {  	_ =	shalt  }
0x44: {  	_ =	shalt  }
0x45: {  	_ =	shalt  }
0x46: {  	_ =	shalt  }
0x47: {  	_ =	shalt  }
0x48: {  	_ =	shalt  }
0x49: {  	_ =	shalt  }
0x4a: {  	_ =	shalt  }
0x4b: {  	_ =	shalt  }
0x4c: {  	_ =	shalt  }
0x4d: {  	_ =	shalt  }
0x4e: {  	_ =	shalt  }
0x4f: {  	_ =	shalt  }
0x50: {  	_ =	shalt  }
0x51: {  	_ =	shalt  }
0x52: {  	_ =	shalt  }
0x53: {  	_ =	shalt  }
0x54: {  	_ =	shalt  }
0x55: {  	_ =	shalt  }
0x56: {  	_ =	shalt  }
0x57: {  	_ =	shalt  }
0x58: {  	_ =	shalt  }
0x59: {  	_ =	shalt  }
0x5a: {  	_ =	shalt  }
0x5b: {  	_ =	shalt  }
0x5c: {  	_ =	shalt  }
0x5d: {  	_ =	shalt  }
0x5e: {  	_ =	shalt  }
0x5f: {  	_ =	shalt  }
0x60: {  	_ =	shalt  }
0x61: {  	_ =	shalt  }
0x62: {  	_ =	shalt  }
0x63: {  	_ =	shalt  }
0x64: {  	_ =	shalt  }
0x65: {  	_ =	shalt  }
0x66: {  	_ =	shalt  }
0x67: {  	_ =	shalt  }
0x68: {  	_ =	shalt  }
0x69: {  	_ =	shalt  }
0x6a: {  	_ =	shalt  }
0x6b: {  	_ =	shalt  }
0x6c: {  	_ =	shalt  }
0x6d: {  	_ =	shalt  }
0x6e: {  	_ =	shalt  }
0x6f: {  	_ =	shalt  }
0x70: {  	_ =	shalt  }
0x71: {  	_ =	shalt  }
0x72: {  	_ =	shalt  }
0x73: {  	_ =	shalt  }
0x74: {  	_ =	shalt  }
0x75: {  	_ =	shalt  }
0x76: {  	_ =	shalt  }
0x77: {  	_ =	shalt  }
0x78: {  	_ =	shalt  }
0x79: {  	_ =	shalt  }
0x7a: {  	_ =	shalt  }
0x7b: {  	_ =	shalt  }
0x7c: {  	_ =	shalt  }
0x7d: {  	_ =	shalt  }
0x7e: {  	_ =	shalt  }
0x7f: {  	_ =	shalt  }
0x80: {  	_ =	shalt  }
0x81: {  	_ =	shalt  }
0x82: {  	_ =	shalt  }
0x83: {  	_ =	shalt  }
0x84: {  	_ =	shalt  }
0x85: {  	_ =	shalt  }
0x86: {  	_ =	shalt  }
0x87: {  	_ =	shalt  }
.Lfunc_end0:
.L_simem_size_0:
called_computation_lowered:
.L_overlay_start_0:
0x88: {  	s2 =	sld [smem:$0x3FD9]  }
0x89: {  	s3 =	sld [smem:$0x3FFE];
	_ =	sdelay $0x1  }
0x8a: {  	s1 =	srdreg.scid  }
0x8b: {  	s0 =	sand.u32 $0x1, s1  }
0x8c: {  	s17 =	sshll.u32 s0, $0xA;
	s2 =	sadd.s32 s3, s2  }
0x8d: {  	s2 =	sadd.s32 s2, s17  }
0x8e: {  	[smem:$0x3FB7] =	sst s2  }
0x8f: {  	_ = 	snop  }
0x90: {  	s2 =	sld [smem:$0x3FC9];
	(tm) =	ssettm $0x1  }
0x91: {  	s18 =	sld [smem:$0x3FFB];
	_ =	sdelay $0x3  }
0x92: {  	_ =	strace s18  }
0x93: {  	s3 =	sld [smem:$0x3FFC];
	_ =	sdelay $0x3  }
0x94: {  	_ =	strace s3  }
0x95: {  	s3 =	sld [smem:$0x3FFD];
	_ =	sdelay $0x3  }
0x96: {  	_ =	strace s3  }
0x97: {  	_ =	strace $0x8FFFFFFF  }
0x98: {  	s19 =	sld [smem:$0x3FDB];
	_ =	sdelay $0x1  }
0x99: {  	s4 =	simm.s32 $_scs_section_size  }
0x9a: {  	s5 =	simm.s32 $_size__tile_overlayer_lowered;
	s6 =	simm.s32 $_tile_overlayer_lowered  }
0x9b: {  	s22 =	simm.s32 $0x1BFF;
	s21 =	sshll.u32 s6, $0x1;
	s3 =	sadd.s32 s4, s19  }
0x9c: {  	s7 =	simm.s32 $0x0;
	s20 =	sshll.u32 s5, $0x1;
	s5 =	sadd.s32 s21, s3  }
0x9d: {  	[timem:s7], [sflag:s22] =	dma.local [hbm:s5], s20  }
0x9e: {  	_ =	swait.ge [sflag:s22], s20  }
0x9f: {  	s4 =	ssub.s32 $0x0, s20;
	[sflag:s22] =	ssyncset.done $0x0  }
0xa0: {  	[sflag:s22] =	ssyncadd.s32 s4;
	_ =	sdelay $0x1  }
0xa1: {  	s23 =	simm.s32 $0x1B8B  }
0xa2: {  	_ =	swait.ge [sflag:s23], $0x1  }
0xa3: {  	[sflag:s23] =	ssyncset.done $0x0  }
0xa4: {  	s25 =	simm.s32 $0x1B8E;
	s24 =	sld [smem:$0x3FFE];
	[sflag:s23] =	ssyncadd.s32 $0xFFFFFFFF  }
0xa5: {  	s26 =	simm.s32 $execute0_lowered;
	[smem:$0x3FD2] =	sst s25  }
0xa6: {  	s5 =	sshll.u32 s26, $0x1;
	_ =	strace $0x80000046;
	[dreg:$0x1] =	wrdreg $0xFFFFFFFF  }
0xa7: {  	s28 =	simm.s32 $_size_execute0_lowered;
	s3 =	sadd.s32 s3, s5;
	[dreg:$0x0] =	wrdreg $0x0  }
0xa8: {  	s5 =	sshll.u32 s28, $0x1;
	[dreg:$0x2] =	wrdreg s3  }
0xa9: {  	[dreg:$0x3] =	wrdreg s5  }
0xaa: {  	[dreg:$0x4] =	wrdreg $0xC0  }
0xab: {  	_ =	task [dreg:s7], $0x5FFFF  }
0xac: {  	[dreg:$0x1] =	wrdreg $0xFFFFFFFF  }
0xad: {  	[dreg:$0x0] =	wrdreg $0x60  }
0xae: {  	[dreg:$0x2] =	wrdreg s2  }
0xaf: {  	[dreg:$0x3] =	wrdreg s24  }
0xb0: {  	[dreg:$0x4] =	wrdreg $0xA0000  }
0xb1: {  	[dreg:$0x5] =	wrdreg $0x9  }
0xb2: {  	_ =	task.clear_ibuf [dreg:s7], $0x6FFFF;
	_ =	strace $0x90000046  }
0xb3: {  	s29 =	simm.s32 $0x9;
	_ =	strace $0x80000048  }
0xb4: {  	_ =	swait.ge [sflag:s29], $0x1  }
0xb5: {  	[sflag:s29] =	ssyncadd.s32 $0xFFFFFFFF  }
0xb6: {  	_ =	strace $0x90000048  }
0xb7: {  	_ =	sfence  }
0xb8: {  	s30 =	sld [smem:$0x0];
	_ =	sdelay $0x2  }
0xb9: {  	s31 =	sshll.u32 s1, $0xD;
	s1 =	sshrl.u32 s1, $0x2  }
0xba: {  	s3 =	sand.u32 $0x4000, s31;
	s1 =	sadd.s32 s1, s30  }
0xbb: {  	s0 =	sor.u32 s3, s0;
	s1 =	sshll.u32 s1, $0x11  }
0xbc: {  	s0 =	sor.u32 s1, s0  }
0xbd: {  	s0 =	sadd.s32 $0x8F2B, s0  }
0xbe: {  	[sflag:s0] =	ssyncadd.remote.s32 $0x1  }
0xbf: {  	_ =	sfence.sel $0xFFFF  }
0xc0: {  	[dreg:$0x0] =	wrdreg $0xFFFFFFFF;
	(pc) =	sbr.abs _section_cstart, $3  }
0xc1: {  	[dreg:$0x1] =	wrdreg $0xFFFFFFFF  }
0xc2: {  	_ =	task.clear_ibuf [dreg:s7], $0x2FFFF;
	_ =	strace $0x9FFFFFFF  }
0xc3: {  	(tm) =	ssettm $0x7FFFFFFF  }
tec
execute0_lowered:
.L_overlay_start_1:
0x0: {  	(tag) =	ssettag $0x1  }
0x1: {  	s1 =	rddreg [dreg:$0x0]  }
0x2: {  	s0 =	rddreg [dreg:$0x1];
	s2 =	srdreg.scid  }
0x3: {  	s9 =	stileid.u32;
	s3 =	rddreg [dreg:$0x2];
	s4 =	simm.s32 $0x0  }
0x4: {  	s17 =	simm.s32 $0x80;
	s19 =	simm.s32 $0x100;
	[smem:$0x7FF] =	sst s4  }
0x5: {  	s21 =	simm.s32 $0x880;
	_ =	strace $0x80000047;
	[dreg:$0x6] =	wrdreg s17  }
0x6: {  	s23 =	simm.s32 $0x180;
	s25 =	simm.s32 $0x900;
	[dreg:$0x7] =	wrdreg s19  }
0x7: {  	s11 =	simm.s32 $0x280;
	s2 =	sand.u32 $0x1, s2;
	[dreg:$0x8] =	wrdreg s21  }
0x8: {  	s5 =	sshll.u32 s9, $0x1;
	s7 =	smul.u32 $0x50000, s9;
	[dreg:$0x9] =	wrdreg s23  }
0x9: {  	s5 =	sor.u32 s2, s5;
	s6 =	smul.u32 $0x28000, s2;
	[dreg:$0xa] =	wrdreg s25  }
0xa: {  	s2 =	ssub.s32 $0x2, s2;
	[dreg:$0xd] =	wrdreg s11;
	s17 =	simm.s32 $0xA80  }
0xb: {  	s19 =	simm.s32 $0x380;
	s21 =	simm.s32 $0xB00;
	[dreg:$0x10] =	wrdreg s17  }
0xc: {  	s13 =	sshrl.u32 s2, $0x1;
	s7 =	sshrl.u32 s7, $0x2;
	[dreg:$0x11] =	wrdreg s19  }
0xd: {  	[dreg:$0x12] =	wrdreg s21;
	s2 =	ssub.s32 s2, s13;
	s13 =	simm.s32 $0xA00  }
0xe: {  	s28 =	sadd.s32 s7, s3;
	[dreg:$0xe] =	wrdreg s13  }
0xf: {  	s2 =	smax.u32 s2, $0x1;
	[dreg:$0x13] =	wrdreg s28  }
0x10: {  	s14 =	sadd.s32 $0x1000, s28;
	[dreg:$0x14] =	wrdreg s2  }
0x11: {  	s29 =	simm.s32 $0x3;
	s15 =	sadd.s32 $0x2000, s28;
	[dreg:$0x15] =	wrdreg s14  }
0x12: {  	s30 =	simm.s32 $0x800;
	s16 =	sadd.s32 $0x3000, s28;
	[dreg:$0x16] =	wrdreg s15  }
0x13: {  	s31 =	simm.s32 $0x7D;
	s18 =	sadd.s32 $0x4000, s28;
	[dreg:$0x17] =	wrdreg s16  }
0x14: {  	s11 =	simm.s32 $0x480;
	s20 =	sadd.s32 $0x5000, s28;
	[dreg:$0x18] =	wrdreg s18  }
0x15: {  	s5 =	smul.u32 $0x500, s5;
	s22 =	sadd.s32 $0x6000, s28;
	[dreg:$0x19] =	wrdreg s20  }
0x16: {  	s17 =	simm.s32 $0x600;
	s24 =	sadd.s32 $0x7000, s28;
	[dreg:$0x1a] =	wrdreg s22  }
0x17: {  	s19 =	simm.s32 $0x680;
	s26 =	sadd.s32 $0x8000, s28;
	[dreg:$0x1b] =	wrdreg s24  }
0x18: {  	s5 =	sadd.s32 s5, s0;
	s7 =	sadd.s32 $0x9000, s28;
	[dreg:$0x1c] =	wrdreg s26  }
0x19: {  	s0 =	sadd.s32 s6, s0;
	s6 =	simm.s32 $0x200;
	[dreg:$0x1d] =	wrdreg s7  }
0x1a: {  	s21 =	simm.s32 $0x700;
	s10 =	sadd.s32 $0xA000, s28;
	[dreg:$0xb] =	wrdreg s6  }
0x1b: {  	s12 =	sadd.s32 $0xB000, s28;
	s23 =	sadd.s32 $0x10000, s28;
	[dreg:$0x1e] =	wrdreg s10  }
0x1c: {  	s25 =	sadd.s32 $0x12000, s28;
	s13 =	simm.s32 $0x500;
	[dreg:$0x1f] =	wrdreg s12  }
0x1d: {  	s8 =	sadd.s32 $0x18600, s5;
	s5 =	sadd.s32 $0x22600, s5;
	[smem:$0x7FA] =	sst s23  }
0x1e: {  	s0 =	sadd.s32 $0x2C600, s0;
	s14 =	sadd.s32 $0xC000, s28;
	[smem:$0x7FC] =	sst s25  }
0x1f: {  	s15 =	simm.s32 $0x300;
	s16 =	sadd.s32 $0xD000, s28;
	[dreg:$0x4] =	wrdreg s8  }
0x20: {  	s18 =	sadd.s32 $0xE000, s28;
	s20 =	smul.u32 $0x2800, s9;
	[dreg:$0x5] =	wrdreg s5  }
0x21: {  	s22 =	sadd.s32 $0xF000, s28;
	s24 =	sadd.s32 $0x11000, s28;
	[smem:$0x7F6] =	sst s14  }
0x22: {  	s26 =	sadd.s32 $0x13000, s28;
	s2 =	simm.s32 $0x1000;
	[smem:$0x7F7] =	sst s16  }
0x23: {  	s6 =	simm.s32 $0x5000;
	s9 =	simm.s32 $0x400;
	[dreg:$0xf] =	wrdreg s15  }
0x24: {  	s10 =	simm.s32 $0xB80;
	s12 =	simm.s32 $0xC00;
	[smem:$0x7F8] =	sst s18  }
0x25: {  	s23 =	simm.s32 $0x780;
	s25 =	simm.s32 $0xF00;
	[smem:$0x7F9] =	sst s22  }
0x26: {  	s7 =	simm.s32 $0x0;
	s8 =	simm.s32 $0x980;
	[smem:$0x7FB] =	sst s24  }
0x27: {  	[smem:$0x7FD] =	sst s26;
	s14 =	simm.s32 $0xC80;
	s15 =	simm.s32 $0x580  }
0x28: {  	s16 =	simm.s32 $0xD00;
	s18 =	simm.s32 $0xD80;
	s22 =	simm.s32 $0xE80  }
0x29: {  	s26 =	simm.s32 $0xF80;
	[dreg:$0xc] =	wrdreg s8;
	s24 =	sadd.s32 s0, s20  }
0x2a: {  	v0 =	vimm.f32 $0.0e+00;
	s0 =	simm.s32 $0x1;
	s8 =	simm.s32 $0x2;
	s20 =	simm.s32 $0xE00  }
.LBB2_1:
0x2b: {  	[smem:$0x7F5] =	sst s7;
	s5 =	simm.s32 $0x0;
	s7 =	simm.s32 $0x200  }
.LBB2_2:
0x2c: {  	p0 =	sne.s32 s7, $0x3E00;
	[tilespmem:s5+$0x9070] =	vst v0  }
0x2d: {  	[tilespmem:s5+$0x9000] =	vst v0  }
0x2e: {  	[tilespmem:s5+$0x9010] =	vst v0  }
.Ltmp0:
0x2f: {  	[tilespmem:s5+$0x9020] =	vst v0;
	(pc) =	sbr.rel @p0 .LBB2_2-.Ltmp0, $4  }
0x30: {  	[tilespmem:s5+$0x9030] =	vst v0  }
0x31: {  	[tilespmem:s5+$0x9040] =	vst v0  }
0x32: {  	[tilespmem:s5+$0x9050] =	vst v0  }
0x33: {  	[tilespmem:s5+$0x9060] =	vst v0;
	s5 =	sshra.s32 s7, $0x2;
	s7 =	sadd.s32 $0x200, s7  }
0x34: {  	[tilespmem:s5+$0x9070] =	vst v0  }
0x35: {  	[tilespmem:s5+$0x9000] =	vst v0  }
0x36: {  	[tilespmem:s5+$0x9010] =	vst v0  }
0x37: {  	[tilespmem:s5+$0x9020] =	vst v0  }
0x38: {  	[tilespmem:s5+$0x9030] =	vst v0  }
0x39: {  	[tilespmem:s5+$0x9040] =	vst v0  }
0x3a: {  	[tilespmem:s5+$0x9050] =	vst v0  }
0x3b: {  	[tilespmem:s5+$0x9060] =	vst v0;
	s7 =	simm.s32 $0x9000  }
0x3c: {  	[spmem:s28] =	stream.linear.scatter [tilespmem:s7], [sflag:$0x3], $0x1000, $0x38;
	[tilespmem:$0x1E000] =	vst v63  }
0x3d: {  	_ =	swait.ge [sflag:s29], $0x1000  }
0x3e: {  	[sflag:s29] =	ssyncset.done $0x0  }
0x3f: {  	s5 =	rddreg [dreg:$0x15];
	[sflag:s29] =	ssyncadd.s32 $0xFFFFF000  }
0x40: {  	[spmem:s5] =	stream.linear.scatter [tilespmem:s7], [sflag:$0x3], $0x1000, $0x38;
	[tilespmem:$0x1E000] =	vst v63  }
0x41: {  	_ =	swait.ge [sflag:s29], $0x1000  }
0x42: {  	[sflag:s29] =	ssyncset.done $0x0  }
0x43: {  	s5 =	rddreg [dreg:$0x16];
	[sflag:s29] =	ssyncadd.s32 $0xFFFFF000  }
0x44: {  	[spmem:s5] =	stream.linear.scatter [tilespmem:s7], [sflag:$0x3], $0x1000, $0x38;
	[tilespmem:$0x1E000] =	vst v63  }
0x45: {  	_ =	swait.ge [sflag:s29], $0x1000  }
0x46: {  	[sflag:s29] =	ssyncset.done $0x0  }
0x47: {  	s5 =	rddreg [dreg:$0x17];
	[sflag:s29] =	ssyncadd.s32 $0xFFFFF000  }
0x48: {  	[spmem:s5] =	stream.linear.scatter [tilespmem:s7], [sflag:$0x3], $0x1000, $0x38;
	[tilespmem:$0x1E000] =	vst v63  }
0x49: {  	_ =	swait.ge [sflag:s29], $0x1000  }
0x4a: {  	[sflag:s29] =	ssyncset.done $0x0  }
0x4b: {  	s5 =	rddreg [dreg:$0x18];
	[sflag:s29] =	ssyncadd.s32 $0xFFFFF000  }
0x4c: {  	[spmem:s5] =	stream.linear.scatter [tilespmem:s7], [sflag:$0x3], $0x1000, $0x38;
	[tilespmem:$0x1E000] =	vst v63  }
0x4d: {  	_ =	swait.ge [sflag:s29], $0x1000  }
0x4e: {  	[sflag:s29] =	ssyncset.done $0x0  }
0x4f: {  	s5 =	rddreg [dreg:$0x19];
	[sflag:s29] =	ssyncadd.s32 $0xFFFFF000  }
0x50: {  	[spmem:s5] =	stream.linear.scatter [tilespmem:s7], [sflag:$0x3], $0x1000, $0x38;
	[tilespmem:$0x1E000] =	vst v63  }
0x51: {  	_ =	swait.ge [sflag:s29], $0x1000  }
0x52: {  	[sflag:s29] =	ssyncset.done $0x0  }
0x53: {  	s5 =	rddreg [dreg:$0x1a];
	[sflag:s29] =	ssyncadd.s32 $0xFFFFF000  }
0x54: {  	[spmem:s5] =	stream.linear.scatter [tilespmem:s7], [sflag:$0x3], $0x1000, $0x38;
	[tilespmem:$0x1E000] =	vst v63  }
0x55: {  	_ =	swait.ge [sflag:s29], $0x1000  }
0x56: {  	[sflag:s29] =	ssyncset.done $0x0  }
0x57: {  	s5 =	rddreg [dreg:$0x1b];
	[sflag:s29] =	ssyncadd.s32 $0xFFFFF000  }
0x58: {  	[spmem:s5] =	stream.linear.scatter [tilespmem:s7], [sflag:$0x3], $0x1000, $0x38;
	[tilespmem:$0x1E000] =	vst v63  }
0x59: {  	_ =	swait.ge [sflag:s29], $0x1000  }
0x5a: {  	[sflag:s29] =	ssyncset.done $0x0  }
0x5b: {  	s5 =	rddreg [dreg:$0x1c];
	[sflag:s29] =	ssyncadd.s32 $0xFFFFF000  }
0x5c: {  	[spmem:s5] =	stream.linear.scatter [tilespmem:s7], [sflag:$0x3], $0x1000, $0x38;
	[tilespmem:$0x1E000] =	vst v63  }
0x5d: {  	_ =	swait.ge [sflag:s29], $0x1000  }
0x5e: {  	[sflag:s29] =	ssyncset.done $0x0  }
0x5f: {  	s5 =	rddreg [dreg:$0x1d];
	[sflag:s29] =	ssyncadd.s32 $0xFFFFF000  }
0x60: {  	[spmem:s5] =	stream.linear.scatter [tilespmem:s7], [sflag:$0x3], $0x1000, $0x38;
	[tilespmem:$0x1E000] =	vst v63  }
0x61: {  	_ =	swait.ge [sflag:s29], $0x1000  }
0x62: {  	[sflag:s29] =	ssyncset.done $0x0  }
0x63: {  	s5 =	rddreg [dreg:$0x1e];
	[sflag:s29] =	ssyncadd.s32 $0xFFFFF000  }
0x64: {  	[spmem:s5] =	stream.linear.scatter [tilespmem:s7], [sflag:$0x3], $0x1000, $0x38;
	[tilespmem:$0x1E000] =	vst v63  }
0x65: {  	_ =	swait.ge [sflag:s29], $0x1000  }
0x66: {  	[sflag:s29] =	ssyncset.done $0x0  }
0x67: {  	s5 =	rddreg [dreg:$0x1f];
	[sflag:s29] =	ssyncadd.s32 $0xFFFFF000  }
0x68: {  	[spmem:s5] =	stream.linear.scatter [tilespmem:s7], [sflag:$0x3], $0x1000, $0x38;
	[tilespmem:$0x1E000] =	vst v63  }
0x69: {  	_ =	swait.ge [sflag:s29], $0x1000  }
0x6a: {  	s5 =	sld [smem:$0x7F6]  }
0x6b: {  	[sflag:s29] =	ssyncset.done $0x0  }
0x6c: {  	[sflag:s29] =	ssyncadd.s32 $0xFFFFF000  }
0x6d: {  	[spmem:s5] =	stream.linear.scatter [tilespmem:s7], [sflag:$0x3], $0x1000, $0x38;
	[tilespmem:$0x1E000] =	vst v63  }
0x6e: {  	_ =	swait.ge [sflag:s29], $0x1000  }
0x6f: {  	s5 =	sld [smem:$0x7F7]  }
0x70: {  	[sflag:s29] =	ssyncset.done $0x0  }
0x71: {  	[sflag:s29] =	ssyncadd.s32 $0xFFFFF000  }
0x72: {  	[spmem:s5] =	stream.linear.scatter [tilespmem:s7], [sflag:$0x3], $0x1000, $0x38;
	[tilespmem:$0x1E000] =	vst v63  }
0x73: {  	_ =	swait.ge [sflag:s29], $0x1000  }
0x74: {  	s5 =	sld [smem:$0x7F8]  }
0x75: {  	[sflag:s29] =	ssyncset.done $0x0  }
0x76: {  	[sflag:s29] =	ssyncadd.s32 $0xFFFFF000  }
0x77: {  	[spmem:s5] =	stream.linear.scatter [tilespmem:s7], [sflag:$0x3], $0x1000, $0x38;
	[tilespmem:$0x1E000] =	vst v63  }
0x78: {  	_ =	swait.ge [sflag:s29], $0x1000  }
0x79: {  	s5 =	sld [smem:$0x7F9]  }
0x7a: {  	[sflag:s29] =	ssyncset.done $0x0  }
0x7b: {  	[sflag:s29] =	ssyncadd.s32 $0xFFFFF000  }
0x7c: {  	[spmem:s5] =	stream.linear.scatter [tilespmem:s7], [sflag:$0x3], $0x1000, $0x38;
	[tilespmem:$0x1E000] =	vst v63  }
0x7d: {  	_ =	swait.ge [sflag:s29], $0x1000  }
0x7e: {  	s5 =	sld [smem:$0x7FA]  }
0x7f: {  	[sflag:s29] =	ssyncset.done $0x0  }
0x80: {  	[sflag:s29] =	ssyncadd.s32 $0xFFFFF000  }
0x81: {  	[spmem:s5] =	stream.linear.scatter [tilespmem:s7], [sflag:$0x3], $0x1000, $0x38;
	[tilespmem:$0x1E000] =	vst v63  }
0x82: {  	_ =	swait.ge [sflag:s29], $0x1000  }
0x83: {  	s5 =	sld [smem:$0x7FB]  }
0x84: {  	[sflag:s29] =	ssyncset.done $0x0  }
0x85: {  	[sflag:s29] =	ssyncadd.s32 $0xFFFFF000  }
0x86: {  	[spmem:s5] =	stream.linear.scatter [tilespmem:s7], [sflag:$0x3], $0x1000, $0x38;
	[tilespmem:$0x1E000] =	vst v63  }
0x87: {  	_ =	swait.ge [sflag:s29], $0x1000  }
0x88: {  	s5 =	sld [smem:$0x7FC]  }
0x89: {  	[sflag:s29] =	ssyncset.done $0x0  }
0x8a: {  	[sflag:s29] =	ssyncadd.s32 $0xFFFFF000  }
0x8b: {  	[spmem:s5] =	stream.linear.scatter [tilespmem:s7], [sflag:$0x3], $0x1000, $0x38;
	[tilespmem:$0x1E000] =	vst v63  }
0x8c: {  	_ =	swait.ge [sflag:s29], $0x1000  }
0x8d: {  	s5 =	sld [smem:$0x7FD]  }
0x8e: {  	[sflag:s29] =	ssyncset.done $0x0  }
0x8f: {  	[sflag:s29] =	ssyncadd.s32 $0xFFFFF000  }
0x90: {  	[spmem:s5] =	stream.linear.scatter [tilespmem:s7], [sflag:$0x3], $0x1000, $0x38;
	[tilespmem:$0x1E000] =	vst v63  }
0x91: {  	_ =	swait.ge [sflag:s29], $0x1000  }
0x92: {  	[sflag:s29] =	ssyncset.done $0x0  }
0x93: {  	[sflag:s29] =	ssyncadd.s32 $0xFFFFF000  }
0x94: {  	[bflag:$0x0] =	sbarrier.arrive $0xFFFF  }
0x95: {  	s7 =	rddreg [dreg:$0x4]  }
0x96: {  	s5 =	sadd.s32 $0x0, s7  }
0x97: {  	[tilespmem:s4], [sflag:$0x3] =	stream.linear.gather [hbm4b:s5+s4], $0x800, $0x38;
	[tilespmem:$0x1E000] =	vst v63  }
0x98: {  	_ =	swait.ge [sflag:s29], $0x800  }
0x99: {  	s7 =	rddreg [dreg:$0x5];
	[sflag:s29] =	ssyncset.done $0x0  }
0x9a: {  	[sflag:s29] =	ssyncadd.s32 $0xFFFFF800;
	s5 =	sadd.s32 $0x0, s7  }
0x9b: {  	[tilespmem:s30], [sflag:$0x3] =	stream.linear.gather [hbm4b:s5+s4], $0x800, $0x38;
	[tilespmem:$0x1E000] =	vst v63  }
0x9c: {  	_ =	swait.ge [sflag:s29], $0x800  }
0x9d: {  	[sflag:s29] =	ssyncset.done $0x0  }
0x9e: {  	[sflag:s29] =	ssyncadd.s32 $0xFFFFF800  }
0x9f: {  	[tilespmem:s2], [sflag:$0x1] =	stream.indirect.gather [hbm4b:s1+s31], $0x80, s4, s31, $0xb8;
	[tilespmem:$0x1E000] =	vst v63  }
0xa0: {  	_ =	swait.ge [sflag:s0], $0x3E80  }
0xa1: {  	[sflag:s0] =	ssyncset.done $0x0  }
0xa2: {  	s7 =	rddreg [dreg:$0x6];
	[sflag:s0] =	ssyncadd.s32 $0xFFFFC180  }
0xa3: {  	[tilespmem:s6], [sflag:$0x2] =	stream.indirect.gather [hbm4b:s1+s31], $0x80, s7, s31, $0xb8;
	[tilespmem:$0x1E000] =	vst v63  }
0xa4: {  	_ = 	snop  }
0xa5: {  	[spmem:s3] =	stream.indirect.scatter.add.f32 [tilespmem:s2], [sflag:$0x3], $0x80, s30, s31, $0xb8;
	[tilespmem:$0x1E000] =	vst v63  }
0xa6: {  	_ =	swait.ge [sflag:s29], $0x3E80  }
0xa7: {  	[sflag:s29] =	ssyncset.done $0x0  }
0xa8: {  	s7 =	rddreg [dreg:$0x7];
	[sflag:s29] =	ssyncadd.s32 $0xFFFFC180  }
0xa9: {  	[tilespmem:s2], [sflag:$0x1] =	stream.indirect.gather [hbm4b:s1+s31], $0x80, s7, s31, $0xb8;
	[tilespmem:$0x1E000] =	vst v63  }
0xaa: {  	_ =	swait.ge [sflag:s8], $0x3E80  }
0xab: {  	[sflag:s8] =	ssyncset.done $0x0  }
0xac: {  	s7 =	rddreg [dreg:$0x8];
	[sflag:s8] =	ssyncadd.s32 $0xFFFFC180  }
0xad: {  	[spmem:s3] =	stream.indirect.scatter.add.f32 [tilespmem:s6], [sflag:$0x3], $0x80, s7, s31, $0xb8;
	[tilespmem:$0x1E000] =	vst v63  }
0xae: {  	_ =	swait.ge [sflag:s29], $0x3E80  }
0xaf: {  	[sflag:s29] =	ssyncset.done $0x0  }
0xb0: {  	[sflag:s29] =	ssyncadd.s32 $0xFFFFC180  }
0xb1: {  	_ =	swait.ge [sflag:s0], $0x3E80  }
0xb2: {  	[sflag:s0] =	ssyncset.done $0x0  }
0xb3: {  	s5 =	rddreg [dreg:$0x9];
	[sflag:s0] =	ssyncadd.s32 $0xFFFFC180  }
0xb4: {  	[tilespmem:s6], [sflag:$0x2] =	stream.indirect.gather [hbm4b:s1+s31], $0x80, s5, s31, $0xb8;
	[tilespmem:$0x1E000] =	vst v63  }
0xb5: {  	s7 =	rddreg [dreg:$0xa]  }
0xb6: {  	[spmem:s3] =	stream.indirect.scatter.add.f32 [tilespmem:s2], [sflag:$0x3], $0x80, s7, s31, $0xb8;
	[tilespmem:$0x1E000] =	vst v63  }
0xb7: {  	_ =	swait.ge [sflag:s29], $0x3E80  }
0xb8: {  	[sflag:s29] =	ssyncset.done $0x0  }
0xb9: {  	s7 =	rddreg [dreg:$0xb];
	[sflag:s29] =	ssyncadd.s32 $0xFFFFC180  }
0xba: {  	[tilespmem:s2], [sflag:$0x1] =	stream.indirect.gather [hbm4b:s1+s31], $0x80, s7, s31, $0xb8;
	[tilespmem:$0x1E000] =	vst v63  }
0xbb: {  	_ =	swait.ge [sflag:s8], $0x3E80  }
0xbc: {  	[sflag:s8] =	ssyncset.done $0x0  }
0xbd: {  	s7 =	rddreg [dreg:$0xc];
	[sflag:s8] =	ssyncadd.s32 $0xFFFFC180  }
0xbe: {  	[spmem:s3] =	stream.indirect.scatter.add.f32 [tilespmem:s6], [sflag:$0x3], $0x80, s7, s31, $0xb8;
	[tilespmem:$0x1E000] =	vst v63  }
0xbf: {  	_ =	swait.ge [sflag:s29], $0x3E80  }
0xc0: {  	[sflag:s29] =	ssyncset.done $0x0  }
0xc1: {  	[sflag:s29] =	ssyncadd.s32 $0xFFFFC180  }
0xc2: {  	_ =	swait.ge [sflag:s0], $0x3E80  }
0xc3: {  	[sflag:s0] =	ssyncset.done $0x0  }
0xc4: {  	s5 =	rddreg [dreg:$0xd];
	[sflag:s0] =	ssyncadd.s32 $0xFFFFC180  }
0xc5: {  	[tilespmem:s6], [sflag:$0x2] =	stream.indirect.gather [hbm4b:s1+s31], $0x80, s5, s31, $0xb8;
	[tilespmem:$0x1E000] =	vst v63  }
0xc6: {  	s7 =	rddreg [dreg:$0xe]  }
0xc7: {  	[spmem:s3] =	stream.indirect.scatter.add.f32 [tilespmem:s2], [sflag:$0x3], $0x80, s7, s31, $0xb8;
	[tilespmem:$0x1E000] =	vst v63  }
0xc8: {  	_ =	swait.ge [sflag:s29], $0x3E80  }
0xc9: {  	[sflag:s29] =	ssyncset.done $0x0  }
0xca: {  	s7 =	rddreg [dreg:$0xf];
	[sflag:s29] =	ssyncadd.s32 $0xFFFFC180  }
0xcb: {  	[tilespmem:s2], [sflag:$0x1] =	stream.indirect.gather [hbm4b:s1+s31], $0x80, s7, s31, $0xb8;
	[tilespmem:$0x1E000] =	vst v63  }
0xcc: {  	_ =	swait.ge [sflag:s8], $0x3E80  }
0xcd: {  	[sflag:s8] =	ssyncset.done $0x0  }
0xce: {  	s7 =	rddreg [dreg:$0x10];
	[sflag:s8] =	ssyncadd.s32 $0xFFFFC180  }
0xcf: {  	[spmem:s3] =	stream.indirect.scatter.add.f32 [tilespmem:s6], [sflag:$0x3], $0x80, s7, s31, $0xb8;
	[tilespmem:$0x1E000] =	vst v63  }
0xd0: {  	_ =	swait.ge [sflag:s29], $0x3E80  }
0xd1: {  	[sflag:s29] =	ssyncset.done $0x0  }
0xd2: {  	[sflag:s29] =	ssyncadd.s32 $0xFFFFC180  }
0xd3: {  	_ =	swait.ge [sflag:s0], $0x3E80  }
0xd4: {  	[sflag:s0] =	ssyncset.done $0x0  }
0xd5: {  	s5 =	rddreg [dreg:$0x11];
	[sflag:s0] =	ssyncadd.s32 $0xFFFFC180  }
0xd6: {  	[tilespmem:s6], [sflag:$0x2] =	stream.indirect.gather [hbm4b:s1+s31], $0x80, s5, s31, $0xb8;
	[tilespmem:$0x1E000] =	vst v63  }
0xd7: {  	s7 =	rddreg [dreg:$0x12]  }
0xd8: {  	[spmem:s3] =	stream.indirect.scatter.add.f32 [tilespmem:s2], [sflag:$0x3], $0x80, s7, s31, $0xb8;
	[tilespmem:$0x1E000] =	vst v63  }
0xd9: {  	_ =	swait.ge [sflag:s29], $0x3E80  }
0xda: {  	[sflag:s29] =	ssyncset.done $0x0  }
0xdb: {  	[sflag:s29] =	ssyncadd.s32 $0xFFFFC180  }
0xdc: {  	[tilespmem:s2], [sflag:$0x1] =	stream.indirect.gather [hbm4b:s1+s31], $0x80, s9, s31, $0xb8;
	[tilespmem:$0x1E000] =	vst v63  }
0xdd: {  	_ =	swait.ge [sflag:s8], $0x3E80  }
0xde: {  	[sflag:s8] =	ssyncset.done $0x0  }
0xdf: {  	[sflag:s8] =	ssyncadd.s32 $0xFFFFC180  }
0xe0: {  	[spmem:s3] =	stream.indirect.scatter.add.f32 [tilespmem:s6], [sflag:$0x3], $0x80, s10, s31, $0xb8;
	[tilespmem:$0x1E000] =	vst v63  }
0xe1: {  	_ =	swait.ge [sflag:s29], $0x3E80  }
0xe2: {  	[sflag:s29] =	ssyncset.done $0x0  }
0xe3: {  	[sflag:s29] =	ssyncadd.s32 $0xFFFFC180  }
0xe4: {  	_ =	swait.ge [sflag:s0], $0x3E80  }
0xe5: {  	[sflag:s0] =	ssyncset.done $0x0  }
0xe6: {  	[sflag:s0] =	ssyncadd.s32 $0xFFFFC180  }
0xe7: {  	[tilespmem:s6], [sflag:$0x2] =	stream.indirect.gather [hbm4b:s1+s31], $0x80, s11, s31, $0xb8;
	[tilespmem:$0x1E000] =	vst v63  }
0xe8: {  	_ = 	snop  }
0xe9: {  	[spmem:s3] =	stream.indirect.scatter.add.f32 [tilespmem:s2], [sflag:$0x3], $0x80, s12, s31, $0xb8;
	[tilespmem:$0x1E000] =	vst v63  }
0xea: {  	_ =	swait.ge [sflag:s29], $0x3E80  }
0xeb: {  	[sflag:s29] =	ssyncset.done $0x0  }
0xec: {  	[sflag:s29] =	ssyncadd.s32 $0xFFFFC180  }
0xed: {  	[tilespmem:s2], [sflag:$0x1] =	stream.indirect.gather [hbm4b:s1+s31], $0x80, s13, s31, $0xb8;
	[tilespmem:$0x1E000] =	vst v63  }
0xee: {  	_ =	swait.ge [sflag:s8], $0x3E80  }
0xef: {  	[sflag:s8] =	ssyncset.done $0x0  }
0xf0: {  	[sflag:s8] =	ssyncadd.s32 $0xFFFFC180  }
0xf1: {  	[spmem:s3] =	stream.indirect.scatter.add.f32 [tilespmem:s6], [sflag:$0x3], $0x80, s14, s31, $0xb8;
	[tilespmem:$0x1E000] =	vst v63  }
0xf2: {  	_ =	swait.ge [sflag:s29], $0x3E80  }
0xf3: {  	[sflag:s29] =	ssyncset.done $0x0  }
0xf4: {  	[sflag:s29] =	ssyncadd.s32 $0xFFFFC180  }
0xf5: {  	_ =	swait.ge [sflag:s0], $0x3E80  }
0xf6: {  	[sflag:s0] =	ssyncset.done $0x0  }
0xf7: {  	[sflag:s0] =	ssyncadd.s32 $0xFFFFC180  }
0xf8: {  	[tilespmem:s6], [sflag:$0x2] =	stream.indirect.gather [hbm4b:s1+s31], $0x80, s15, s31, $0xb8;
	[tilespmem:$0x1E000] =	vst v63  }
0xf9: {  	_ = 	snop  }
0xfa: {  	[spmem:s3] =	stream.indirect.scatter.add.f32 [tilespmem:s2], [sflag:$0x3], $0x80, s16, s31, $0xb8;
	[tilespmem:$0x1E000] =	vst v63  }
0xfb: {  	_ =	swait.ge [sflag:s29], $0x3E80  }
0xfc: {  	[sflag:s29] =	ssyncset.done $0x0  }
0xfd: {  	[sflag:s29] =	ssyncadd.s32 $0xFFFFC180  }
0xfe: {  	[tilespmem:s2], [sflag:$0x1] =	stream.indirect.gather [hbm4b:s1+s31], $0x80, s17, s31, $0xb8;
	[tilespmem:$0x1E000] =	vst v63  }
0xff: {  	_ =	swait.ge [sflag:s8], $0x3E80  }
0x100: {  	[sflag:s8] =	ssyncset.done $0x0  }
0x101: {  	[sflag:s8] =	ssyncadd.s32 $0xFFFFC180  }
0x102: {  	[spmem:s3] =	stream.indirect.scatter.add.f32 [tilespmem:s6], [sflag:$0x3], $0x80, s18, s31, $0xb8;
	[tilespmem:$0x1E000] =	vst v63  }
0x103: {  	_ =	swait.ge [sflag:s29], $0x3E80  }
0x104: {  	[sflag:s29] =	ssyncset.done $0x0  }
0x105: {  	[sflag:s29] =	ssyncadd.s32 $0xFFFFC180  }
0x106: {  	_ =	swait.ge [sflag:s0], $0x3E80  }
0x107: {  	[sflag:s0] =	ssyncset.done $0x0  }
0x108: {  	[sflag:s0] =	ssyncadd.s32 $0xFFFFC180  }
0x109: {  	[tilespmem:s6], [sflag:$0x2] =	stream.indirect.gather [hbm4b:s1+s31], $0x80, s19, s31, $0xb8;
	[tilespmem:$0x1E000] =	vst v63  }
0x10a: {  	_ = 	snop  }
0x10b: {  	[spmem:s3] =	stream.indirect.scatter.add.f32 [tilespmem:s2], [sflag:$0x3], $0x80, s20, s31, $0xb8;
	[tilespmem:$0x1E000] =	vst v63  }
0x10c: {  	_ =	swait.ge [sflag:s29], $0x3E80  }
0x10d: {  	[sflag:s29] =	ssyncset.done $0x0  }
0x10e: {  	[sflag:s29] =	ssyncadd.s32 $0xFFFFC180  }
0x10f: {  	[tilespmem:s2], [sflag:$0x1] =	stream.indirect.gather [hbm4b:s1+s31], $0x80, s21, s31, $0xb8;
	[tilespmem:$0x1E000] =	vst v63  }
0x110: {  	_ =	swait.ge [sflag:s8], $0x3E80  }
0x111: {  	[sflag:s8] =	ssyncset.done $0x0  }
0x112: {  	[sflag:s8] =	ssyncadd.s32 $0xFFFFC180  }
0x113: {  	[spmem:s3] =	stream.indirect.scatter.add.f32 [tilespmem:s6], [sflag:$0x3], $0x80, s22, s31, $0xb8;
	[tilespmem:$0x1E000] =	vst v63  }
0x114: {  	_ =	swait.ge [sflag:s29], $0x3E80  }
0x115: {  	[sflag:s29] =	ssyncset.done $0x0  }
0x116: {  	[sflag:s29] =	ssyncadd.s32 $0xFFFFC180  }
0x117: {  	_ =	swait.ge [sflag:s0], $0x3E80  }
0x118: {  	[sflag:s0] =	ssyncset.done $0x0  }
0x119: {  	[sflag:s0] =	ssyncadd.s32 $0xFFFFC180  }
0x11a: {  	[tilespmem:s6], [sflag:$0x2] =	stream.indirect.gather [hbm4b:s1+s31], $0x80, s23, s31, $0xb8;
	[tilespmem:$0x1E000] =	vst v63  }
0x11b: {  	_ = 	snop  }
0x11c: {  	[spmem:s3] =	stream.indirect.scatter.add.f32 [tilespmem:s2], [sflag:$0x3], $0x80, s25, s31, $0xb8;
	[tilespmem:$0x1E000] =	vst v63  }
0x11d: {  	_ =	swait.ge [sflag:s29], $0x3E80  }
0x11e: {  	[sflag:s29] =	ssyncset.done $0x0  }
0x11f: {  	[sflag:s29] =	ssyncadd.s32 $0xFFFFC180  }
0x120: {  	_ =	swait.ge [sflag:s8], $0x3E80  }
0x121: {  	[sflag:s8] =	ssyncset.done $0x0  }
0x122: {  	[sflag:s8] =	ssyncadd.s32 $0xFFFFC180  }
0x123: {  	[spmem:s3] =	stream.indirect.scatter.add.f32 [tilespmem:s6], [sflag:$0x3], $0x80, s26, s31, $0xb8;
	[tilespmem:$0x1E000] =	vst v63  }
0x124: {  	s5 =	simm.s32 $0x100;
	s7 =	simm.s32 $0x200;
	_ =	swait.ge [sflag:s29], $0x3E80  }
0x125: {  	s10 =	simm.s32 $0xB80;
	s28 =	rddreg [dreg:$0x4];
	[sflag:s29] =	ssyncset.done $0x0  }
.LBB2_4:
0x126: {  	[sflag:s29] =	ssyncadd.s32 $0xFFFFC180;
	s28 =	sadd.s32 s5, s28  }
0x127: {  	[tilespmem:s4], [sflag:$0x3] =	stream.linear.gather [hbm4b:s28+s4], $0x800, $0x38;
	[tilespmem:$0x1E000] =	vst v63  }
0x128: {  	_ =	swait.ge [sflag:s29], $0x800  }
0x129: {  	s28 =	rddreg [dreg:$0x5];
	[sflag:s29] =	ssyncset.done $0x0  }
0x12a: {  	[sflag:s29] =	ssyncadd.s32 $0xFFFFF800;
	s28 =	sadd.s32 s5, s28  }
0x12b: {  	[tilespmem:s30], [sflag:$0x3] =	stream.linear.gather [hbm4b:s28+s4], $0x800, $0x38;
	[tilespmem:$0x1E000] =	vst v63  }
0x12c: {  	_ =	swait.ge [sflag:s29], $0x800  }
0x12d: {  	[sflag:s29] =	ssyncset.done $0x0  }
0x12e: {  	[sflag:s29] =	ssyncadd.s32 $0xFFFFF800  }
0x12f: {  	[tilespmem:s2], [sflag:$0x1] =	stream.indirect.gather [hbm4b:s1+s31], $0x80, s4, s31, $0xb8;
	[tilespmem:$0x1E000] =	vst v63  }
0x130: {  	_ =	swait.ge [sflag:s0], $0x3E80  }
0x131: {  	s9 =	smov.u32 s7;
	[sflag:s0] =	ssyncset.done $0x0  }
0x132: {  	s5 =	smov.u32 s9;
	s9 =	rddreg [dreg:$0x6];
	[sflag:s0] =	ssyncadd.s32 $0xFFFFC180  }
0x133: {  	[tilespmem:s6], [sflag:$0x2] =	stream.indirect.gather [hbm4b:s1+s31], $0x80, s9, s31, $0xb8;
	[tilespmem:$0x1E000] =	vst v63  }
0x134: {  	_ = 	snop  }
0x135: {  	[spmem:s3] =	stream.indirect.scatter.add.f32 [tilespmem:s2], [sflag:$0x3], $0x80, s30, s31, $0xb8;
	[tilespmem:$0x1E000] =	vst v63  }
0x136: {  	_ =	swait.ge [sflag:s29], $0x3E80  }
0x137: {  	[sflag:s29] =	ssyncset.done $0x0  }
0x138: {  	s9 =	rddreg [dreg:$0x7];
	[sflag:s29] =	ssyncadd.s32 $0xFFFFC180  }
0x139: {  	[tilespmem:s2], [sflag:$0x1] =	stream.indirect.gather [hbm4b:s1+s31], $0x80, s9, s31, $0xb8;
	[tilespmem:$0x1E000] =	vst v63  }
0x13a: {  	_ =	swait.ge [sflag:s8], $0x3E80  }
0x13b: {  	[sflag:s8] =	ssyncset.done $0x0  }
0x13c: {  	s9 =	rddreg [dreg:$0x8];
	[sflag:s8] =	ssyncadd.s32 $0xFFFFC180  }
0x13d: {  	[spmem:s3] =	stream.indirect.scatter.add.f32 [tilespmem:s6], [sflag:$0x3], $0x80, s9, s31, $0xb8;
	[tilespmem:$0x1E000] =	vst v63  }
0x13e: {  	_ =	swait.ge [sflag:s29], $0x3E80  }
0x13f: {  	[sflag:s29] =	ssyncset.done $0x0  }
0x140: {  	[sflag:s29] =	ssyncadd.s32 $0xFFFFC180  }
0x141: {  	_ =	swait.ge [sflag:s0], $0x3E80  }
0x142: {  	[sflag:s0] =	ssyncset.done $0x0  }
0x143: {  	s9 =	rddreg [dreg:$0x9];
	[sflag:s0] =	ssyncadd.s32 $0xFFFFC180  }
0x144: {  	[tilespmem:s6], [sflag:$0x2] =	stream.indirect.gather [hbm4b:s1+s31], $0x80, s9, s31, $0xb8;
	[tilespmem:$0x1E000] =	vst v63  }
0x145: {  	s28 =	rddreg [dreg:$0xa]  }
0x146: {  	[spmem:s3] =	stream.indirect.scatter.add.f32 [tilespmem:s2], [sflag:$0x3], $0x80, s28, s31, $0xb8;
	[tilespmem:$0x1E000] =	vst v63  }
0x147: {  	_ =	swait.ge [sflag:s29], $0x3E80  }
0x148: {  	[sflag:s29] =	ssyncset.done $0x0  }
0x149: {  	s9 =	rddreg [dreg:$0xb];
	[sflag:s29] =	ssyncadd.s32 $0xFFFFC180  }
0x14a: {  	[tilespmem:s2], [sflag:$0x1] =	stream.indirect.gather [hbm4b:s1+s31], $0x80, s9, s31, $0xb8;
	[tilespmem:$0x1E000] =	vst v63  }
0x14b: {  	_ =	swait.ge [sflag:s8], $0x3E80  }
0x14c: {  	[sflag:s8] =	ssyncset.done $0x0  }
0x14d: {  	s9 =	rddreg [dreg:$0xc];
	[sflag:s8] =	ssyncadd.s32 $0xFFFFC180  }
0x14e: {  	[spmem:s3] =	stream.indirect.scatter.add.f32 [tilespmem:s6], [sflag:$0x3], $0x80, s9, s31, $0xb8;
	[tilespmem:$0x1E000] =	vst v63  }
0x14f: {  	_ =	swait.ge [sflag:s29], $0x3E80  }
0x150: {  	[sflag:s29] =	ssyncset.done $0x0  }
0x151: {  	[sflag:s29] =	ssyncadd.s32 $0xFFFFC180  }
0x152: {  	_ =	swait.ge [sflag:s0], $0x3E80  }
0x153: {  	[sflag:s0] =	ssyncset.done $0x0  }
0x154: {  	s9 =	rddreg [dreg:$0xd];
	[sflag:s0] =	ssyncadd.s32 $0xFFFFC180  }
0x155: {  	[tilespmem:s6], [sflag:$0x2] =	stream.indirect.gather [hbm4b:s1+s31], $0x80, s9, s31, $0xb8;
	[tilespmem:$0x1E000] =	vst v63  }
0x156: {  	s28 =	rddreg [dreg:$0xe]  }
0x157: {  	[spmem:s3] =	stream.indirect.scatter.add.f32 [tilespmem:s2], [sflag:$0x3], $0x80, s28, s31, $0xb8;
	[tilespmem:$0x1E000] =	vst v63  }
0x158: {  	_ =	swait.ge [sflag:s29], $0x3E80  }
0x159: {  	[sflag:s29] =	ssyncset.done $0x0  }
0x15a: {  	s9 =	rddreg [dreg:$0xf];
	[sflag:s29] =	ssyncadd.s32 $0xFFFFC180  }
0x15b: {  	[tilespmem:s2], [sflag:$0x1] =	stream.indirect.gather [hbm4b:s1+s31], $0x80, s9, s31, $0xb8;
	[tilespmem:$0x1E000] =	vst v63  }
0x15c: {  	_ =	swait.ge [sflag:s8], $0x3E80  }
0x15d: {  	[sflag:s8] =	ssyncset.done $0x0  }
0x15e: {  	s9 =	rddreg [dreg:$0x10];
	[sflag:s8] =	ssyncadd.s32 $0xFFFFC180  }
0x15f: {  	[spmem:s3] =	stream.indirect.scatter.add.f32 [tilespmem:s6], [sflag:$0x3], $0x80, s9, s31, $0xb8;
	[tilespmem:$0x1E000] =	vst v63  }
0x160: {  	_ =	swait.ge [sflag:s29], $0x3E80  }
0x161: {  	[sflag:s29] =	ssyncset.done $0x0  }
0x162: {  	[sflag:s29] =	ssyncadd.s32 $0xFFFFC180  }
0x163: {  	_ =	swait.ge [sflag:s0], $0x3E80  }
0x164: {  	[sflag:s0] =	ssyncset.done $0x0  }
0x165: {  	s9 =	rddreg [dreg:$0x11];
	[sflag:s0] =	ssyncadd.s32 $0xFFFFC180  }
0x166: {  	[tilespmem:s6], [sflag:$0x2] =	stream.indirect.gather [hbm4b:s1+s31], $0x80, s9, s31, $0xb8;
	[tilespmem:$0x1E000] =	vst v63  }
0x167: {  	s28 =	rddreg [dreg:$0x12]  }
0x168: {  	[spmem:s3] =	stream.indirect.scatter.add.f32 [tilespmem:s2], [sflag:$0x3], $0x80, s28, s31, $0xb8;
	[tilespmem:$0x1E000] =	vst v63  }
0x169: {  	_ =	swait.ge [sflag:s29], $0x3E80  }
0x16a: {  	[sflag:s29] =	ssyncset.done $0x0  }
0x16b: {  	s9 =	simm.s32 $0x400;
	[sflag:s29] =	ssyncadd.s32 $0xFFFFC180  }
0x16c: {  	[tilespmem:s2], [sflag:$0x1] =	stream.indirect.gather [hbm4b:s1+s31], $0x80, s9, s31, $0xb8;
	[tilespmem:$0x1E000] =	vst v63  }
0x16d: {  	_ =	swait.ge [sflag:s8], $0x3E80  }
0x16e: {  	[sflag:s8] =	ssyncset.done $0x0  }
0x16f: {  	[sflag:s8] =	ssyncadd.s32 $0xFFFFC180  }
0x170: {  	[spmem:s3] =	stream.indirect.scatter.add.f32 [tilespmem:s6], [sflag:$0x3], $0x80, s10, s31, $0xb8;
	[tilespmem:$0x1E000] =	vst v63  }
0x171: {  	_ =	swait.ge [sflag:s29], $0x3E80  }
0x172: {  	[sflag:s29] =	ssyncset.done $0x0  }
0x173: {  	[sflag:s29] =	ssyncadd.s32 $0xFFFFC180  }
0x174: {  	_ =	swait.ge [sflag:s0], $0x3E80  }
0x175: {  	[sflag:s0] =	ssyncset.done $0x0  }
0x176: {  	[sflag:s0] =	ssyncadd.s32 $0xFFFFC180  }
0x177: {  	[tilespmem:s6], [sflag:$0x2] =	stream.indirect.gather [hbm4b:s1+s31], $0x80, s11, s31, $0xb8;
	[tilespmem:$0x1E000] =	vst v63  }
0x178: {  	_ = 	snop  }
0x179: {  	[spmem:s3] =	stream.indirect.scatter.add.f32 [tilespmem:s2], [sflag:$0x3], $0x80, s12, s31, $0xb8;
	[tilespmem:$0x1E000] =	vst v63  }
0x17a: {  	_ =	swait.ge [sflag:s29], $0x3E80  }
0x17b: {  	[sflag:s29] =	ssyncset.done $0x0  }
0x17c: {  	[sflag:s29] =	ssyncadd.s32 $0xFFFFC180  }
0x17d: {  	[tilespmem:s2], [sflag:$0x1] =	stream.indirect.gather [hbm4b:s1+s31], $0x80, s13, s31, $0xb8;
	[tilespmem:$0x1E000] =	vst v63  }
0x17e: {  	_ =	swait.ge [sflag:s8], $0x3E80  }
0x17f: {  	[sflag:s8] =	ssyncset.done $0x0  }
0x180: {  	[sflag:s8] =	ssyncadd.s32 $0xFFFFC180  }
0x181: {  	[spmem:s3] =	stream.indirect.scatter.add.f32 [tilespmem:s6], [sflag:$0x3], $0x80, s14, s31, $0xb8;
	[tilespmem:$0x1E000] =	vst v63  }
0x182: {  	_ =	swait.ge [sflag:s29], $0x3E80  }
0x183: {  	[sflag:s29] =	ssyncset.done $0x0  }
0x184: {  	[sflag:s29] =	ssyncadd.s32 $0xFFFFC180  }
0x185: {  	_ =	swait.ge [sflag:s0], $0x3E80  }
0x186: {  	[sflag:s0] =	ssyncset.done $0x0  }
0x187: {  	[sflag:s0] =	ssyncadd.s32 $0xFFFFC180  }
0x188: {  	[tilespmem:s6], [sflag:$0x2] =	stream.indirect.gather [hbm4b:s1+s31], $0x80, s15, s31, $0xb8;
	[tilespmem:$0x1E000] =	vst v63  }
0x189: {  	_ = 	snop  }
0x18a: {  	[spmem:s3] =	stream.indirect.scatter.add.f32 [tilespmem:s2], [sflag:$0x3], $0x80, s16, s31, $0xb8;
	[tilespmem:$0x1E000] =	vst v63  }
0x18b: {  	_ =	swait.ge [sflag:s29], $0x3E80  }
0x18c: {  	[sflag:s29] =	ssyncset.done $0x0  }
0x18d: {  	[sflag:s29] =	ssyncadd.s32 $0xFFFFC180  }
0x18e: {  	[tilespmem:s2], [sflag:$0x1] =	stream.indirect.gather [hbm4b:s1+s31], $0x80, s17, s31, $0xb8;
	[tilespmem:$0x1E000] =	vst v63  }
0x18f: {  	_ =	swait.ge [sflag:s8], $0x3E80  }
0x190: {  	[sflag:s8] =	ssyncset.done $0x0  }
0x191: {  	[sflag:s8] =	ssyncadd.s32 $0xFFFFC180  }
0x192: {  	[spmem:s3] =	stream.indirect.scatter.add.f32 [tilespmem:s6], [sflag:$0x3], $0x80, s18, s31, $0xb8;
	[tilespmem:$0x1E000] =	vst v63  }
0x193: {  	_ =	swait.ge [sflag:s29], $0x3E80  }
0x194: {  	[sflag:s29] =	ssyncset.done $0x0  }
0x195: {  	[sflag:s29] =	ssyncadd.s32 $0xFFFFC180  }
0x196: {  	_ =	swait.ge [sflag:s0], $0x3E80  }
0x197: {  	[sflag:s0] =	ssyncset.done $0x0  }
0x198: {  	[sflag:s0] =	ssyncadd.s32 $0xFFFFC180  }
0x199: {  	[tilespmem:s6], [sflag:$0x2] =	stream.indirect.gather [hbm4b:s1+s31], $0x80, s19, s31, $0xb8;
	[tilespmem:$0x1E000] =	vst v63  }
0x19a: {  	_ = 	snop  }
0x19b: {  	[spmem:s3] =	stream.indirect.scatter.add.f32 [tilespmem:s2], [sflag:$0x3], $0x80, s20, s31, $0xb8;
	[tilespmem:$0x1E000] =	vst v63  }
0x19c: {  	_ =	swait.ge [sflag:s29], $0x3E80  }
0x19d: {  	[sflag:s29] =	ssyncset.done $0x0  }
0x19e: {  	[sflag:s29] =	ssyncadd.s32 $0xFFFFC180  }
0x19f: {  	[tilespmem:s2], [sflag:$0x1] =	stream.indirect.gather [hbm4b:s1+s31], $0x80, s21, s31, $0xb8;
	[tilespmem:$0x1E000] =	vst v63  }
0x1a0: {  	_ =	swait.ge [sflag:s8], $0x3E80  }
0x1a1: {  	[sflag:s8] =	ssyncset.done $0x0  }
0x1a2: {  	[sflag:s8] =	ssyncadd.s32 $0xFFFFC180  }
0x1a3: {  	[spmem:s3] =	stream.indirect.scatter.add.f32 [tilespmem:s6], [sflag:$0x3], $0x80, s22, s31, $0xb8;
	[tilespmem:$0x1E000] =	vst v63  }
0x1a4: {  	_ =	swait.ge [sflag:s29], $0x3E80  }
0x1a5: {  	[sflag:s29] =	ssyncset.done $0x0  }
0x1a6: {  	[sflag:s29] =	ssyncadd.s32 $0xFFFFC180  }
0x1a7: {  	_ =	swait.ge [sflag:s0], $0x3E80  }
0x1a8: {  	[sflag:s0] =	ssyncset.done $0x0  }
0x1a9: {  	[sflag:s0] =	ssyncadd.s32 $0xFFFFC180  }
0x1aa: {  	[tilespmem:s6], [sflag:$0x2] =	stream.indirect.gather [hbm4b:s1+s31], $0x80, s23, s31, $0xb8;
	[tilespmem:$0x1E000] =	vst v63  }
0x1ab: {  	_ = 	snop  }
0x1ac: {  	[spmem:s3] =	stream.indirect.scatter.add.f32 [tilespmem:s2], [sflag:$0x3], $0x80, s25, s31, $0xb8;
	[tilespmem:$0x1E000] =	vst v63  }
0x1ad: {  	_ =	swait.ge [sflag:s29], $0x3E80  }
0x1ae: {  	[sflag:s29] =	ssyncset.done $0x0  }
0x1af: {  	[sflag:s29] =	ssyncadd.s32 $0xFFFFC180  }
0x1b0: {  	p0 =	sne.s32 s7, $0x400;
	_ =	swait.ge [sflag:s8], $0x3E80  }
.Ltmp1:
0x1b1: {  	[sflag:s8] =	ssyncset.done $0x0;
	(pc) =	sbr.rel @p0 .LBB2_4-.Ltmp1, $4  }
0x1b2: {  	[sflag:s8] =	ssyncadd.s32 $0xFFFFC180  }
0x1b3: {  	[spmem:s3] =	stream.indirect.scatter.add.f32 [tilespmem:s6], [sflag:$0x3], $0x80, s26, s31, $0xb8;
	[tilespmem:$0x1E000] =	vst v63  }
0x1b4: {  	_ =	swait.ge [sflag:s29], $0x3E80  }
0x1b5: {  	s7 =	sadd.s32 $0x100, s7;
	s28 =	rddreg [dreg:$0x4];
	[sflag:s29] =	ssyncset.done $0x0  }
0x1b6: {  	[sflag:s29] =	ssyncadd.s32 $0xFFFFC180;
	s7 =	sadd.s32 s5, s28  }
0x1b7: {  	[tilespmem:s4], [sflag:$0x3] =	stream.linear.gather [hbm4b:s7+s4], $0x800, $0x38;
	[tilespmem:$0x1E000] =	vst v63  }
0x1b8: {  	_ =	swait.ge [sflag:s29], $0x800  }
0x1b9: {  	s7 =	rddreg [dreg:$0x5];
	[sflag:s29] =	ssyncset.done $0x0  }
0x1ba: {  	[sflag:s29] =	ssyncadd.s32 $0xFFFFF800;
	s7 =	sadd.s32 s5, s7  }
0x1bb: {  	[tilespmem:s30], [sflag:$0x3] =	stream.linear.gather [hbm4b:s7+s4], $0x800, $0x38;
	[tilespmem:$0x1E000] =	vst v63  }
0x1bc: {  	_ =	swait.ge [sflag:s29], $0x800  }
0x1bd: {  	[sflag:s29] =	ssyncset.done $0x0  }
0x1be: {  	[sflag:s29] =	ssyncadd.s32 $0xFFFFF800  }
0x1bf: {  	[tilespmem:s2], [sflag:$0x1] =	stream.indirect.gather [hbm4b:s1+s31], $0x80, s4, s31, $0xb8;
	[tilespmem:$0x1E000] =	vst v63  }
0x1c0: {  	_ =	swait.ge [sflag:s0], $0x3E80  }
0x1c1: {  	[sflag:s0] =	ssyncset.done $0x0  }
0x1c2: {  	s7 =	rddreg [dreg:$0x6];
	[sflag:s0] =	ssyncadd.s32 $0xFFFFC180  }
0x1c3: {  	[tilespmem:s6], [sflag:$0x2] =	stream.indirect.gather [hbm4b:s1+s31], $0x80, s7, s31, $0xb8;
	[tilespmem:$0x1E000] =	vst v63  }
0x1c4: {  	_ = 	snop  }
0x1c5: {  	[spmem:s3] =	stream.indirect.scatter.add.f32 [tilespmem:s2], [sflag:$0x3], $0x80, s30, s31, $0xb8;
	[tilespmem:$0x1E000] =	vst v63  }
0x1c6: {  	_ =	swait.ge [sflag:s29], $0x3E80  }
0x1c7: {  	[sflag:s29] =	ssyncset.done $0x0  }
0x1c8: {  	s7 =	rddreg [dreg:$0x7];
	[sflag:s29] =	ssyncadd.s32 $0xFFFFC180  }
0x1c9: {  	[tilespmem:s2], [sflag:$0x1] =	stream.indirect.gather [hbm4b:s1+s31], $0x80, s7, s31, $0xb8;
	[tilespmem:$0x1E000] =	vst v63  }
0x1ca: {  	_ =	swait.ge [sflag:s8], $0x3E80  }
0x1cb: {  	[sflag:s8] =	ssyncset.done $0x0  }
0x1cc: {  	s7 =	rddreg [dreg:$0x8];
	[sflag:s8] =	ssyncadd.s32 $0xFFFFC180  }
0x1cd: {  	[spmem:s3] =	stream.indirect.scatter.add.f32 [tilespmem:s6], [sflag:$0x3], $0x80, s7, s31, $0xb8;
	[tilespmem:$0x1E000] =	vst v63  }
0x1ce: {  	_ =	swait.ge [sflag:s29], $0x3E80  }
0x1cf: {  	[sflag:s29] =	ssyncset.done $0x0  }
0x1d0: {  	[sflag:s29] =	ssyncadd.s32 $0xFFFFC180  }
0x1d1: {  	_ =	swait.ge [sflag:s0], $0x3E80  }
0x1d2: {  	[sflag:s0] =	ssyncset.done $0x0  }
0x1d3: {  	s5 =	rddreg [dreg:$0x9];
	[sflag:s0] =	ssyncadd.s32 $0xFFFFC180  }
0x1d4: {  	[tilespmem:s6], [sflag:$0x2] =	stream.indirect.gather [hbm4b:s1+s31], $0x80, s5, s31, $0xb8;
	[tilespmem:$0x1E000] =	vst v63  }
0x1d5: {  	s7 =	rddreg [dreg:$0xa]  }
0x1d6: {  	[spmem:s3] =	stream.indirect.scatter.add.f32 [tilespmem:s2], [sflag:$0x3], $0x80, s7, s31, $0xb8;
	[tilespmem:$0x1E000] =	vst v63  }
0x1d7: {  	_ =	swait.ge [sflag:s29], $0x3E80  }
0x1d8: {  	[sflag:s29] =	ssyncset.done $0x0  }
0x1d9: {  	s7 =	rddreg [dreg:$0xb];
	[sflag:s29] =	ssyncadd.s32 $0xFFFFC180  }
0x1da: {  	[tilespmem:s2], [sflag:$0x1] =	stream.indirect.gather [hbm4b:s1+s31], $0x80, s7, s31, $0xb8;
	[tilespmem:$0x1E000] =	vst v63  }
0x1db: {  	_ =	swait.ge [sflag:s8], $0x3E80  }
0x1dc: {  	[sflag:s8] =	ssyncset.done $0x0  }
0x1dd: {  	s7 =	rddreg [dreg:$0xc];
	[sflag:s8] =	ssyncadd.s32 $0xFFFFC180  }
0x1de: {  	[spmem:s3] =	stream.indirect.scatter.add.f32 [tilespmem:s6], [sflag:$0x3], $0x80, s7, s31, $0xb8;
	[tilespmem:$0x1E000] =	vst v63  }
0x1df: {  	_ =	swait.ge [sflag:s29], $0x3E80  }
0x1e0: {  	[sflag:s29] =	ssyncset.done $0x0  }
0x1e1: {  	[sflag:s29] =	ssyncadd.s32 $0xFFFFC180  }
0x1e2: {  	_ =	swait.ge [sflag:s0], $0x3E80  }
0x1e3: {  	[sflag:s0] =	ssyncset.done $0x0  }
0x1e4: {  	s5 =	rddreg [dreg:$0xd];
	[sflag:s0] =	ssyncadd.s32 $0xFFFFC180  }
0x1e5: {  	[tilespmem:s6], [sflag:$0x2] =	stream.indirect.gather [hbm4b:s1+s31], $0x80, s5, s31, $0xb8;
	[tilespmem:$0x1E000] =	vst v63  }
0x1e6: {  	s7 =	rddreg [dreg:$0xe]  }
0x1e7: {  	[spmem:s3] =	stream.indirect.scatter.add.f32 [tilespmem:s2], [sflag:$0x3], $0x80, s7, s31, $0xb8;
	[tilespmem:$0x1E000] =	vst v63  }
0x1e8: {  	_ =	swait.ge [sflag:s29], $0x3E80  }
0x1e9: {  	[sflag:s29] =	ssyncset.done $0x0  }
0x1ea: {  	s7 =	rddreg [dreg:$0xf];
	[sflag:s29] =	ssyncadd.s32 $0xFFFFC180  }
0x1eb: {  	[tilespmem:s2], [sflag:$0x1] =	stream.indirect.gather [hbm4b:s1+s31], $0x80, s7, s31, $0xb8;
	[tilespmem:$0x1E000] =	vst v63  }
0x1ec: {  	_ =	swait.ge [sflag:s8], $0x3E80  }
0x1ed: {  	[sflag:s8] =	ssyncset.done $0x0  }
0x1ee: {  	s7 =	rddreg [dreg:$0x10];
	[sflag:s8] =	ssyncadd.s32 $0xFFFFC180  }
0x1ef: {  	[spmem:s3] =	stream.indirect.scatter.add.f32 [tilespmem:s6], [sflag:$0x3], $0x80, s7, s31, $0xb8;
	[tilespmem:$0x1E000] =	vst v63  }
0x1f0: {  	_ =	swait.ge [sflag:s29], $0x3E80  }
0x1f1: {  	[sflag:s29] =	ssyncset.done $0x0  }
0x1f2: {  	[sflag:s29] =	ssyncadd.s32 $0xFFFFC180  }
0x1f3: {  	_ =	swait.ge [sflag:s0], $0x3E80  }
0x1f4: {  	[sflag:s0] =	ssyncset.done $0x0  }
0x1f5: {  	s5 =	rddreg [dreg:$0x11];
	[sflag:s0] =	ssyncadd.s32 $0xFFFFC180  }
0x1f6: {  	[tilespmem:s6], [sflag:$0x2] =	stream.indirect.gather [hbm4b:s1+s31], $0x80, s5, s31, $0xb8;
	[tilespmem:$0x1E000] =	vst v63  }
0x1f7: {  	s7 =	rddreg [dreg:$0x12]  }
0x1f8: {  	[spmem:s3] =	stream.indirect.scatter.add.f32 [tilespmem:s2], [sflag:$0x3], $0x80, s7, s31, $0xb8;
	[tilespmem:$0x1E000] =	vst v63  }
0x1f9: {  	_ =	swait.ge [sflag:s29], $0x3E80  }
0x1fa: {  	[sflag:s29] =	ssyncset.done $0x0  }
0x1fb: {  	[sflag:s29] =	ssyncadd.s32 $0xFFFFC180  }
0x1fc: {  	[tilespmem:s2], [sflag:$0x1] =	stream.indirect.gather [hbm4b:s1+s31], $0x80, s9, s31, $0xb8;
	[tilespmem:$0x1E000] =	vst v63  }
0x1fd: {  	_ =	swait.ge [sflag:s8], $0x3E80  }
0x1fe: {  	[sflag:s8] =	ssyncset.done $0x0  }
0x1ff: {  	[sflag:s8] =	ssyncadd.s32 $0xFFFFC180  }
0x200: {  	[spmem:s3] =	stream.indirect.scatter.add.f32 [tilespmem:s6], [sflag:$0x3], $0x80, s10, s31, $0xb8;
	[tilespmem:$0x1E000] =	vst v63  }
0x201: {  	_ =	swait.ge [sflag:s29], $0x3E80  }
0x202: {  	[sflag:s29] =	ssyncset.done $0x0  }
0x203: {  	[sflag:s29] =	ssyncadd.s32 $0xFFFFC180  }
0x204: {  	_ =	swait.ge [sflag:s0], $0x3E80  }
0x205: {  	[sflag:s0] =	ssyncset.done $0x0  }
0x206: {  	[sflag:s0] =	ssyncadd.s32 $0xFFFFC180  }
0x207: {  	[tilespmem:s6], [sflag:$0x2] =	stream.indirect.gather [hbm4b:s1+s31], $0x80, s11, s31, $0xb8;
	[tilespmem:$0x1E000] =	vst v63  }
0x208: {  	_ = 	snop  }
0x209: {  	[spmem:s3] =	stream.indirect.scatter.add.f32 [tilespmem:s2], [sflag:$0x3], $0x80, s12, s31, $0xb8;
	[tilespmem:$0x1E000] =	vst v63  }
0x20a: {  	_ =	swait.ge [sflag:s29], $0x3E80  }
0x20b: {  	[sflag:s29] =	ssyncset.done $0x0  }
0x20c: {  	[sflag:s29] =	ssyncadd.s32 $0xFFFFC180  }
0x20d: {  	[tilespmem:s2], [sflag:$0x1] =	stream.indirect.gather [hbm4b:s1+s31], $0x80, s13, s31, $0xb8;
	[tilespmem:$0x1E000] =	vst v63  }
0x20e: {  	_ =	swait.ge [sflag:s8], $0x3E80  }
0x20f: {  	[sflag:s8] =	ssyncset.done $0x0  }
0x210: {  	[sflag:s8] =	ssyncadd.s32 $0xFFFFC180  }
0x211: {  	[spmem:s3] =	stream.indirect.scatter.add.f32 [tilespmem:s6], [sflag:$0x3], $0x80, s14, s31, $0xb8;
	[tilespmem:$0x1E000] =	vst v63  }
0x212: {  	_ =	swait.ge [sflag:s29], $0x3E80  }
0x213: {  	[sflag:s29] =	ssyncset.done $0x0  }
0x214: {  	[sflag:s29] =	ssyncadd.s32 $0xFFFFC180  }
0x215: {  	_ =	swait.ge [sflag:s0], $0x3E80  }
0x216: {  	[sflag:s0] =	ssyncset.done $0x0  }
0x217: {  	[sflag:s0] =	ssyncadd.s32 $0xFFFFC180  }
0x218: {  	[tilespmem:s6], [sflag:$0x2] =	stream.indirect.gather [hbm4b:s1+s31], $0x80, s15, s31, $0xb8;
	[tilespmem:$0x1E000] =	vst v63  }
0x219: {  	_ = 	snop  }
0x21a: {  	[spmem:s3] =	stream.indirect.scatter.add.f32 [tilespmem:s2], [sflag:$0x3], $0x80, s16, s31, $0xb8;
	[tilespmem:$0x1E000] =	vst v63  }
0x21b: {  	_ =	swait.ge [sflag:s29], $0x3E80  }
0x21c: {  	[sflag:s29] =	ssyncset.done $0x0  }
0x21d: {  	[sflag:s29] =	ssyncadd.s32 $0xFFFFC180  }
0x21e: {  	[tilespmem:s2], [sflag:$0x1] =	stream.indirect.gather [hbm4b:s1+s31], $0x80, s17, s31, $0xb8;
	[tilespmem:$0x1E000] =	vst v63  }
0x21f: {  	_ =	swait.ge [sflag:s8], $0x3E80  }
0x220: {  	[sflag:s8] =	ssyncset.done $0x0  }
0x221: {  	[sflag:s8] =	ssyncadd.s32 $0xFFFFC180  }
0x222: {  	[spmem:s3] =	stream.indirect.scatter.add.f32 [tilespmem:s6], [sflag:$0x3], $0x80, s18, s31, $0xb8;
	[tilespmem:$0x1E000] =	vst v63  }
0x223: {  	_ =	swait.ge [sflag:s29], $0x3E80  }
0x224: {  	[sflag:s29] =	ssyncset.done $0x0  }
0x225: {  	[sflag:s29] =	ssyncadd.s32 $0xFFFFC180  }
0x226: {  	_ =	swait.ge [sflag:s0], $0x3E80  }
0x227: {  	[sflag:s0] =	ssyncset.done $0x0  }
0x228: {  	[sflag:s0] =	ssyncadd.s32 $0xFFFFC180  }
0x229: {  	[tilespmem:s6], [sflag:$0x2] =	stream.indirect.gather [hbm4b:s1+s31], $0x80, s19, s31, $0xb8;
	[tilespmem:$0x1E000] =	vst v63  }
0x22a: {  	_ = 	snop  }
0x22b: {  	[spmem:s3] =	stream.indirect.scatter.add.f32 [tilespmem:s2], [sflag:$0x3], $0x80, s20, s31, $0xb8;
	[tilespmem:$0x1E000] =	vst v63  }
0x22c: {  	_ =	swait.ge [sflag:s29], $0x3E80  }
0x22d: {  	[sflag:s29] =	ssyncset.done $0x0  }
0x22e: {  	[sflag:s29] =	ssyncadd.s32 $0xFFFFC180  }
0x22f: {  	[tilespmem:s2], [sflag:$0x1] =	stream.indirect.gather [hbm4b:s1+s31], $0x80, s21, s31, $0xb8;
	[tilespmem:$0x1E000] =	vst v63  }
0x230: {  	_ =	swait.ge [sflag:s8], $0x3E80  }
0x231: {  	[sflag:s8] =	ssyncset.done $0x0  }
0x232: {  	[sflag:s8] =	ssyncadd.s32 $0xFFFFC180  }
0x233: {  	[spmem:s3] =	stream.indirect.scatter.add.f32 [tilespmem:s6], [sflag:$0x3], $0x80, s22, s31, $0xb8;
	[tilespmem:$0x1E000] =	vst v63  }
0x234: {  	_ =	swait.ge [sflag:s29], $0x3E80  }
0x235: {  	[sflag:s29] =	ssyncset.done $0x0  }
0x236: {  	[sflag:s29] =	ssyncadd.s32 $0xFFFFC180  }
0x237: {  	_ =	swait.ge [sflag:s0], $0x3E80  }
0x238: {  	[sflag:s0] =	ssyncset.done $0x0  }
0x239: {  	[sflag:s0] =	ssyncadd.s32 $0xFFFFC180  }
0x23a: {  	[tilespmem:s6], [sflag:$0x2] =	stream.indirect.gather [hbm4b:s1+s31], $0x80, s23, s31, $0xb8;
	[tilespmem:$0x1E000] =	vst v63  }
0x23b: {  	_ = 	snop  }
0x23c: {  	[spmem:s3] =	stream.indirect.scatter.add.f32 [tilespmem:s2], [sflag:$0x3], $0x80, s25, s31, $0xb8;
	[tilespmem:$0x1E000] =	vst v63  }
0x23d: {  	_ =	swait.ge [sflag:s29], $0x3E80  }
0x23e: {  	[sflag:s29] =	ssyncset.done $0x0  }
0x23f: {  	[sflag:s29] =	ssyncadd.s32 $0xFFFFC180  }
0x240: {  	_ =	swait.ge [sflag:s8], $0x3E80  }
0x241: {  	[sflag:s8] =	ssyncset.done $0x0  }
0x242: {  	[sflag:s8] =	ssyncadd.s32 $0xFFFFC180  }
0x243: {  	[spmem:s3] =	stream.indirect.scatter.add.f32 [tilespmem:s6], [sflag:$0x3], $0x80, s26, s31, $0xb8;
	[tilespmem:$0x1E000] =	vst v63  }
0x244: {  	_ =	swait.ge [sflag:s29], $0x3E80  }
0x245: {  	[sflag:s29] =	ssyncset.done $0x0  }
0x246: {  	[sflag:s29] =	ssyncadd.s32 $0xFFFFC180  }
0x247: {  	s9 =	stileid.u32;
	[bflag:$0x0] =	sbarrier.arrive $0xFFFF  }
0x248: {  	s5 =	sshll.u32 s9, $0x6;
	s10 =	rddreg [dreg:$0x13]  }
0x249: {  	s7 =	sadd.s32 $0x0, s24;
	s5 =	sor.u32 $0x1C03, s5;
	s9 =	sshrl.u32 s10, $0x3  }
0x24a: {  	[hbm:s7], [sflag:s5] =	dma.local [spmem:s9], $0x200  }
0x24b: {  	_ =	swait.ge [sflag:s29], $0x200  }
0x24c: {  	s7 =	simm.s32 $0x200;
	s28 =	rddreg [dreg:$0x15]  }
.LBB2_6:
0x24d: {  	s9 =	sadd.s32 s7, s24;
	[sflag:s29] =	ssyncset.done $0x0;
	p0 =	sne.s32 s7, $0x2600  }
.Ltmp2:
0x24e: {  	s10 =	sshrl.u32 s28, $0x3;
	[sflag:s29] =	ssyncadd.s32 $0xFFFFFE00;
	(pc) =	sbr.rel @p0 .LBB2_6-.Ltmp2, $3  }
0x24f: {  	[hbm:s9], [sflag:s5] =	dma.local [spmem:s10], $0x200  }
0x250: {  	s7 =	sadd.s32 $0x200, s7;
	_ =	sdelay $0x1  }
0x251: {  	s28 =	sadd.s32 $0x1000, s28;
	_ =	swait.ge [sflag:s29], $0x200  }
0x252: {  	s7 =	sld [smem:$0x7F5];
	_ =	sdelay $0x2  }
0x253: {  	s5 =	rddreg [dreg:$0x14];
	s7 =	sadd.s32 $0x1, s7  }
0x254: {  	p0 =	sne.s32 s7, s5  }
.Ltmp3:
0x255: {  	_ = 	snop;
	(pc) =	sbr.rel @p0 .LBB2_1-.Ltmp3, $3  }
0x256: {  	_ =	sdelay $0x1  }
0x257: {  	[sflag:s29] =	ssyncset.done $0x0;
	s28 =	rddreg [dreg:$0x13]  }
0x258: {  	s9 =	simm.s32 $0x400;
	s10 =	simm.s32 $0xB80;
	[sflag:s29] =	ssyncadd.s32 $0xFFFFFE00  }
0x259: {  	_ =	sfence.sel $0x180000  }
0x25a: {  	[bflag:$0x0] =	sbarrier.arrive $0xFFFF  }
0x25b: {  	_ =	strace $0x90000047  }
0x25c: {  	s0 =	stileid.u32;
	[bflag:$0x2] =	sbarrier.arrive $0xFFFF  }
0x25d: {  	p0 =	sne.s32 s0, $0x0;
	s0 =	rddreg [dreg:$0x3]  }
0x25e: {  	s0 =	sadd.s32 @!p0 $0x100000, s0  }
0x25f: {  	[sflag:s0] =	ssyncadd.tile.s32 @!p0 $0x1;
	_ =	shalt  }
.Lfunc_end2:
_tile_overlayer_lowered:
.L_overlay_start_2:
0x260: {  	(tag) =	ssettag $0x2  }
0x261: {  	s0 =	rddreg [dreg:$0x0];
	s2 =	stileid.u32  }
0x262: {  	s1 =	rddreg [dreg:$0x1];
	p0 =	sne.s32 s2, $0x0  }
0x263: {  	s3 =	rddreg [dreg:$0x2];
	[bflag:$0x3] =	sbarrier.arrive $0xFFFF;
	s2 =	simm.s32 @!p0 $0x1C03  }
0x264: {  	[timem:s3], [sflag:s2] =	dma.local @!p0 [hbm:s0], s1  }
0x265: {  	s0 =	simm.s32 @!p0 $0x3  }
0x266: {  	_ =	swait.ge @!p0 [sflag:s0], s1  }
0x267: {  	s1 =	ssub.s32 @!p0 $0x0, s1;
	[sflag:s0] =	ssyncset.done @!p0 $0x0  }
0x268: {  	[sflag:s0] =	ssyncadd.s32 @!p0 s1  }
0x269: {  	[bflag:$0x3] =	sbarrier.arrive $0xFFFF  }
0x26a: {  	_ =	shalt  }

// kernel: kernel.16.cloned.1.call-start
scs
__scs_entry_jumppad:
0x0: {  	(pc) =	sbr.rel $0x88, $3  }
0x1: {  	(tag) =	ssettag $0x0;
	lr =	simm.s32 $0x1  }
0x2: {  	[smem:$0x3F90] =	sst lr;
	_ =	strace $0xD0000000  }
0x3: {  	_ = 	snop  }
0x4: {  	_ = 	snop  }
0x5: {  	_ = 	snop  }
0x6: {  	_ = 	snop  }
0x7: {  	_ = 	snop  }
__scs_overlays_trampoline_lowered:
0x8: {  	[smem:$0x3F9F] =	sst s0  }
0x9: {  	[smem:$0x3FA0] =	sst s1  }
0xa: {  	[smem:$0x3FA1] =	sst s2  }
0xb: {  	[smem:$0x3FA2] =	sst s3  }
0xc: {  	[smem:$0x3FA3] =	sst s4  }
0xd: {  	[smem:$0x3FA4] =	sst s5  }
0xe: {  	[smem:$0x3FA5] =	sst s6  }
0xf: {  	[smem:$0x3FA6] =	sst s7  }
0x10: {  	[smem:$0x3FA7] =	sst s8  }
0x11: {  	[smem:$0x3FA8] =	sst s9;
	s0 =	simm.s32 @!p0 $0x0  }
0x12: {  	s1 =	sld [smem:$0x3F8E];
	s0 =	simm.s32 @p0 $0x1  }
0x13: {  	[smem:$0x3FA9] =	sst s0;
	s0 =	simm.s32 @!p1 $0x0  }
0x14: {  	s2 =	sld [smem:$0x3F8D];
	s0 =	simm.s32 @p1 $0x1  }
0x15: {  	[smem:$0x3FAA] =	sst s0;
	s0 =	simm.s32 @!p2 $0x0  }
0x16: {  	s3 =	sld [smem:$0x3FDB];
	s0 =	simm.s32 @p2 $0x1  }
0x17: {  	s4 =	simm.s32 $0x1BF5;
	[smem:$0x3FAC] =	sst s0  }
0x18: {  	s0 =	sld [smem:$0x3F8F];
	_ =	swait.ge [sflag:s4], $0x0  }
0x19: {  	s7 =	sld [smem:$0x3F90]  }
0x1a: {  	s8 =	sadd.s32 $0xFFFFE003, lr  }
0x1b: {  	s9 =	sadd.s32 $0xFFFFFEF7, lr;
	s5 =	simm.s32 $0xFFFFFFFF;
	p2 =	slt.u32 s8, $0xFFFFF086  }
0x1c: {  	p1 =	slt.u32 s9, $0xF7A;
	s5 =	simm.s32 @!p2 $0x0  }
0x1d: {  	s5 =	simm.s32 @p1 $0x1;
	p0 =	seq.s32 s7, s2  }
0x1e: {  	s7 =	smul.u32 @!p0 $0xF7A, s2;
	p2 =	seq.s32 @!p0 s5, $0x0  }
0x1f: {  	s9 =	smul.u32 $0xF7A, s1;
	s8 =	simm.s32 @!p0 $0x1BF5;
	p2 =	por !p2, p0  }
0x20: {  	[sflag:s8] =	ssyncset.s32 @!p0 $0xFFFFF086;
	s6 =	sadd.s32 @!p0 s3, s7;
	s7 =	simm.s32 @!p0 $0x108  }
0x21: {  	s3 =	sadd.s32 s3, s9;
	s6 =	sadd.s32 @!p0 $0x88, s6;
	s7 =	simm.s32 @p2 $0x1082  }
0x22: {  	[simem:s7], [sflag:s8] =	dma.local @!p0 [hbm:s6], $0xF7A  }
0x23: {  	s9 =	sor.u32 $0xD0000000, s2;
	s6 =	simm.s32 $0x108;
	_ =	swait.ge @!p0 [sflag:s8], $0x0  }
0x24: {  	s3 =	sadd.s32 $0x88, s3;
	s6 =	simm.s32 @!p1 $0x1082;
	[sflag:s4] =	ssyncset.s32 $0xFFFFF086  }
0x25: {  	[simem:s6], [sflag:s4] =	dma.local [hbm:s3], $0xF7A  }
0x26: {  	[smem:$0x3F90] =	sst s1;
	(tag) =	ssettag s2;
	_ =	strace s9  }
0x27: {  	s1 =	sld [smem:$0x3FA0]  }
0x28: {  	s2 =	sld [smem:$0x3FA1]  }
0x29: {  	s4 =	sld [smem:$0x3FA3]  }
0x2a: {  	p0 =	seq.s32 s5, $0x0;
	s5 =	sld [smem:$0x3FA4]  }
0x2b: {  	s6 =	sld [smem:$0x3FA5]  }
0x2c: {  	s7 =	sld [smem:$0x3FA6]  }
0x2d: {  	s3 =	simm.s32 $0x108;
	s8 =	sld [smem:$0x3FA7]  }
0x2e: {  	s3 =	simm.s32 @!p0 $0x1082;
	s9 =	sld [smem:$0x3FA8]  }
0x2f: {  	lr =	sadd.s32 s0, s3;
	s0 =	sld [smem:$0x3F9F]  }
0x30: {  	s3 =	sld [smem:$0x3FA2]  }
0x31: {  	[smem:$0x3FAB] =	sst s10  }
0x32: {  	s10 =	sld [smem:$0x3FA9];
	_ =	sdelay $0x3  }
0x33: {  	p0 =	seq.s32 s10, $0x1;
	s10 =	sld [smem:$0x3FAB];
	_ =	sdelay $0x3  }
0x34: {  	[smem:$0x3FAB] =	sst s10  }
0x35: {  	s10 =	sld [smem:$0x3FAA];
	_ =	sdelay $0x3  }
0x36: {  	p1 =	seq.s32 s10, $0x1;
	s10 =	sld [smem:$0x3FAB];
	_ =	sdelay $0x3  }
0x37: {  	[smem:$0x3FAB] =	sst s10  }
0x38: {  	s10 =	sld [smem:$0x3FAC]  }
0x39: {  	_ = 	snop;
	(pc) =	sbr.ind lr, $3  }
0x3a: {  	_ = 	snop  }
0x3b: {  	_ = 	snop  }
0x3c: {  	p2 =	seq.s32 s10, $0x1;
	s10 =	sld [smem:$0x3FAB]  }
0x3d: {  	_ =	shalt  }
0x3e: {  	_ =	shalt  }
0x3f: {  	_ =	shalt  }
0x40: {  	_ =	shalt  }
0x41: {  	_ =	shalt  }
0x42: {  	_ =	shalt  }
0x43: {  	_ =	shalt  }
0x44: {  	_ =	shalt  }
0x45: {  	_ =	shalt  }
0x46: {  	_ =	shalt  }
0x47: {  	_ =	shalt  }
0x48: {  	_ =	shalt  }
0x49: {  	_ =	shalt  }
0x4a: {  	_ =	shalt  }
0x4b: {  	_ =	shalt  }
0x4c: {  	_ =	shalt  }
0x4d: {  	_ =	shalt  }
0x4e: {  	_ =	shalt  }
0x4f: {  	_ =	shalt  }
0x50: {  	_ =	shalt  }
0x51: {  	_ =	shalt  }
0x52: {  	_ =	shalt  }
0x53: {  	_ =	shalt  }
0x54: {  	_ =	shalt  }
0x55: {  	_ =	shalt  }
0x56: {  	_ =	shalt  }
0x57: {  	_ =	shalt  }
0x58: {  	_ =	shalt  }
0x59: {  	_ =	shalt  }
0x5a: {  	_ =	shalt  }
0x5b: {  	_ =	shalt  }
0x5c: {  	_ =	shalt  }
0x5d: {  	_ =	shalt  }
0x5e: {  	_ =	shalt  }
0x5f: {  	_ =	shalt  }
0x60: {  	_ =	shalt  }
0x61: {  	_ =	shalt  }
0x62: {  	_ =	shalt  }
0x63: {  	_ =	shalt  }
0x64: {  	_ =	shalt  }
0x65: {  	_ =	shalt  }
0x66: {  	_ =	shalt  }
0x67: {  	_ =	shalt  }
0x68: {  	_ =	shalt  }
0x69: {  	_ =	shalt  }
0x6a: {  	_ =	shalt  }
0x6b: {  	_ =	shalt  }
0x6c: {  	_ =	shalt  }
0x6d: {  	_ =	shalt  }
0x6e: {  	_ =	shalt  }
0x6f: {  	_ =	shalt  }
0x70: {  	_ =	shalt  }
0x71: {  	_ =	shalt  }
0x72: {  	_ =	shalt  }
0x73: {  	_ =	shalt  }
0x74: {  	_ =	shalt  }
0x75: {  	_ =	shalt  }
0x76: {  	_ =	shalt  }
0x77: {  	_ =	shalt  }
0x78: {  	_ =	shalt  }
0x79: {  	_ =	shalt  }
0x7a: {  	_ =	shalt  }
0x7b: {  	_ =	shalt  }
0x7c: {  	_ =	shalt  }
0x7d: {  	_ =	shalt  }
0x7e: {  	_ =	shalt  }
0x7f: {  	_ =	shalt  }
0x80: {  	_ =	shalt  }
0x81: {  	_ =	shalt  }
0x82: {  	_ =	shalt  }
0x83: {  	_ =	shalt  }
0x84: {  	_ =	shalt  }
0x85: {  	_ =	shalt  }
0x86: {  	_ =	shalt  }
0x87: {  	_ =	shalt  }
.Lfunc_end0:
.L_simem_size_0:
called_computation.1_lowered:
.L_overlay_start_0:
0x88: {  	s2 =	sld [smem:$0x3FD9]  }
0x89: {  	s3 =	sld [smem:$0x3FFE];
	_ =	sdelay $0x1  }
0x8a: {  	s1 =	srdreg.scid  }
0x8b: {  	s0 =	sand.u32 $0x1, s1  }
0x8c: {  	s16 =	sshll.u32 s0, $0xA;
	s2 =	sadd.s32 s3, s2  }
0x8d: {  	s2 =	sadd.s32 s2, s16  }
0x8e: {  	[smem:$0x3FB7] =	sst s2  }
0x8f: {  	_ = 	snop  }
0x90: {  	(tm) =	ssettm $0x1  }
0x91: {  	s17 =	sld [smem:$0x3FFB];
	_ =	sdelay $0x3  }
0x92: {  	_ =	strace s17  }
0x93: {  	s2 =	sld [smem:$0x3FFC];
	_ =	sdelay $0x3  }
0x94: {  	_ =	strace s2  }
0x95: {  	s2 =	sld [smem:$0x3FFD];
	_ =	sdelay $0x3  }
0x96: {  	_ =	strace s2  }
0x97: {  	_ =	strace $0x8FFFFFFF  }
0x98: {  	s18 =	sld [smem:$0x3FDB];
	_ =	sdelay $0x1  }
0x99: {  	s19 =	simm.s32 $_scs_section_size  }
0x9a: {  	s4 =	simm.s32 $_size__tile_overlayer_lowered;
	s5 =	simm.s32 $_tile_overlayer_lowered  }
0x9b: {  	s22 =	simm.s32 $0x1BFF;
	s21 =	sshll.u32 s5, $0x1;
	s2 =	sadd.s32 s19, s18  }
0x9c: {  	s6 =	simm.s32 $0x0;
	s20 =	sshll.u32 s4, $0x1;
	s4 =	sadd.s32 s21, s2  }
0x9d: {  	[timem:s6], [sflag:s22] =	dma.local [hbm:s4], s20  }
0x9e: {  	_ =	swait.ge [sflag:s22], s20  }
0x9f: {  	s3 =	ssub.s32 $0x0, s20;
	[sflag:s22] =	ssyncset.done $0x0  }
0xa0: {  	[sflag:s22] =	ssyncadd.s32 s3;
	_ =	sdelay $0x1  }
0xa1: {  	s23 =	simm.s32 $0x1B8B  }
0xa2: {  	_ =	swait.ge [sflag:s23], $0x1  }
0xa3: {  	[sflag:s23] =	ssyncset.done $0x0  }
0xa4: {  	s25 =	simm.s32 $0x1B8E;
	s24 =	sld [smem:$0x3FFE];
	[sflag:s23] =	ssyncadd.s32 $0xFFFFFFFF  }
0xa5: {  	s26 =	simm.s32 $execute0_lowered;
	[smem:$0x3FD2] =	sst s25  }
0xa6: {  	s4 =	sshll.u32 s26, $0x1;
	_ =	strace $0x80000049;
	[dreg:$0x1] =	wrdreg $0xFFFFFFFF  }
0xa7: {  	s28 =	simm.s32 $_size_execute0_lowered;
	s2 =	sadd.s32 s2, s4;
	[dreg:$0x0] =	wrdreg $0x0  }
0xa8: {  	s4 =	sshll.u32 s28, $0x1;
	[dreg:$0x2] =	wrdreg s2  }
0xa9: {  	[dreg:$0x3] =	wrdreg s4  }
0xaa: {  	[dreg:$0x4] =	wrdreg $0xC0  }
0xab: {  	_ =	task [dreg:s6], $0x5FFFF  }
0xac: {  	[dreg:$0x1] =	wrdreg $0xFFFFFFFF  }
0xad: {  	[dreg:$0x0] =	wrdreg $0x60  }
0xae: {  	[dreg:$0x2] =	wrdreg s24  }
0xaf: {  	[dreg:$0x3] =	wrdreg $0xA0000  }
0xb0: {  	[dreg:$0x4] =	wrdreg $0x9  }
0xb1: {  	_ =	task.clear_ibuf [dreg:s6], $0x5FFFF;
	_ =	strace $0x90000049  }
0xb2: {  	s29 =	simm.s32 $0x9;
	_ =	strace $0x8000004B  }
0xb3: {  	_ =	swait.ge [sflag:s29], $0x1  }
0xb4: {  	[sflag:s29] =	ssyncadd.s32 $0xFFFFFFFF  }
0xb5: {  	_ =	strace $0x9000004B  }
0xb6: {  	_ =	sfence  }
0xb7: {  	s30 =	sld [smem:$0x0];
	_ =	sdelay $0x2  }
0xb8: {  	s31 =	sshll.u32 s1, $0xD;
	s1 =	sshrl.u32 s1, $0x2  }
0xb9: {  	s3 =	sand.u32 $0x4000, s31;
	s1 =	sadd.s32 s1, s30  }
0xba: {  	s0 =	sor.u32 s3, s0;
	s1 =	sshll.u32 s1, $0x11  }
0xbb: {  	s0 =	sor.u32 s1, s0  }
0xbc: {  	s0 =	sadd.s32 $0x8F2B, s0  }
0xbd: {  	[sflag:s0] =	ssyncadd.remote.s32 $0x1  }
0xbe: {  	_ =	sfence.sel $0xFFFF  }
0xbf: {  	[dreg:$0x0] =	wrdreg $0xFFFFFFFF;
	(pc) =	sbr.abs _section_cstart, $3  }
0xc0: {  	[dreg:$0x1] =	wrdreg $0xFFFFFFFF  }
0xc1: {  	_ =	task.clear_ibuf [dreg:s6], $0x2FFFF;
	_ =	strace $0x9FFFFFFF  }
0xc2: {  	(tm) =	ssettm $0x7FFFFFFF  }
0xc3: {  	_ =	shalt  }
tec
execute0_lowered:
.L_overlay_start_1:
0x0: {  	(tag) =	ssettag $0x1  }
0x1: {  	s0 =	rddreg [dreg:$0x0];
	s1 =	srdreg.scid  }
0x2: {  	s9 =	stileid.u32;
	s2 =	rddreg [dreg:$0x1];
	s3 =	simm.s32 $0x0  }
0x3: {  	s17 =	simm.s32 $0x80;
	s19 =	simm.s32 $0x100;
	[smem:$0x7FF] =	sst s3  }
0x4: {  	s21 =	simm.s32 $0x880;
	_ =	strace $0x8000004A;
	[dreg:$0x5] =	wrdreg s17  }
0x5: {  	s23 =	simm.s32 $0x180;
	s25 =	simm.s32 $0x900;
	[dreg:$0x6] =	wrdreg s19  }
0x6: {  	s11 =	simm.s32 $0x280;
	s1 =	sand.u32 $0x1, s1;
	[dreg:$0x7] =	wrdreg s21  }
0x7: {  	s4 =	sshll.u32 s9, $0x1;
	s7 =	smul.u32 $0x50000, s9;
	[dreg:$0x8] =	wrdreg s23  }
0x8: {  	s4 =	sor.u32 s1, s4;
	s6 =	smul.u32 $0x28000, s1;
	[dreg:$0x9] =	wrdreg s25  }
0x9: {  	s1 =	ssub.s32 $0x2, s1;
	[dreg:$0xc] =	wrdreg s11;
	s17 =	simm.s32 $0xA80  }
0xa: {  	s19 =	simm.s32 $0x380;
	s21 =	simm.s32 $0xB00;
	[dreg:$0xf] =	wrdreg s17  }
0xb: {  	s13 =	sshrl.u32 s1, $0x1;
	s7 =	sshrl.u32 s7, $0x2;
	[dreg:$0x10] =	wrdreg s19  }
0xc: {  	[dreg:$0x11] =	wrdreg s21;
	s1 =	ssub.s32 s1, s13;
	s13 =	simm.s32 $0xA00  }
0xd: {  	s28 =	sadd.s32 s7, s2;
	[dreg:$0xd] =	wrdreg s13  }
0xe: {  	s1 =	smax.u32 s1, $0x1;
	[dreg:$0x12] =	wrdreg s28  }
0xf: {  	s29 =	simm.s32 $0x3;
	s14 =	sadd.s32 $0x1000, s28;
	[dreg:$0x13] =	wrdreg s1  }
0x10: {  	s30 =	simm.s32 $0x800;
	s15 =	sadd.s32 $0x2000, s28;
	[dreg:$0x14] =	wrdreg s14  }
0x11: {  	s31 =	simm.s32 $0x7D;
	s16 =	sadd.s32 $0x3000, s28;
	[dreg:$0x15] =	wrdreg s15  }
0x12: {  	s11 =	simm.s32 $0x480;
	s18 =	sadd.s32 $0x4000, s28;
	[dreg:$0x16] =	wrdreg s16  }
0x13: {  	s5 =	smul.u32 $0x500, s4;
	s20 =	sadd.s32 $0x5000, s28;
	[dreg:$0x17] =	wrdreg s18  }
0x14: {  	s4 =	sadd.s32 $0x2C600, s0;
	s22 =	sadd.s32 $0x6000, s28;
	[dreg:$0x18] =	wrdreg s20  }
0x15: {  	s17 =	simm.s32 $0x600;
	s24 =	sadd.s32 $0x7000, s28;
	[dreg:$0x19] =	wrdreg s22  }
0x16: {  	s19 =	simm.s32 $0x680;
	s26 =	sadd.s32 $0x8000, s28;
	[dreg:$0x1a] =	wrdreg s24  }
0x17: {  	s5 =	sadd.s32 s5, s0;
	s7 =	sadd.s32 $0x9000, s28;
	[dreg:$0x1b] =	wrdreg s26  }
0x18: {  	s0 =	sadd.s32 s6, s0;
	s6 =	simm.s32 $0x200;
	[dreg:$0x1c] =	wrdreg s7  }
0x19: {  	s21 =	simm.s32 $0x700;
	s10 =	sadd.s32 $0xA000, s28;
	[dreg:$0xa] =	wrdreg s6  }
0x1a: {  	s12 =	sadd.s32 $0xB000, s28;
	s23 =	sadd.s32 $0x10000, s28;
	[dreg:$0x1d] =	wrdreg s10  }
0x1b: {  	s25 =	sadd.s32 $0x12000, s28;
	s13 =	simm.s32 $0x500;
	[dreg:$0x1e] =	wrdreg s12  }
0x1c: {  	s8 =	sadd.s32 $0x18600, s5;
	s5 =	sadd.s32 $0x22600, s5;
	[smem:$0x7FA] =	sst s23  }
0x1d: {  	s0 =	sadd.s32 $0x53800, s0;
	s14 =	sadd.s32 $0xC000, s28;
	[smem:$0x7FC] =	sst s25  }
0x1e: {  	s15 =	simm.s32 $0x300;
	s16 =	sadd.s32 $0xD000, s28;
	[dreg:$0x3] =	wrdreg s8  }
0x1f: {  	s18 =	sadd.s32 $0xE000, s28;
	s20 =	smul.u32 $0x2800, s9;
	[dreg:$0x4] =	wrdreg s5  }
0x20: {  	s22 =	sadd.s32 $0xF000, s28;
	s24 =	sadd.s32 $0x11000, s28;
	[dreg:$0x1f] =	wrdreg s14  }
0x21: {  	s26 =	sadd.s32 $0x13000, s28;
	s1 =	simm.s32 $0x1000;
	[smem:$0x7F7] =	sst s16  }
0x22: {  	s6 =	simm.s32 $0x5000;
	s9 =	simm.s32 $0x400;
	[dreg:$0xe] =	wrdreg s15  }
0x23: {  	s10 =	simm.s32 $0xB80;
	s12 =	simm.s32 $0xC00;
	[smem:$0x7F8] =	sst s18  }
0x24: {  	s23 =	simm.s32 $0x780;
	s25 =	simm.s32 $0xF00;
	[smem:$0x7F9] =	sst s22  }
0x25: {  	s7 =	simm.s32 $0x0;
	s8 =	simm.s32 $0x980;
	[smem:$0x7FB] =	sst s24  }
0x26: {  	[smem:$0x7FD] =	sst s26;
	s14 =	simm.s32 $0xC80;
	s15 =	simm.s32 $0x580  }
0x27: {  	s16 =	simm.s32 $0xD00;
	s18 =	simm.s32 $0xD80;
	s22 =	simm.s32 $0xE80  }
0x28: {  	s26 =	simm.s32 $0xF80;
	[dreg:$0xb] =	wrdreg s8;
	s24 =	sadd.s32 s0, s20  }
0x29: {  	v0 =	vimm.f32 $0.0e+00;
	s0 =	simm.s32 $0x1;
	s8 =	simm.s32 $0x2;
	s20 =	simm.s32 $0xE00  }
.LBB2_1:
0x2a: {  	[smem:$0x7F6] =	sst s7;
	s5 =	simm.s32 $0x0;
	s7 =	simm.s32 $0x200  }
.LBB2_2:
0x2b: {  	p0 =	sne.s32 s7, $0x3E00;
	[tilespmem:s5+$0x9070] =	vst v0  }
0x2c: {  	[tilespmem:s5+$0x9000] =	vst v0  }
0x2d: {  	[tilespmem:s5+$0x9010] =	vst v0  }
.Ltmp0:
0x2e: {  	[tilespmem:s5+$0x9020] =	vst v0;
	(pc) =	sbr.rel @p0 .LBB2_2-.Ltmp0, $4  }
0x2f: {  	[tilespmem:s5+$0x9030] =	vst v0  }
0x30: {  	[tilespmem:s5+$0x9040] =	vst v0  }
0x31: {  	[tilespmem:s5+$0x9050] =	vst v0  }
0x32: {  	[tilespmem:s5+$0x9060] =	vst v0;
	s5 =	sshra.s32 s7, $0x2;
	s7 =	sadd.s32 $0x200, s7  }
0x33: {  	[tilespmem:s5+$0x9070] =	vst v0  }
0x34: {  	[tilespmem:s5+$0x9000] =	vst v0  }
0x35: {  	[tilespmem:s5+$0x9010] =	vst v0  }
0x36: {  	[tilespmem:s5+$0x9020] =	vst v0  }
0x37: {  	[tilespmem:s5+$0x9030] =	vst v0  }
0x38: {  	[tilespmem:s5+$0x9040] =	vst v0  }
0x39: {  	[tilespmem:s5+$0x9050] =	vst v0  }
0x3a: {  	[tilespmem:s5+$0x9060] =	vst v0;
	s7 =	simm.s32 $0x9000  }
0x3b: {  	[spmem:s28] =	stream.linear.scatter [tilespmem:s7], [sflag:$0x3], $0x1000, $0x38;
	[tilespmem:$0x1E000] =	vst v63  }
0x3c: {  	_ =	swait.ge [sflag:s29], $0x1000  }
0x3d: {  	[sflag:s29] =	ssyncset.done $0x0  }
0x3e: {  	s5 =	rddreg [dreg:$0x14];
	[sflag:s29] =	ssyncadd.s32 $0xFFFFF000  }
0x3f: {  	[spmem:s5] =	stream.linear.scatter [tilespmem:s7], [sflag:$0x3], $0x1000, $0x38;
	[tilespmem:$0x1E000] =	vst v63  }
0x40: {  	_ =	swait.ge [sflag:s29], $0x1000  }
0x41: {  	[sflag:s29] =	ssyncset.done $0x0  }
0x42: {  	s5 =	rddreg [dreg:$0x15];
	[sflag:s29] =	ssyncadd.s32 $0xFFFFF000  }
0x43: {  	[spmem:s5] =	stream.linear.scatter [tilespmem:s7], [sflag:$0x3], $0x1000, $0x38;
	[tilespmem:$0x1E000] =	vst v63  }
0x44: {  	_ =	swait.ge [sflag:s29], $0x1000  }
0x45: {  	[sflag:s29] =	ssyncset.done $0x0  }
0x46: {  	s5 =	rddreg [dreg:$0x16];
	[sflag:s29] =	ssyncadd.s32 $0xFFFFF000  }
0x47: {  	[spmem:s5] =	stream.linear.scatter [tilespmem:s7], [sflag:$0x3], $0x1000, $0x38;
	[tilespmem:$0x1E000] =	vst v63  }
0x48: {  	_ =	swait.ge [sflag:s29], $0x1000  }
0x49: {  	[sflag:s29] =	ssyncset.done $0x0  }
0x4a: {  	s5 =	rddreg [dreg:$0x17];
	[sflag:s29] =	ssyncadd.s32 $0xFFFFF000  }
0x4b: {  	[spmem:s5] =	stream.linear.scatter [tilespmem:s7], [sflag:$0x3], $0x1000, $0x38;
	[tilespmem:$0x1E000] =	vst v63  }
0x4c: {  	_ =	swait.ge [sflag:s29], $0x1000  }
0x4d: {  	[sflag:s29] =	ssyncset.done $0x0  }
0x4e: {  	s5 =	rddreg [dreg:$0x18];
	[sflag:s29] =	ssyncadd.s32 $0xFFFFF000  }
0x4f: {  	[spmem:s5] =	stream.linear.scatter [tilespmem:s7], [sflag:$0x3], $0x1000, $0x38;
	[tilespmem:$0x1E000] =	vst v63  }
0x50: {  	_ =	swait.ge [sflag:s29], $0x1000  }
0x51: {  	[sflag:s29] =	ssyncset.done $0x0  }
0x52: {  	s5 =	rddreg [dreg:$0x19];
	[sflag:s29] =	ssyncadd.s32 $0xFFFFF000  }
0x53: {  	[spmem:s5] =	stream.linear.scatter [tilespmem:s7], [sflag:$0x3], $0x1000, $0x38;
	[tilespmem:$0x1E000] =	vst v63  }
0x54: {  	_ =	swait.ge [sflag:s29], $0x1000  }
0x55: {  	[sflag:s29] =	ssyncset.done $0x0  }
0x56: {  	s5 =	rddreg [dreg:$0x1a];
	[sflag:s29] =	ssyncadd.s32 $0xFFFFF000  }
0x57: {  	[spmem:s5] =	stream.linear.scatter [tilespmem:s7], [sflag:$0x3], $0x1000, $0x38;
	[tilespmem:$0x1E000] =	vst v63  }
0x58: {  	_ =	swait.ge [sflag:s29], $0x1000  }
0x59: {  	[sflag:s29] =	ssyncset.done $0x0  }
0x5a: {  	s5 =	rddreg [dreg:$0x1b];
	[sflag:s29] =	ssyncadd.s32 $0xFFFFF000  }
0x5b: {  	[spmem:s5] =	stream.linear.scatter [tilespmem:s7], [sflag:$0x3], $0x1000, $0x38;
	[tilespmem:$0x1E000] =	vst v63  }
0x5c: {  	_ =	swait.ge [sflag:s29], $0x1000  }
0x5d: {  	[sflag:s29] =	ssyncset.done $0x0  }
0x5e: {  	s5 =	rddreg [dreg:$0x1c];
	[sflag:s29] =	ssyncadd.s32 $0xFFFFF000  }
0x5f: {  	[spmem:s5] =	stream.linear.scatter [tilespmem:s7], [sflag:$0x3], $0x1000, $0x38;
	[tilespmem:$0x1E000] =	vst v63  }
0x60: {  	_ =	swait.ge [sflag:s29], $0x1000  }
0x61: {  	[sflag:s29] =	ssyncset.done $0x0  }
0x62: {  	s5 =	rddreg [dreg:$0x1d];
	[sflag:s29] =	ssyncadd.s32 $0xFFFFF000  }
0x63: {  	[spmem:s5] =	stream.linear.scatter [tilespmem:s7], [sflag:$0x3], $0x1000, $0x38;
	[tilespmem:$0x1E000] =	vst v63  }
0x64: {  	_ =	swait.ge [sflag:s29], $0x1000  }
0x65: {  	[sflag:s29] =	ssyncset.done $0x0  }
0x66: {  	s5 =	rddreg [dreg:$0x1e];
	[sflag:s29] =	ssyncadd.s32 $0xFFFFF000  }
0x67: {  	[spmem:s5] =	stream.linear.scatter [tilespmem:s7], [sflag:$0x3], $0x1000, $0x38;
	[tilespmem:$0x1E000] =	vst v63  }
0x68: {  	_ =	swait.ge [sflag:s29], $0x1000  }
0x69: {  	[sflag:s29] =	ssyncset.done $0x0  }
0x6a: {  	s5 =	rddreg [dreg:$0x1f];
	[sflag:s29] =	ssyncadd.s32 $0xFFFFF000  }
0x6b: {  	[spmem:s5] =	stream.linear.scatter [tilespmem:s7], [sflag:$0x3], $0x1000, $0x38;
	[tilespmem:$0x1E000] =	vst v63  }
0x6c: {  	_ =	swait.ge [sflag:s29], $0x1000  }
0x6d: {  	s5 =	sld [smem:$0x7F7]  }
0x6e: {  	[sflag:s29] =	ssyncset.done $0x0  }
0x6f: {  	[sflag:s29] =	ssyncadd.s32 $0xFFFFF000  }
0x70: {  	[spmem:s5] =	stream.linear.scatter [tilespmem:s7], [sflag:$0x3], $0x1000, $0x38;
	[tilespmem:$0x1E000] =	vst v63  }
0x71: {  	_ =	swait.ge [sflag:s29], $0x1000  }
0x72: {  	s5 =	sld [smem:$0x7F8]  }
0x73: {  	[sflag:s29] =	ssyncset.done $0x0  }
0x74: {  	[sflag:s29] =	ssyncadd.s32 $0xFFFFF000  }
0x75: {  	[spmem:s5] =	stream.linear.scatter [tilespmem:s7], [sflag:$0x3], $0x1000, $0x38;
	[tilespmem:$0x1E000] =	vst v63  }
0x76: {  	_ =	swait.ge [sflag:s29], $0x1000  }
0x77: {  	s5 =	sld [smem:$0x7F9]  }
0x78: {  	[sflag:s29] =	ssyncset.done $0x0  }
0x79: {  	[sflag:s29] =	ssyncadd.s32 $0xFFFFF000  }
0x7a: {  	[spmem:s5] =	stream.linear.scatter [tilespmem:s7], [sflag:$0x3], $0x1000, $0x38;
	[tilespmem:$0x1E000] =	vst v63  }
0x7b: {  	_ =	swait.ge [sflag:s29], $0x1000  }
0x7c: {  	s5 =	sld [smem:$0x7FA]  }
0x7d: {  	[sflag:s29] =	ssyncset.done $0x0  }
0x7e: {  	[sflag:s29] =	ssyncadd.s32 $0xFFFFF000  }
0x7f: {  	[spmem:s5] =	stream.linear.scatter [tilespmem:s7], [sflag:$0x3], $0x1000, $0x38;
	[tilespmem:$0x1E000] =	vst v63  }
0x80: {  	_ =	swait.ge [sflag:s29], $0x1000  }
0x81: {  	s5 =	sld [smem:$0x7FB]  }
0x82: {  	[sflag:s29] =	ssyncset.done $0x0  }
0x83: {  	[sflag:s29] =	ssyncadd.s32 $0xFFFFF000  }
0x84: {  	[spmem:s5] =	stream.linear.scatter [tilespmem:s7], [sflag:$0x3], $0x1000, $0x38;
	[tilespmem:$0x1E000] =	vst v63  }
0x85: {  	_ =	swait.ge [sflag:s29], $0x1000  }
0x86: {  	s5 =	sld [smem:$0x7FC]  }
0x87: {  	[sflag:s29] =	ssyncset.done $0x0  }
0x88: {  	[sflag:s29] =	ssyncadd.s32 $0xFFFFF000  }
0x89: {  	[spmem:s5] =	stream.linear.scatter [tilespmem:s7], [sflag:$0x3], $0x1000, $0x38;
	[tilespmem:$0x1E000] =	vst v63  }
0x8a: {  	_ =	swait.ge [sflag:s29], $0x1000  }
0x8b: {  	s5 =	sld [smem:$0x7FD]  }
0x8c: {  	[sflag:s29] =	ssyncset.done $0x0  }
0x8d: {  	[sflag:s29] =	ssyncadd.s32 $0xFFFFF000  }
0x8e: {  	[spmem:s5] =	stream.linear.scatter [tilespmem:s7], [sflag:$0x3], $0x1000, $0x38;
	[tilespmem:$0x1E000] =	vst v63  }
0x8f: {  	_ =	swait.ge [sflag:s29], $0x1000  }
0x90: {  	[sflag:s29] =	ssyncset.done $0x0  }
0x91: {  	[sflag:s29] =	ssyncadd.s32 $0xFFFFF000  }
0x92: {  	[bflag:$0x0] =	sbarrier.arrive $0xFFFF  }
0x93: {  	s7 =	rddreg [dreg:$0x3]  }
0x94: {  	s5 =	sadd.s32 $0x0, s7  }
0x95: {  	[tilespmem:s3], [sflag:$0x3] =	stream.linear.gather [hbm4b:s5+s3], $0x800, $0x38;
	[tilespmem:$0x1E000] =	vst v63  }
0x96: {  	_ =	swait.ge [sflag:s29], $0x800  }
0x97: {  	s7 =	rddreg [dreg:$0x4];
	[sflag:s29] =	ssyncset.done $0x0  }
0x98: {  	[sflag:s29] =	ssyncadd.s32 $0xFFFFF800;
	s5 =	sadd.s32 $0x0, s7  }
0x99: {  	[tilespmem:s30], [sflag:$0x3] =	stream.linear.gather [hbm4b:s5+s3], $0x800, $0x38;
	[tilespmem:$0x1E000] =	vst v63  }
0x9a: {  	_ =	swait.ge [sflag:s29], $0x800  }
0x9b: {  	[sflag:s29] =	ssyncset.done $0x0  }
0x9c: {  	[sflag:s29] =	ssyncadd.s32 $0xFFFFF800  }
0x9d: {  	[tilespmem:s1], [sflag:$0x1] =	stream.indirect.gather [hbm4b:s4+s31], $0x80, s3, s31, $0xb8;
	[tilespmem:$0x1E000] =	vst v63  }
0x9e: {  	_ =	swait.ge [sflag:s0], $0x3E80  }
0x9f: {  	[sflag:s0] =	ssyncset.done $0x0  }
0xa0: {  	s7 =	rddreg [dreg:$0x5];
	[sflag:s0] =	ssyncadd.s32 $0xFFFFC180  }
0xa1: {  	[tilespmem:s6], [sflag:$0x2] =	stream.indirect.gather [hbm4b:s4+s31], $0x80, s7, s31, $0xb8;
	[tilespmem:$0x1E000] =	vst v63  }
0xa2: {  	_ = 	snop  }
0xa3: {  	[spmem:s2] =	stream.indirect.scatter.add.f32 [tilespmem:s1], [sflag:$0x3], $0x80, s30, s31, $0xb8;
	[tilespmem:$0x1E000] =	vst v63  }
0xa4: {  	_ =	swait.ge [sflag:s29], $0x3E80  }
0xa5: {  	[sflag:s29] =	ssyncset.done $0x0  }
0xa6: {  	s7 =	rddreg [dreg:$0x6];
	[sflag:s29] =	ssyncadd.s32 $0xFFFFC180  }
0xa7: {  	[tilespmem:s1], [sflag:$0x1] =	stream.indirect.gather [hbm4b:s4+s31], $0x80, s7, s31, $0xb8;
	[tilespmem:$0x1E000] =	vst v63  }
0xa8: {  	_ =	swait.ge [sflag:s8], $0x3E80  }
0xa9: {  	[sflag:s8] =	ssyncset.done $0x0  }
0xaa: {  	s7 =	rddreg [dreg:$0x7];
	[sflag:s8] =	ssyncadd.s32 $0xFFFFC180  }
0xab: {  	[spmem:s2] =	stream.indirect.scatter.add.f32 [tilespmem:s6], [sflag:$0x3], $0x80, s7, s31, $0xb8;
	[tilespmem:$0x1E000] =	vst v63  }
0xac: {  	_ =	swait.ge [sflag:s29], $0x3E80  }
0xad: {  	[sflag:s29] =	ssyncset.done $0x0  }
0xae: {  	[sflag:s29] =	ssyncadd.s32 $0xFFFFC180  }
0xaf: {  	_ =	swait.ge [sflag:s0], $0x3E80  }
0xb0: {  	[sflag:s0] =	ssyncset.done $0x0  }
0xb1: {  	s5 =	rddreg [dreg:$0x8];
	[sflag:s0] =	ssyncadd.s32 $0xFFFFC180  }
0xb2: {  	[tilespmem:s6], [sflag:$0x2] =	stream.indirect.gather [hbm4b:s4+s31], $0x80, s5, s31, $0xb8;
	[tilespmem:$0x1E000] =	vst v63  }
0xb3: {  	s7 =	rddreg [dreg:$0x9]  }
0xb4: {  	[spmem:s2] =	stream.indirect.scatter.add.f32 [tilespmem:s1], [sflag:$0x3], $0x80, s7, s31, $0xb8;
	[tilespmem:$0x1E000] =	vst v63  }
0xb5: {  	_ =	swait.ge [sflag:s29], $0x3E80  }
0xb6: {  	[sflag:s29] =	ssyncset.done $0x0  }
0xb7: {  	s7 =	rddreg [dreg:$0xa];
	[sflag:s29] =	ssyncadd.s32 $0xFFFFC180  }
0xb8: {  	[tilespmem:s1], [sflag:$0x1] =	stream.indirect.gather [hbm4b:s4+s31], $0x80, s7, s31, $0xb8;
	[tilespmem:$0x1E000] =	vst v63  }
0xb9: {  	_ =	swait.ge [sflag:s8], $0x3E80  }
0xba: {  	[sflag:s8] =	ssyncset.done $0x0  }
0xbb: {  	s7 =	rddreg [dreg:$0xb];
	[sflag:s8] =	ssyncadd.s32 $0xFFFFC180  }
0xbc: {  	[spmem:s2] =	stream.indirect.scatter.add.f32 [tilespmem:s6], [sflag:$0x3], $0x80, s7, s31, $0xb8;
	[tilespmem:$0x1E000] =	vst v63  }
0xbd: {  	_ =	swait.ge [sflag:s29], $0x3E80  }
0xbe: {  	[sflag:s29] =	ssyncset.done $0x0  }
0xbf: {  	[sflag:s29] =	ssyncadd.s32 $0xFFFFC180  }
0xc0: {  	_ =	swait.ge [sflag:s0], $0x3E80  }
0xc1: {  	[sflag:s0] =	ssyncset.done $0x0  }
0xc2: {  	s5 =	rddreg [dreg:$0xc];
	[sflag:s0] =	ssyncadd.s32 $0xFFFFC180  }
0xc3: {  	[tilespmem:s6], [sflag:$0x2] =	stream.indirect.gather [hbm4b:s4+s31], $0x80, s5, s31, $0xb8;
	[tilespmem:$0x1E000] =	vst v63  }
0xc4: {  	s7 =	rddreg [dreg:$0xd]  }
0xc5: {  	[spmem:s2] =	stream.indirect.scatter.add.f32 [tilespmem:s1], [sflag:$0x3], $0x80, s7, s31, $0xb8;
	[tilespmem:$0x1E000] =	vst v63  }
0xc6: {  	_ =	swait.ge [sflag:s29], $0x3E80  }
0xc7: {  	[sflag:s29] =	ssyncset.done $0x0  }
0xc8: {  	s7 =	rddreg [dreg:$0xe];
	[sflag:s29] =	ssyncadd.s32 $0xFFFFC180  }
0xc9: {  	[tilespmem:s1], [sflag:$0x1] =	stream.indirect.gather [hbm4b:s4+s31], $0x80, s7, s31, $0xb8;
	[tilespmem:$0x1E000] =	vst v63  }
0xca: {  	_ =	swait.ge [sflag:s8], $0x3E80  }
0xcb: {  	[sflag:s8] =	ssyncset.done $0x0  }
0xcc: {  	s7 =	rddreg [dreg:$0xf];
	[sflag:s8] =	ssyncadd.s32 $0xFFFFC180  }
0xcd: {  	[spmem:s2] =	stream.indirect.scatter.add.f32 [tilespmem:s6], [sflag:$0x3], $0x80, s7, s31, $0xb8;
	[tilespmem:$0x1E000] =	vst v63  }
0xce: {  	_ =	swait.ge [sflag:s29], $0x3E80  }
0xcf: {  	[sflag:s29] =	ssyncset.done $0x0  }
0xd0: {  	[sflag:s29] =	ssyncadd.s32 $0xFFFFC180  }
0xd1: {  	_ =	swait.ge [sflag:s0], $0x3E80  }
0xd2: {  	[sflag:s0] =	ssyncset.done $0x0  }
0xd3: {  	s5 =	rddreg [dreg:$0x10];
	[sflag:s0] =	ssyncadd.s32 $0xFFFFC180  }
0xd4: {  	[tilespmem:s6], [sflag:$0x2] =	stream.indirect.gather [hbm4b:s4+s31], $0x80, s5, s31, $0xb8;
	[tilespmem:$0x1E000] =	vst v63  }
0xd5: {  	s7 =	rddreg [dreg:$0x11]  }
0xd6: {  	[spmem:s2] =	stream.indirect.scatter.add.f32 [tilespmem:s1], [sflag:$0x3], $0x80, s7, s31, $0xb8;
	[tilespmem:$0x1E000] =	vst v63  }
0xd7: {  	_ =	swait.ge [sflag:s29], $0x3E80  }
0xd8: {  	[sflag:s29] =	ssyncset.done $0x0  }
0xd9: {  	[sflag:s29] =	ssyncadd.s32 $0xFFFFC180  }
0xda: {  	[tilespmem:s1], [sflag:$0x1] =	stream.indirect.gather [hbm4b:s4+s31], $0x80, s9, s31, $0xb8;
	[tilespmem:$0x1E000] =	vst v63  }
0xdb: {  	_ =	swait.ge [sflag:s8], $0x3E80  }
0xdc: {  	[sflag:s8] =	ssyncset.done $0x0  }
0xdd: {  	[sflag:s8] =	ssyncadd.s32 $0xFFFFC180  }
0xde: {  	[spmem:s2] =	stream.indirect.scatter.add.f32 [tilespmem:s6], [sflag:$0x3], $0x80, s10, s31, $0xb8;
	[tilespmem:$0x1E000] =	vst v63  }
0xdf: {  	_ =	swait.ge [sflag:s29], $0x3E80  }
0xe0: {  	[sflag:s29] =	ssyncset.done $0x0  }
0xe1: {  	[sflag:s29] =	ssyncadd.s32 $0xFFFFC180  }
0xe2: {  	_ =	swait.ge [sflag:s0], $0x3E80  }
0xe3: {  	[sflag:s0] =	ssyncset.done $0x0  }
0xe4: {  	[sflag:s0] =	ssyncadd.s32 $0xFFFFC180  }
0xe5: {  	[tilespmem:s6], [sflag:$0x2] =	stream.indirect.gather [hbm4b:s4+s31], $0x80, s11, s31, $0xb8;
	[tilespmem:$0x1E000] =	vst v63  }
0xe6: {  	_ = 	snop  }
0xe7: {  	[spmem:s2] =	stream.indirect.scatter.add.f32 [tilespmem:s1], [sflag:$0x3], $0x80, s12, s31, $0xb8;
	[tilespmem:$0x1E000] =	vst v63  }
0xe8: {  	_ =	swait.ge [sflag:s29], $0x3E80  }
0xe9: {  	[sflag:s29] =	ssyncset.done $0x0  }
0xea: {  	[sflag:s29] =	ssyncadd.s32 $0xFFFFC180  }
0xeb: {  	[tilespmem:s1], [sflag:$0x1] =	stream.indirect.gather [hbm4b:s4+s31], $0x80, s13, s31, $0xb8;
	[tilespmem:$0x1E000] =	vst v63  }
0xec: {  	_ =	swait.ge [sflag:s8], $0x3E80  }
0xed: {  	[sflag:s8] =	ssyncset.done $0x0  }
0xee: {  	[sflag:s8] =	ssyncadd.s32 $0xFFFFC180  }
0xef: {  	[spmem:s2] =	stream.indirect.scatter.add.f32 [tilespmem:s6], [sflag:$0x3], $0x80, s14, s31, $0xb8;
	[tilespmem:$0x1E000] =	vst v63  }
0xf0: {  	_ =	swait.ge [sflag:s29], $0x3E80  }
0xf1: {  	[sflag:s29] =	ssyncset.done $0x0  }
0xf2: {  	[sflag:s29] =	ssyncadd.s32 $0xFFFFC180  }
0xf3: {  	_ =	swait.ge [sflag:s0], $0x3E80  }
0xf4: {  	[sflag:s0] =	ssyncset.done $0x0  }
0xf5: {  	[sflag:s0] =	ssyncadd.s32 $0xFFFFC180  }
0xf6: {  	[tilespmem:s6], [sflag:$0x2] =	stream.indirect.gather [hbm4b:s4+s31], $0x80, s15, s31, $0xb8;
	[tilespmem:$0x1E000] =	vst v63  }
0xf7: {  	_ = 	snop  }
0xf8: {  	[spmem:s2] =	stream.indirect.scatter.add.f32 [tilespmem:s1], [sflag:$0x3], $0x80, s16, s31, $0xb8;
	[tilespmem:$0x1E000] =	vst v63  }
0xf9: {  	_ =	swait.ge [sflag:s29], $0x3E80  }
0xfa: {  	[sflag:s29] =	ssyncset.done $0x0  }
0xfb: {  	[sflag:s29] =	ssyncadd.s32 $0xFFFFC180  }
0xfc: {  	[tilespmem:s1], [sflag:$0x1] =	stream.indirect.gather [hbm4b:s4+s31], $0x80, s17, s31, $0xb8;
	[tilespmem:$0x1E000] =	vst v63  }
0xfd: {  	_ =	swait.ge [sflag:s8], $0x3E80  }
0xfe: {  	[sflag:s8] =	ssyncset.done $0x0  }
0xff: {  	[sflag:s8] =	ssyncadd.s32 $0xFFFFC180  }
0x100: {  	[spmem:s2] =	stream.indirect.scatter.add.f32 [tilespmem:s6], [sflag:$0x3], $0x80, s18, s31, $0xb8;
	[tilespmem:$0x1E000] =	vst v63  }
0x101: {  	_ =	swait.ge [sflag:s29], $0x3E80  }
0x102: {  	[sflag:s29] =	ssyncset.done $0x0  }
0x103: {  	[sflag:s29] =	ssyncadd.s32 $0xFFFFC180  }
0x104: {  	_ =	swait.ge [sflag:s0], $0x3E80  }
0x105: {  	[sflag:s0] =	ssyncset.done $0x0  }
0x106: {  	[sflag:s0] =	ssyncadd.s32 $0xFFFFC180  }
0x107: {  	[tilespmem:s6], [sflag:$0x2] =	stream.indirect.gather [hbm4b:s4+s31], $0x80, s19, s31, $0xb8;
	[tilespmem:$0x1E000] =	vst v63  }
0x108: {  	_ = 	snop  }
0x109: {  	[spmem:s2] =	stream.indirect.scatter.add.f32 [tilespmem:s1], [sflag:$0x3], $0x80, s20, s31, $0xb8;
	[tilespmem:$0x1E000] =	vst v63  }
0x10a: {  	_ =	swait.ge [sflag:s29], $0x3E80  }
0x10b: {  	[sflag:s29] =	ssyncset.done $0x0  }
0x10c: {  	[sflag:s29] =	ssyncadd.s32 $0xFFFFC180  }
0x10d: {  	[tilespmem:s1], [sflag:$0x1] =	stream.indirect.gather [hbm4b:s4+s31], $0x80, s21, s31, $0xb8;
	[tilespmem:$0x1E000] =	vst v63  }
0x10e: {  	_ =	swait.ge [sflag:s8], $0x3E80  }
0x10f: {  	[sflag:s8] =	ssyncset.done $0x0  }
0x110: {  	[sflag:s8] =	ssyncadd.s32 $0xFFFFC180  }
0x111: {  	[spmem:s2] =	stream.indirect.scatter.add.f32 [tilespmem:s6], [sflag:$0x3], $0x80, s22, s31, $0xb8;
	[tilespmem:$0x1E000] =	vst v63  }
0x112: {  	_ =	swait.ge [sflag:s29], $0x3E80  }
0x113: {  	[sflag:s29] =	ssyncset.done $0x0  }
0x114: {  	[sflag:s29] =	ssyncadd.s32 $0xFFFFC180  }
0x115: {  	_ =	swait.ge [sflag:s0], $0x3E80  }
0x116: {  	[sflag:s0] =	ssyncset.done $0x0  }
0x117: {  	[sflag:s0] =	ssyncadd.s32 $0xFFFFC180  }
0x118: {  	[tilespmem:s6], [sflag:$0x2] =	stream.indirect.gather [hbm4b:s4+s31], $0x80, s23, s31, $0xb8;
	[tilespmem:$0x1E000] =	vst v63  }
0x119: {  	_ = 	snop  }
0x11a: {  	[spmem:s2] =	stream.indirect.scatter.add.f32 [tilespmem:s1], [sflag:$0x3], $0x80, s25, s31, $0xb8;
	[tilespmem:$0x1E000] =	vst v63  }
0x11b: {  	_ =	swait.ge [sflag:s29], $0x3E80  }
0x11c: {  	[sflag:s29] =	ssyncset.done $0x0  }
0x11d: {  	[sflag:s29] =	ssyncadd.s32 $0xFFFFC180  }
0x11e: {  	_ =	swait.ge [sflag:s8], $0x3E80  }
0x11f: {  	[sflag:s8] =	ssyncset.done $0x0  }
0x120: {  	[sflag:s8] =	ssyncadd.s32 $0xFFFFC180  }
0x121: {  	[spmem:s2] =	stream.indirect.scatter.add.f32 [tilespmem:s6], [sflag:$0x3], $0x80, s26, s31, $0xb8;
	[tilespmem:$0x1E000] =	vst v63  }
0x122: {  	s5 =	simm.s32 $0x100;
	s7 =	simm.s32 $0x200;
	_ =	swait.ge [sflag:s29], $0x3E80  }
0x123: {  	s10 =	simm.s32 $0xB80;
	s28 =	rddreg [dreg:$0x3];
	[sflag:s29] =	ssyncset.done $0x0  }
.LBB2_4:
0x124: {  	[sflag:s29] =	ssyncadd.s32 $0xFFFFC180;
	s28 =	sadd.s32 s5, s28  }
0x125: {  	[tilespmem:s3], [sflag:$0x3] =	stream.linear.gather [hbm4b:s28+s3], $0x800, $0x38;
	[tilespmem:$0x1E000] =	vst v63  }
0x126: {  	_ =	swait.ge [sflag:s29], $0x800  }
0x127: {  	s28 =	rddreg [dreg:$0x4];
	[sflag:s29] =	ssyncset.done $0x0  }
0x128: {  	[sflag:s29] =	ssyncadd.s32 $0xFFFFF800;
	s28 =	sadd.s32 s5, s28  }
0x129: {  	[tilespmem:s30], [sflag:$0x3] =	stream.linear.gather [hbm4b:s28+s3], $0x800, $0x38;
	[tilespmem:$0x1E000] =	vst v63  }
0x12a: {  	_ =	swait.ge [sflag:s29], $0x800  }
0x12b: {  	[sflag:s29] =	ssyncset.done $0x0  }
0x12c: {  	[sflag:s29] =	ssyncadd.s32 $0xFFFFF800  }
0x12d: {  	[tilespmem:s1], [sflag:$0x1] =	stream.indirect.gather [hbm4b:s4+s31], $0x80, s3, s31, $0xb8;
	[tilespmem:$0x1E000] =	vst v63  }
0x12e: {  	_ =	swait.ge [sflag:s0], $0x3E80  }
0x12f: {  	s9 =	smov.u32 s7;
	[sflag:s0] =	ssyncset.done $0x0  }
0x130: {  	s5 =	smov.u32 s9;
	s9 =	rddreg [dreg:$0x5];
	[sflag:s0] =	ssyncadd.s32 $0xFFFFC180  }
0x131: {  	[tilespmem:s6], [sflag:$0x2] =	stream.indirect.gather [hbm4b:s4+s31], $0x80, s9, s31, $0xb8;
	[tilespmem:$0x1E000] =	vst v63  }
0x132: {  	_ = 	snop  }
0x133: {  	[spmem:s2] =	stream.indirect.scatter.add.f32 [tilespmem:s1], [sflag:$0x3], $0x80, s30, s31, $0xb8;
	[tilespmem:$0x1E000] =	vst v63  }
0x134: {  	_ =	swait.ge [sflag:s29], $0x3E80  }
0x135: {  	[sflag:s29] =	ssyncset.done $0x0  }
0x136: {  	s9 =	rddreg [dreg:$0x6];
	[sflag:s29] =	ssyncadd.s32 $0xFFFFC180  }
0x137: {  	[tilespmem:s1], [sflag:$0x1] =	stream.indirect.gather [hbm4b:s4+s31], $0x80, s9, s31, $0xb8;
	[tilespmem:$0x1E000] =	vst v63  }
0x138: {  	_ =	swait.ge [sflag:s8], $0x3E80  }
0x139: {  	[sflag:s8] =	ssyncset.done $0x0  }
0x13a: {  	s9 =	rddreg [dreg:$0x7];
	[sflag:s8] =	ssyncadd.s32 $0xFFFFC180  }
0x13b: {  	[spmem:s2] =	stream.indirect.scatter.add.f32 [tilespmem:s6], [sflag:$0x3], $0x80, s9, s31, $0xb8;
	[tilespmem:$0x1E000] =	vst v63  }
0x13c: {  	_ =	swait.ge [sflag:s29], $0x3E80  }
0x13d: {  	[sflag:s29] =	ssyncset.done $0x0  }
0x13e: {  	[sflag:s29] =	ssyncadd.s32 $0xFFFFC180  }
0x13f: {  	_ =	swait.ge [sflag:s0], $0x3E80  }
0x140: {  	[sflag:s0] =	ssyncset.done $0x0  }
0x141: {  	s9 =	rddreg [dreg:$0x8];
	[sflag:s0] =	ssyncadd.s32 $0xFFFFC180  }
0x142: {  	[tilespmem:s6], [sflag:$0x2] =	stream.indirect.gather [hbm4b:s4+s31], $0x80, s9, s31, $0xb8;
	[tilespmem:$0x1E000] =	vst v63  }
0x143: {  	s28 =	rddreg [dreg:$0x9]  }
0x144: {  	[spmem:s2] =	stream.indirect.scatter.add.f32 [tilespmem:s1], [sflag:$0x3], $0x80, s28, s31, $0xb8;
	[tilespmem:$0x1E000] =	vst v63  }
0x145: {  	_ =	swait.ge [sflag:s29], $0x3E80  }
0x146: {  	[sflag:s29] =	ssyncset.done $0x0  }
0x147: {  	s9 =	rddreg [dreg:$0xa];
	[sflag:s29] =	ssyncadd.s32 $0xFFFFC180  }
0x148: {  	[tilespmem:s1], [sflag:$0x1] =	stream.indirect.gather [hbm4b:s4+s31], $0x80, s9, s31, $0xb8;
	[tilespmem:$0x1E000] =	vst v63  }
0x149: {  	_ =	swait.ge [sflag:s8], $0x3E80  }
0x14a: {  	[sflag:s8] =	ssyncset.done $0x0  }
0x14b: {  	s9 =	rddreg [dreg:$0xb];
	[sflag:s8] =	ssyncadd.s32 $0xFFFFC180  }
0x14c: {  	[spmem:s2] =	stream.indirect.scatter.add.f32 [tilespmem:s6], [sflag:$0x3], $0x80, s9, s31, $0xb8;
	[tilespmem:$0x1E000] =	vst v63  }
0x14d: {  	_ =	swait.ge [sflag:s29], $0x3E80  }
0x14e: {  	[sflag:s29] =	ssyncset.done $0x0  }
0x14f: {  	[sflag:s29] =	ssyncadd.s32 $0xFFFFC180  }
0x150: {  	_ =	swait.ge [sflag:s0], $0x3E80  }
0x151: {  	[sflag:s0] =	ssyncset.done $0x0  }
0x152: {  	s9 =	rddreg [dreg:$0xc];
	[sflag:s0] =	ssyncadd.s32 $0xFFFFC180  }
0x153: {  	[tilespmem:s6], [sflag:$0x2] =	stream.indirect.gather [hbm4b:s4+s31], $0x80, s9, s31, $0xb8;
	[tilespmem:$0x1E000] =	vst v63  }
0x154: {  	s28 =	rddreg [dreg:$0xd]  }
0x155: {  	[spmem:s2] =	stream.indirect.scatter.add.f32 [tilespmem:s1], [sflag:$0x3], $0x80, s28, s31, $0xb8;
	[tilespmem:$0x1E000] =	vst v63  }
0x156: {  	_ =	swait.ge [sflag:s29], $0x3E80  }
0x157: {  	[sflag:s29] =	ssyncset.done $0x0  }
0x158: {  	s9 =	rddreg [dreg:$0xe];
	[sflag:s29] =	ssyncadd.s32 $0xFFFFC180  }
0x159: {  	[tilespmem:s1], [sflag:$0x1] =	stream.indirect.gather [hbm4b:s4+s31], $0x80, s9, s31, $0xb8;
	[tilespmem:$0x1E000] =	vst v63  }
0x15a: {  	_ =	swait.ge [sflag:s8], $0x3E80  }
0x15b: {  	[sflag:s8] =	ssyncset.done $0x0  }
0x15c: {  	s9 =	rddreg [dreg:$0xf];
	[sflag:s8] =	ssyncadd.s32 $0xFFFFC180  }
0x15d: {  	[spmem:s2] =	stream.indirect.scatter.add.f32 [tilespmem:s6], [sflag:$0x3], $0x80, s9, s31, $0xb8;
	[tilespmem:$0x1E000] =	vst v63  }
0x15e: {  	_ =	swait.ge [sflag:s29], $0x3E80  }
0x15f: {  	[sflag:s29] =	ssyncset.done $0x0  }
0x160: {  	[sflag:s29] =	ssyncadd.s32 $0xFFFFC180  }
0x161: {  	_ =	swait.ge [sflag:s0], $0x3E80  }
0x162: {  	[sflag:s0] =	ssyncset.done $0x0  }
0x163: {  	s9 =	rddreg [dreg:$0x10];
	[sflag:s0] =	ssyncadd.s32 $0xFFFFC180  }
0x164: {  	[tilespmem:s6], [sflag:$0x2] =	stream.indirect.gather [hbm4b:s4+s31], $0x80, s9, s31, $0xb8;
	[tilespmem:$0x1E000] =	vst v63  }
0x165: {  	s28 =	rddreg [dreg:$0x11]  }
0x166: {  	[spmem:s2] =	stream.indirect.scatter.add.f32 [tilespmem:s1], [sflag:$0x3], $0x80, s28, s31, $0xb8;
	[tilespmem:$0x1E000] =	vst v63  }
0x167: {  	_ =	swait.ge [sflag:s29], $0x3E80  }
0x168: {  	[sflag:s29] =	ssyncset.done $0x0  }
0x169: {  	s9 =	simm.s32 $0x400;
	[sflag:s29] =	ssyncadd.s32 $0xFFFFC180  }
0x16a: {  	[tilespmem:s1], [sflag:$0x1] =	stream.indirect.gather [hbm4b:s4+s31], $0x80, s9, s31, $0xb8;
	[tilespmem:$0x1E000] =	vst v63  }
0x16b: {  	_ =	swait.ge [sflag:s8], $0x3E80  }
0x16c: {  	[sflag:s8] =	ssyncset.done $0x0  }
0x16d: {  	[sflag:s8] =	ssyncadd.s32 $0xFFFFC180  }
0x16e: {  	[spmem:s2] =	stream.indirect.scatter.add.f32 [tilespmem:s6], [sflag:$0x3], $0x80, s10, s31, $0xb8;
	[tilespmem:$0x1E000] =	vst v63  }
0x16f: {  	_ =	swait.ge [sflag:s29], $0x3E80  }
0x170: {  	[sflag:s29] =	ssyncset.done $0x0  }
0x171: {  	[sflag:s29] =	ssyncadd.s32 $0xFFFFC180  }
0x172: {  	_ =	swait.ge [sflag:s0], $0x3E80  }
0x173: {  	[sflag:s0] =	ssyncset.done $0x0  }
0x174: {  	[sflag:s0] =	ssyncadd.s32 $0xFFFFC180  }
0x175: {  	[tilespmem:s6], [sflag:$0x2] =	stream.indirect.gather [hbm4b:s4+s31], $0x80, s11, s31, $0xb8;
	[tilespmem:$0x1E000] =	vst v63  }
0x176: {  	_ = 	snop  }
0x177: {  	[spmem:s2] =	stream.indirect.scatter.add.f32 [tilespmem:s1], [sflag:$0x3], $0x80, s12, s31, $0xb8;
	[tilespmem:$0x1E000] =	vst v63  }
0x178: {  	_ =	swait.ge [sflag:s29], $0x3E80  }
0x179: {  	[sflag:s29] =	ssyncset.done $0x0  }
0x17a: {  	[sflag:s29] =	ssyncadd.s32 $0xFFFFC180  }
0x17b: {  	[tilespmem:s1], [sflag:$0x1] =	stream.indirect.gather [hbm4b:s4+s31], $0x80, s13, s31, $0xb8;
	[tilespmem:$0x1E000] =	vst v63  }
0x17c: {  	_ =	swait.ge [sflag:s8], $0x3E80  }
0x17d: {  	[sflag:s8] =	ssyncset.done $0x0  }
0x17e: {  	[sflag:s8] =	ssyncadd.s32 $0xFFFFC180  }
0x17f: {  	[spmem:s2] =	stream.indirect.scatter.add.f32 [tilespmem:s6], [sflag:$0x3], $0x80, s14, s31, $0xb8;
	[tilespmem:$0x1E000] =	vst v63  }
0x180: {  	_ =	swait.ge [sflag:s29], $0x3E80  }
0x181: {  	[sflag:s29] =	ssyncset.done $0x0  }
0x182: {  	[sflag:s29] =	ssyncadd.s32 $0xFFFFC180  }
0x183: {  	_ =	swait.ge [sflag:s0], $0x3E80  }
0x184: {  	[sflag:s0] =	ssyncset.done $0x0  }
0x185: {  	[sflag:s0] =	ssyncadd.s32 $0xFFFFC180  }
0x186: {  	[tilespmem:s6], [sflag:$0x2] =	stream.indirect.gather [hbm4b:s4+s31], $0x80, s15, s31, $0xb8;
	[tilespmem:$0x1E000] =	vst v63  }
0x187: {  	_ = 	snop  }
0x188: {  	[spmem:s2] =	stream.indirect.scatter.add.f32 [tilespmem:s1], [sflag:$0x3], $0x80, s16, s31, $0xb8;
	[tilespmem:$0x1E000] =	vst v63  }
0x189: {  	_ =	swait.ge [sflag:s29], $0x3E80  }
0x18a: {  	[sflag:s29] =	ssyncset.done $0x0  }
0x18b: {  	[sflag:s29] =	ssyncadd.s32 $0xFFFFC180  }
0x18c: {  	[tilespmem:s1], [sflag:$0x1] =	stream.indirect.gather [hbm4b:s4+s31], $0x80, s17, s31, $0xb8;
	[tilespmem:$0x1E000] =	vst v63  }
0x18d: {  	_ =	swait.ge [sflag:s8], $0x3E80  }
0x18e: {  	[sflag:s8] =	ssyncset.done $0x0  }
0x18f: {  	[sflag:s8] =	ssyncadd.s32 $0xFFFFC180  }
0x190: {  	[spmem:s2] =	stream.indirect.scatter.add.f32 [tilespmem:s6], [sflag:$0x3], $0x80, s18, s31, $0xb8;
	[tilespmem:$0x1E000] =	vst v63  }
0x191: {  	_ =	swait.ge [sflag:s29], $0x3E80  }
0x192: {  	[sflag:s29] =	ssyncset.done $0x0  }
0x193: {  	[sflag:s29] =	ssyncadd.s32 $0xFFFFC180  }
0x194: {  	_ =	swait.ge [sflag:s0], $0x3E80  }
0x195: {  	[sflag:s0] =	ssyncset.done $0x0  }
0x196: {  	[sflag:s0] =	ssyncadd.s32 $0xFFFFC180  }
0x197: {  	[tilespmem:s6], [sflag:$0x2] =	stream.indirect.gather [hbm4b:s4+s31], $0x80, s19, s31, $0xb8;
	[tilespmem:$0x1E000] =	vst v63  }
0x198: {  	_ = 	snop  }
0x199: {  	[spmem:s2] =	stream.indirect.scatter.add.f32 [tilespmem:s1], [sflag:$0x3], $0x80, s20, s31, $0xb8;
	[tilespmem:$0x1E000] =	vst v63  }
0x19a: {  	_ =	swait.ge [sflag:s29], $0x3E80  }
0x19b: {  	[sflag:s29] =	ssyncset.done $0x0  }
0x19c: {  	[sflag:s29] =	ssyncadd.s32 $0xFFFFC180  }
0x19d: {  	[tilespmem:s1], [sflag:$0x1] =	stream.indirect.gather [hbm4b:s4+s31], $0x80, s21, s31, $0xb8;
	[tilespmem:$0x1E000] =	vst v63  }
0x19e: {  	_ =	swait.ge [sflag:s8], $0x3E80  }
0x19f: {  	[sflag:s8] =	ssyncset.done $0x0  }
0x1a0: {  	[sflag:s8] =	ssyncadd.s32 $0xFFFFC180  }
0x1a1: {  	[spmem:s2] =	stream.indirect.scatter.add.f32 [tilespmem:s6], [sflag:$0x3], $0x80, s22, s31, $0xb8;
	[tilespmem:$0x1E000] =	vst v63  }
0x1a2: {  	_ =	swait.ge [sflag:s29], $0x3E80  }
0x1a3: {  	[sflag:s29] =	ssyncset.done $0x0  }
0x1a4: {  	[sflag:s29] =	ssyncadd.s32 $0xFFFFC180  }
0x1a5: {  	_ =	swait.ge [sflag:s0], $0x3E80  }
0x1a6: {  	[sflag:s0] =	ssyncset.done $0x0  }
0x1a7: {  	[sflag:s0] =	ssyncadd.s32 $0xFFFFC180  }
0x1a8: {  	[tilespmem:s6], [sflag:$0x2] =	stream.indirect.gather [hbm4b:s4+s31], $0x80, s23, s31, $0xb8;
	[tilespmem:$0x1E000] =	vst v63  }
0x1a9: {  	_ = 	snop  }
0x1aa: {  	[spmem:s2] =	stream.indirect.scatter.add.f32 [tilespmem:s1], [sflag:$0x3], $0x80, s25, s31, $0xb8;
	[tilespmem:$0x1E000] =	vst v63  }
0x1ab: {  	_ =	swait.ge [sflag:s29], $0x3E80  }
0x1ac: {  	[sflag:s29] =	ssyncset.done $0x0  }
0x1ad: {  	[sflag:s29] =	ssyncadd.s32 $0xFFFFC180  }
0x1ae: {  	p0 =	sne.s32 s7, $0x400;
	_ =	swait.ge [sflag:s8], $0x3E80  }
.Ltmp1:
0x1af: {  	[sflag:s8] =	ssyncset.done $0x0;
	(pc) =	sbr.rel @p0 .LBB2_4-.Ltmp1, $4  }
0x1b0: {  	[sflag:s8] =	ssyncadd.s32 $0xFFFFC180  }
0x1b1: {  	[spmem:s2] =	stream.indirect.scatter.add.f32 [tilespmem:s6], [sflag:$0x3], $0x80, s26, s31, $0xb8;
	[tilespmem:$0x1E000] =	vst v63  }
0x1b2: {  	_ =	swait.ge [sflag:s29], $0x3E80  }
0x1b3: {  	s7 =	sadd.s32 $0x100, s7;
	s28 =	rddreg [dreg:$0x3];
	[sflag:s29] =	ssyncset.done $0x0  }
0x1b4: {  	[sflag:s29] =	ssyncadd.s32 $0xFFFFC180;
	s7 =	sadd.s32 s5, s28  }
0x1b5: {  	[tilespmem:s3], [sflag:$0x3] =	stream.linear.gather [hbm4b:s7+s3], $0x800, $0x38;
	[tilespmem:$0x1E000] =	vst v63  }
0x1b6: {  	_ =	swait.ge [sflag:s29], $0x800  }
0x1b7: {  	s7 =	rddreg [dreg:$0x4];
	[sflag:s29] =	ssyncset.done $0x0  }
0x1b8: {  	[sflag:s29] =	ssyncadd.s32 $0xFFFFF800;
	s7 =	sadd.s32 s5, s7  }
0x1b9: {  	[tilespmem:s30], [sflag:$0x3] =	stream.linear.gather [hbm4b:s7+s3], $0x800, $0x38;
	[tilespmem:$0x1E000] =	vst v63  }
0x1ba: {  	_ =	swait.ge [sflag:s29], $0x800  }
0x1bb: {  	[sflag:s29] =	ssyncset.done $0x0  }
0x1bc: {  	[sflag:s29] =	ssyncadd.s32 $0xFFFFF800  }
0x1bd: {  	[tilespmem:s1], [sflag:$0x1] =	stream.indirect.gather [hbm4b:s4+s31], $0x80, s3, s31, $0xb8;
	[tilespmem:$0x1E000] =	vst v63  }
0x1be: {  	_ =	swait.ge [sflag:s0], $0x3E80  }
0x1bf: {  	[sflag:s0] =	ssyncset.done $0x0  }
0x1c0: {  	s7 =	rddreg [dreg:$0x5];
	[sflag:s0] =	ssyncadd.s32 $0xFFFFC180  }
0x1c1: {  	[tilespmem:s6], [sflag:$0x2] =	stream.indirect.gather [hbm4b:s4+s31], $0x80, s7, s31, $0xb8;
	[tilespmem:$0x1E000] =	vst v63  }
0x1c2: {  	_ = 	snop  }
0x1c3: {  	[spmem:s2] =	stream.indirect.scatter.add.f32 [tilespmem:s1], [sflag:$0x3], $0x80, s30, s31, $0xb8;
	[tilespmem:$0x1E000] =	vst v63  }
0x1c4: {  	_ =	swait.ge [sflag:s29], $0x3E80  }
0x1c5: {  	[sflag:s29] =	ssyncset.done $0x0  }
0x1c6: {  	s7 =	rddreg [dreg:$0x6];
	[sflag:s29] =	ssyncadd.s32 $0xFFFFC180  }
0x1c7: {  	[tilespmem:s1], [sflag:$0x1] =	stream.indirect.gather [hbm4b:s4+s31], $0x80, s7, s31, $0xb8;
	[tilespmem:$0x1E000] =	vst v63  }
0x1c8: {  	_ =	swait.ge [sflag:s8], $0x3E80  }
0x1c9: {  	[sflag:s8] =	ssyncset.done $0x0  }
0x1ca: {  	s7 =	rddreg [dreg:$0x7];
	[sflag:s8] =	ssyncadd.s32 $0xFFFFC180  }
0x1cb: {  	[spmem:s2] =	stream.indirect.scatter.add.f32 [tilespmem:s6], [sflag:$0x3], $0x80, s7, s31, $0xb8;
	[tilespmem:$0x1E000] =	vst v63  }
0x1cc: {  	_ =	swait.ge [sflag:s29], $0x3E80  }
0x1cd: {  	[sflag:s29] =	ssyncset.done $0x0  }
0x1ce: {  	[sflag:s29] =	ssyncadd.s32 $0xFFFFC180  }
0x1cf: {  	_ =	swait.ge [sflag:s0], $0x3E80  }
0x1d0: {  	[sflag:s0] =	ssyncset.done $0x0  }
0x1d1: {  	s5 =	rddreg [dreg:$0x8];
	[sflag:s0] =	ssyncadd.s32 $0xFFFFC180  }
0x1d2: {  	[tilespmem:s6], [sflag:$0x2] =	stream.indirect.gather [hbm4b:s4+s31], $0x80, s5, s31, $0xb8;
	[tilespmem:$0x1E000] =	vst v63  }
0x1d3: {  	s7 =	rddreg [dreg:$0x9]  }
0x1d4: {  	[spmem:s2] =	stream.indirect.scatter.add.f32 [tilespmem:s1], [sflag:$0x3], $0x80, s7, s31, $0xb8;
	[tilespmem:$0x1E000] =	vst v63  }
0x1d5: {  	_ =	swait.ge [sflag:s29], $0x3E80  }
0x1d6: {  	[sflag:s29] =	ssyncset.done $0x0  }
0x1d7: {  	s7 =	rddreg [dreg:$0xa];
	[sflag:s29] =	ssyncadd.s32 $0xFFFFC180  }
0x1d8: {  	[tilespmem:s1], [sflag:$0x1] =	stream.indirect.gather [hbm4b:s4+s31], $0x80, s7, s31, $0xb8;
	[tilespmem:$0x1E000] =	vst v63  }
0x1d9: {  	_ =	swait.ge [sflag:s8], $0x3E80  }
0x1da: {  	[sflag:s8] =	ssyncset.done $0x0  }
0x1db: {  	s7 =	rddreg [dreg:$0xb];
	[sflag:s8] =	ssyncadd.s32 $0xFFFFC180  }
0x1dc: {  	[spmem:s2] =	stream.indirect.scatter.add.f32 [tilespmem:s6], [sflag:$0x3], $0x80, s7, s31, $0xb8;
	[tilespmem:$0x1E000] =	vst v63  }
0x1dd: {  	_ =	swait.ge [sflag:s29], $0x3E80  }
0x1de: {  	[sflag:s29] =	ssyncset.done $0x0  }
0x1df: {  	[sflag:s29] =	ssyncadd.s32 $0xFFFFC180  }
0x1e0: {  	_ =	swait.ge [sflag:s0], $0x3E80  }
0x1e1: {  	[sflag:s0] =	ssyncset.done $0x0  }
0x1e2: {  	s5 =	rddreg [dreg:$0xc];
	[sflag:s0] =	ssyncadd.s32 $0xFFFFC180  }
0x1e3: {  	[tilespmem:s6], [sflag:$0x2] =	stream.indirect.gather [hbm4b:s4+s31], $0x80, s5, s31, $0xb8;
	[tilespmem:$0x1E000] =	vst v63  }
0x1e4: {  	s7 =	rddreg [dreg:$0xd]  }
0x1e5: {  	[spmem:s2] =	stream.indirect.scatter.add.f32 [tilespmem:s1], [sflag:$0x3], $0x80, s7, s31, $0xb8;
	[tilespmem:$0x1E000] =	vst v63  }
0x1e6: {  	_ =	swait.ge [sflag:s29], $0x3E80  }
0x1e7: {  	[sflag:s29] =	ssyncset.done $0x0  }
0x1e8: {  	s7 =	rddreg [dreg:$0xe];
	[sflag:s29] =	ssyncadd.s32 $0xFFFFC180  }
0x1e9: {  	[tilespmem:s1], [sflag:$0x1] =	stream.indirect.gather [hbm4b:s4+s31], $0x80, s7, s31, $0xb8;
	[tilespmem:$0x1E000] =	vst v63  }
0x1ea: {  	_ =	swait.ge [sflag:s8], $0x3E80  }
0x1eb: {  	[sflag:s8] =	ssyncset.done $0x0  }
0x1ec: {  	s7 =	rddreg [dreg:$0xf];
	[sflag:s8] =	ssyncadd.s32 $0xFFFFC180  }
0x1ed: {  	[spmem:s2] =	stream.indirect.scatter.add.f32 [tilespmem:s6], [sflag:$0x3], $0x80, s7, s31, $0xb8;
	[tilespmem:$0x1E000] =	vst v63  }
0x1ee: {  	_ =	swait.ge [sflag:s29], $0x3E80  }
0x1ef: {  	[sflag:s29] =	ssyncset.done $0x0  }
0x1f0: {  	[sflag:s29] =	ssyncadd.s32 $0xFFFFC180  }
0x1f1: {  	_ =	swait.ge [sflag:s0], $0x3E80  }
0x1f2: {  	[sflag:s0] =	ssyncset.done $0x0  }
0x1f3: {  	s5 =	rddreg [dreg:$0x10];
	[sflag:s0] =	ssyncadd.s32 $0xFFFFC180  }
0x1f4: {  	[tilespmem:s6], [sflag:$0x2] =	stream.indirect.gather [hbm4b:s4+s31], $0x80, s5, s31, $0xb8;
	[tilespmem:$0x1E000] =	vst v63  }
0x1f5: {  	s7 =	rddreg [dreg:$0x11]  }
0x1f6: {  	[spmem:s2] =	stream.indirect.scatter.add.f32 [tilespmem:s1], [sflag:$0x3], $0x80, s7, s31, $0xb8;
	[tilespmem:$0x1E000] =	vst v63  }
0x1f7: {  	_ =	swait.ge [sflag:s29], $0x3E80  }
0x1f8: {  	[sflag:s29] =	ssyncset.done $0x0  }
0x1f9: {  	[sflag:s29] =	ssyncadd.s32 $0xFFFFC180  }
0x1fa: {  	[tilespmem:s1], [sflag:$0x1] =	stream.indirect.gather [hbm4b:s4+s31], $0x80, s9, s31, $0xb8;
	[tilespmem:$0x1E000] =	vst v63  }
0x1fb: {  	_ =	swait.ge [sflag:s8], $0x3E80  }
0x1fc: {  	[sflag:s8] =	ssyncset.done $0x0  }
0x1fd: {  	[sflag:s8] =	ssyncadd.s32 $0xFFFFC180  }
0x1fe: {  	[spmem:s2] =	stream.indirect.scatter.add.f32 [tilespmem:s6], [sflag:$0x3], $0x80, s10, s31, $0xb8;
	[tilespmem:$0x1E000] =	vst v63  }
0x1ff: {  	_ =	swait.ge [sflag:s29], $0x3E80  }
0x200: {  	[sflag:s29] =	ssyncset.done $0x0  }
0x201: {  	[sflag:s29] =	ssyncadd.s32 $0xFFFFC180  }
0x202: {  	_ =	swait.ge [sflag:s0], $0x3E80  }
0x203: {  	[sflag:s0] =	ssyncset.done $0x0  }
0x204: {  	[sflag:s0] =	ssyncadd.s32 $0xFFFFC180  }
0x205: {  	[tilespmem:s6], [sflag:$0x2] =	stream.indirect.gather [hbm4b:s4+s31], $0x80, s11, s31, $0xb8;
	[tilespmem:$0x1E000] =	vst v63  }
0x206: {  	_ = 	snop  }
0x207: {  	[spmem:s2] =	stream.indirect.scatter.add.f32 [tilespmem:s1], [sflag:$0x3], $0x80, s12, s31, $0xb8;
	[tilespmem:$0x1E000] =	vst v63  }
0x208: {  	_ =	swait.ge [sflag:s29], $0x3E80  }
0x209: {  	[sflag:s29] =	ssyncset.done $0x0  }
0x20a: {  	[sflag:s29] =	ssyncadd.s32 $0xFFFFC180  }
0x20b: {  	[tilespmem:s1], [sflag:$0x1] =	stream.indirect.gather [hbm4b:s4+s31], $0x80, s13, s31, $0xb8;
	[tilespmem:$0x1E000] =	vst v63  }
0x20c: {  	_ =	swait.ge [sflag:s8], $0x3E80  }
0x20d: {  	[sflag:s8] =	ssyncset.done $0x0  }
0x20e: {  	[sflag:s8] =	ssyncadd.s32 $0xFFFFC180  }
0x20f: {  	[spmem:s2] =	stream.indirect.scatter.add.f32 [tilespmem:s6], [sflag:$0x3], $0x80, s14, s31, $0xb8;
	[tilespmem:$0x1E000] =	vst v63  }
0x210: {  	_ =	swait.ge [sflag:s29], $0x3E80  }
0x211: {  	[sflag:s29] =	ssyncset.done $0x0  }
0x212: {  	[sflag:s29] =	ssyncadd.s32 $0xFFFFC180  }
0x213: {  	_ =	swait.ge [sflag:s0], $0x3E80  }
0x214: {  	[sflag:s0] =	ssyncset.done $0x0  }
0x215: {  	[sflag:s0] =	ssyncadd.s32 $0xFFFFC180  }
0x216: {  	[tilespmem:s6], [sflag:$0x2] =	stream.indirect.gather [hbm4b:s4+s31], $0x80, s15, s31, $0xb8;
	[tilespmem:$0x1E000] =	vst v63  }
0x217: {  	_ = 	snop  }
0x218: {  	[spmem:s2] =	stream.indirect.scatter.add.f32 [tilespmem:s1], [sflag:$0x3], $0x80, s16, s31, $0xb8;
	[tilespmem:$0x1E000] =	vst v63  }
0x219: {  	_ =	swait.ge [sflag:s29], $0x3E80  }
0x21a: {  	[sflag:s29] =	ssyncset.done $0x0  }
0x21b: {  	[sflag:s29] =	ssyncadd.s32 $0xFFFFC180  }
0x21c: {  	[tilespmem:s1], [sflag:$0x1] =	stream.indirect.gather [hbm4b:s4+s31], $0x80, s17, s31, $0xb8;
	[tilespmem:$0x1E000] =	vst v63  }
0x21d: {  	_ =	swait.ge [sflag:s8], $0x3E80  }
0x21e: {  	[sflag:s8] =	ssyncset.done $0x0  }
0x21f: {  	[sflag:s8] =	ssyncadd.s32 $0xFFFFC180  }
0x220: {  	[spmem:s2] =	stream.indirect.scatter.add.f32 [tilespmem:s6], [sflag:$0x3], $0x80, s18, s31, $0xb8;
	[tilespmem:$0x1E000] =	vst v63  }
0x221: {  	_ =	swait.ge [sflag:s29], $0x3E80  }
0x222: {  	[sflag:s29] =	ssyncset.done $0x0  }
0x223: {  	[sflag:s29] =	ssyncadd.s32 $0xFFFFC180  }
0x224: {  	_ =	swait.ge [sflag:s0], $0x3E80  }
0x225: {  	[sflag:s0] =	ssyncset.done $0x0  }
0x226: {  	[sflag:s0] =	ssyncadd.s32 $0xFFFFC180  }
0x227: {  	[tilespmem:s6], [sflag:$0x2] =	stream.indirect.gather [hbm4b:s4+s31], $0x80, s19, s31, $0xb8;
	[tilespmem:$0x1E000] =	vst v63  }
0x228: {  	_ = 	snop  }
0x229: {  	[spmem:s2] =	stream.indirect.scatter.add.f32 [tilespmem:s1], [sflag:$0x3], $0x80, s20, s31, $0xb8;
	[tilespmem:$0x1E000] =	vst v63  }
0x22a: {  	_ =	swait.ge [sflag:s29], $0x3E80  }
0x22b: {  	[sflag:s29] =	ssyncset.done $0x0  }
0x22c: {  	[sflag:s29] =	ssyncadd.s32 $0xFFFFC180  }
0x22d: {  	[tilespmem:s1], [sflag:$0x1] =	stream.indirect.gather [hbm4b:s4+s31], $0x80, s21, s31, $0xb8;
	[tilespmem:$0x1E000] =	vst v63  }
0x22e: {  	_ =	swait.ge [sflag:s8], $0x3E80  }
0x22f: {  	[sflag:s8] =	ssyncset.done $0x0  }
0x230: {  	[sflag:s8] =	ssyncadd.s32 $0xFFFFC180  }
0x231: {  	[spmem:s2] =	stream.indirect.scatter.add.f32 [tilespmem:s6], [sflag:$0x3], $0x80, s22, s31, $0xb8;
	[tilespmem:$0x1E000] =	vst v63  }
0x232: {  	_ =	swait.ge [sflag:s29], $0x3E80  }
0x233: {  	[sflag:s29] =	ssyncset.done $0x0  }
0x234: {  	[sflag:s29] =	ssyncadd.s32 $0xFFFFC180  }
0x235: {  	_ =	swait.ge [sflag:s0], $0x3E80  }
0x236: {  	[sflag:s0] =	ssyncset.done $0x0  }
0x237: {  	[sflag:s0] =	ssyncadd.s32 $0xFFFFC180  }
0x238: {  	[tilespmem:s6], [sflag:$0x2] =	stream.indirect.gather [hbm4b:s4+s31], $0x80, s23, s31, $0xb8;
	[tilespmem:$0x1E000] =	vst v63  }
0x239: {  	_ = 	snop  }
0x23a: {  	[spmem:s2] =	stream.indirect.scatter.add.f32 [tilespmem:s1], [sflag:$0x3], $0x80, s25, s31, $0xb8;
	[tilespmem:$0x1E000] =	vst v63  }
0x23b: {  	_ =	swait.ge [sflag:s29], $0x3E80  }
0x23c: {  	[sflag:s29] =	ssyncset.done $0x0  }
0x23d: {  	[sflag:s29] =	ssyncadd.s32 $0xFFFFC180  }
0x23e: {  	_ =	swait.ge [sflag:s8], $0x3E80  }
0x23f: {  	[sflag:s8] =	ssyncset.done $0x0  }
0x240: {  	[sflag:s8] =	ssyncadd.s32 $0xFFFFC180  }
0x241: {  	[spmem:s2] =	stream.indirect.scatter.add.f32 [tilespmem:s6], [sflag:$0x3], $0x80, s26, s31, $0xb8;
	[tilespmem:$0x1E000] =	vst v63  }
0x242: {  	_ =	swait.ge [sflag:s29], $0x3E80  }
0x243: {  	[sflag:s29] =	ssyncset.done $0x0  }
0x244: {  	[sflag:s29] =	ssyncadd.s32 $0xFFFFC180  }
0x245: {  	s9 =	stileid.u32;
	[bflag:$0x0] =	sbarrier.arrive $0xFFFF  }
0x246: {  	s5 =	sshll.u32 s9, $0x6;
	s10 =	rddreg [dreg:$0x12]  }
0x247: {  	s7 =	sadd.s32 $0x0, s24;
	s5 =	sor.u32 $0x1C03, s5;
	s9 =	sshrl.u32 s10, $0x3  }
0x248: {  	[hbm:s7], [sflag:s5] =	dma.local [spmem:s9], $0x200  }
0x249: {  	_ =	swait.ge [sflag:s29], $0x200  }
0x24a: {  	s7 =	simm.s32 $0x200;
	s28 =	rddreg [dreg:$0x14]  }
.LBB2_6:
0x24b: {  	s9 =	sadd.s32 s7, s24;
	[sflag:s29] =	ssyncset.done $0x0;
	p0 =	sne.s32 s7, $0x2600  }
.Ltmp2:
0x24c: {  	s10 =	sshrl.u32 s28, $0x3;
	[sflag:s29] =	ssyncadd.s32 $0xFFFFFE00;
	(pc) =	sbr.rel @p0 .LBB2_6-.Ltmp2, $3  }
0x24d: {  	[hbm:s9], [sflag:s5] =	dma.local [spmem:s10], $0x200  }
0x24e: {  	s7 =	sadd.s32 $0x200, s7;
	_ =	sdelay $0x1  }
0x24f: {  	s28 =	sadd.s32 $0x1000, s28;
	_ =	swait.ge [sflag:s29], $0x200  }
0x250: {  	s7 =	sld [smem:$0x7F6];
	_ =	sdelay $0x2  }
0x251: {  	s5 =	rddreg [dreg:$0x13];
	s7 =	sadd.s32 $0x1, s7  }
0x252: {  	p0 =	sne.s32 s7, s5  }
.Ltmp3:
0x253: {  	_ = 	snop;
	(pc) =	sbr.rel @p0 .LBB2_1-.Ltmp3, $3  }
0x254: {  	_ =	sdelay $0x1  }
0x255: {  	[sflag:s29] =	ssyncset.done $0x0;
	s28 =	rddreg [dreg:$0x12]  }
0x256: {  	s9 =	simm.s32 $0x400;
	s10 =	simm.s32 $0xB80;
	[sflag:s29] =	ssyncadd.s32 $0xFFFFFE00  }
0x257: {  	_ =	sfence.sel $0x180000  }
0x258: {  	[bflag:$0x0] =	sbarrier.arrive $0xFFFF  }
0x259: {  	_ =	strace $0x9000004A  }
0x25a: {  	s0 =	stileid.u32;
	[bflag:$0x2] =	sbarrier.arrive $0xFFFF  }
0x25b: {  	p0 =	sne.s32 s0, $0x0;
	s0 =	rddreg [dreg:$0x2]  }
0x25c: {  	s0 =	sadd.s32 @!p0 $0x100000, s0  }
0x25d: {  	[sflag:s0] =	ssyncadd.tile.s32 @!p0 $0x1;
	_ =	shalt  }
.Lfunc_end2:
_tile_overlayer_lowered:
.L_overlay_start_2:
0x25e: {  	(tag) =	ssettag $0x2  }
0x25f: {  	s0 =	rddreg [dreg:$0x0];
	s2 =	stileid.u32  }
0x260: {  	s1 =	rddreg [dreg:$0x1];
	p0 =	sne.s32 s2, $0x0  }
0x261: {  	s3 =	rddreg [dreg:$0x2];
	[bflag:$0x3] =	sbarrier.arrive $0xFFFF;
	s2 =	simm.s32 @!p0 $0x1C03  }
0x262: {  	[timem:s3], [sflag:s2] =	dma.local @!p0 [hbm:s0], s1  }
0x263: {  	s0 =	simm.s32 @!p0 $0x3  }
0x264: {  	_ =	swait.ge @!p0 [sflag:s0], s1  }
0x265: {  	s1 =	ssub.s32 @!p0 $0x0, s1;
	[sflag:s0] =	ssyncset.done @!p0 $0x0  }
0x266: {  	[sflag:s0] =	ssyncadd.s32 @!p0 s1  }
0x267: {  	[bflag:$0x3] =	sbarrier.arrive $0xFFFF  }
0x268: {  	_ =	shalt  }

// kernel: kernel.19.cloned.1.call-start
scs
__scs_entry_jumppad:
0x0: {  	(pc) =	sbr.rel $0x88, $3  }
0x1: {  	(tag) =	ssettag $0x0;
	lr =	simm.s32 $0x1  }
0x2: {  	[smem:$0x3F90] =	sst lr;
	_ =	strace $0xD0000000  }
0x3: {  	_ = 	snop  }
0x4: {  	_ = 	snop  }
0x5: {  	_ = 	snop  }
0x6: {  	_ = 	snop  }
0x7: {  	_ = 	snop  }
__scs_overlays_trampoline_lowered:
0x8: {  	[smem:$0x3F9F] =	sst s0  }
0x9: {  	[smem:$0x3FA0] =	sst s1  }
0xa: {  	[smem:$0x3FA1] =	sst s2  }
0xb: {  	[smem:$0x3FA2] =	sst s3  }
0xc: {  	[smem:$0x3FA3] =	sst s4  }
0xd: {  	[smem:$0x3FA4] =	sst s5  }
0xe: {  	[smem:$0x3FA5] =	sst s6  }
0xf: {  	[smem:$0x3FA6] =	sst s7  }
0x10: {  	[smem:$0x3FA7] =	sst s8  }
0x11: {  	[smem:$0x3FA8] =	sst s9;
	s0 =	simm.s32 @!p0 $0x0  }
0x12: {  	s1 =	sld [smem:$0x3F8E];
	s0 =	simm.s32 @p0 $0x1  }
0x13: {  	[smem:$0x3FA9] =	sst s0;
	s0 =	simm.s32 @!p1 $0x0  }
0x14: {  	s2 =	sld [smem:$0x3F8D];
	s0 =	simm.s32 @p1 $0x1  }
0x15: {  	[smem:$0x3FAA] =	sst s0;
	s0 =	simm.s32 @!p2 $0x0  }
0x16: {  	s3 =	sld [smem:$0x3FDB];
	s0 =	simm.s32 @p2 $0x1  }
0x17: {  	s4 =	simm.s32 $0x1BF5;
	[smem:$0x3FAC] =	sst s0  }
0x18: {  	s0 =	sld [smem:$0x3F8F];
	_ =	swait.ge [sflag:s4], $0x0  }
0x19: {  	s7 =	sld [smem:$0x3F90]  }
0x1a: {  	s8 =	sadd.s32 $0xFFFFE003, lr  }
0x1b: {  	s9 =	sadd.s32 $0xFFFFFEF7, lr;
	s5 =	simm.s32 $0xFFFFFFFF;
	p2 =	slt.u32 s8, $0xFFFFF086  }
0x1c: {  	p1 =	slt.u32 s9, $0xF7A;
	s5 =	simm.s32 @!p2 $0x0  }
0x1d: {  	s5 =	simm.s32 @p1 $0x1;
	p0 =	seq.s32 s7, s2  }
0x1e: {  	s7 =	smul.u32 @!p0 $0xF7A, s2;
	p2 =	seq.s32 @!p0 s5, $0x0  }
0x1f: {  	s9 =	smul.u32 $0xF7A, s1;
	s8 =	simm.s32 @!p0 $0x1BF5;
	p2 =	por !p2, p0  }
0x20: {  	[sflag:s8] =	ssyncset.s32 @!p0 $0xFFFFF086;
	s6 =	sadd.s32 @!p0 s3, s7;
	s7 =	simm.s32 @!p0 $0x108  }
0x21: {  	s3 =	sadd.s32 s3, s9;
	s6 =	sadd.s32 @!p0 $0x88, s6;
	s7 =	simm.s32 @p2 $0x1082  }
0x22: {  	[simem:s7], [sflag:s8] =	dma.local @!p0 [hbm:s6], $0xF7A  }
0x23: {  	s9 =	sor.u32 $0xD0000000, s2;
	s6 =	simm.s32 $0x108;
	_ =	swait.ge @!p0 [sflag:s8], $0x0  }
0x24: {  	s3 =	sadd.s32 $0x88, s3;
	s6 =	simm.s32 @!p1 $0x1082;
	[sflag:s4] =	ssyncset.s32 $0xFFFFF086  }
0x25: {  	[simem:s6], [sflag:s4] =	dma.local [hbm:s3], $0xF7A  }
0x26: {  	[smem:$0x3F90] =	sst s1;
	(tag) =	ssettag s2;
	_ =	strace s9  }
0x27: {  	s1 =	sld [smem:$0x3FA0]  }
0x28: {  	s2 =	sld [smem:$0x3FA1]  }
0x29: {  	s4 =	sld [smem:$0x3FA3]  }
0x2a: {  	p0 =	seq.s32 s5, $0x0;
	s5 =	sld [smem:$0x3FA4]  }
0x2b: {  	s6 =	sld [smem:$0x3FA5]  }
0x2c: {  	s7 =	sld [smem:$0x3FA6]  }
0x2d: {  	s3 =	simm.s32 $0x108;
	s8 =	sld [smem:$0x3FA7]  }
0x2e: {  	s3 =	simm.s32 @!p0 $0x1082;
	s9 =	sld [smem:$0x3FA8]  }
0x2f: {  	lr =	sadd.s32 s0, s3;
	s0 =	sld [smem:$0x3F9F]  }
0x30: {  	s3 =	sld [smem:$0x3FA2]  }
0x31: {  	[smem:$0x3FAB] =	sst s10  }
0x32: {  	s10 =	sld [smem:$0x3FA9];
	_ =	sdelay $0x3  }
0x33: {  	p0 =	seq.s32 s10, $0x1;
	s10 =	sld [smem:$0x3FAB];
	_ =	sdelay $0x3  }
0x34: {  	[smem:$0x3FAB] =	sst s10  }
0x35: {  	s10 =	sld [smem:$0x3FAA];
	_ =	sdelay $0x3  }
0x36: {  	p1 =	seq.s32 s10, $0x1;
	s10 =	sld [smem:$0x3FAB];
	_ =	sdelay $0x3  }
0x37: {  	[smem:$0x3FAB] =	sst s10  }
0x38: {  	s10 =	sld [smem:$0x3FAC]  }
0x39: {  	_ = 	snop;
	(pc) =	sbr.ind lr, $3  }
0x3a: {  	_ = 	snop  }
0x3b: {  	_ = 	snop  }
0x3c: {  	p2 =	seq.s32 s10, $0x1;
	s10 =	sld [smem:$0x3FAB]  }
0x3d: {  	_ =	shalt  }
0x3e: {  	_ =	shalt  }
0x3f: {  	_ =	shalt  }
0x40: {  	_ =	shalt  }
0x41: {  	_ =	shalt  }
0x42: {  	_ =	shalt  }
0x43: {  	_ =	shalt  }
0x44: {  	_ =	shalt  }
0x45: {  	_ =	shalt  }
0x46: {  	_ =	shalt  }
0x47: {  	_ =	shalt  }
0x48: {  	_ =	shalt  }
0x49: {  	_ =	shalt  }
0x4a: {  	_ =	shalt  }
0x4b: {  	_ =	shalt  }
0x4c: {  	_ =	shalt  }
0x4d: {  	_ =	shalt  }
0x4e: {  	_ =	shalt  }
0x4f: {  	_ =	shalt  }
0x50: {  	_ =	shalt  }
0x51: {  	_ =	shalt  }
0x52: {  	_ =	shalt  }
0x53: {  	_ =	shalt  }
0x54: {  	_ =	shalt  }
0x55: {  	_ =	shalt  }
0x56: {  	_ =	shalt  }
0x57: {  	_ =	shalt  }
0x58: {  	_ =	shalt  }
0x59: {  	_ =	shalt  }
0x5a: {  	_ =	shalt  }
0x5b: {  	_ =	shalt  }
0x5c: {  	_ =	shalt  }
0x5d: {  	_ =	shalt  }
0x5e: {  	_ =	shalt  }
0x5f: {  	_ =	shalt  }
0x60: {  	_ =	shalt  }
0x61: {  	_ =	shalt  }
0x62: {  	_ =	shalt  }
0x63: {  	_ =	shalt  }
0x64: {  	_ =	shalt  }
0x65: {  	_ =	shalt  }
0x66: {  	_ =	shalt  }
0x67: {  	_ =	shalt  }
0x68: {  	_ =	shalt  }
0x69: {  	_ =	shalt  }
0x6a: {  	_ =	shalt  }
0x6b: {  	_ =	shalt  }
0x6c: {  	_ =	shalt  }
0x6d: {  	_ =	shalt  }
0x6e: {  	_ =	shalt  }
0x6f: {  	_ =	shalt  }
0x70: {  	_ =	shalt  }
0x71: {  	_ =	shalt  }
0x72: {  	_ =	shalt  }
0x73: {  	_ =	shalt  }
0x74: {  	_ =	shalt  }
0x75: {  	_ =	shalt  }
0x76: {  	_ =	shalt  }
0x77: {  	_ =	shalt  }
0x78: {  	_ =	shalt  }
0x79: {  	_ =	shalt  }
0x7a: {  	_ =	shalt  }
0x7b: {  	_ =	shalt  }
0x7c: {  	_ =	shalt  }
0x7d: {  	_ =	shalt  }
0x7e: {  	_ =	shalt  }
0x7f: {  	_ =	shalt  }
0x80: {  	_ =	shalt  }
0x81: {  	_ =	shalt  }
0x82: {  	_ =	shalt  }
0x83: {  	_ =	shalt  }
0x84: {  	_ =	shalt  }
0x85: {  	_ =	shalt  }
0x86: {  	_ =	shalt  }
0x87: {  	_ =	shalt  }
.Lfunc_end0:
.L_simem_size_0:
called_computation.2_lowered:
.L_overlay_start_0:
0x88: {  	s2 =	sld [smem:$0x3FD9]  }
0x89: {  	s3 =	sld [smem:$0x3FFE];
	_ =	sdelay $0x1  }
0x8a: {  	s1 =	srdreg.scid  }
0x8b: {  	s0 =	sand.u32 $0x1, s1  }
0x8c: {  	s16 =	sshll.u32 s0, $0xA;
	s2 =	sadd.s32 s3, s2  }
0x8d: {  	s2 =	sadd.s32 s2, s16  }
0x8e: {  	[smem:$0x3FB7] =	sst s2  }
0x8f: {  	_ = 	snop  }
0x90: {  	(tm) =	ssettm $0x1  }
0x91: {  	s17 =	sld [smem:$0x3FFB];
	_ =	sdelay $0x3  }
0x92: {  	_ =	strace s17  }
0x93: {  	s2 =	sld [smem:$0x3FFC];
	_ =	sdelay $0x3  }
0x94: {  	_ =	strace s2  }
0x95: {  	s2 =	sld [smem:$0x3FFD];
	_ =	sdelay $0x3  }
0x96: {  	_ =	strace s2  }
0x97: {  	_ =	strace $0x8FFFFFFF  }
0x98: {  	s18 =	sld [smem:$0x3FDB];
	_ =	sdelay $0x1  }
0x99: {  	s19 =	simm.s32 $_scs_section_size  }
0x9a: {  	s4 =	simm.s32 $_size__tile_overlayer_lowered;
	s5 =	simm.s32 $_tile_overlayer_lowered  }
0x9b: {  	s22 =	simm.s32 $0x1BFF;
	s21 =	sshll.u32 s5, $0x1;
	s2 =	sadd.s32 s19, s18  }
0x9c: {  	s6 =	simm.s32 $0x0;
	s20 =	sshll.u32 s4, $0x1;
	s4 =	sadd.s32 s21, s2  }
0x9d: {  	[timem:s6], [sflag:s22] =	dma.local [hbm:s4], s20  }
0x9e: {  	_ =	swait.ge [sflag:s22], s20  }
0x9f: {  	s3 =	ssub.s32 $0x0, s20;
	[sflag:s22] =	ssyncset.done $0x0  }
0xa0: {  	[sflag:s22] =	ssyncadd.s32 s3;
	_ =	sdelay $0x1  }
0xa1: {  	s23 =	simm.s32 $0x1B8B  }
0xa2: {  	_ =	swait.ge [sflag:s23], $0x1  }
0xa3: {  	[sflag:s23] =	ssyncset.done $0x0  }
0xa4: {  	s25 =	simm.s32 $0x1B8E;
	s24 =	sld [smem:$0x3FFE];
	[sflag:s23] =	ssyncadd.s32 $0xFFFFFFFF  }
0xa5: {  	s26 =	simm.s32 $execute0_lowered;
	[smem:$0x3FD2] =	sst s25  }
0xa6: {  	s4 =	sshll.u32 s26, $0x1;
	_ =	strace $0x8000004C;
	[dreg:$0x1] =	wrdreg $0xFFFFFFFF  }
0xa7: {  	s28 =	simm.s32 $_size_execute0_lowered;
	s2 =	sadd.s32 s2, s4;
	[dreg:$0x0] =	wrdreg $0x0  }
0xa8: {  	s4 =	sshll.u32 s28, $0x1;
	[dreg:$0x2] =	wrdreg s2  }
0xa9: {  	[dreg:$0x3] =	wrdreg s4  }
0xaa: {  	[dreg:$0x4] =	wrdreg $0xC0  }
0xab: {  	_ =	task [dreg:s6], $0x5FFFF  }
0xac: {  	[dreg:$0x1] =	wrdreg $0xFFFFFFFF  }
0xad: {  	[dreg:$0x0] =	wrdreg $0x60  }
0xae: {  	[dreg:$0x2] =	wrdreg s24  }
0xaf: {  	[dreg:$0x3] =	wrdreg $0xA0000  }
0xb0: {  	[dreg:$0x4] =	wrdreg $0x9  }
0xb1: {  	_ =	task.clear_ibuf [dreg:s6], $0x5FFFF;
	_ =	strace $0x9000004C  }
0xb2: {  	s29 =	simm.s32 $0x9;
	_ =	strace $0x8000004E  }
0xb3: {  	_ =	swait.ge [sflag:s29], $0x1  }
0xb4: {  	[sflag:s29] =	ssyncadd.s32 $0xFFFFFFFF  }
0xb5: {  	_ =	strace $0x9000004E  }
0xb6: {  	_ =	sfence  }
0xb7: {  	s30 =	sld [smem:$0x0];
	_ =	sdelay $0x2  }
0xb8: {  	s31 =	sshll.u32 s1, $0xD;
	s1 =	sshrl.u32 s1, $0x2  }
0xb9: {  	s3 =	sand.u32 $0x4000, s31;
	s1 =	sadd.s32 s1, s30  }
0xba: {  	s0 =	sor.u32 s3, s0;
	s1 =	sshll.u32 s1, $0x11  }
0xbb: {  	s0 =	sor.u32 s1, s0  }
0xbc: {  	s0 =	sadd.s32 $0x8F2B, s0  }
0xbd: {  	[sflag:s0] =	ssyncadd.remote.s32 $0x1  }
0xbe: {  	_ =	sfence.sel $0xFFFF  }
0xbf: {  	[dreg:$0x0] =	wrdreg $0xFFFFFFFF;
	(pc) =	sbr.abs _section_cstart, $3  }
0xc0: {  	[dreg:$0x1] =	wrdreg $0xFFFFFFFF  }
0xc1: {  	_ =	task.clear_ibuf [dreg:s6], $0x2FFFF;
	_ =	strace $0x9FFFFFFF  }
0xc2: {  	(tm) =	ssettm $0x7FFFFFFF  }
0xc3: {  	_ =	shalt  }
tec
execute0_lowered:
.L_overlay_start_1:
0x0: {  	(tag) =	ssettag $0x1  }
0x1: {  	s0 =	rddreg [dreg:$0x0];
	s1 =	srdreg.scid  }
0x2: {  	s9 =	stileid.u32;
	s2 =	rddreg [dreg:$0x1];
	s3 =	simm.s32 $0x0  }
0x3: {  	s17 =	simm.s32 $0x80;
	s19 =	simm.s32 $0x100;
	[smem:$0x7FF] =	sst s3  }
0x4: {  	s21 =	simm.s32 $0x880;
	_ =	strace $0x8000004D;
	[dreg:$0x5] =	wrdreg s17  }
0x5: {  	s23 =	simm.s32 $0x180;
	s25 =	simm.s32 $0x900;
	[dreg:$0x6] =	wrdreg s19  }
0x6: {  	s11 =	simm.s32 $0x280;
	s1 =	sand.u32 $0x1, s1;
	[dreg:$0x7] =	wrdreg s21  }
0x7: {  	s4 =	sshll.u32 s9, $0x1;
	s7 =	smul.u32 $0x50000, s9;
	[dreg:$0x8] =	wrdreg s23  }
0x8: {  	s4 =	sor.u32 s1, s4;
	s6 =	smul.u32 $0x28000, s1;
	[dreg:$0x9] =	wrdreg s25  }
0x9: {  	s1 =	ssub.s32 $0x2, s1;
	[dreg:$0xc] =	wrdreg s11;
	s17 =	simm.s32 $0xA80  }
0xa: {  	s19 =	simm.s32 $0x380;
	s21 =	simm.s32 $0xB00;
	[dreg:$0xf] =	wrdreg s17  }
0xb: {  	s13 =	sshrl.u32 s1, $0x1;
	s7 =	sshrl.u32 s7, $0x2;
	[dreg:$0x10] =	wrdreg s19  }
0xc: {  	[dreg:$0x11] =	wrdreg s21;
	s1 =	ssub.s32 s1, s13;
	s13 =	simm.s32 $0xA00  }
0xd: {  	s28 =	sadd.s32 s7, s2;
	[dreg:$0xd] =	wrdreg s13  }
0xe: {  	s1 =	smax.u32 s1, $0x1;
	[dreg:$0x12] =	wrdreg s28  }
0xf: {  	s29 =	simm.s32 $0x3;
	s14 =	sadd.s32 $0x1000, s28;
	[dreg:$0x13] =	wrdreg s1  }
0x10: {  	s30 =	simm.s32 $0x800;
	s15 =	sadd.s32 $0x2000, s28;
	[dreg:$0x14] =	wrdreg s14  }
0x11: {  	s31 =	simm.s32 $0x7D;
	s16 =	sadd.s32 $0x3000, s28;
	[dreg:$0x15] =	wrdreg s15  }
0x12: {  	s11 =	simm.s32 $0x480;
	s18 =	sadd.s32 $0x4000, s28;
	[dreg:$0x16] =	wrdreg s16  }
0x13: {  	s5 =	smul.u32 $0x500, s4;
	s20 =	sadd.s32 $0x5000, s28;
	[dreg:$0x17] =	wrdreg s18  }
0x14: {  	s4 =	sadd.s32 $0x2C600, s0;
	s22 =	sadd.s32 $0x6000, s28;
	[dreg:$0x18] =	wrdreg s20  }
0x15: {  	s17 =	simm.s32 $0x600;
	s24 =	sadd.s32 $0x7000, s28;
	[dreg:$0x19] =	wrdreg s22  }
0x16: {  	s19 =	simm.s32 $0x680;
	s26 =	sadd.s32 $0x8000, s28;
	[dreg:$0x1a] =	wrdreg s24  }
0x17: {  	s5 =	sadd.s32 s5, s0;
	s7 =	sadd.s32 $0x9000, s28;
	[dreg:$0x1b] =	wrdreg s26  }
0x18: {  	s0 =	sadd.s32 s6, s0;
	s6 =	simm.s32 $0x200;
	[dreg:$0x1c] =	wrdreg s7  }
0x19: {  	s21 =	simm.s32 $0x700;
	s10 =	sadd.s32 $0xA000, s28;
	[dreg:$0xa] =	wrdreg s6  }
0x1a: {  	s12 =	sadd.s32 $0xB000, s28;
	s23 =	sadd.s32 $0x10000, s28;
	[dreg:$0x1d] =	wrdreg s10  }
0x1b: {  	s25 =	sadd.s32 $0x12000, s28;
	s13 =	simm.s32 $0x500;
	[dreg:$0x1e] =	wrdreg s12  }
0x1c: {  	s8 =	sadd.s32 $0x18600, s5;
	s5 =	sadd.s32 $0x22600, s5;
	[smem:$0x7FA] =	sst s23  }
0x1d: {  	s0 =	sadd.s32 $0x7AA00, s0;
	s14 =	sadd.s32 $0xC000, s28;
	[smem:$0x7FC] =	sst s25  }
0x1e: {  	s15 =	simm.s32 $0x300;
	s16 =	sadd.s32 $0xD000, s28;
	[dreg:$0x3] =	wrdreg s8  }
0x1f: {  	s18 =	sadd.s32 $0xE000, s28;
	s20 =	smul.u32 $0x2800, s9;
	[dreg:$0x4] =	wrdreg s5  }
0x20: {  	s22 =	sadd.s32 $0xF000, s28;
	s24 =	sadd.s32 $0x11000, s28;
	[dreg:$0x1f] =	wrdreg s14  }
0x21: {  	s26 =	sadd.s32 $0x13000, s28;
	s1 =	simm.s32 $0x1000;
	[smem:$0x7F7] =	sst s16  }
0x22: {  	s6 =	simm.s32 $0x5000;
	s9 =	simm.s32 $0x400;
	[dreg:$0xe] =	wrdreg s15  }
0x23: {  	s10 =	simm.s32 $0xB80;
	s12 =	simm.s32 $0xC00;
	[smem:$0x7F8] =	sst s18  }
0x24: {  	s23 =	simm.s32 $0x780;
	s25 =	simm.s32 $0xF00;
	[smem:$0x7F9] =	sst s22  }
0x25: {  	s7 =	simm.s32 $0x0;
	s8 =	simm.s32 $0x980;
	[smem:$0x7FB] =	sst s24  }
0x26: {  	[smem:$0x7FD] =	sst s26;
	s14 =	simm.s32 $0xC80;
	s15 =	simm.s32 $0x580  }
0x27: {  	s16 =	simm.s32 $0xD00;
	s18 =	simm.s32 $0xD80;
	s22 =	simm.s32 $0xE80  }
0x28: {  	s26 =	simm.s32 $0xF80;
	[dreg:$0xb] =	wrdreg s8;
	s24 =	sadd.s32 s0, s20  }
0x29: {  	v0 =	vimm.f32 $0.0e+00;
	s0 =	simm.s32 $0x1;
	s8 =	simm.s32 $0x2;
	s20 =	simm.s32 $0xE00  }
.LBB2_1:
0x2a: {  	[smem:$0x7F6] =	sst s7;
	s5 =	simm.s32 $0x0;
	s7 =	simm.s32 $0x200  }
.LBB2_2:
0x2b: {  	p0 =	sne.s32 s7, $0x3E00;
	[tilespmem:s5+$0x9070] =	vst v0  }
0x2c: {  	[tilespmem:s5+$0x9000] =	vst v0  }
0x2d: {  	[tilespmem:s5+$0x9010] =	vst v0  }
.Ltmp0:
0x2e: {  	[tilespmem:s5+$0x9020] =	vst v0;
	(pc) =	sbr.rel @p0 .LBB2_2-.Ltmp0, $4  }
0x2f: {  	[tilespmem:s5+$0x9030] =	vst v0  }
0x30: {  	[tilespmem:s5+$0x9040] =	vst v0  }
0x31: {  	[tilespmem:s5+$0x9050] =	vst v0  }
0x32: {  	[tilespmem:s5+$0x9060] =	vst v0;
	s5 =	sshra.s32 s7, $0x2;
	s7 =	sadd.s32 $0x200, s7  }
0x33: {  	[tilespmem:s5+$0x9070] =	vst v0  }
0x34: {  	[tilespmem:s5+$0x9000] =	vst v0  }
0x35: {  	[tilespmem:s5+$0x9010] =	vst v0  }
0x36: {  	[tilespmem:s5+$0x9020] =	vst v0  }
0x37: {  	[tilespmem:s5+$0x9030] =	vst v0  }
0x38: {  	[tilespmem:s5+$0x9040] =	vst v0  }
0x39: {  	[tilespmem:s5+$0x9050] =	vst v0  }
0x3a: {  	[tilespmem:s5+$0x9060] =	vst v0;
	s7 =	simm.s32 $0x9000  }
0x3b: {  	[spmem:s28] =	stream.linear.scatter [tilespmem:s7], [sflag:$0x3], $0x1000, $0x38;
	[tilespmem:$0x1E000] =	vst v63  }
0x3c: {  	_ =	swait.ge [sflag:s29], $0x1000  }
0x3d: {  	[sflag:s29] =	ssyncset.done $0x0  }
0x3e: {  	s5 =	rddreg [dreg:$0x14];
	[sflag:s29] =	ssyncadd.s32 $0xFFFFF000  }
0x3f: {  	[spmem:s5] =	stream.linear.scatter [tilespmem:s7], [sflag:$0x3], $0x1000, $0x38;
	[tilespmem:$0x1E000] =	vst v63  }
0x40: {  	_ =	swait.ge [sflag:s29], $0x1000  }
0x41: {  	[sflag:s29] =	ssyncset.done $0x0  }
0x42: {  	s5 =	rddreg [dreg:$0x15];
	[sflag:s29] =	ssyncadd.s32 $0xFFFFF000  }
0x43: {  	[spmem:s5] =	stream.linear.scatter [tilespmem:s7], [sflag:$0x3], $0x1000, $0x38;
	[tilespmem:$0x1E000] =	vst v63  }
0x44: {  	_ =	swait.ge [sflag:s29], $0x1000  }
0x45: {  	[sflag:s29] =	ssyncset.done $0x0  }
0x46: {  	s5 =	rddreg [dreg:$0x16];
	[sflag:s29] =	ssyncadd.s32 $0xFFFFF000  }
0x47: {  	[spmem:s5] =	stream.linear.scatter [tilespmem:s7], [sflag:$0x3], $0x1000, $0x38;
	[tilespmem:$0x1E000] =	vst v63  }
0x48: {  	_ =	swait.ge [sflag:s29], $0x1000  }
0x49: {  	[sflag:s29] =	ssyncset.done $0x0  }
0x4a: {  	s5 =	rddreg [dreg:$0x17];
	[sflag:s29] =	ssyncadd.s32 $0xFFFFF000  }
0x4b: {  	[spmem:s5] =	stream.linear.scatter [tilespmem:s7], [sflag:$0x3], $0x1000, $0x38;
	[tilespmem:$0x1E000] =	vst v63  }
0x4c: {  	_ =	swait.ge [sflag:s29], $0x1000  }
0x4d: {  	[sflag:s29] =	ssyncset.done $0x0  }
0x4e: {  	s5 =	rddreg [dreg:$0x18];
	[sflag:s29] =	ssyncadd.s32 $0xFFFFF000  }
0x4f: {  	[spmem:s5] =	stream.linear.scatter [tilespmem:s7], [sflag:$0x3], $0x1000, $0x38;
	[tilespmem:$0x1E000] =	vst v63  }
0x50: {  	_ =	swait.ge [sflag:s29], $0x1000  }
0x51: {  	[sflag:s29] =	ssyncset.done $0x0  }
0x52: {  	s5 =	rddreg [dreg:$0x19];
	[sflag:s29] =	ssyncadd.s32 $0xFFFFF000  }
0x53: {  	[spmem:s5] =	stream.linear.scatter [tilespmem:s7], [sflag:$0x3], $0x1000, $0x38;
	[tilespmem:$0x1E000] =	vst v63  }
0x54: {  	_ =	swait.ge [sflag:s29], $0x1000  }
0x55: {  	[sflag:s29] =	ssyncset.done $0x0  }
0x56: {  	s5 =	rddreg [dreg:$0x1a];
	[sflag:s29] =	ssyncadd.s32 $0xFFFFF000  }
0x57: {  	[spmem:s5] =	stream.linear.scatter [tilespmem:s7], [sflag:$0x3], $0x1000, $0x38;
	[tilespmem:$0x1E000] =	vst v63  }
0x58: {  	_ =	swait.ge [sflag:s29], $0x1000  }
0x59: {  	[sflag:s29] =	ssyncset.done $0x0  }
0x5a: {  	s5 =	rddreg [dreg:$0x1b];
	[sflag:s29] =	ssyncadd.s32 $0xFFFFF000  }
0x5b: {  	[spmem:s5] =	stream.linear.scatter [tilespmem:s7], [sflag:$0x3], $0x1000, $0x38;
	[tilespmem:$0x1E000] =	vst v63  }
0x5c: {  	_ =	swait.ge [sflag:s29], $0x1000  }
0x5d: {  	[sflag:s29] =	ssyncset.done $0x0  }
0x5e: {  	s5 =	rddreg [dreg:$0x1c];
	[sflag:s29] =	ssyncadd.s32 $0xFFFFF000  }
0x5f: {  	[spmem:s5] =	stream.linear.scatter [tilespmem:s7], [sflag:$0x3], $0x1000, $0x38;
	[tilespmem:$0x1E000] =	vst v63  }
0x60: {  	_ =	swait.ge [sflag:s29], $0x1000  }
0x61: {  	[sflag:s29] =	ssyncset.done $0x0  }
0x62: {  	s5 =	rddreg [dreg:$0x1d];
	[sflag:s29] =	ssyncadd.s32 $0xFFFFF000  }
0x63: {  	[spmem:s5] =	stream.linear.scatter [tilespmem:s7], [sflag:$0x3], $0x1000, $0x38;
	[tilespmem:$0x1E000] =	vst v63  }
0x64: {  	_ =	swait.ge [sflag:s29], $0x1000  }
0x65: {  	[sflag:s29] =	ssyncset.done $0x0  }
0x66: {  	s5 =	rddreg [dreg:$0x1e];
	[sflag:s29] =	ssyncadd.s32 $0xFFFFF000  }
0x67: {  	[spmem:s5] =	stream.linear.scatter [tilespmem:s7], [sflag:$0x3], $0x1000, $0x38;
	[tilespmem:$0x1E000] =	vst v63  }
0x68: {  	_ =	swait.ge [sflag:s29], $0x1000  }
0x69: {  	[sflag:s29] =	ssyncset.done $0x0  }
0x6a: {  	s5 =	rddreg [dreg:$0x1f];
	[sflag:s29] =	ssyncadd.s32 $0xFFFFF000  }
0x6b: {  	[spmem:s5] =	stream.linear.scatter [tilespmem:s7], [sflag:$0x3], $0x1000, $0x38;
	[tilespmem:$0x1E000] =	vst v63  }
0x6c: {  	_ =	swait.ge [sflag:s29], $0x1000  }
0x6d: {  	s5 =	sld [smem:$0x7F7]  }
0x6e: {  	[sflag:s29] =	ssyncset.done $0x0  }
0x6f: {  	[sflag:s29] =	ssyncadd.s32 $0xFFFFF000  }
0x70: {  	[spmem:s5] =	stream.linear.scatter [tilespmem:s7], [sflag:$0x3], $0x1000, $0x38;
	[tilespmem:$0x1E000] =	vst v63  }
0x71: {  	_ =	swait.ge [sflag:s29], $0x1000  }
0x72: {  	s5 =	sld [smem:$0x7F8]  }
0x73: {  	[sflag:s29] =	ssyncset.done $0x0  }
0x74: {  	[sflag:s29] =	ssyncadd.s32 $0xFFFFF000  }
0x75: {  	[spmem:s5] =	stream.linear.scatter [tilespmem:s7], [sflag:$0x3], $0x1000, $0x38;
	[tilespmem:$0x1E000] =	vst v63  }
0x76: {  	_ =	swait.ge [sflag:s29], $0x1000  }
0x77: {  	s5 =	sld [smem:$0x7F9]  }
0x78: {  	[sflag:s29] =	ssyncset.done $0x0  }
0x79: {  	[sflag:s29] =	ssyncadd.s32 $0xFFFFF000  }
0x7a: {  	[spmem:s5] =	stream.linear.scatter [tilespmem:s7], [sflag:$0x3], $0x1000, $0x38;
	[tilespmem:$0x1E000] =	vst v63  }
0x7b: {  	_ =	swait.ge [sflag:s29], $0x1000  }
0x7c: {  	s5 =	sld [smem:$0x7FA]  }
0x7d: {  	[sflag:s29] =	ssyncset.done $0x0  }
0x7e: {  	[sflag:s29] =	ssyncadd.s32 $0xFFFFF000  }
0x7f: {  	[spmem:s5] =	stream.linear.scatter [tilespmem:s7], [sflag:$0x3], $0x1000, $0x38;
	[tilespmem:$0x1E000] =	vst v63  }
0x80: {  	_ =	swait.ge [sflag:s29], $0x1000  }
0x81: {  	s5 =	sld [smem:$0x7FB]  }
0x82: {  	[sflag:s29] =	ssyncset.done $0x0  }
0x83: {  	[sflag:s29] =	ssyncadd.s32 $0xFFFFF000  }
0x84: {  	[spmem:s5] =	stream.linear.scatter [tilespmem:s7], [sflag:$0x3], $0x1000, $0x38;
	[tilespmem:$0x1E000] =	vst v63  }
0x85: {  	_ =	swait.ge [sflag:s29], $0x1000  }
0x86: {  	s5 =	sld [smem:$0x7FC]  }
0x87: {  	[sflag:s29] =	ssyncset.done $0x0  }
0x88: {  	[sflag:s29] =	ssyncadd.s32 $0xFFFFF000  }
0x89: {  	[spmem:s5] =	stream.linear.scatter [tilespmem:s7], [sflag:$0x3], $0x1000, $0x38;
	[tilespmem:$0x1E000] =	vst v63  }
0x8a: {  	_ =	swait.ge [sflag:s29], $0x1000  }
0x8b: {  	s5 =	sld [smem:$0x7FD]  }
0x8c: {  	[sflag:s29] =	ssyncset.done $0x0  }
0x8d: {  	[sflag:s29] =	ssyncadd.s32 $0xFFFFF000  }
0x8e: {  	[spmem:s5] =	stream.linear.scatter [tilespmem:s7], [sflag:$0x3], $0x1000, $0x38;
	[tilespmem:$0x1E000] =	vst v63  }
0x8f: {  	_ =	swait.ge [sflag:s29], $0x1000  }
0x90: {  	[sflag:s29] =	ssyncset.done $0x0  }
0x91: {  	[sflag:s29] =	ssyncadd.s32 $0xFFFFF000  }
0x92: {  	[bflag:$0x0] =	sbarrier.arrive $0xFFFF  }
0x93: {  	s7 =	rddreg [dreg:$0x3]  }
0x94: {  	s5 =	sadd.s32 $0x0, s7  }
0x95: {  	[tilespmem:s3], [sflag:$0x3] =	stream.linear.gather [hbm4b:s5+s3], $0x800, $0x38;
	[tilespmem:$0x1E000] =	vst v63  }
0x96: {  	_ =	swait.ge [sflag:s29], $0x800  }
0x97: {  	s7 =	rddreg [dreg:$0x4];
	[sflag:s29] =	ssyncset.done $0x0  }
0x98: {  	[sflag:s29] =	ssyncadd.s32 $0xFFFFF800;
	s5 =	sadd.s32 $0x0, s7  }
0x99: {  	[tilespmem:s30], [sflag:$0x3] =	stream.linear.gather [hbm4b:s5+s3], $0x800, $0x38;
	[tilespmem:$0x1E000] =	vst v63  }
0x9a: {  	_ =	swait.ge [sflag:s29], $0x800  }
0x9b: {  	[sflag:s29] =	ssyncset.done $0x0  }
0x9c: {  	[sflag:s29] =	ssyncadd.s32 $0xFFFFF800  }
0x9d: {  	[tilespmem:s1], [sflag:$0x1] =	stream.indirect.gather [hbm4b:s4+s31], $0x80, s3, s31, $0xb8;
	[tilespmem:$0x1E000] =	vst v63  }
0x9e: {  	_ =	swait.ge [sflag:s0], $0x3E80  }
0x9f: {  	[sflag:s0] =	ssyncset.done $0x0  }
0xa0: {  	s7 =	rddreg [dreg:$0x5];
	[sflag:s0] =	ssyncadd.s32 $0xFFFFC180  }
0xa1: {  	[tilespmem:s6], [sflag:$0x2] =	stream.indirect.gather [hbm4b:s4+s31], $0x80, s7, s31, $0xb8;
	[tilespmem:$0x1E000] =	vst v63  }
0xa2: {  	_ = 	snop  }
0xa3: {  	[spmem:s2] =	stream.indirect.scatter.add.f32 [tilespmem:s1], [sflag:$0x3], $0x80, s30, s31, $0xb8;
	[tilespmem:$0x1E000] =	vst v63  }
0xa4: {  	_ =	swait.ge [sflag:s29], $0x3E80  }
0xa5: {  	[sflag:s29] =	ssyncset.done $0x0  }
0xa6: {  	s7 =	rddreg [dreg:$0x6];
	[sflag:s29] =	ssyncadd.s32 $0xFFFFC180  }
0xa7: {  	[tilespmem:s1], [sflag:$0x1] =	stream.indirect.gather [hbm4b:s4+s31], $0x80, s7, s31, $0xb8;
	[tilespmem:$0x1E000] =	vst v63  }
0xa8: {  	_ =	swait.ge [sflag:s8], $0x3E80  }
0xa9: {  	[sflag:s8] =	ssyncset.done $0x0  }
0xaa: {  	s7 =	rddreg [dreg:$0x7];
	[sflag:s8] =	ssyncadd.s32 $0xFFFFC180  }
0xab: {  	[spmem:s2] =	stream.indirect.scatter.add.f32 [tilespmem:s6], [sflag:$0x3], $0x80, s7, s31, $0xb8;
	[tilespmem:$0x1E000] =	vst v63  }
0xac: {  	_ =	swait.ge [sflag:s29], $0x3E80  }
0xad: {  	[sflag:s29] =	ssyncset.done $0x0  }
0xae: {  	[sflag:s29] =	ssyncadd.s32 $0xFFFFC180  }
0xaf: {  	_ =	swait.ge [sflag:s0], $0x3E80  }
0xb0: {  	[sflag:s0] =	ssyncset.done $0x0  }
0xb1: {  	s5 =	rddreg [dreg:$0x8];
	[sflag:s0] =	ssyncadd.s32 $0xFFFFC180  }
0xb2: {  	[tilespmem:s6], [sflag:$0x2] =	stream.indirect.gather [hbm4b:s4+s31], $0x80, s5, s31, $0xb8;
	[tilespmem:$0x1E000] =	vst v63  }
0xb3: {  	s7 =	rddreg [dreg:$0x9]  }
0xb4: {  	[spmem:s2] =	stream.indirect.scatter.add.f32 [tilespmem:s1], [sflag:$0x3], $0x80, s7, s31, $0xb8;
	[tilespmem:$0x1E000] =	vst v63  }
0xb5: {  	_ =	swait.ge [sflag:s29], $0x3E80  }
0xb6: {  	[sflag:s29] =	ssyncset.done $0x0  }
0xb7: {  	s7 =	rddreg [dreg:$0xa];
	[sflag:s29] =	ssyncadd.s32 $0xFFFFC180  }
0xb8: {  	[tilespmem:s1], [sflag:$0x1] =	stream.indirect.gather [hbm4b:s4+s31], $0x80, s7, s31, $0xb8;
	[tilespmem:$0x1E000] =	vst v63  }
0xb9: {  	_ =	swait.ge [sflag:s8], $0x3E80  }
0xba: {  	[sflag:s8] =	ssyncset.done $0x0  }
0xbb: {  	s7 =	rddreg [dreg:$0xb];
	[sflag:s8] =	ssyncadd.s32 $0xFFFFC180  }
0xbc: {  	[spmem:s2] =	stream.indirect.scatter.add.f32 [tilespmem:s6], [sflag:$0x3], $0x80, s7, s31, $0xb8;
	[tilespmem:$0x1E000] =	vst v63  }
0xbd: {  	_ =	swait.ge [sflag:s29], $0x3E80  }
0xbe: {  	[sflag:s29] =	ssyncset.done $0x0  }
0xbf: {  	[sflag:s29] =	ssyncadd.s32 $0xFFFFC180  }
0xc0: {  	_ =	swait.ge [sflag:s0], $0x3E80  }
0xc1: {  	[sflag:s0] =	ssyncset.done $0x0  }
0xc2: {  	s5 =	rddreg [dreg:$0xc];
	[sflag:s0] =	ssyncadd.s32 $0xFFFFC180  }
0xc3: {  	[tilespmem:s6], [sflag:$0x2] =	stream.indirect.gather [hbm4b:s4+s31], $0x80, s5, s31, $0xb8;
	[tilespmem:$0x1E000] =	vst v63  }
0xc4: {  	s7 =	rddreg [dreg:$0xd]  }
0xc5: {  	[spmem:s2] =	stream.indirect.scatter.add.f32 [tilespmem:s1], [sflag:$0x3], $0x80, s7, s31, $0xb8;
	[tilespmem:$0x1E000] =	vst v63  }
0xc6: {  	_ =	swait.ge [sflag:s29], $0x3E80  }
0xc7: {  	[sflag:s29] =	ssyncset.done $0x0  }
0xc8: {  	s7 =	rddreg [dreg:$0xe];
	[sflag:s29] =	ssyncadd.s32 $0xFFFFC180  }
0xc9: {  	[tilespmem:s1], [sflag:$0x1] =	stream.indirect.gather [hbm4b:s4+s31], $0x80, s7, s31, $0xb8;
	[tilespmem:$0x1E000] =	vst v63  }
0xca: {  	_ =	swait.ge [sflag:s8], $0x3E80  }
0xcb: {  	[sflag:s8] =	ssyncset.done $0x0  }
0xcc: {  	s7 =	rddreg [dreg:$0xf];
	[sflag:s8] =	ssyncadd.s32 $0xFFFFC180  }
0xcd: {  	[spmem:s2] =	stream.indirect.scatter.add.f32 [tilespmem:s6], [sflag:$0x3], $0x80, s7, s31, $0xb8;
	[tilespmem:$0x1E000] =	vst v63  }
0xce: {  	_ =	swait.ge [sflag:s29], $0x3E80  }
0xcf: {  	[sflag:s29] =	ssyncset.done $0x0  }
0xd0: {  	[sflag:s29] =	ssyncadd.s32 $0xFFFFC180  }
0xd1: {  	_ =	swait.ge [sflag:s0], $0x3E80  }
0xd2: {  	[sflag:s0] =	ssyncset.done $0x0  }
0xd3: {  	s5 =	rddreg [dreg:$0x10];
	[sflag:s0] =	ssyncadd.s32 $0xFFFFC180  }
0xd4: {  	[tilespmem:s6], [sflag:$0x2] =	stream.indirect.gather [hbm4b:s4+s31], $0x80, s5, s31, $0xb8;
	[tilespmem:$0x1E000] =	vst v63  }
0xd5: {  	s7 =	rddreg [dreg:$0x11]  }
0xd6: {  	[spmem:s2] =	stream.indirect.scatter.add.f32 [tilespmem:s1], [sflag:$0x3], $0x80, s7, s31, $0xb8;
	[tilespmem:$0x1E000] =	vst v63  }
0xd7: {  	_ =	swait.ge [sflag:s29], $0x3E80  }
0xd8: {  	[sflag:s29] =	ssyncset.done $0x0  }
0xd9: {  	[sflag:s29] =	ssyncadd.s32 $0xFFFFC180  }
0xda: {  	[tilespmem:s1], [sflag:$0x1] =	stream.indirect.gather [hbm4b:s4+s31], $0x80, s9, s31, $0xb8;
	[tilespmem:$0x1E000] =	vst v63  }
0xdb: {  	_ =	swait.ge [sflag:s8], $0x3E80  }
0xdc: {  	[sflag:s8] =	ssyncset.done $0x0  }
0xdd: {  	[sflag:s8] =	ssyncadd.s32 $0xFFFFC180  }
0xde: {  	[spmem:s2] =	stream.indirect.scatter.add.f32 [tilespmem:s6], [sflag:$0x3], $0x80, s10, s31, $0xb8;
	[tilespmem:$0x1E000] =	vst v63  }
0xdf: {  	_ =	swait.ge [sflag:s29], $0x3E80  }
0xe0: {  	[sflag:s29] =	ssyncset.done $0x0  }
0xe1: {  	[sflag:s29] =	ssyncadd.s32 $0xFFFFC180  }
0xe2: {  	_ =	swait.ge [sflag:s0], $0x3E80  }
0xe3: {  	[sflag:s0] =	ssyncset.done $0x0  }
0xe4: {  	[sflag:s0] =	ssyncadd.s32 $0xFFFFC180  }
0xe5: {  	[tilespmem:s6], [sflag:$0x2] =	stream.indirect.gather [hbm4b:s4+s31], $0x80, s11, s31, $0xb8;
	[tilespmem:$0x1E000] =	vst v63  }
0xe6: {  	_ = 	snop  }
0xe7: {  	[spmem:s2] =	stream.indirect.scatter.add.f32 [tilespmem:s1], [sflag:$0x3], $0x80, s12, s31, $0xb8;
	[tilespmem:$0x1E000] =	vst v63  }
0xe8: {  	_ =	swait.ge [sflag:s29], $0x3E80  }
0xe9: {  	[sflag:s29] =	ssyncset.done $0x0  }
0xea: {  	[sflag:s29] =	ssyncadd.s32 $0xFFFFC180  }
0xeb: {  	[tilespmem:s1], [sflag:$0x1] =	stream.indirect.gather [hbm4b:s4+s31], $0x80, s13, s31, $0xb8;
	[tilespmem:$0x1E000] =	vst v63  }
0xec: {  	_ =	swait.ge [sflag:s8], $0x3E80  }
0xed: {  	[sflag:s8] =	ssyncset.done $0x0  }
0xee: {  	[sflag:s8] =	ssyncadd.s32 $0xFFFFC180  }
0xef: {  	[spmem:s2] =	stream.indirect.scatter.add.f32 [tilespmem:s6], [sflag:$0x3], $0x80, s14, s31, $0xb8;
	[tilespmem:$0x1E000] =	vst v63  }
0xf0: {  	_ =	swait.ge [sflag:s29], $0x3E80  }
0xf1: {  	[sflag:s29] =	ssyncset.done $0x0  }
0xf2: {  	[sflag:s29] =	ssyncadd.s32 $0xFFFFC180  }
0xf3: {  	_ =	swait.ge [sflag:s0], $0x3E80  }
0xf4: {  	[sflag:s0] =	ssyncset.done $0x0  }
0xf5: {  	[sflag:s0] =	ssyncadd.s32 $0xFFFFC180  }
0xf6: {  	[tilespmem:s6], [sflag:$0x2] =	stream.indirect.gather [hbm4b:s4+s31], $0x80, s15, s31, $0xb8;
	[tilespmem:$0x1E000] =	vst v63  }
0xf7: {  	_ = 	snop  }
0xf8: {  	[spmem:s2] =	stream.indirect.scatter.add.f32 [tilespmem:s1], [sflag:$0x3], $0x80, s16, s31, $0xb8;
	[tilespmem:$0x1E000] =	vst v63  }
0xf9: {  	_ =	swait.ge [sflag:s29], $0x3E80  }
0xfa: {  	[sflag:s29] =	ssyncset.done $0x0  }
0xfb: {  	[sflag:s29] =	ssyncadd.s32 $0xFFFFC180  }
0xfc: {  	[tilespmem:s1], [sflag:$0x1] =	stream.indirect.gather [hbm4b:s4+s31], $0x80, s17, s31, $0xb8;
	[tilespmem:$0x1E000] =	vst v63  }
0xfd: {  	_ =	swait.ge [sflag:s8], $0x3E80  }
0xfe: {  	[sflag:s8] =	ssyncset.done $0x0  }
0xff: {  	[sflag:s8] =	ssyncadd.s32 $0xFFFFC180  }
0x100: {  	[spmem:s2] =	stream.indirect.scatter.add.f32 [tilespmem:s6], [sflag:$0x3], $0x80, s18, s31, $0xb8;
	[tilespmem:$0x1E000] =	vst v63  }
0x101: {  	_ =	swait.ge [sflag:s29], $0x3E80  }
0x102: {  	[sflag:s29] =	ssyncset.done $0x0  }
0x103: {  	[sflag:s29] =	ssyncadd.s32 $0xFFFFC180  }
0x104: {  	_ =	swait.ge [sflag:s0], $0x3E80  }
0x105: {  	[sflag:s0] =	ssyncset.done $0x0  }
0x106: {  	[sflag:s0] =	ssyncadd.s32 $0xFFFFC180  }
0x107: {  	[tilespmem:s6], [sflag:$0x2] =	stream.indirect.gather [hbm4b:s4+s31], $0x80, s19, s31, $0xb8;
	[tilespmem:$0x1E000] =	vst v63  }
0x108: {  	_ = 	snop  }
0x109: {  	[spmem:s2] =	stream.indirect.scatter.add.f32 [tilespmem:s1], [sflag:$0x3], $0x80, s20, s31, $0xb8;
	[tilespmem:$0x1E000] =	vst v63  }
0x10a: {  	_ =	swait.ge [sflag:s29], $0x3E80  }
0x10b: {  	[sflag:s29] =	ssyncset.done $0x0  }
0x10c: {  	[sflag:s29] =	ssyncadd.s32 $0xFFFFC180  }
0x10d: {  	[tilespmem:s1], [sflag:$0x1] =	stream.indirect.gather [hbm4b:s4+s31], $0x80, s21, s31, $0xb8;
	[tilespmem:$0x1E000] =	vst v63  }
0x10e: {  	_ =	swait.ge [sflag:s8], $0x3E80  }
0x10f: {  	[sflag:s8] =	ssyncset.done $0x0  }
0x110: {  	[sflag:s8] =	ssyncadd.s32 $0xFFFFC180  }
0x111: {  	[spmem:s2] =	stream.indirect.scatter.add.f32 [tilespmem:s6], [sflag:$0x3], $0x80, s22, s31, $0xb8;
	[tilespmem:$0x1E000] =	vst v63  }
0x112: {  	_ =	swait.ge [sflag:s29], $0x3E80  }
0x113: {  	[sflag:s29] =	ssyncset.done $0x0  }
0x114: {  	[sflag:s29] =	ssyncadd.s32 $0xFFFFC180  }
0x115: {  	_ =	swait.ge [sflag:s0], $0x3E80  }
0x116: {  	[sflag:s0] =	ssyncset.done $0x0  }
0x117: {  	[sflag:s0] =	ssyncadd.s32 $0xFFFFC180  }
0x118: {  	[tilespmem:s6], [sflag:$0x2] =	stream.indirect.gather [hbm4b:s4+s31], $0x80, s23, s31, $0xb8;
	[tilespmem:$0x1E000] =	vst v63  }
0x119: {  	_ = 	snop  }
0x11a: {  	[spmem:s2] =	stream.indirect.scatter.add.f32 [tilespmem:s1], [sflag:$0x3], $0x80, s25, s31, $0xb8;
	[tilespmem:$0x1E000] =	vst v63  }
0x11b: {  	_ =	swait.ge [sflag:s29], $0x3E80  }
0x11c: {  	[sflag:s29] =	ssyncset.done $0x0  }
0x11d: {  	[sflag:s29] =	ssyncadd.s32 $0xFFFFC180  }
0x11e: {  	_ =	swait.ge [sflag:s8], $0x3E80  }
0x11f: {  	[sflag:s8] =	ssyncset.done $0x0  }
0x120: {  	[sflag:s8] =	ssyncadd.s32 $0xFFFFC180  }
0x121: {  	[spmem:s2] =	stream.indirect.scatter.add.f32 [tilespmem:s6], [sflag:$0x3], $0x80, s26, s31, $0xb8;
	[tilespmem:$0x1E000] =	vst v63  }
0x122: {  	s5 =	simm.s32 $0x100;
	s7 =	simm.s32 $0x200;
	_ =	swait.ge [sflag:s29], $0x3E80  }
0x123: {  	s10 =	simm.s32 $0xB80;
	s28 =	rddreg [dreg:$0x3];
	[sflag:s29] =	ssyncset.done $0x0  }
.LBB2_4:
0x124: {  	[sflag:s29] =	ssyncadd.s32 $0xFFFFC180;
	s28 =	sadd.s32 s5, s28  }
0x125: {  	[tilespmem:s3], [sflag:$0x3] =	stream.linear.gather [hbm4b:s28+s3], $0x800, $0x38;
	[tilespmem:$0x1E000] =	vst v63  }
0x126: {  	_ =	swait.ge [sflag:s29], $0x800  }
0x127: {  	s28 =	rddreg [dreg:$0x4];
	[sflag:s29] =	ssyncset.done $0x0  }
0x128: {  	[sflag:s29] =	ssyncadd.s32 $0xFFFFF800;
	s28 =	sadd.s32 s5, s28  }
0x129: {  	[tilespmem:s30], [sflag:$0x3] =	stream.linear.gather [hbm4b:s28+s3], $0x800, $0x38;
	[tilespmem:$0x1E000] =	vst v63  }
0x12a: {  	_ =	swait.ge [sflag:s29], $0x800  }
0x12b: {  	[sflag:s29] =	ssyncset.done $0x0  }
0x12c: {  	[sflag:s29] =	ssyncadd.s32 $0xFFFFF800  }
0x12d: {  	[tilespmem:s1], [sflag:$0x1] =	stream.indirect.gather [hbm4b:s4+s31], $0x80, s3, s31, $0xb8;
	[tilespmem:$0x1E000] =	vst v63  }
0x12e: {  	_ =	swait.ge [sflag:s0], $0x3E80  }
0x12f: {  	s9 =	smov.u32 s7;
	[sflag:s0] =	ssyncset.done $0x0  }
0x130: {  	s5 =	smov.u32 s9;
	s9 =	rddreg [dreg:$0x5];
	[sflag:s0] =	ssyncadd.s32 $0xFFFFC180  }
0x131: {  	[tilespmem:s6], [sflag:$0x2] =	stream.indirect.gather [hbm4b:s4+s31], $0x80, s9, s31, $0xb8;
	[tilespmem:$0x1E000] =	vst v63  }
0x132: {  	_ = 	snop  }
0x133: {  	[spmem:s2] =	stream.indirect.scatter.add.f32 [tilespmem:s1], [sflag:$0x3], $0x80, s30, s31, $0xb8;
	[tilespmem:$0x1E000] =	vst v63  }
0x134: {  	_ =	swait.ge [sflag:s29], $0x3E80  }
0x135: {  	[sflag:s29] =	ssyncset.done $0x0  }
0x136: {  	s9 =	rddreg [dreg:$0x6];
	[sflag:s29] =	ssyncadd.s32 $0xFFFFC180  }
0x137: {  	[tilespmem:s1], [sflag:$0x1] =	stream.indirect.gather [hbm4b:s4+s31], $0x80, s9, s31, $0xb8;
	[tilespmem:$0x1E000] =	vst v63  }
0x138: {  	_ =	swait.ge [sflag:s8], $0x3E80  }
0x139: {  	[sflag:s8] =	ssyncset.done $0x0  }
0x13a: {  	s9 =	rddreg [dreg:$0x7];
	[sflag:s8] =	ssyncadd.s32 $0xFFFFC180  }
0x13b: {  	[spmem:s2] =	stream.indirect.scatter.add.f32 [tilespmem:s6], [sflag:$0x3], $0x80, s9, s31, $0xb8;
	[tilespmem:$0x1E000] =	vst v63  }
0x13c: {  	_ =	swait.ge [sflag:s29], $0x3E80  }
0x13d: {  	[sflag:s29] =	ssyncset.done $0x0  }
0x13e: {  	[sflag:s29] =	ssyncadd.s32 $0xFFFFC180  }
0x13f: {  	_ =	swait.ge [sflag:s0], $0x3E80  }
0x140: {  	[sflag:s0] =	ssyncset.done $0x0  }
0x141: {  	s9 =	rddreg [dreg:$0x8];
	[sflag:s0] =	ssyncadd.s32 $0xFFFFC180  }
0x142: {  	[tilespmem:s6], [sflag:$0x2] =	stream.indirect.gather [hbm4b:s4+s31], $0x80, s9, s31, $0xb8;
	[tilespmem:$0x1E000] =	vst v63  }
0x143: {  	s28 =	rddreg [dreg:$0x9]  }
0x144: {  	[spmem:s2] =	stream.indirect.scatter.add.f32 [tilespmem:s1], [sflag:$0x3], $0x80, s28, s31, $0xb8;
	[tilespmem:$0x1E000] =	vst v63  }
0x145: {  	_ =	swait.ge [sflag:s29], $0x3E80  }
0x146: {  	[sflag:s29] =	ssyncset.done $0x0  }
0x147: {  	s9 =	rddreg [dreg:$0xa];
	[sflag:s29] =	ssyncadd.s32 $0xFFFFC180  }
0x148: {  	[tilespmem:s1], [sflag:$0x1] =	stream.indirect.gather [hbm4b:s4+s31], $0x80, s9, s31, $0xb8;
	[tilespmem:$0x1E000] =	vst v63  }
0x149: {  	_ =	swait.ge [sflag:s8], $0x3E80  }
0x14a: {  	[sflag:s8] =	ssyncset.done $0x0  }
0x14b: {  	s9 =	rddreg [dreg:$0xb];
	[sflag:s8] =	ssyncadd.s32 $0xFFFFC180  }
0x14c: {  	[spmem:s2] =	stream.indirect.scatter.add.f32 [tilespmem:s6], [sflag:$0x3], $0x80, s9, s31, $0xb8;
	[tilespmem:$0x1E000] =	vst v63  }
0x14d: {  	_ =	swait.ge [sflag:s29], $0x3E80  }
0x14e: {  	[sflag:s29] =	ssyncset.done $0x0  }
0x14f: {  	[sflag:s29] =	ssyncadd.s32 $0xFFFFC180  }
0x150: {  	_ =	swait.ge [sflag:s0], $0x3E80  }
0x151: {  	[sflag:s0] =	ssyncset.done $0x0  }
0x152: {  	s9 =	rddreg [dreg:$0xc];
	[sflag:s0] =	ssyncadd.s32 $0xFFFFC180  }
0x153: {  	[tilespmem:s6], [sflag:$0x2] =	stream.indirect.gather [hbm4b:s4+s31], $0x80, s9, s31, $0xb8;
	[tilespmem:$0x1E000] =	vst v63  }
0x154: {  	s28 =	rddreg [dreg:$0xd]  }
0x155: {  	[spmem:s2] =	stream.indirect.scatter.add.f32 [tilespmem:s1], [sflag:$0x3], $0x80, s28, s31, $0xb8;
	[tilespmem:$0x1E000] =	vst v63  }
0x156: {  	_ =	swait.ge [sflag:s29], $0x3E80  }
0x157: {  	[sflag:s29] =	ssyncset.done $0x0  }
0x158: {  	s9 =	rddreg [dreg:$0xe];
	[sflag:s29] =	ssyncadd.s32 $0xFFFFC180  }
0x159: {  	[tilespmem:s1], [sflag:$0x1] =	stream.indirect.gather [hbm4b:s4+s31], $0x80, s9, s31, $0xb8;
	[tilespmem:$0x1E000] =	vst v63  }
0x15a: {  	_ =	swait.ge [sflag:s8], $0x3E80  }
0x15b: {  	[sflag:s8] =	ssyncset.done $0x0  }
0x15c: {  	s9 =	rddreg [dreg:$0xf];
	[sflag:s8] =	ssyncadd.s32 $0xFFFFC180  }
0x15d: {  	[spmem:s2] =	stream.indirect.scatter.add.f32 [tilespmem:s6], [sflag:$0x3], $0x80, s9, s31, $0xb8;
	[tilespmem:$0x1E000] =	vst v63  }
0x15e: {  	_ =	swait.ge [sflag:s29], $0x3E80  }
0x15f: {  	[sflag:s29] =	ssyncset.done $0x0  }
0x160: {  	[sflag:s29] =	ssyncadd.s32 $0xFFFFC180  }
0x161: {  	_ =	swait.ge [sflag:s0], $0x3E80  }
0x162: {  	[sflag:s0] =	ssyncset.done $0x0  }
0x163: {  	s9 =	rddreg [dreg:$0x10];
	[sflag:s0] =	ssyncadd.s32 $0xFFFFC180  }
0x164: {  	[tilespmem:s6], [sflag:$0x2] =	stream.indirect.gather [hbm4b:s4+s31], $0x80, s9, s31, $0xb8;
	[tilespmem:$0x1E000] =	vst v63  }
0x165: {  	s28 =	rddreg [dreg:$0x11]  }
0x166: {  	[spmem:s2] =	stream.indirect.scatter.add.f32 [tilespmem:s1], [sflag:$0x3], $0x80, s28, s31, $0xb8;
	[tilespmem:$0x1E000] =	vst v63  }
0x167: {  	_ =	swait.ge [sflag:s29], $0x3E80  }
0x168: {  	[sflag:s29] =	ssyncset.done $0x0  }
0x169: {  	s9 =	simm.s32 $0x400;
	[sflag:s29] =	ssyncadd.s32 $0xFFFFC180  }
0x16a: {  	[tilespmem:s1], [sflag:$0x1] =	stream.indirect.gather [hbm4b:s4+s31], $0x80, s9, s31, $0xb8;
	[tilespmem:$0x1E000] =	vst v63  }
0x16b: {  	_ =	swait.ge [sflag:s8], $0x3E80  }
0x16c: {  	[sflag:s8] =	ssyncset.done $0x0  }
0x16d: {  	[sflag:s8] =	ssyncadd.s32 $0xFFFFC180  }
0x16e: {  	[spmem:s2] =	stream.indirect.scatter.add.f32 [tilespmem:s6], [sflag:$0x3], $0x80, s10, s31, $0xb8;
	[tilespmem:$0x1E000] =	vst v63  }
0x16f: {  	_ =	swait.ge [sflag:s29], $0x3E80  }
0x170: {  	[sflag:s29] =	ssyncset.done $0x0  }
0x171: {  	[sflag:s29] =	ssyncadd.s32 $0xFFFFC180  }
0x172: {  	_ =	swait.ge [sflag:s0], $0x3E80  }
0x173: {  	[sflag:s0] =	ssyncset.done $0x0  }
0x174: {  	[sflag:s0] =	ssyncadd.s32 $0xFFFFC180  }
0x175: {  	[tilespmem:s6], [sflag:$0x2] =	stream.indirect.gather [hbm4b:s4+s31], $0x80, s11, s31, $0xb8;
	[tilespmem:$0x1E000] =	vst v63  }
0x176: {  	_ = 	snop  }
0x177: {  	[spmem:s2] =	stream.indirect.scatter.add.f32 [tilespmem:s1], [sflag:$0x3], $0x80, s12, s31, $0xb8;
	[tilespmem:$0x1E000] =	vst v63  }
0x178: {  	_ =	swait.ge [sflag:s29], $0x3E80  }
0x179: {  	[sflag:s29] =	ssyncset.done $0x0  }
0x17a: {  	[sflag:s29] =	ssyncadd.s32 $0xFFFFC180  }
0x17b: {  	[tilespmem:s1], [sflag:$0x1] =	stream.indirect.gather [hbm4b:s4+s31], $0x80, s13, s31, $0xb8;
	[tilespmem:$0x1E000] =	vst v63  }
0x17c: {  	_ =	swait.ge [sflag:s8], $0x3E80  }
0x17d: {  	[sflag:s8] =	ssyncset.done $0x0  }
0x17e: {  	[sflag:s8] =	ssyncadd.s32 $0xFFFFC180  }
0x17f: {  	[spmem:s2] =	stream.indirect.scatter.add.f32 [tilespmem:s6], [sflag:$0x3], $0x80, s14, s31, $0xb8;
	[tilespmem:$0x1E000] =	vst v63  }
0x180: {  	_ =	swait.ge [sflag:s29], $0x3E80  }
0x181: {  	[sflag:s29] =	ssyncset.done $0x0  }
0x182: {  	[sflag:s29] =	ssyncadd.s32 $0xFFFFC180  }
0x183: {  	_ =	swait.ge [sflag:s0], $0x3E80  }
0x184: {  	[sflag:s0] =	ssyncset.done $0x0  }
0x185: {  	[sflag:s0] =	ssyncadd.s32 $0xFFFFC180  }
0x186: {  	[tilespmem:s6], [sflag:$0x2] =	stream.indirect.gather [hbm4b:s4+s31], $0x80, s15, s31, $0xb8;
	[tilespmem:$0x1E000] =	vst v63  }
0x187: {  	_ = 	snop  }
0x188: {  	[spmem:s2] =	stream.indirect.scatter.add.f32 [tilespmem:s1], [sflag:$0x3], $0x80, s16, s31, $0xb8;
	[tilespmem:$0x1E000] =	vst v63  }
0x189: {  	_ =	swait.ge [sflag:s29], $0x3E80  }
0x18a: {  	[sflag:s29] =	ssyncset.done $0x0  }
0x18b: {  	[sflag:s29] =	ssyncadd.s32 $0xFFFFC180  }
0x18c: {  	[tilespmem:s1], [sflag:$0x1] =	stream.indirect.gather [hbm4b:s4+s31], $0x80, s17, s31, $0xb8;
	[tilespmem:$0x1E000] =	vst v63  }
0x18d: {  	_ =	swait.ge [sflag:s8], $0x3E80  }
0x18e: {  	[sflag:s8] =	ssyncset.done $0x0  }
0x18f: {  	[sflag:s8] =	ssyncadd.s32 $0xFFFFC180  }
0x190: {  	[spmem:s2] =	stream.indirect.scatter.add.f32 [tilespmem:s6], [sflag:$0x3], $0x80, s18, s31, $0xb8;
	[tilespmem:$0x1E000] =	vst v63  }
0x191: {  	_ =	swait.ge [sflag:s29], $0x3E80  }
0x192: {  	[sflag:s29] =	ssyncset.done $0x0  }
0x193: {  	[sflag:s29] =	ssyncadd.s32 $0xFFFFC180  }
0x194: {  	_ =	swait.ge [sflag:s0], $0x3E80  }
0x195: {  	[sflag:s0] =	ssyncset.done $0x0  }
0x196: {  	[sflag:s0] =	ssyncadd.s32 $0xFFFFC180  }
0x197: {  	[tilespmem:s6], [sflag:$0x2] =	stream.indirect.gather [hbm4b:s4+s31], $0x80, s19, s31, $0xb8;
	[tilespmem:$0x1E000] =	vst v63  }
0x198: {  	_ = 	snop  }
0x199: {  	[spmem:s2] =	stream.indirect.scatter.add.f32 [tilespmem:s1], [sflag:$0x3], $0x80, s20, s31, $0xb8;
	[tilespmem:$0x1E000] =	vst v63  }
0x19a: {  	_ =	swait.ge [sflag:s29], $0x3E80  }
0x19b: {  	[sflag:s29] =	ssyncset.done $0x0  }
0x19c: {  	[sflag:s29] =	ssyncadd.s32 $0xFFFFC180  }
0x19d: {  	[tilespmem:s1], [sflag:$0x1] =	stream.indirect.gather [hbm4b:s4+s31], $0x80, s21, s31, $0xb8;
	[tilespmem:$0x1E000] =	vst v63  }
0x19e: {  	_ =	swait.ge [sflag:s8], $0x3E80  }
0x19f: {  	[sflag:s8] =	ssyncset.done $0x0  }
0x1a0: {  	[sflag:s8] =	ssyncadd.s32 $0xFFFFC180  }
0x1a1: {  	[spmem:s2] =	stream.indirect.scatter.add.f32 [tilespmem:s6], [sflag:$0x3], $0x80, s22, s31, $0xb8;
	[tilespmem:$0x1E000] =	vst v63  }
0x1a2: {  	_ =	swait.ge [sflag:s29], $0x3E80  }
0x1a3: {  	[sflag:s29] =	ssyncset.done $0x0  }
0x1a4: {  	[sflag:s29] =	ssyncadd.s32 $0xFFFFC180  }
0x1a5: {  	_ =	swait.ge [sflag:s0], $0x3E80  }
0x1a6: {  	[sflag:s0] =	ssyncset.done $0x0  }
0x1a7: {  	[sflag:s0] =	ssyncadd.s32 $0xFFFFC180  }
0x1a8: {  	[tilespmem:s6], [sflag:$0x2] =	stream.indirect.gather [hbm4b:s4+s31], $0x80, s23, s31, $0xb8;
	[tilespmem:$0x1E000] =	vst v63  }
0x1a9: {  	_ = 	snop  }
0x1aa: {  	[spmem:s2] =	stream.indirect.scatter.add.f32 [tilespmem:s1], [sflag:$0x3], $0x80, s25, s31, $0xb8;
	[tilespmem:$0x1E000] =	vst v63  }
0x1ab: {  	_ =	swait.ge [sflag:s29], $0x3E80  }
0x1ac: {  	[sflag:s29] =	ssyncset.done $0x0  }
0x1ad: {  	[sflag:s29] =	ssyncadd.s32 $0xFFFFC180  }
0x1ae: {  	p0 =	sne.s32 s7, $0x400;
	_ =	swait.ge [sflag:s8], $0x3E80  }
.Ltmp1:
0x1af: {  	[sflag:s8] =	ssyncset.done $0x0;
	(pc) =	sbr.rel @p0 .LBB2_4-.Ltmp1, $4  }
0x1b0: {  	[sflag:s8] =	ssyncadd.s32 $0xFFFFC180  }
0x1b1: {  	[spmem:s2] =	stream.indirect.scatter.add.f32 [tilespmem:s6], [sflag:$0x3], $0x80, s26, s31, $0xb8;
	[tilespmem:$0x1E000] =	vst v63  }
0x1b2: {  	_ =	swait.ge [sflag:s29], $0x3E80  }
0x1b3: {  	s7 =	sadd.s32 $0x100, s7;
	s28 =	rddreg [dreg:$0x3];
	[sflag:s29] =	ssyncset.done $0x0  }
0x1b4: {  	[sflag:s29] =	ssyncadd.s32 $0xFFFFC180;
	s7 =	sadd.s32 s5, s28  }
0x1b5: {  	[tilespmem:s3], [sflag:$0x3] =	stream.linear.gather [hbm4b:s7+s3], $0x800, $0x38;
	[tilespmem:$0x1E000] =	vst v63  }
0x1b6: {  	_ =	swait.ge [sflag:s29], $0x800  }
0x1b7: {  	s7 =	rddreg [dreg:$0x4];
	[sflag:s29] =	ssyncset.done $0x0  }
0x1b8: {  	[sflag:s29] =	ssyncadd.s32 $0xFFFFF800;
	s7 =	sadd.s32 s5, s7  }
0x1b9: {  	[tilespmem:s30], [sflag:$0x3] =	stream.linear.gather [hbm4b:s7+s3], $0x800, $0x38;
	[tilespmem:$0x1E000] =	vst v63  }
0x1ba: {  	_ =	swait.ge [sflag:s29], $0x800  }
0x1bb: {  	[sflag:s29] =	ssyncset.done $0x0  }
0x1bc: {  	[sflag:s29] =	ssyncadd.s32 $0xFFFFF800  }
0x1bd: {  	[tilespmem:s1], [sflag:$0x1] =	stream.indirect.gather [hbm4b:s4+s31], $0x80, s3, s31, $0xb8;
	[tilespmem:$0x1E000] =	vst v63  }
0x1be: {  	_ =	swait.ge [sflag:s0], $0x3E80  }
0x1bf: {  	[sflag:s0] =	ssyncset.done $0x0  }
0x1c0: {  	s7 =	rddreg [dreg:$0x5];
	[sflag:s0] =	ssyncadd.s32 $0xFFFFC180  }
0x1c1: {  	[tilespmem:s6], [sflag:$0x2] =	stream.indirect.gather [hbm4b:s4+s31], $0x80, s7, s31, $0xb8;
	[tilespmem:$0x1E000] =	vst v63  }
0x1c2: {  	_ = 	snop  }
0x1c3: {  	[spmem:s2] =	stream.indirect.scatter.add.f32 [tilespmem:s1], [sflag:$0x3], $0x80, s30, s31, $0xb8;
	[tilespmem:$0x1E000] =	vst v63  }
0x1c4: {  	_ =	swait.ge [sflag:s29], $0x3E80  }
0x1c5: {  	[sflag:s29] =	ssyncset.done $0x0  }
0x1c6: {  	s7 =	rddreg [dreg:$0x6];
	[sflag:s29] =	ssyncadd.s32 $0xFFFFC180  }
0x1c7: {  	[tilespmem:s1], [sflag:$0x1] =	stream.indirect.gather [hbm4b:s4+s31], $0x80, s7, s31, $0xb8;
	[tilespmem:$0x1E000] =	vst v63  }
0x1c8: {  	_ =	swait.ge [sflag:s8], $0x3E80  }
0x1c9: {  	[sflag:s8] =	ssyncset.done $0x0  }
0x1ca: {  	s7 =	rddreg [dreg:$0x7];
	[sflag:s8] =	ssyncadd.s32 $0xFFFFC180  }
0x1cb: {  	[spmem:s2] =	stream.indirect.scatter.add.f32 [tilespmem:s6], [sflag:$0x3], $0x80, s7, s31, $0xb8;
	[tilespmem:$0x1E000] =	vst v63  }
0x1cc: {  	_ =	swait.ge [sflag:s29], $0x3E80  }
0x1cd: {  	[sflag:s29] =	ssyncset.done $0x0  }
0x1ce: {  	[sflag:s29] =	ssyncadd.s32 $0xFFFFC180  }
0x1cf: {  	_ =	swait.ge [sflag:s0], $0x3E80  }
0x1d0: {  	[sflag:s0] =	ssyncset.done $0x0  }
0x1d1: {  	s5 =	rddreg [dreg:$0x8];
	[sflag:s0] =	ssyncadd.s32 $0xFFFFC180  }
0x1d2: {  	[tilespmem:s6], [sflag:$0x2] =	stream.indirect.gather [hbm4b:s4+s31], $0x80, s5, s31, $0xb8;
	[tilespmem:$0x1E000] =	vst v63  }
0x1d3: {  	s7 =	rddreg [dreg:$0x9]  }
0x1d4: {  	[spmem:s2] =	stream.indirect.scatter.add.f32 [tilespmem:s1], [sflag:$0x3], $0x80, s7, s31, $0xb8;
	[tilespmem:$0x1E000] =	vst v63  }
0x1d5: {  	_ =	swait.ge [sflag:s29], $0x3E80  }
0x1d6: {  	[sflag:s29] =	ssyncset.done $0x0  }
0x1d7: {  	s7 =	rddreg [dreg:$0xa];
	[sflag:s29] =	ssyncadd.s32 $0xFFFFC180  }
0x1d8: {  	[tilespmem:s1], [sflag:$0x1] =	stream.indirect.gather [hbm4b:s4+s31], $0x80, s7, s31, $0xb8;
	[tilespmem:$0x1E000] =	vst v63  }
0x1d9: {  	_ =	swait.ge [sflag:s8], $0x3E80  }
0x1da: {  	[sflag:s8] =	ssyncset.done $0x0  }
0x1db: {  	s7 =	rddreg [dreg:$0xb];
	[sflag:s8] =	ssyncadd.s32 $0xFFFFC180  }
0x1dc: {  	[spmem:s2] =	stream.indirect.scatter.add.f32 [tilespmem:s6], [sflag:$0x3], $0x80, s7, s31, $0xb8;
	[tilespmem:$0x1E000] =	vst v63  }
0x1dd: {  	_ =	swait.ge [sflag:s29], $0x3E80  }
0x1de: {  	[sflag:s29] =	ssyncset.done $0x0  }
0x1df: {  	[sflag:s29] =	ssyncadd.s32 $0xFFFFC180  }
0x1e0: {  	_ =	swait.ge [sflag:s0], $0x3E80  }
0x1e1: {  	[sflag:s0] =	ssyncset.done $0x0  }
0x1e2: {  	s5 =	rddreg [dreg:$0xc];
	[sflag:s0] =	ssyncadd.s32 $0xFFFFC180  }
0x1e3: {  	[tilespmem:s6], [sflag:$0x2] =	stream.indirect.gather [hbm4b:s4+s31], $0x80, s5, s31, $0xb8;
	[tilespmem:$0x1E000] =	vst v63  }
0x1e4: {  	s7 =	rddreg [dreg:$0xd]  }
0x1e5: {  	[spmem:s2] =	stream.indirect.scatter.add.f32 [tilespmem:s1], [sflag:$0x3], $0x80, s7, s31, $0xb8;
	[tilespmem:$0x1E000] =	vst v63  }
0x1e6: {  	_ =	swait.ge [sflag:s29], $0x3E80  }
0x1e7: {  	[sflag:s29] =	ssyncset.done $0x0  }
0x1e8: {  	s7 =	rddreg [dreg:$0xe];
	[sflag:s29] =	ssyncadd.s32 $0xFFFFC180  }
0x1e9: {  	[tilespmem:s1], [sflag:$0x1] =	stream.indirect.gather [hbm4b:s4+s31], $0x80, s7, s31, $0xb8;
	[tilespmem:$0x1E000] =	vst v63  }
0x1ea: {  	_ =	swait.ge [sflag:s8], $0x3E80  }
0x1eb: {  	[sflag:s8] =	ssyncset.done $0x0  }
0x1ec: {  	s7 =	rddreg [dreg:$0xf];
	[sflag:s8] =	ssyncadd.s32 $0xFFFFC180  }
0x1ed: {  	[spmem:s2] =	stream.indirect.scatter.add.f32 [tilespmem:s6], [sflag:$0x3], $0x80, s7, s31, $0xb8;
	[tilespmem:$0x1E000] =	vst v63  }
0x1ee: {  	_ =	swait.ge [sflag:s29], $0x3E80  }
0x1ef: {  	[sflag:s29] =	ssyncset.done $0x0  }
0x1f0: {  	[sflag:s29] =	ssyncadd.s32 $0xFFFFC180  }
0x1f1: {  	_ =	swait.ge [sflag:s0], $0x3E80  }
0x1f2: {  	[sflag:s0] =	ssyncset.done $0x0  }
0x1f3: {  	s5 =	rddreg [dreg:$0x10];
	[sflag:s0] =	ssyncadd.s32 $0xFFFFC180  }
0x1f4: {  	[tilespmem:s6], [sflag:$0x2] =	stream.indirect.gather [hbm4b:s4+s31], $0x80, s5, s31, $0xb8;
	[tilespmem:$0x1E000] =	vst v63  }
0x1f5: {  	s7 =	rddreg [dreg:$0x11]  }
0x1f6: {  	[spmem:s2] =	stream.indirect.scatter.add.f32 [tilespmem:s1], [sflag:$0x3], $0x80, s7, s31, $0xb8;
	[tilespmem:$0x1E000] =	vst v63  }
0x1f7: {  	_ =	swait.ge [sflag:s29], $0x3E80  }
0x1f8: {  	[sflag:s29] =	ssyncset.done $0x0  }
0x1f9: {  	[sflag:s29] =	ssyncadd.s32 $0xFFFFC180  }
0x1fa: {  	[tilespmem:s1], [sflag:$0x1] =	stream.indirect.gather [hbm4b:s4+s31], $0x80, s9, s31, $0xb8;
	[tilespmem:$0x1E000] =	vst v63  }
0x1fb: {  	_ =	swait.ge [sflag:s8], $0x3E80  }
0x1fc: {  	[sflag:s8] =	ssyncset.done $0x0  }
0x1fd: {  	[sflag:s8] =	ssyncadd.s32 $0xFFFFC180  }
0x1fe: {  	[spmem:s2] =	stream.indirect.scatter.add.f32 [tilespmem:s6], [sflag:$0x3], $0x80, s10, s31, $0xb8;
	[tilespmem:$0x1E000] =	vst v63  }
0x1ff: {  	_ =	swait.ge [sflag:s29], $0x3E80  }
0x200: {  	[sflag:s29] =	ssyncset.done $0x0  }
0x201: {  	[sflag:s29] =	ssyncadd.s32 $0xFFFFC180  }
0x202: {  	_ =	swait.ge [sflag:s0], $0x3E80  }
0x203: {  	[sflag:s0] =	ssyncset.done $0x0  }
0x204: {  	[sflag:s0] =	ssyncadd.s32 $0xFFFFC180  }
0x205: {  	[tilespmem:s6], [sflag:$0x2] =	stream.indirect.gather [hbm4b:s4+s31], $0x80, s11, s31, $0xb8;
	[tilespmem:$0x1E000] =	vst v63  }
0x206: {  	_ = 	snop  }
0x207: {  	[spmem:s2] =	stream.indirect.scatter.add.f32 [tilespmem:s1], [sflag:$0x3], $0x80, s12, s31, $0xb8;
	[tilespmem:$0x1E000] =	vst v63  }
0x208: {  	_ =	swait.ge [sflag:s29], $0x3E80  }
0x209: {  	[sflag:s29] =	ssyncset.done $0x0  }
0x20a: {  	[sflag:s29] =	ssyncadd.s32 $0xFFFFC180  }
0x20b: {  	[tilespmem:s1], [sflag:$0x1] =	stream.indirect.gather [hbm4b:s4+s31], $0x80, s13, s31, $0xb8;
	[tilespmem:$0x1E000] =	vst v63  }
0x20c: {  	_ =	swait.ge [sflag:s8], $0x3E80  }
0x20d: {  	[sflag:s8] =	ssyncset.done $0x0  }
0x20e: {  	[sflag:s8] =	ssyncadd.s32 $0xFFFFC180  }
0x20f: {  	[spmem:s2] =	stream.indirect.scatter.add.f32 [tilespmem:s6], [sflag:$0x3], $0x80, s14, s31, $0xb8;
	[tilespmem:$0x1E000] =	vst v63  }
0x210: {  	_ =	swait.ge [sflag:s29], $0x3E80  }
0x211: {  	[sflag:s29] =	ssyncset.done $0x0  }
0x212: {  	[sflag:s29] =	ssyncadd.s32 $0xFFFFC180  }
0x213: {  	_ =	swait.ge [sflag:s0], $0x3E80  }
0x214: {  	[sflag:s0] =	ssyncset.done $0x0  }
0x215: {  	[sflag:s0] =	ssyncadd.s32 $0xFFFFC180  }
0x216: {  	[tilespmem:s6], [sflag:$0x2] =	stream.indirect.gather [hbm4b:s4+s31], $0x80, s15, s31, $0xb8;
	[tilespmem:$0x1E000] =	vst v63  }
0x217: {  	_ = 	snop  }
0x218: {  	[spmem:s2] =	stream.indirect.scatter.add.f32 [tilespmem:s1], [sflag:$0x3], $0x80, s16, s31, $0xb8;
	[tilespmem:$0x1E000] =	vst v63  }
0x219: {  	_ =	swait.ge [sflag:s29], $0x3E80  }
0x21a: {  	[sflag:s29] =	ssyncset.done $0x0  }
0x21b: {  	[sflag:s29] =	ssyncadd.s32 $0xFFFFC180  }
0x21c: {  	[tilespmem:s1], [sflag:$0x1] =	stream.indirect.gather [hbm4b:s4+s31], $0x80, s17, s31, $0xb8;
	[tilespmem:$0x1E000] =	vst v63  }
0x21d: {  	_ =	swait.ge [sflag:s8], $0x3E80  }
0x21e: {  	[sflag:s8] =	ssyncset.done $0x0  }
0x21f: {  	[sflag:s8] =	ssyncadd.s32 $0xFFFFC180  }
0x220: {  	[spmem:s2] =	stream.indirect.scatter.add.f32 [tilespmem:s6], [sflag:$0x3], $0x80, s18, s31, $0xb8;
	[tilespmem:$0x1E000] =	vst v63  }
0x221: {  	_ =	swait.ge [sflag:s29], $0x3E80  }
0x222: {  	[sflag:s29] =	ssyncset.done $0x0  }
0x223: {  	[sflag:s29] =	ssyncadd.s32 $0xFFFFC180  }
0x224: {  	_ =	swait.ge [sflag:s0], $0x3E80  }
0x225: {  	[sflag:s0] =	ssyncset.done $0x0  }
0x226: {  	[sflag:s0] =	ssyncadd.s32 $0xFFFFC180  }
0x227: {  	[tilespmem:s6], [sflag:$0x2] =	stream.indirect.gather [hbm4b:s4+s31], $0x80, s19, s31, $0xb8;
	[tilespmem:$0x1E000] =	vst v63  }
0x228: {  	_ = 	snop  }
0x229: {  	[spmem:s2] =	stream.indirect.scatter.add.f32 [tilespmem:s1], [sflag:$0x3], $0x80, s20, s31, $0xb8;
	[tilespmem:$0x1E000] =	vst v63  }
0x22a: {  	_ =	swait.ge [sflag:s29], $0x3E80  }
0x22b: {  	[sflag:s29] =	ssyncset.done $0x0  }
0x22c: {  	[sflag:s29] =	ssyncadd.s32 $0xFFFFC180  }
0x22d: {  	[tilespmem:s1], [sflag:$0x1] =	stream.indirect.gather [hbm4b:s4+s31], $0x80, s21, s31, $0xb8;
	[tilespmem:$0x1E000] =	vst v63  }
0x22e: {  	_ =	swait.ge [sflag:s8], $0x3E80  }
0x22f: {  	[sflag:s8] =	ssyncset.done $0x0  }
0x230: {  	[sflag:s8] =	ssyncadd.s32 $0xFFFFC180  }
0x231: {  	[spmem:s2] =	stream.indirect.scatter.add.f32 [tilespmem:s6], [sflag:$0x3], $0x80, s22, s31, $0xb8;
	[tilespmem:$0x1E000] =	vst v63  }
0x232: {  	_ =	swait.ge [sflag:s29], $0x3E80  }
0x233: {  	[sflag:s29] =	ssyncset.done $0x0  }
0x234: {  	[sflag:s29] =	ssyncadd.s32 $0xFFFFC180  }
0x235: {  	_ =	swait.ge [sflag:s0], $0x3E80  }
0x236: {  	[sflag:s0] =	ssyncset.done $0x0  }
0x237: {  	[sflag:s0] =	ssyncadd.s32 $0xFFFFC180  }
0x238: {  	[tilespmem:s6], [sflag:$0x2] =	stream.indirect.gather [hbm4b:s4+s31], $0x80, s23, s31, $0xb8;
	[tilespmem:$0x1E000] =	vst v63  }
0x239: {  	_ = 	snop  }
0x23a: {  	[spmem:s2] =	stream.indirect.scatter.add.f32 [tilespmem:s1], [sflag:$0x3], $0x80, s25, s31, $0xb8;
	[tilespmem:$0x1E000] =	vst v63  }
0x23b: {  	_ =	swait.ge [sflag:s29], $0x3E80  }
0x23c: {  	[sflag:s29] =	ssyncset.done $0x0  }
0x23d: {  	[sflag:s29] =	ssyncadd.s32 $0xFFFFC180  }
0x23e: {  	_ =	swait.ge [sflag:s8], $0x3E80  }
0x23f: {  	[sflag:s8] =	ssyncset.done $0x0  }
0x240: {  	[sflag:s8] =	ssyncadd.s32 $0xFFFFC180  }
0x241: {  	[spmem:s2] =	stream.indirect.scatter.add.f32 [tilespmem:s6], [sflag:$0x3], $0x80, s26, s31, $0xb8;
	[tilespmem:$0x1E000] =	vst v63  }
0x242: {  	_ =	swait.ge [sflag:s29], $0x3E80  }
0x243: {  	[sflag:s29] =	ssyncset.done $0x0  }
0x244: {  	[sflag:s29] =	ssyncadd.s32 $0xFFFFC180  }
0x245: {  	s9 =	stileid.u32;
	[bflag:$0x0] =	sbarrier.arrive $0xFFFF  }
0x246: {  	s5 =	sshll.u32 s9, $0x6;
	s10 =	rddreg [dreg:$0x12]  }
0x247: {  	s7 =	sadd.s32 $0x0, s24;
	s5 =	sor.u32 $0x1C03, s5;
	s9 =	sshrl.u32 s10, $0x3  }
0x248: {  	[hbm:s7], [sflag:s5] =	dma.local [spmem:s9], $0x200  }
0x249: {  	_ =	swait.ge [sflag:s29], $0x200  }
0x24a: {  	s7 =	simm.s32 $0x200;
	s28 =	rddreg [dreg:$0x14]  }
.LBB2_6:
0x24b: {  	s9 =	sadd.s32 s7, s24;
	[sflag:s29] =	ssyncset.done $0x0;
	p0 =	sne.s32 s7, $0x2600  }
.Ltmp2:
0x24c: {  	s10 =	sshrl.u32 s28, $0x3;
	[sflag:s29] =	ssyncadd.s32 $0xFFFFFE00;
	(pc) =	sbr.rel @p0 .LBB2_6-.Ltmp2, $3  }
0x24d: {  	[hbm:s9], [sflag:s5] =	dma.local [spmem:s10], $0x200  }
0x24e: {  	s7 =	sadd.s32 $0x200, s7;
	_ =	sdelay $0x1  }
0x24f: {  	s28 =	sadd.s32 $0x1000, s28;
	_ =	swait.ge [sflag:s29], $0x200  }
0x250: {  	s7 =	sld [smem:$0x7F6];
	_ =	sdelay $0x2  }
0x251: {  	s5 =	rddreg [dreg:$0x13];
	s7 =	sadd.s32 $0x1, s7  }
0x252: {  	p0 =	sne.s32 s7, s5  }
.Ltmp3:
0x253: {  	_ = 	snop;
	(pc) =	sbr.rel @p0 .LBB2_1-.Ltmp3, $3  }
0x254: {  	_ =	sdelay $0x1  }
0x255: {  	[sflag:s29] =	ssyncset.done $0x0;
	s28 =	rddreg [dreg:$0x12]  }
0x256: {  	s9 =	simm.s32 $0x400;
	s10 =	simm.s32 $0xB80;
	[sflag:s29] =	ssyncadd.s32 $0xFFFFFE00  }
0x257: {  	_ =	sfence.sel $0x180000  }
0x258: {  	[bflag:$0x0] =	sbarrier.arrive $0xFFFF  }
0x259: {  	_ =	strace $0x9000004D  }
0x25a: {  	s0 =	stileid.u32;
	[bflag:$0x2] =	sbarrier.arrive $0xFFFF  }
0x25b: {  	p0 =	sne.s32 s0, $0x0;
	s0 =	rddreg [dreg:$0x2]  }
0x25c: {  	s0 =	sadd.s32 @!p0 $0x100000, s0  }
0x25d: {  	[sflag:s0] =	ssyncadd.tile.s32 @!p0 $0x1;
	_ =	shalt  }
.Lfunc_end2:
_tile_overlayer_lowered:
.L_overlay_start_2:
0x25e: {  	(tag) =	ssettag $0x2  }
0x25f: {  	s0 =	rddreg [dreg:$0x0];
	s2 =	stileid.u32  }
0x260: {  	s1 =	rddreg [dreg:$0x1];
	p0 =	sne.s32 s2, $0x0  }
0x261: {  	s3 =	rddreg [dreg:$0x2];
	[bflag:$0x3] =	sbarrier.arrive $0xFFFF;
	s2 =	simm.s32 @!p0 $0x1C03  }
0x262: {  	[timem:s3], [sflag:s2] =	dma.local @!p0 [hbm:s0], s1  }
0x263: {  	s0 =	simm.s32 @!p0 $0x3  }
0x264: {  	_ =	swait.ge @!p0 [sflag:s0], s1  }
0x265: {  	s1 =	ssub.s32 @!p0 $0x0, s1;
	[sflag:s0] =	ssyncset.done @!p0 $0x0  }
0x266: {  	[sflag:s0] =	ssyncadd.s32 @!p0 s1  }
0x267: {  	[bflag:$0x3] =	sbarrier.arrive $0xFFFF  }
0x268: {  	_ =	shalt  }

// kernel: kernel.22.cloned.1.call-start
scs
__scs_entry_jumppad:
0x0: {  	(pc) =	sbr.rel $0x88, $3  }
0x1: {  	(tag) =	ssettag $0x0;
	lr =	simm.s32 $0x1  }
0x2: {  	[smem:$0x3F90] =	sst lr;
	_ =	strace $0xD0000000  }
0x3: {  	_ = 	snop  }
0x4: {  	_ = 	snop  }
0x5: {  	_ = 	snop  }
0x6: {  	_ = 	snop  }
0x7: {  	_ = 	snop  }
__scs_overlays_trampoline_lowered:
0x8: {  	[smem:$0x3F9F] =	sst s0  }
0x9: {  	[smem:$0x3FA0] =	sst s1  }
0xa: {  	[smem:$0x3FA1] =	sst s2  }
0xb: {  	[smem:$0x3FA2] =	sst s3  }
0xc: {  	[smem:$0x3FA3] =	sst s4  }
0xd: {  	[smem:$0x3FA4] =	sst s5  }
0xe: {  	[smem:$0x3FA5] =	sst s6  }
0xf: {  	[smem:$0x3FA6] =	sst s7  }
0x10: {  	[smem:$0x3FA7] =	sst s8  }
0x11: {  	[smem:$0x3FA8] =	sst s9;
	s0 =	simm.s32 @!p0 $0x0  }
0x12: {  	s1 =	sld [smem:$0x3F8E];
	s0 =	simm.s32 @p0 $0x1  }
0x13: {  	[smem:$0x3FA9] =	sst s0;
	s0 =	simm.s32 @!p1 $0x0  }
0x14: {  	s2 =	sld [smem:$0x3F8D];
	s0 =	simm.s32 @p1 $0x1  }
0x15: {  	[smem:$0x3FAA] =	sst s0;
	s0 =	simm.s32 @!p2 $0x0  }
0x16: {  	s3 =	sld [smem:$0x3FDB];
	s0 =	simm.s32 @p2 $0x1  }
0x17: {  	s4 =	simm.s32 $0x1BF5;
	[smem:$0x3FAC] =	sst s0  }
0x18: {  	s0 =	sld [smem:$0x3F8F];
	_ =	swait.ge [sflag:s4], $0x0  }
0x19: {  	s7 =	sld [smem:$0x3F90]  }
0x1a: {  	s8 =	sadd.s32 $0xFFFFE003, lr  }
0x1b: {  	s9 =	sadd.s32 $0xFFFFFEF7, lr;
	s5 =	simm.s32 $0xFFFFFFFF;
	p2 =	slt.u32 s8, $0xFFFFF086  }
0x1c: {  	p1 =	slt.u32 s9, $0xF7A;
	s5 =	simm.s32 @!p2 $0x0  }
0x1d: {  	s5 =	simm.s32 @p1 $0x1;
	p0 =	seq.s32 s7, s2  }
0x1e: {  	s7 =	smul.u32 @!p0 $0xF7A, s2;
	p2 =	seq.s32 @!p0 s5, $0x0  }
0x1f: {  	s9 =	smul.u32 $0xF7A, s1;
	s8 =	simm.s32 @!p0 $0x1BF5;
	p2 =	por !p2, p0  }
0x20: {  	[sflag:s8] =	ssyncset.s32 @!p0 $0xFFFFF086;
	s6 =	sadd.s32 @!p0 s3, s7;
	s7 =	simm.s32 @!p0 $0x108  }
0x21: {  	s3 =	sadd.s32 s3, s9;
	s6 =	sadd.s32 @!p0 $0x88, s6;
	s7 =	simm.s32 @p2 $0x1082  }
0x22: {  	[simem:s7], [sflag:s8] =	dma.local @!p0 [hbm:s6], $0xF7A  }
0x23: {  	s9 =	sor.u32 $0xD0000000, s2;
	s6 =	simm.s32 $0x108;
	_ =	swait.ge @!p0 [sflag:s8], $0x0  }
0x24: {  	s3 =	sadd.s32 $0x88, s3;
	s6 =	simm.s32 @!p1 $0x1082;
	[sflag:s4] =	ssyncset.s32 $0xFFFFF086  }
0x25: {  	[simem:s6], [sflag:s4] =	dma.local [hbm:s3], $0xF7A  }
0x26: {  	[smem:$0x3F90] =	sst s1;
	(tag) =	ssettag s2;
	_ =	strace s9  }
0x27: {  	s1 =	sld [smem:$0x3FA0]  }
0x28: {  	s2 =	sld [smem:$0x3FA1]  }
0x29: {  	s4 =	sld [smem:$0x3FA3]  }
0x2a: {  	p0 =	seq.s32 s5, $0x0;
	s5 =	sld [smem:$0x3FA4]  }
0x2b: {  	s6 =	sld [smem:$0x3FA5]  }
0x2c: {  	s7 =	sld [smem:$0x3FA6]  }
0x2d: {  	s3 =	simm.s32 $0x108;
	s8 =	sld [smem:$0x3FA7]  }
0x2e: {  	s3 =	simm.s32 @!p0 $0x1082;
	s9 =	sld [smem:$0x3FA8]  }
0x2f: {  	lr =	sadd.s32 s0, s3;
	s0 =	sld [smem:$0x3F9F]  }
0x30: {  	s3 =	sld [smem:$0x3FA2]  }
0x31: {  	[smem:$0x3FAB] =	sst s10  }
0x32: {  	s10 =	sld [smem:$0x3FA9];
	_ =	sdelay $0x3  }
0x33: {  	p0 =	seq.s32 s10, $0x1;
	s10 =	sld [smem:$0x3FAB];
	_ =	sdelay $0x3  }
0x34: {  	[smem:$0x3FAB] =	sst s10  }
0x35: {  	s10 =	sld [smem:$0x3FAA];
	_ =	sdelay $0x3  }
0x36: {  	p1 =	seq.s32 s10, $0x1;
	s10 =	sld [smem:$0x3FAB];
	_ =	sdelay $0x3  }
0x37: {  	[smem:$0x3FAB] =	sst s10  }
0x38: {  	s10 =	sld [smem:$0x3FAC]  }
0x39: {  	_ = 	snop;
	(pc) =	sbr.ind lr, $3  }
0x3a: {  	_ = 	snop  }
0x3b: {  	_ = 	snop  }
0x3c: {  	p2 =	seq.s32 s10, $0x1;
	s10 =	sld [smem:$0x3FAB]  }
0x3d: {  	_ =	shalt  }
0x3e: {  	_ =	shalt  }
0x3f: {  	_ =	shalt  }
0x40: {  	_ =	shalt  }
0x41: {  	_ =	shalt  }
0x42: {  	_ =	shalt  }
0x43: {  	_ =	shalt  }
0x44: {  	_ =	shalt  }
0x45: {  	_ =	shalt  }
0x46: {  	_ =	shalt  }
0x47: {  	_ =	shalt  }
0x48: {  	_ =	shalt  }
0x49: {  	_ =	shalt  }
0x4a: {  	_ =	shalt  }
0x4b: {  	_ =	shalt  }
0x4c: {  	_ =	shalt  }
0x4d: {  	_ =	shalt  }
0x4e: {  	_ =	shalt  }
0x4f: {  	_ =	shalt  }
0x50: {  	_ =	shalt  }
0x51: {  	_ =	shalt  }
0x52: {  	_ =	shalt  }
0x53: {  	_ =	shalt  }
0x54: {  	_ =	shalt  }
0x55: {  	_ =	shalt  }
0x56: {  	_ =	shalt  }
0x57: {  	_ =	shalt  }
0x58: {  	_ =	shalt  }
0x59: {  	_ =	shalt  }
0x5a: {  	_ =	shalt  }
0x5b: {  	_ =	shalt  }
0x5c: {  	_ =	shalt  }
0x5d: {  	_ =	shalt  }
0x5e: {  	_ =	shalt  }
0x5f: {  	_ =	shalt  }
0x60: {  	_ =	shalt  }
0x61: {  	_ =	shalt  }
0x62: {  	_ =	shalt  }
0x63: {  	_ =	shalt  }
0x64: {  	_ =	shalt  }
0x65: {  	_ =	shalt  }
0x66: {  	_ =	shalt  }
0x67: {  	_ =	shalt  }
0x68: {  	_ =	shalt  }
0x69: {  	_ =	shalt  }
0x6a: {  	_ =	shalt  }
0x6b: {  	_ =	shalt  }
0x6c: {  	_ =	shalt  }
0x6d: {  	_ =	shalt  }
0x6e: {  	_ =	shalt  }
0x6f: {  	_ =	shalt  }
0x70: {  	_ =	shalt  }
0x71: {  	_ =	shalt  }
0x72: {  	_ =	shalt  }
0x73: {  	_ =	shalt  }
0x74: {  	_ =	shalt  }
0x75: {  	_ =	shalt  }
0x76: {  	_ =	shalt  }
0x77: {  	_ =	shalt  }
0x78: {  	_ =	shalt  }
0x79: {  	_ =	shalt  }
0x7a: {  	_ =	shalt  }
0x7b: {  	_ =	shalt  }
0x7c: {  	_ =	shalt  }
0x7d: {  	_ =	shalt  }
0x7e: {  	_ =	shalt  }
0x7f: {  	_ =	shalt  }
0x80: {  	_ =	shalt  }
0x81: {  	_ =	shalt  }
0x82: {  	_ =	shalt  }
0x83: {  	_ =	shalt  }
0x84: {  	_ =	shalt  }
0x85: {  	_ =	shalt  }
0x86: {  	_ =	shalt  }
0x87: {  	_ =	shalt  }
.Lfunc_end0:
.L_simem_size_0:
called_computation.3_lowered:
.L_overlay_start_0:
0x88: {  	s2 =	sld [smem:$0x3FD9]  }
0x89: {  	s3 =	sld [smem:$0x3FFE];
	_ =	sdelay $0x1  }
0x8a: {  	s1 =	srdreg.scid  }
0x8b: {  	s0 =	sand.u32 $0x1, s1  }
0x8c: {  	s16 =	sshll.u32 s0, $0xA;
	s2 =	sadd.s32 s3, s2  }
0x8d: {  	s2 =	sadd.s32 s2, s16  }
0x8e: {  	[smem:$0x3FB7] =	sst s2  }
0x8f: {  	_ = 	snop  }
0x90: {  	(tm) =	ssettm $0x1  }
0x91: {  	s17 =	sld [smem:$0x3FFB];
	_ =	sdelay $0x3  }
0x92: {  	_ =	strace s17  }
0x93: {  	s2 =	sld [smem:$0x3FFC];
	_ =	sdelay $0x3  }
0x94: {  	_ =	strace s2  }
0x95: {  	s2 =	sld [smem:$0x3FFD];
	_ =	sdelay $0x3  }
0x96: {  	_ =	strace s2  }
0x97: {  	_ =	strace $0x8FFFFFFF  }
0x98: {  	s18 =	sld [smem:$0x3FDB];
	_ =	sdelay $0x1  }
0x99: {  	s19 =	simm.s32 $_scs_section_size  }
0x9a: {  	s4 =	simm.s32 $_size__tile_overlayer_lowered;
	s5 =	simm.s32 $_tile_overlayer_lowered  }
0x9b: {  	s22 =	simm.s32 $0x1BFF;
	s21 =	sshll.u32 s5, $0x1;
	s2 =	sadd.s32 s19, s18  }
0x9c: {  	s6 =	simm.s32 $0x0;
	s20 =	sshll.u32 s4, $0x1;
	s4 =	sadd.s32 s21, s2  }
0x9d: {  	[timem:s6], [sflag:s22] =	dma.local [hbm:s4], s20  }
0x9e: {  	_ =	swait.ge [sflag:s22], s20  }
0x9f: {  	s3 =	ssub.s32 $0x0, s20;
	[sflag:s22] =	ssyncset.done $0x0  }
0xa0: {  	[sflag:s22] =	ssyncadd.s32 s3;
	_ =	sdelay $0x1  }
0xa1: {  	s23 =	simm.s32 $0x1B8B  }
0xa2: {  	_ =	swait.ge [sflag:s23], $0x1  }
0xa3: {  	[sflag:s23] =	ssyncset.done $0x0  }
0xa4: {  	s25 =	simm.s32 $0x1B8E;
	s24 =	sld [smem:$0x3FFE];
	[sflag:s23] =	ssyncadd.s32 $0xFFFFFFFF  }
0xa5: {  	s26 =	simm.s32 $execute0_lowered;
	[smem:$0x3FD2] =	sst s25  }
0xa6: {  	s4 =	sshll.u32 s26, $0x1;
	_ =	strace $0x8000004F;
	[dreg:$0x1] =	wrdreg $0xFFFFFFFF  }
0xa7: {  	s28 =	simm.s32 $_size_execute0_lowered;
	s2 =	sadd.s32 s2, s4;
	[dreg:$0x0] =	wrdreg $0x0  }
0xa8: {  	s4 =	sshll.u32 s28, $0x1;
	[dreg:$0x2] =	wrdreg s2  }
0xa9: {  	[dreg:$0x3] =	wrdreg s4  }
0xaa: {  	[dreg:$0x4] =	wrdreg $0xC0  }
0xab: {  	_ =	task [dreg:s6], $0x5FFFF  }
0xac: {  	[dreg:$0x1] =	wrdreg $0xFFFFFFFF  }
0xad: {  	[dreg:$0x0] =	wrdreg $0x60  }
0xae: {  	[dreg:$0x2] =	wrdreg s24  }
0xaf: {  	[dreg:$0x3] =	wrdreg $0x33400  }
0xb0: {  	[dreg:$0x4] =	wrdreg $0x9  }
0xb1: {  	_ =	task.clear_ibuf [dreg:s6], $0x5FFFF;
	_ =	strace $0x9000004F  }
0xb2: {  	s29 =	simm.s32 $0x9;
	_ =	strace $0x80000051  }
0xb3: {  	_ =	swait.ge [sflag:s29], $0x1  }
0xb4: {  	[sflag:s29] =	ssyncadd.s32 $0xFFFFFFFF  }
0xb5: {  	_ =	strace $0x90000051  }
0xb6: {  	_ =	sfence  }
0xb7: {  	s30 =	sld [smem:$0x0];
	_ =	sdelay $0x2  }
0xb8: {  	s31 =	sshll.u32 s1, $0xD;
	s1 =	sshrl.u32 s1, $0x2  }
0xb9: {  	s3 =	sand.u32 $0x4000, s31;
	s1 =	sadd.s32 s1, s30  }
0xba: {  	s0 =	sor.u32 s3, s0;
	s1 =	sshll.u32 s1, $0x11  }
0xbb: {  	s0 =	sor.u32 s1, s0  }
0xbc: {  	s0 =	sadd.s32 $0x8F2B, s0  }
0xbd: {  	[sflag:s0] =	ssyncadd.remote.s32 $0x1  }
0xbe: {  	_ =	sfence.sel $0xFFFF  }
0xbf: {  	[dreg:$0x0] =	wrdreg $0xFFFFFFFF;
	(pc) =	sbr.abs _section_cstart, $3  }
0xc0: {  	[dreg:$0x1] =	wrdreg $0xFFFFFFFF  }
0xc1: {  	_ =	task.clear_ibuf [dreg:s6], $0x2FFFF;
	_ =	strace $0x9FFFFFFF  }
0xc2: {  	(tm) =	ssettm $0x7FFFFFFF  }
0xc3: {  	_ =	shalt  }
tec
execute0_lowered:
.L_overlay_start_1:
0x0: {  	(tag) =	ssettag $0x1  }
0x1: {  	s0 =	rddreg [dreg:$0x0];
	s1 =	srdreg.scid  }
0x2: {  	s9 =	stileid.u32;
	s2 =	rddreg [dreg:$0x1];
	s3 =	simm.s32 $0x0  }
0x3: {  	s17 =	simm.s32 $0x80;
	s19 =	simm.s32 $0x100;
	[smem:$0x7FF] =	sst s3  }
0x4: {  	s21 =	simm.s32 $0x880;
	_ =	strace $0x80000050;
	[dreg:$0x5] =	wrdreg s17  }
0x5: {  	s23 =	simm.s32 $0x180;
	s25 =	simm.s32 $0x900;
	[dreg:$0x6] =	wrdreg s19  }
0x6: {  	s11 =	simm.s32 $0x280;
	s1 =	sand.u32 $0x1, s1;
	[dreg:$0x7] =	wrdreg s21  }
0x7: {  	s4 =	sshll.u32 s9, $0x1;
	s7 =	smul.u32 $0x14000, s9;
	[dreg:$0x8] =	wrdreg s23  }
0x8: {  	s4 =	sor.u32 s1, s4;
	s6 =	smul.u32 $0xA000, s1;
	[dreg:$0x9] =	wrdreg s25  }
0x9: {  	s1 =	ssub.s32 $0x2, s1;
	[dreg:$0xc] =	wrdreg s11;
	s17 =	simm.s32 $0xA80  }
0xa: {  	s19 =	simm.s32 $0x380;
	s21 =	simm.s32 $0xB00;
	[dreg:$0xf] =	wrdreg s17  }
0xb: {  	s13 =	sshrl.u32 s1, $0x1;
	s7 =	sshrl.u32 s7, $0x2;
	[dreg:$0x10] =	wrdreg s19  }
0xc: {  	[dreg:$0x11] =	wrdreg s21;
	s1 =	ssub.s32 s1, s13;
	s13 =	simm.s32 $0xA00  }
0xd: {  	s28 =	sadd.s32 s7, s2;
	[dreg:$0xd] =	wrdreg s13  }
0xe: {  	s1 =	smax.u32 s1, $0x1;
	[dreg:$0x12] =	wrdreg s28  }
0xf: {  	s29 =	simm.s32 $0x3;
	s14 =	sadd.s32 $0x400, s28;
	[dreg:$0x13] =	wrdreg s1  }
0x10: {  	s30 =	simm.s32 $0x800;
	s15 =	sadd.s32 $0x800, s28;
	[dreg:$0x14] =	wrdreg s14  }
0x11: {  	s31 =	simm.s32 $0x7D;
	s16 =	sadd.s32 $0xC00, s28;
	[dreg:$0x15] =	wrdreg s15  }
0x12: {  	s11 =	simm.s32 $0x480;
	s18 =	sadd.s32 $0x1000, s28;
	[dreg:$0x16] =	wrdreg s16  }
0x13: {  	s5 =	smul.u32 $0x500, s4;
	s20 =	sadd.s32 $0x1400, s28;
	[dreg:$0x17] =	wrdreg s18  }
0x14: {  	s4 =	sadd.s32 $0x18600, s0;
	s22 =	sadd.s32 $0x1800, s28;
	[dreg:$0x18] =	wrdreg s20  }
0x15: {  	s17 =	simm.s32 $0x600;
	s24 =	sadd.s32 $0x1C00, s28;
	[dreg:$0x19] =	wrdreg s22  }
0x16: {  	s19 =	simm.s32 $0x680;
	s26 =	sadd.s32 $0x2000, s28;
	[dreg:$0x1a] =	wrdreg s24  }
0x17: {  	s5 =	sadd.s32 s5, s0;
	s7 =	sadd.s32 $0x2400, s28;
	[dreg:$0x1b] =	wrdreg s26  }
0x18: {  	s0 =	sadd.s32 s6, s0;
	s6 =	simm.s32 $0x200;
	[dreg:$0x1c] =	wrdreg s7  }
0x19: {  	s21 =	simm.s32 $0x700;
	s10 =	sadd.s32 $0x2800, s28;
	[dreg:$0xa] =	wrdreg s6  }
0x1a: {  	s12 =	sadd.s32 $0x2C00, s28;
	s23 =	sadd.s32 $0x4000, s28;
	[dreg:$0x1d] =	wrdreg s10  }
0x1b: {  	s25 =	sadd.s32 $0x4800, s28;
	s13 =	simm.s32 $0x500;
	[dreg:$0x1e] =	wrdreg s12  }
0x1c: {  	s8 =	sadd.s32 $0xCAA00, s5;
	s5 =	sadd.s32 $0xD4A00, s5;
	[smem:$0x7FA] =	sst s23  }
0x1d: {  	s0 =	sadd.s32 $0x22400, s0;
	s14 =	sadd.s32 $0x3000, s28;
	[smem:$0x7FC] =	sst s25  }
0x1e: {  	s15 =	simm.s32 $0x300;
	s16 =	sadd.s32 $0x3400, s28;
	[dreg:$0x3] =	wrdreg s8  }
0x1f: {  	s18 =	sadd.s32 $0x3800, s28;
	s20 =	smul.u32 $0xA00, s9;
	[dreg:$0x4] =	wrdreg s5  }
0x20: {  	s22 =	sadd.s32 $0x3C00, s28;
	s24 =	sadd.s32 $0x4400, s28;
	[dreg:$0x1f] =	wrdreg s14  }
0x21: {  	s26 =	sadd.s32 $0x4C00, s28;
	s1 =	simm.s32 $0x1000;
	[smem:$0x7F7] =	sst s16  }
0x22: {  	s6 =	simm.s32 $0x1FA0;
	s9 =	simm.s32 $0x400;
	[dreg:$0xe] =	wrdreg s15  }
0x23: {  	s10 =	simm.s32 $0xB80;
	s12 =	simm.s32 $0xC00;
	[smem:$0x7F8] =	sst s18  }
0x24: {  	s23 =	simm.s32 $0x780;
	s25 =	simm.s32 $0xF00;
	[smem:$0x7F9] =	sst s22  }
0x25: {  	s7 =	simm.s32 $0x0;
	s8 =	simm.s32 $0x980;
	[smem:$0x7FB] =	sst s24  }
0x26: {  	[smem:$0x7FD] =	sst s26;
	s14 =	simm.s32 $0xC80;
	s15 =	simm.s32 $0x580  }
0x27: {  	s16 =	simm.s32 $0xD00;
	s18 =	simm.s32 $0xD80;
	s22 =	simm.s32 $0xE80  }
0x28: {  	s26 =	simm.s32 $0xF80;
	[dreg:$0xb] =	wrdreg s8;
	s24 =	sadd.s32 s0, s20  }
0x29: {  	v0 =	vimm.f32 $0.0e+00;
	s0 =	simm.s32 $0x1;
	s8 =	simm.s32 $0x2;
	s20 =	simm.s32 $0xE00  }
.LBB2_1:
0x2a: {  	[tilespmem:$0x2F40] =	vst v0  }
0x2b: {  	[tilespmem:$0x2F50] =	vst v0  }
0x2c: {  	[tilespmem:$0x2F60] =	vst v0  }
0x2d: {  	[tilespmem:$0x2F70] =	vst v0  }
0x2e: {  	[tilespmem:$0x2F80] =	vst v0  }
0x2f: {  	[tilespmem:$0x2F90] =	vst v0  }
0x30: {  	[tilespmem:$0x2FA0] =	vst v0  }
0x31: {  	[tilespmem:$0x2FB0] =	vst v0  }
0x32: {  	[tilespmem:$0x2FC0] =	vst v0  }
0x33: {  	[tilespmem:$0x2FD0] =	vst v0  }
0x34: {  	[tilespmem:$0x2FE0] =	vst v0  }
0x35: {  	[tilespmem:$0x2FF0] =	vst v0  }
0x36: {  	[tilespmem:$0x3000] =	vst v0  }
0x37: {  	[tilespmem:$0x3010] =	vst v0  }
0x38: {  	[tilespmem:$0x3020] =	vst v0  }
0x39: {  	[tilespmem:$0x3030] =	vst v0  }
0x3a: {  	[tilespmem:$0x3040] =	vst v0  }
0x3b: {  	[tilespmem:$0x3050] =	vst v0  }
0x3c: {  	[tilespmem:$0x3060] =	vst v0  }
0x3d: {  	[tilespmem:$0x3070] =	vst v0  }
0x3e: {  	[tilespmem:$0x3080] =	vst v0  }
0x3f: {  	[tilespmem:$0x3090] =	vst v0  }
0x40: {  	[tilespmem:$0x30A0] =	vst v0  }
0x41: {  	[tilespmem:$0x30B0] =	vst v0  }
0x42: {  	[tilespmem:$0x30C0] =	vst v0  }
0x43: {  	[tilespmem:$0x30D0] =	vst v0  }
0x44: {  	[tilespmem:$0x30E0] =	vst v0  }
0x45: {  	[tilespmem:$0x30F0] =	vst v0  }
0x46: {  	[tilespmem:$0x3100] =	vst v0  }
0x47: {  	[tilespmem:$0x3110] =	vst v0  }
0x48: {  	[tilespmem:$0x3120] =	vst v0  }
0x49: {  	[tilespmem:$0x3130] =	vst v0  }
0x4a: {  	[tilespmem:$0x3140] =	vst v0  }
0x4b: {  	[tilespmem:$0x3150] =	vst v0  }
0x4c: {  	[tilespmem:$0x3160] =	vst v0  }
0x4d: {  	[tilespmem:$0x3170] =	vst v0  }
0x4e: {  	[tilespmem:$0x3180] =	vst v0  }
0x4f: {  	[tilespmem:$0x3190] =	vst v0  }
0x50: {  	[tilespmem:$0x31A0] =	vst v0  }
0x51: {  	[tilespmem:$0x31B0] =	vst v0  }
0x52: {  	[tilespmem:$0x31C0] =	vst v0  }
0x53: {  	[tilespmem:$0x31D0] =	vst v0  }
0x54: {  	[tilespmem:$0x31E0] =	vst v0  }
0x55: {  	[tilespmem:$0x31F0] =	vst v0  }
0x56: {  	[tilespmem:$0x3200] =	vst v0  }
0x57: {  	[tilespmem:$0x3210] =	vst v0  }
0x58: {  	[tilespmem:$0x3220] =	vst v0  }
0x59: {  	[tilespmem:$0x3230] =	vst v0  }
0x5a: {  	[tilespmem:$0x3240] =	vst v0  }
0x5b: {  	[tilespmem:$0x3250] =	vst v0  }
0x5c: {  	[tilespmem:$0x3260] =	vst v0  }
0x5d: {  	[tilespmem:$0x3270] =	vst v0  }
0x5e: {  	[tilespmem:$0x3280] =	vst v0  }
0x5f: {  	[tilespmem:$0x3290] =	vst v0  }
0x60: {  	[tilespmem:$0x32A0] =	vst v0  }
0x61: {  	[tilespmem:$0x32B0] =	vst v0  }
0x62: {  	[tilespmem:$0x32C0] =	vst v0  }
0x63: {  	[tilespmem:$0x32D0] =	vst v0  }
0x64: {  	[tilespmem:$0x32E0] =	vst v0  }
0x65: {  	[tilespmem:$0x32F0] =	vst v0  }
0x66: {  	[tilespmem:$0x3300] =	vst v0  }
0x67: {  	[tilespmem:$0x3310] =	vst v0  }
0x68: {  	[tilespmem:$0x3320] =	vst v0  }
0x69: {  	[smem:$0x7F6] =	sst s7;
	[tilespmem:$0x3330] =	vst v0;
	s7 =	simm.s32 $0x2F40  }
0x6a: {  	[spmem:s28] =	stream.linear.scatter [tilespmem:s7], [sflag:$0x3], $0x400, $0x38;
	[tilespmem:$0x8340] =	vst v63  }
0x6b: {  	_ =	swait.ge [sflag:s29], $0x400  }
0x6c: {  	[sflag:s29] =	ssyncset.done $0x0  }
0x6d: {  	s5 =	rddreg [dreg:$0x14];
	[sflag:s29] =	ssyncadd.s32 $0xFFFFFC00  }
0x6e: {  	[spmem:s5] =	stream.linear.scatter [tilespmem:s7], [sflag:$0x3], $0x400, $0x38;
	[tilespmem:$0x8340] =	vst v63  }
0x6f: {  	_ =	swait.ge [sflag:s29], $0x400  }
0x70: {  	[sflag:s29] =	ssyncset.done $0x0  }
0x71: {  	s5 =	rddreg [dreg:$0x15];
	[sflag:s29] =	ssyncadd.s32 $0xFFFFFC00  }
0x72: {  	[spmem:s5] =	stream.linear.scatter [tilespmem:s7], [sflag:$0x3], $0x400, $0x38;
	[tilespmem:$0x8340] =	vst v63  }
0x73: {  	_ =	swait.ge [sflag:s29], $0x400  }
0x74: {  	[sflag:s29] =	ssyncset.done $0x0  }
0x75: {  	s5 =	rddreg [dreg:$0x16];
	[sflag:s29] =	ssyncadd.s32 $0xFFFFFC00  }
0x76: {  	[spmem:s5] =	stream.linear.scatter [tilespmem:s7], [sflag:$0x3], $0x400, $0x38;
	[tilespmem:$0x8340] =	vst v63  }
0x77: {  	_ =	swait.ge [sflag:s29], $0x400  }
0x78: {  	[sflag:s29] =	ssyncset.done $0x0  }
0x79: {  	s5 =	rddreg [dreg:$0x17];
	[sflag:s29] =	ssyncadd.s32 $0xFFFFFC00  }
0x7a: {  	[spmem:s5] =	stream.linear.scatter [tilespmem:s7], [sflag:$0x3], $0x400, $0x38;
	[tilespmem:$0x8340] =	vst v63  }
0x7b: {  	_ =	swait.ge [sflag:s29], $0x400  }
0x7c: {  	[sflag:s29] =	ssyncset.done $0x0  }
0x7d: {  	s5 =	rddreg [dreg:$0x18];
	[sflag:s29] =	ssyncadd.s32 $0xFFFFFC00  }
0x7e: {  	[spmem:s5] =	stream.linear.scatter [tilespmem:s7], [sflag:$0x3], $0x400, $0x38;
	[tilespmem:$0x8340] =	vst v63  }
0x7f: {  	_ =	swait.ge [sflag:s29], $0x400  }
0x80: {  	[sflag:s29] =	ssyncset.done $0x0  }
0x81: {  	s5 =	rddreg [dreg:$0x19];
	[sflag:s29] =	ssyncadd.s32 $0xFFFFFC00  }
0x82: {  	[spmem:s5] =	stream.linear.scatter [tilespmem:s7], [sflag:$0x3], $0x400, $0x38;
	[tilespmem:$0x8340] =	vst v63  }
0x83: {  	_ =	swait.ge [sflag:s29], $0x400  }
0x84: {  	[sflag:s29] =	ssyncset.done $0x0  }
0x85: {  	s5 =	rddreg [dreg:$0x1a];
	[sflag:s29] =	ssyncadd.s32 $0xFFFFFC00  }
0x86: {  	[spmem:s5] =	stream.linear.scatter [tilespmem:s7], [sflag:$0x3], $0x400, $0x38;
	[tilespmem:$0x8340] =	vst v63  }
0x87: {  	_ =	swait.ge [sflag:s29], $0x400  }
0x88: {  	[sflag:s29] =	ssyncset.done $0x0  }
0x89: {  	s5 =	rddreg [dreg:$0x1b];
	[sflag:s29] =	ssyncadd.s32 $0xFFFFFC00  }
0x8a: {  	[spmem:s5] =	stream.linear.scatter [tilespmem:s7], [sflag:$0x3], $0x400, $0x38;
	[tilespmem:$0x8340] =	vst v63  }
0x8b: {  	_ =	swait.ge [sflag:s29], $0x400  }
0x8c: {  	[sflag:s29] =	ssyncset.done $0x0  }
0x8d: {  	s5 =	rddreg [dreg:$0x1c];
	[sflag:s29] =	ssyncadd.s32 $0xFFFFFC00  }
0x8e: {  	[spmem:s5] =	stream.linear.scatter [tilespmem:s7], [sflag:$0x3], $0x400, $0x38;
	[tilespmem:$0x8340] =	vst v63  }
0x8f: {  	_ =	swait.ge [sflag:s29], $0x400  }
0x90: {  	[sflag:s29] =	ssyncset.done $0x0  }
0x91: {  	s5 =	rddreg [dreg:$0x1d];
	[sflag:s29] =	ssyncadd.s32 $0xFFFFFC00  }
0x92: {  	[spmem:s5] =	stream.linear.scatter [tilespmem:s7], [sflag:$0x3], $0x400, $0x38;
	[tilespmem:$0x8340] =	vst v63  }
0x93: {  	_ =	swait.ge [sflag:s29], $0x400  }
0x94: {  	[sflag:s29] =	ssyncset.done $0x0  }
0x95: {  	s5 =	rddreg [dreg:$0x1e];
	[sflag:s29] =	ssyncadd.s32 $0xFFFFFC00  }
0x96: {  	[spmem:s5] =	stream.linear.scatter [tilespmem:s7], [sflag:$0x3], $0x400, $0x38;
	[tilespmem:$0x8340] =	vst v63  }
0x97: {  	_ =	swait.ge [sflag:s29], $0x400  }
0x98: {  	[sflag:s29] =	ssyncset.done $0x0  }
0x99: {  	s5 =	rddreg [dreg:$0x1f];
	[sflag:s29] =	ssyncadd.s32 $0xFFFFFC00  }
0x9a: {  	[spmem:s5] =	stream.linear.scatter [tilespmem:s7], [sflag:$0x3], $0x400, $0x38;
	[tilespmem:$0x8340] =	vst v63  }
0x9b: {  	_ =	swait.ge [sflag:s29], $0x400  }
0x9c: {  	s5 =	sld [smem:$0x7F7]  }
0x9d: {  	[sflag:s29] =	ssyncset.done $0x0  }
0x9e: {  	[sflag:s29] =	ssyncadd.s32 $0xFFFFFC00  }
0x9f: {  	[spmem:s5] =	stream.linear.scatter [tilespmem:s7], [sflag:$0x3], $0x400, $0x38;
	[tilespmem:$0x8340] =	vst v63  }
0xa0: {  	_ =	swait.ge [sflag:s29], $0x400  }
0xa1: {  	s5 =	sld [smem:$0x7F8]  }
0xa2: {  	[sflag:s29] =	ssyncset.done $0x0  }
0xa3: {  	[sflag:s29] =	ssyncadd.s32 $0xFFFFFC00  }
0xa4: {  	[spmem:s5] =	stream.linear.scatter [tilespmem:s7], [sflag:$0x3], $0x400, $0x38;
	[tilespmem:$0x8340] =	vst v63  }
0xa5: {  	_ =	swait.ge [sflag:s29], $0x400  }
0xa6: {  	s5 =	sld [smem:$0x7F9]  }
0xa7: {  	[sflag:s29] =	ssyncset.done $0x0  }
0xa8: {  	[sflag:s29] =	ssyncadd.s32 $0xFFFFFC00  }
0xa9: {  	[spmem:s5] =	stream.linear.scatter [tilespmem:s7], [sflag:$0x3], $0x400, $0x38;
	[tilespmem:$0x8340] =	vst v63  }
0xaa: {  	_ =	swait.ge [sflag:s29], $0x400  }
0xab: {  	s5 =	sld [smem:$0x7FA]  }
0xac: {  	[sflag:s29] =	ssyncset.done $0x0  }
0xad: {  	[sflag:s29] =	ssyncadd.s32 $0xFFFFFC00  }
0xae: {  	[spmem:s5] =	stream.linear.scatter [tilespmem:s7], [sflag:$0x3], $0x400, $0x38;
	[tilespmem:$0x8340] =	vst v63  }
0xaf: {  	_ =	swait.ge [sflag:s29], $0x400  }
0xb0: {  	s5 =	sld [smem:$0x7FB]  }
0xb1: {  	[sflag:s29] =	ssyncset.done $0x0  }
0xb2: {  	[sflag:s29] =	ssyncadd.s32 $0xFFFFFC00  }
0xb3: {  	[spmem:s5] =	stream.linear.scatter [tilespmem:s7], [sflag:$0x3], $0x400, $0x38;
	[tilespmem:$0x8340] =	vst v63  }
0xb4: {  	_ =	swait.ge [sflag:s29], $0x400  }
0xb5: {  	s5 =	sld [smem:$0x7FC]  }
0xb6: {  	[sflag:s29] =	ssyncset.done $0x0  }
0xb7: {  	[sflag:s29] =	ssyncadd.s32 $0xFFFFFC00  }
0xb8: {  	[spmem:s5] =	stream.linear.scatter [tilespmem:s7], [sflag:$0x3], $0x400, $0x38;
	[tilespmem:$0x8340] =	vst v63  }
0xb9: {  	_ =	swait.ge [sflag:s29], $0x400  }
0xba: {  	s5 =	sld [smem:$0x7FD]  }
0xbb: {  	[sflag:s29] =	ssyncset.done $0x0  }
0xbc: {  	[sflag:s29] =	ssyncadd.s32 $0xFFFFFC00  }
0xbd: {  	[spmem:s5] =	stream.linear.scatter [tilespmem:s7], [sflag:$0x3], $0x400, $0x38;
	[tilespmem:$0x8340] =	vst v63  }
0xbe: {  	_ =	swait.ge [sflag:s29], $0x400  }
0xbf: {  	[sflag:s29] =	ssyncset.done $0x0  }
0xc0: {  	[sflag:s29] =	ssyncadd.s32 $0xFFFFFC00  }
0xc1: {  	[bflag:$0x0] =	sbarrier.arrive $0xFFFF  }
0xc2: {  	s7 =	rddreg [dreg:$0x3]  }
0xc3: {  	s5 =	sadd.s32 $0x0, s7  }
0xc4: {  	[tilespmem:s3], [sflag:$0x3] =	stream.linear.gather [hbm4b:s5+s3], $0x800, $0x38;
	[tilespmem:$0x8340] =	vst v63  }
0xc5: {  	_ =	swait.ge [sflag:s29], $0x800  }
0xc6: {  	s7 =	rddreg [dreg:$0x4];
	[sflag:s29] =	ssyncset.done $0x0  }
0xc7: {  	[sflag:s29] =	ssyncadd.s32 $0xFFFFF800;
	s5 =	sadd.s32 $0x0, s7  }
0xc8: {  	[tilespmem:s30], [sflag:$0x3] =	stream.linear.gather [hbm4b:s5+s3], $0x800, $0x38;
	[tilespmem:$0x8340] =	vst v63  }
0xc9: {  	_ =	swait.ge [sflag:s29], $0x800  }
0xca: {  	[sflag:s29] =	ssyncset.done $0x0  }
0xcb: {  	[sflag:s29] =	ssyncadd.s32 $0xFFFFF800  }
0xcc: {  	[tilespmem:s1], [sflag:$0x1] =	stream.indirect.gather [hbm4b:s4+s31], $0x20, s3, s31, $0xb8;
	[tilespmem:$0x8340] =	vst v63  }
0xcd: {  	_ =	swait.ge [sflag:s0], $0xFA0  }
0xce: {  	[sflag:s0] =	ssyncset.done $0x0  }
0xcf: {  	s7 =	rddreg [dreg:$0x5];
	[sflag:s0] =	ssyncadd.s32 $0xFFFFF060  }
0xd0: {  	[tilespmem:s6], [sflag:$0x2] =	stream.indirect.gather [hbm4b:s4+s31], $0x20, s7, s31, $0xb8;
	[tilespmem:$0x8340] =	vst v63  }
0xd1: {  	_ = 	snop  }
0xd2: {  	[spmem:s2] =	stream.indirect.scatter.add.f32 [tilespmem:s1], [sflag:$0x3], $0x20, s30, s31, $0xb8;
	[tilespmem:$0x8340] =	vst v63  }
0xd3: {  	_ =	swait.ge [sflag:s29], $0xFA0  }
0xd4: {  	[sflag:s29] =	ssyncset.done $0x0  }
0xd5: {  	s7 =	rddreg [dreg:$0x6];
	[sflag:s29] =	ssyncadd.s32 $0xFFFFF060  }
0xd6: {  	[tilespmem:s1], [sflag:$0x1] =	stream.indirect.gather [hbm4b:s4+s31], $0x20, s7, s31, $0xb8;
	[tilespmem:$0x8340] =	vst v63  }
0xd7: {  	_ =	swait.ge [sflag:s8], $0xFA0  }
0xd8: {  	[sflag:s8] =	ssyncset.done $0x0  }
0xd9: {  	s7 =	rddreg [dreg:$0x7];
	[sflag:s8] =	ssyncadd.s32 $0xFFFFF060  }
0xda: {  	[spmem:s2] =	stream.indirect.scatter.add.f32 [tilespmem:s6], [sflag:$0x3], $0x20, s7, s31, $0xb8;
	[tilespmem:$0x8340] =	vst v63  }
0xdb: {  	_ =	swait.ge [sflag:s29], $0xFA0  }
0xdc: {  	[sflag:s29] =	ssyncset.done $0x0  }
0xdd: {  	[sflag:s29] =	ssyncadd.s32 $0xFFFFF060  }
0xde: {  	_ =	swait.ge [sflag:s0], $0xFA0  }
0xdf: {  	[sflag:s0] =	ssyncset.done $0x0  }
0xe0: {  	s5 =	rddreg [dreg:$0x8];
	[sflag:s0] =	ssyncadd.s32 $0xFFFFF060  }
0xe1: {  	[tilespmem:s6], [sflag:$0x2] =	stream.indirect.gather [hbm4b:s4+s31], $0x20, s5, s31, $0xb8;
	[tilespmem:$0x8340] =	vst v63  }
0xe2: {  	s7 =	rddreg [dreg:$0x9]  }
0xe3: {  	[spmem:s2] =	stream.indirect.scatter.add.f32 [tilespmem:s1], [sflag:$0x3], $0x20, s7, s31, $0xb8;
	[tilespmem:$0x8340] =	vst v63  }
0xe4: {  	_ =	swait.ge [sflag:s29], $0xFA0  }
0xe5: {  	[sflag:s29] =	ssyncset.done $0x0  }
0xe6: {  	s7 =	rddreg [dreg:$0xa];
	[sflag:s29] =	ssyncadd.s32 $0xFFFFF060  }
0xe7: {  	[tilespmem:s1], [sflag:$0x1] =	stream.indirect.gather [hbm4b:s4+s31], $0x20, s7, s31, $0xb8;
	[tilespmem:$0x8340] =	vst v63  }
0xe8: {  	_ =	swait.ge [sflag:s8], $0xFA0  }
0xe9: {  	[sflag:s8] =	ssyncset.done $0x0  }
0xea: {  	s7 =	rddreg [dreg:$0xb];
	[sflag:s8] =	ssyncadd.s32 $0xFFFFF060  }
0xeb: {  	[spmem:s2] =	stream.indirect.scatter.add.f32 [tilespmem:s6], [sflag:$0x3], $0x20, s7, s31, $0xb8;
	[tilespmem:$0x8340] =	vst v63  }
0xec: {  	_ =	swait.ge [sflag:s29], $0xFA0  }
0xed: {  	[sflag:s29] =	ssyncset.done $0x0  }
0xee: {  	[sflag:s29] =	ssyncadd.s32 $0xFFFFF060  }
0xef: {  	_ =	swait.ge [sflag:s0], $0xFA0  }
0xf0: {  	[sflag:s0] =	ssyncset.done $0x0  }
0xf1: {  	s5 =	rddreg [dreg:$0xc];
	[sflag:s0] =	ssyncadd.s32 $0xFFFFF060  }
0xf2: {  	[tilespmem:s6], [sflag:$0x2] =	stream.indirect.gather [hbm4b:s4+s31], $0x20, s5, s31, $0xb8;
	[tilespmem:$0x8340] =	vst v63  }
0xf3: {  	s7 =	rddreg [dreg:$0xd]  }
0xf4: {  	[spmem:s2] =	stream.indirect.scatter.add.f32 [tilespmem:s1], [sflag:$0x3], $0x20, s7, s31, $0xb8;
	[tilespmem:$0x8340] =	vst v63  }
0xf5: {  	_ =	swait.ge [sflag:s29], $0xFA0  }
0xf6: {  	[sflag:s29] =	ssyncset.done $0x0  }
0xf7: {  	s7 =	rddreg [dreg:$0xe];
	[sflag:s29] =	ssyncadd.s32 $0xFFFFF060  }
0xf8: {  	[tilespmem:s1], [sflag:$0x1] =	stream.indirect.gather [hbm4b:s4+s31], $0x20, s7, s31, $0xb8;
	[tilespmem:$0x8340] =	vst v63  }
0xf9: {  	_ =	swait.ge [sflag:s8], $0xFA0  }
0xfa: {  	[sflag:s8] =	ssyncset.done $0x0  }
0xfb: {  	s7 =	rddreg [dreg:$0xf];
	[sflag:s8] =	ssyncadd.s32 $0xFFFFF060  }
0xfc: {  	[spmem:s2] =	stream.indirect.scatter.add.f32 [tilespmem:s6], [sflag:$0x3], $0x20, s7, s31, $0xb8;
	[tilespmem:$0x8340] =	vst v63  }
0xfd: {  	_ =	swait.ge [sflag:s29], $0xFA0  }
0xfe: {  	[sflag:s29] =	ssyncset.done $0x0  }
0xff: {  	[sflag:s29] =	ssyncadd.s32 $0xFFFFF060  }
0x100: {  	_ =	swait.ge [sflag:s0], $0xFA0  }
0x101: {  	[sflag:s0] =	ssyncset.done $0x0  }
0x102: {  	s5 =	rddreg [dreg:$0x10];
	[sflag:s0] =	ssyncadd.s32 $0xFFFFF060  }
0x103: {  	[tilespmem:s6], [sflag:$0x2] =	stream.indirect.gather [hbm4b:s4+s31], $0x20, s5, s31, $0xb8;
	[tilespmem:$0x8340] =	vst v63  }
0x104: {  	s7 =	rddreg [dreg:$0x11]  }
0x105: {  	[spmem:s2] =	stream.indirect.scatter.add.f32 [tilespmem:s1], [sflag:$0x3], $0x20, s7, s31, $0xb8;
	[tilespmem:$0x8340] =	vst v63  }
0x106: {  	_ =	swait.ge [sflag:s29], $0xFA0  }
0x107: {  	[sflag:s29] =	ssyncset.done $0x0  }
0x108: {  	[sflag:s29] =	ssyncadd.s32 $0xFFFFF060  }
0x109: {  	[tilespmem:s1], [sflag:$0x1] =	stream.indirect.gather [hbm4b:s4+s31], $0x20, s9, s31, $0xb8;
	[tilespmem:$0x8340] =	vst v63  }
0x10a: {  	_ =	swait.ge [sflag:s8], $0xFA0  }
0x10b: {  	[sflag:s8] =	ssyncset.done $0x0  }
0x10c: {  	[sflag:s8] =	ssyncadd.s32 $0xFFFFF060  }
0x10d: {  	[spmem:s2] =	stream.indirect.scatter.add.f32 [tilespmem:s6], [sflag:$0x3], $0x20, s10, s31, $0xb8;
	[tilespmem:$0x8340] =	vst v63  }
0x10e: {  	_ =	swait.ge [sflag:s29], $0xFA0  }
0x10f: {  	[sflag:s29] =	ssyncset.done $0x0  }
0x110: {  	[sflag:s29] =	ssyncadd.s32 $0xFFFFF060  }
0x111: {  	_ =	swait.ge [sflag:s0], $0xFA0  }
0x112: {  	[sflag:s0] =	ssyncset.done $0x0  }
0x113: {  	[sflag:s0] =	ssyncadd.s32 $0xFFFFF060  }
0x114: {  	[tilespmem:s6], [sflag:$0x2] =	stream.indirect.gather [hbm4b:s4+s31], $0x20, s11, s31, $0xb8;
	[tilespmem:$0x8340] =	vst v63  }
0x115: {  	_ = 	snop  }
0x116: {  	[spmem:s2] =	stream.indirect.scatter.add.f32 [tilespmem:s1], [sflag:$0x3], $0x20, s12, s31, $0xb8;
	[tilespmem:$0x8340] =	vst v63  }
0x117: {  	_ =	swait.ge [sflag:s29], $0xFA0  }
0x118: {  	[sflag:s29] =	ssyncset.done $0x0  }
0x119: {  	[sflag:s29] =	ssyncadd.s32 $0xFFFFF060  }
0x11a: {  	[tilespmem:s1], [sflag:$0x1] =	stream.indirect.gather [hbm4b:s4+s31], $0x20, s13, s31, $0xb8;
	[tilespmem:$0x8340] =	vst v63  }
0x11b: {  	_ =	swait.ge [sflag:s8], $0xFA0  }
0x11c: {  	[sflag:s8] =	ssyncset.done $0x0  }
0x11d: {  	[sflag:s8] =	ssyncadd.s32 $0xFFFFF060  }
0x11e: {  	[spmem:s2] =	stream.indirect.scatter.add.f32 [tilespmem:s6], [sflag:$0x3], $0x20, s14, s31, $0xb8;
	[tilespmem:$0x8340] =	vst v63  }
0x11f: {  	_ =	swait.ge [sflag:s29], $0xFA0  }
0x120: {  	[sflag:s29] =	ssyncset.done $0x0  }
0x121: {  	[sflag:s29] =	ssyncadd.s32 $0xFFFFF060  }
0x122: {  	_ =	swait.ge [sflag:s0], $0xFA0  }
0x123: {  	[sflag:s0] =	ssyncset.done $0x0  }
0x124: {  	[sflag:s0] =	ssyncadd.s32 $0xFFFFF060  }
0x125: {  	[tilespmem:s6], [sflag:$0x2] =	stream.indirect.gather [hbm4b:s4+s31], $0x20, s15, s31, $0xb8;
	[tilespmem:$0x8340] =	vst v63  }
0x126: {  	_ = 	snop  }
0x127: {  	[spmem:s2] =	stream.indirect.scatter.add.f32 [tilespmem:s1], [sflag:$0x3], $0x20, s16, s31, $0xb8;
	[tilespmem:$0x8340] =	vst v63  }
0x128: {  	_ =	swait.ge [sflag:s29], $0xFA0  }
0x129: {  	[sflag:s29] =	ssyncset.done $0x0  }
0x12a: {  	[sflag:s29] =	ssyncadd.s32 $0xFFFFF060  }
0x12b: {  	[tilespmem:s1], [sflag:$0x1] =	stream.indirect.gather [hbm4b:s4+s31], $0x20, s17, s31, $0xb8;
	[tilespmem:$0x8340] =	vst v63  }
0x12c: {  	_ =	swait.ge [sflag:s8], $0xFA0  }
0x12d: {  	[sflag:s8] =	ssyncset.done $0x0  }
0x12e: {  	[sflag:s8] =	ssyncadd.s32 $0xFFFFF060  }
0x12f: {  	[spmem:s2] =	stream.indirect.scatter.add.f32 [tilespmem:s6], [sflag:$0x3], $0x20, s18, s31, $0xb8;
	[tilespmem:$0x8340] =	vst v63  }
0x130: {  	_ =	swait.ge [sflag:s29], $0xFA0  }
0x131: {  	[sflag:s29] =	ssyncset.done $0x0  }
0x132: {  	[sflag:s29] =	ssyncadd.s32 $0xFFFFF060  }
0x133: {  	_ =	swait.ge [sflag:s0], $0xFA0  }
0x134: {  	[sflag:s0] =	ssyncset.done $0x0  }
0x135: {  	[sflag:s0] =	ssyncadd.s32 $0xFFFFF060  }
0x136: {  	[tilespmem:s6], [sflag:$0x2] =	stream.indirect.gather [hbm4b:s4+s31], $0x20, s19, s31, $0xb8;
	[tilespmem:$0x8340] =	vst v63  }
0x137: {  	_ = 	snop  }
0x138: {  	[spmem:s2] =	stream.indirect.scatter.add.f32 [tilespmem:s1], [sflag:$0x3], $0x20, s20, s31, $0xb8;
	[tilespmem:$0x8340] =	vst v63  }
0x139: {  	_ =	swait.ge [sflag:s29], $0xFA0  }
0x13a: {  	[sflag:s29] =	ssyncset.done $0x0  }
0x13b: {  	[sflag:s29] =	ssyncadd.s32 $0xFFFFF060  }
0x13c: {  	[tilespmem:s1], [sflag:$0x1] =	stream.indirect.gather [hbm4b:s4+s31], $0x20, s21, s31, $0xb8;
	[tilespmem:$0x8340] =	vst v63  }
0x13d: {  	_ =	swait.ge [sflag:s8], $0xFA0  }
0x13e: {  	[sflag:s8] =	ssyncset.done $0x0  }
0x13f: {  	[sflag:s8] =	ssyncadd.s32 $0xFFFFF060  }
0x140: {  	[spmem:s2] =	stream.indirect.scatter.add.f32 [tilespmem:s6], [sflag:$0x3], $0x20, s22, s31, $0xb8;
	[tilespmem:$0x8340] =	vst v63  }
0x141: {  	_ =	swait.ge [sflag:s29], $0xFA0  }
0x142: {  	[sflag:s29] =	ssyncset.done $0x0  }
0x143: {  	[sflag:s29] =	ssyncadd.s32 $0xFFFFF060  }
0x144: {  	_ =	swait.ge [sflag:s0], $0xFA0  }
0x145: {  	[sflag:s0] =	ssyncset.done $0x0  }
0x146: {  	[sflag:s0] =	ssyncadd.s32 $0xFFFFF060  }
0x147: {  	[tilespmem:s6], [sflag:$0x2] =	stream.indirect.gather [hbm4b:s4+s31], $0x20, s23, s31, $0xb8;
	[tilespmem:$0x8340] =	vst v63  }
0x148: {  	_ = 	snop  }
0x149: {  	[spmem:s2] =	stream.indirect.scatter.add.f32 [tilespmem:s1], [sflag:$0x3], $0x20, s25, s31, $0xb8;
	[tilespmem:$0x8340] =	vst v63  }
0x14a: {  	_ =	swait.ge [sflag:s29], $0xFA0  }
0x14b: {  	[sflag:s29] =	ssyncset.done $0x0  }
0x14c: {  	[sflag:s29] =	ssyncadd.s32 $0xFFFFF060  }
0x14d: {  	_ =	swait.ge [sflag:s8], $0xFA0  }
0x14e: {  	[sflag:s8] =	ssyncset.done $0x0  }
0x14f: {  	[sflag:s8] =	ssyncadd.s32 $0xFFFFF060  }
0x150: {  	[spmem:s2] =	stream.indirect.scatter.add.f32 [tilespmem:s6], [sflag:$0x3], $0x20, s26, s31, $0xb8;
	[tilespmem:$0x8340] =	vst v63  }
0x151: {  	s5 =	simm.s32 $0x100;
	s7 =	simm.s32 $0x200;
	_ =	swait.ge [sflag:s29], $0xFA0  }
0x152: {  	s10 =	simm.s32 $0xB80;
	s28 =	rddreg [dreg:$0x3];
	[sflag:s29] =	ssyncset.done $0x0  }
.LBB2_2:
0x153: {  	[sflag:s29] =	ssyncadd.s32 $0xFFFFF060;
	s28 =	sadd.s32 s5, s28  }
0x154: {  	[tilespmem:s3], [sflag:$0x3] =	stream.linear.gather [hbm4b:s28+s3], $0x800, $0x38;
	[tilespmem:$0x8340] =	vst v63  }
0x155: {  	_ =	swait.ge [sflag:s29], $0x800  }
0x156: {  	s28 =	rddreg [dreg:$0x4];
	[sflag:s29] =	ssyncset.done $0x0  }
0x157: {  	[sflag:s29] =	ssyncadd.s32 $0xFFFFF800;
	s28 =	sadd.s32 s5, s28  }
0x158: {  	[tilespmem:s30], [sflag:$0x3] =	stream.linear.gather [hbm4b:s28+s3], $0x800, $0x38;
	[tilespmem:$0x8340] =	vst v63  }
0x159: {  	_ =	swait.ge [sflag:s29], $0x800  }
0x15a: {  	[sflag:s29] =	ssyncset.done $0x0  }
0x15b: {  	[sflag:s29] =	ssyncadd.s32 $0xFFFFF800  }
0x15c: {  	[tilespmem:s1], [sflag:$0x1] =	stream.indirect.gather [hbm4b:s4+s31], $0x20, s3, s31, $0xb8;
	[tilespmem:$0x8340] =	vst v63  }
0x15d: {  	_ =	swait.ge [sflag:s0], $0xFA0  }
0x15e: {  	s9 =	smov.u32 s7;
	[sflag:s0] =	ssyncset.done $0x0  }
0x15f: {  	s5 =	smov.u32 s9;
	s9 =	rddreg [dreg:$0x5];
	[sflag:s0] =	ssyncadd.s32 $0xFFFFF060  }
0x160: {  	[tilespmem:s6], [sflag:$0x2] =	stream.indirect.gather [hbm4b:s4+s31], $0x20, s9, s31, $0xb8;
	[tilespmem:$0x8340] =	vst v63  }
0x161: {  	_ = 	snop  }
0x162: {  	[spmem:s2] =	stream.indirect.scatter.add.f32 [tilespmem:s1], [sflag:$0x3], $0x20, s30, s31, $0xb8;
	[tilespmem:$0x8340] =	vst v63  }
0x163: {  	_ =	swait.ge [sflag:s29], $0xFA0  }
0x164: {  	[sflag:s29] =	ssyncset.done $0x0  }
0x165: {  	s9 =	rddreg [dreg:$0x6];
	[sflag:s29] =	ssyncadd.s32 $0xFFFFF060  }
0x166: {  	[tilespmem:s1], [sflag:$0x1] =	stream.indirect.gather [hbm4b:s4+s31], $0x20, s9, s31, $0xb8;
	[tilespmem:$0x8340] =	vst v63  }
0x167: {  	_ =	swait.ge [sflag:s8], $0xFA0  }
0x168: {  	[sflag:s8] =	ssyncset.done $0x0  }
0x169: {  	s9 =	rddreg [dreg:$0x7];
	[sflag:s8] =	ssyncadd.s32 $0xFFFFF060  }
0x16a: {  	[spmem:s2] =	stream.indirect.scatter.add.f32 [tilespmem:s6], [sflag:$0x3], $0x20, s9, s31, $0xb8;
	[tilespmem:$0x8340] =	vst v63  }
0x16b: {  	_ =	swait.ge [sflag:s29], $0xFA0  }
0x16c: {  	[sflag:s29] =	ssyncset.done $0x0  }
0x16d: {  	[sflag:s29] =	ssyncadd.s32 $0xFFFFF060  }
0x16e: {  	_ =	swait.ge [sflag:s0], $0xFA0  }
0x16f: {  	[sflag:s0] =	ssyncset.done $0x0  }
0x170: {  	s9 =	rddreg [dreg:$0x8];
	[sflag:s0] =	ssyncadd.s32 $0xFFFFF060  }
0x171: {  	[tilespmem:s6], [sflag:$0x2] =	stream.indirect.gather [hbm4b:s4+s31], $0x20, s9, s31, $0xb8;
	[tilespmem:$0x8340] =	vst v63  }
0x172: {  	s28 =	rddreg [dreg:$0x9]  }
0x173: {  	[spmem:s2] =	stream.indirect.scatter.add.f32 [tilespmem:s1], [sflag:$0x3], $0x20, s28, s31, $0xb8;
	[tilespmem:$0x8340] =	vst v63  }
0x174: {  	_ =	swait.ge [sflag:s29], $0xFA0  }
0x175: {  	[sflag:s29] =	ssyncset.done $0x0  }
0x176: {  	s9 =	rddreg [dreg:$0xa];
	[sflag:s29] =	ssyncadd.s32 $0xFFFFF060  }
0x177: {  	[tilespmem:s1], [sflag:$0x1] =	stream.indirect.gather [hbm4b:s4+s31], $0x20, s9, s31, $0xb8;
	[tilespmem:$0x8340] =	vst v63  }
0x178: {  	_ =	swait.ge [sflag:s8], $0xFA0  }
0x179: {  	[sflag:s8] =	ssyncset.done $0x0  }
0x17a: {  	s9 =	rddreg [dreg:$0xb];
	[sflag:s8] =	ssyncadd.s32 $0xFFFFF060  }
0x17b: {  	[spmem:s2] =	stream.indirect.scatter.add.f32 [tilespmem:s6], [sflag:$0x3], $0x20, s9, s31, $0xb8;
	[tilespmem:$0x8340] =	vst v63  }
0x17c: {  	_ =	swait.ge [sflag:s29], $0xFA0  }
0x17d: {  	[sflag:s29] =	ssyncset.done $0x0  }
0x17e: {  	[sflag:s29] =	ssyncadd.s32 $0xFFFFF060  }
0x17f: {  	_ =	swait.ge [sflag:s0], $0xFA0  }
0x180: {  	[sflag:s0] =	ssyncset.done $0x0  }
0x181: {  	s9 =	rddreg [dreg:$0xc];
	[sflag:s0] =	ssyncadd.s32 $0xFFFFF060  }
0x182: {  	[tilespmem:s6], [sflag:$0x2] =	stream.indirect.gather [hbm4b:s4+s31], $0x20, s9, s31, $0xb8;
	[tilespmem:$0x8340] =	vst v63  }
0x183: {  	s28 =	rddreg [dreg:$0xd]  }
0x184: {  	[spmem:s2] =	stream.indirect.scatter.add.f32 [tilespmem:s1], [sflag:$0x3], $0x20, s28, s31, $0xb8;
	[tilespmem:$0x8340] =	vst v63  }
0x185: {  	_ =	swait.ge [sflag:s29], $0xFA0  }
0x186: {  	[sflag:s29] =	ssyncset.done $0x0  }
0x187: {  	s9 =	rddreg [dreg:$0xe];
	[sflag:s29] =	ssyncadd.s32 $0xFFFFF060  }
0x188: {  	[tilespmem:s1], [sflag:$0x1] =	stream.indirect.gather [hbm4b:s4+s31], $0x20, s9, s31, $0xb8;
	[tilespmem:$0x8340] =	vst v63  }
0x189: {  	_ =	swait.ge [sflag:s8], $0xFA0  }
0x18a: {  	[sflag:s8] =	ssyncset.done $0x0  }
0x18b: {  	s9 =	rddreg [dreg:$0xf];
	[sflag:s8] =	ssyncadd.s32 $0xFFFFF060  }
0x18c: {  	[spmem:s2] =	stream.indirect.scatter.add.f32 [tilespmem:s6], [sflag:$0x3], $0x20, s9, s31, $0xb8;
	[tilespmem:$0x8340] =	vst v63  }
0x18d: {  	_ =	swait.ge [sflag:s29], $0xFA0  }
0x18e: {  	[sflag:s29] =	ssyncset.done $0x0  }
0x18f: {  	[sflag:s29] =	ssyncadd.s32 $0xFFFFF060  }
0x190: {  	_ =	swait.ge [sflag:s0], $0xFA0  }
0x191: {  	[sflag:s0] =	ssyncset.done $0x0  }
0x192: {  	s9 =	rddreg [dreg:$0x10];
	[sflag:s0] =	ssyncadd.s32 $0xFFFFF060  }
0x193: {  	[tilespmem:s6], [sflag:$0x2] =	stream.indirect.gather [hbm4b:s4+s31], $0x20, s9, s31, $0xb8;
	[tilespmem:$0x8340] =	vst v63  }
0x194: {  	s28 =	rddreg [dreg:$0x11]  }
0x195: {  	[spmem:s2] =	stream.indirect.scatter.add.f32 [tilespmem:s1], [sflag:$0x3], $0x20, s28, s31, $0xb8;
	[tilespmem:$0x8340] =	vst v63  }
0x196: {  	_ =	swait.ge [sflag:s29], $0xFA0  }
0x197: {  	[sflag:s29] =	ssyncset.done $0x0  }
0x198: {  	s9 =	simm.s32 $0x400;
	[sflag:s29] =	ssyncadd.s32 $0xFFFFF060  }
0x199: {  	[tilespmem:s1], [sflag:$0x1] =	stream.indirect.gather [hbm4b:s4+s31], $0x20, s9, s31, $0xb8;
	[tilespmem:$0x8340] =	vst v63  }
0x19a: {  	_ =	swait.ge [sflag:s8], $0xFA0  }
0x19b: {  	[sflag:s8] =	ssyncset.done $0x0  }
0x19c: {  	[sflag:s8] =	ssyncadd.s32 $0xFFFFF060  }
0x19d: {  	[spmem:s2] =	stream.indirect.scatter.add.f32 [tilespmem:s6], [sflag:$0x3], $0x20, s10, s31, $0xb8;
	[tilespmem:$0x8340] =	vst v63  }
0x19e: {  	_ =	swait.ge [sflag:s29], $0xFA0  }
0x19f: {  	[sflag:s29] =	ssyncset.done $0x0  }
0x1a0: {  	[sflag:s29] =	ssyncadd.s32 $0xFFFFF060  }
0x1a1: {  	_ =	swait.ge [sflag:s0], $0xFA0  }
0x1a2: {  	[sflag:s0] =	ssyncset.done $0x0  }
0x1a3: {  	[sflag:s0] =	ssyncadd.s32 $0xFFFFF060  }
0x1a4: {  	[tilespmem:s6], [sflag:$0x2] =	stream.indirect.gather [hbm4b:s4+s31], $0x20, s11, s31, $0xb8;
	[tilespmem:$0x8340] =	vst v63  }
0x1a5: {  	_ = 	snop  }
0x1a6: {  	[spmem:s2] =	stream.indirect.scatter.add.f32 [tilespmem:s1], [sflag:$0x3], $0x20, s12, s31, $0xb8;
	[tilespmem:$0x8340] =	vst v63  }
0x1a7: {  	_ =	swait.ge [sflag:s29], $0xFA0  }
0x1a8: {  	[sflag:s29] =	ssyncset.done $0x0  }
0x1a9: {  	[sflag:s29] =	ssyncadd.s32 $0xFFFFF060  }
0x1aa: {  	[tilespmem:s1], [sflag:$0x1] =	stream.indirect.gather [hbm4b:s4+s31], $0x20, s13, s31, $0xb8;
	[tilespmem:$0x8340] =	vst v63  }
0x1ab: {  	_ =	swait.ge [sflag:s8], $0xFA0  }
0x1ac: {  	[sflag:s8] =	ssyncset.done $0x0  }
0x1ad: {  	[sflag:s8] =	ssyncadd.s32 $0xFFFFF060  }
0x1ae: {  	[spmem:s2] =	stream.indirect.scatter.add.f32 [tilespmem:s6], [sflag:$0x3], $0x20, s14, s31, $0xb8;
	[tilespmem:$0x8340] =	vst v63  }
0x1af: {  	_ =	swait.ge [sflag:s29], $0xFA0  }
0x1b0: {  	[sflag:s29] =	ssyncset.done $0x0  }
0x1b1: {  	[sflag:s29] =	ssyncadd.s32 $0xFFFFF060  }
0x1b2: {  	_ =	swait.ge [sflag:s0], $0xFA0  }
0x1b3: {  	[sflag:s0] =	ssyncset.done $0x0  }
0x1b4: {  	[sflag:s0] =	ssyncadd.s32 $0xFFFFF060  }
0x1b5: {  	[tilespmem:s6], [sflag:$0x2] =	stream.indirect.gather [hbm4b:s4+s31], $0x20, s15, s31, $0xb8;
	[tilespmem:$0x8340] =	vst v63  }
0x1b6: {  	_ = 	snop  }
0x1b7: {  	[spmem:s2] =	stream.indirect.scatter.add.f32 [tilespmem:s1], [sflag:$0x3], $0x20, s16, s31, $0xb8;
	[tilespmem:$0x8340] =	vst v63  }
0x1b8: {  	_ =	swait.ge [sflag:s29], $0xFA0  }
0x1b9: {  	[sflag:s29] =	ssyncset.done $0x0  }
0x1ba: {  	[sflag:s29] =	ssyncadd.s32 $0xFFFFF060  }
0x1bb: {  	[tilespmem:s1], [sflag:$0x1] =	stream.indirect.gather [hbm4b:s4+s31], $0x20, s17, s31, $0xb8;
	[tilespmem:$0x8340] =	vst v63  }
0x1bc: {  	_ =	swait.ge [sflag:s8], $0xFA0  }
0x1bd: {  	[sflag:s8] =	ssyncset.done $0x0  }
0x1be: {  	[sflag:s8] =	ssyncadd.s32 $0xFFFFF060  }
0x1bf: {  	[spmem:s2] =	stream.indirect.scatter.add.f32 [tilespmem:s6], [sflag:$0x3], $0x20, s18, s31, $0xb8;
	[tilespmem:$0x8340] =	vst v63  }
0x1c0: {  	_ =	swait.ge [sflag:s29], $0xFA0  }
0x1c1: {  	[sflag:s29] =	ssyncset.done $0x0  }
0x1c2: {  	[sflag:s29] =	ssyncadd.s32 $0xFFFFF060  }
0x1c3: {  	_ =	swait.ge [sflag:s0], $0xFA0  }
0x1c4: {  	[sflag:s0] =	ssyncset.done $0x0  }
0x1c5: {  	[sflag:s0] =	ssyncadd.s32 $0xFFFFF060  }
0x1c6: {  	[tilespmem:s6], [sflag:$0x2] =	stream.indirect.gather [hbm4b:s4+s31], $0x20, s19, s31, $0xb8;
	[tilespmem:$0x8340] =	vst v63  }
0x1c7: {  	_ = 	snop  }
0x1c8: {  	[spmem:s2] =	stream.indirect.scatter.add.f32 [tilespmem:s1], [sflag:$0x3], $0x20, s20, s31, $0xb8;
	[tilespmem:$0x8340] =	vst v63  }
0x1c9: {  	_ =	swait.ge [sflag:s29], $0xFA0  }
0x1ca: {  	[sflag:s29] =	ssyncset.done $0x0  }
0x1cb: {  	[sflag:s29] =	ssyncadd.s32 $0xFFFFF060  }
0x1cc: {  	[tilespmem:s1], [sflag:$0x1] =	stream.indirect.gather [hbm4b:s4+s31], $0x20, s21, s31, $0xb8;
	[tilespmem:$0x8340] =	vst v63  }
0x1cd: {  	_ =	swait.ge [sflag:s8], $0xFA0  }
0x1ce: {  	[sflag:s8] =	ssyncset.done $0x0  }
0x1cf: {  	[sflag:s8] =	ssyncadd.s32 $0xFFFFF060  }
0x1d0: {  	[spmem:s2] =	stream.indirect.scatter.add.f32 [tilespmem:s6], [sflag:$0x3], $0x20, s22, s31, $0xb8;
	[tilespmem:$0x8340] =	vst v63  }
0x1d1: {  	_ =	swait.ge [sflag:s29], $0xFA0  }
0x1d2: {  	[sflag:s29] =	ssyncset.done $0x0  }
0x1d3: {  	[sflag:s29] =	ssyncadd.s32 $0xFFFFF060  }
0x1d4: {  	_ =	swait.ge [sflag:s0], $0xFA0  }
0x1d5: {  	[sflag:s0] =	ssyncset.done $0x0  }
0x1d6: {  	[sflag:s0] =	ssyncadd.s32 $0xFFFFF060  }
0x1d7: {  	[tilespmem:s6], [sflag:$0x2] =	stream.indirect.gather [hbm4b:s4+s31], $0x20, s23, s31, $0xb8;
	[tilespmem:$0x8340] =	vst v63  }
0x1d8: {  	_ = 	snop  }
0x1d9: {  	[spmem:s2] =	stream.indirect.scatter.add.f32 [tilespmem:s1], [sflag:$0x3], $0x20, s25, s31, $0xb8;
	[tilespmem:$0x8340] =	vst v63  }
0x1da: {  	_ =	swait.ge [sflag:s29], $0xFA0  }
0x1db: {  	[sflag:s29] =	ssyncset.done $0x0  }
0x1dc: {  	[sflag:s29] =	ssyncadd.s32 $0xFFFFF060  }
0x1dd: {  	p0 =	sne.s32 s7, $0x400;
	_ =	swait.ge [sflag:s8], $0xFA0  }
.Ltmp0:
0x1de: {  	[sflag:s8] =	ssyncset.done $0x0;
	(pc) =	sbr.rel @p0 .LBB2_2-.Ltmp0, $4  }
0x1df: {  	[sflag:s8] =	ssyncadd.s32 $0xFFFFF060  }
0x1e0: {  	[spmem:s2] =	stream.indirect.scatter.add.f32 [tilespmem:s6], [sflag:$0x3], $0x20, s26, s31, $0xb8;
	[tilespmem:$0x8340] =	vst v63  }
0x1e1: {  	_ =	swait.ge [sflag:s29], $0xFA0  }
0x1e2: {  	s7 =	sadd.s32 $0x100, s7;
	s28 =	rddreg [dreg:$0x3];
	[sflag:s29] =	ssyncset.done $0x0  }
0x1e3: {  	[sflag:s29] =	ssyncadd.s32 $0xFFFFF060;
	s7 =	sadd.s32 s5, s28  }
0x1e4: {  	[tilespmem:s3], [sflag:$0x3] =	stream.linear.gather [hbm4b:s7+s3], $0x800, $0x38;
	[tilespmem:$0x8340] =	vst v63  }
0x1e5: {  	_ =	swait.ge [sflag:s29], $0x800  }
0x1e6: {  	s7 =	rddreg [dreg:$0x4];
	[sflag:s29] =	ssyncset.done $0x0  }
0x1e7: {  	[sflag:s29] =	ssyncadd.s32 $0xFFFFF800;
	s7 =	sadd.s32 s5, s7  }
0x1e8: {  	[tilespmem:s30], [sflag:$0x3] =	stream.linear.gather [hbm4b:s7+s3], $0x800, $0x38;
	[tilespmem:$0x8340] =	vst v63  }
0x1e9: {  	_ =	swait.ge [sflag:s29], $0x800  }
0x1ea: {  	[sflag:s29] =	ssyncset.done $0x0  }
0x1eb: {  	[sflag:s29] =	ssyncadd.s32 $0xFFFFF800  }
0x1ec: {  	[tilespmem:s1], [sflag:$0x1] =	stream.indirect.gather [hbm4b:s4+s31], $0x20, s3, s31, $0xb8;
	[tilespmem:$0x8340] =	vst v63  }
0x1ed: {  	_ =	swait.ge [sflag:s0], $0xFA0  }
0x1ee: {  	[sflag:s0] =	ssyncset.done $0x0  }
0x1ef: {  	s7 =	rddreg [dreg:$0x5];
	[sflag:s0] =	ssyncadd.s32 $0xFFFFF060  }
0x1f0: {  	[tilespmem:s6], [sflag:$0x2] =	stream.indirect.gather [hbm4b:s4+s31], $0x20, s7, s31, $0xb8;
	[tilespmem:$0x8340] =	vst v63  }
0x1f1: {  	_ = 	snop  }
0x1f2: {  	[spmem:s2] =	stream.indirect.scatter.add.f32 [tilespmem:s1], [sflag:$0x3], $0x20, s30, s31, $0xb8;
	[tilespmem:$0x8340] =	vst v63  }
0x1f3: {  	_ =	swait.ge [sflag:s29], $0xFA0  }
0x1f4: {  	[sflag:s29] =	ssyncset.done $0x0  }
0x1f5: {  	s7 =	rddreg [dreg:$0x6];
	[sflag:s29] =	ssyncadd.s32 $0xFFFFF060  }
0x1f6: {  	[tilespmem:s1], [sflag:$0x1] =	stream.indirect.gather [hbm4b:s4+s31], $0x20, s7, s31, $0xb8;
	[tilespmem:$0x8340] =	vst v63  }
0x1f7: {  	_ =	swait.ge [sflag:s8], $0xFA0  }
0x1f8: {  	[sflag:s8] =	ssyncset.done $0x0  }
0x1f9: {  	s7 =	rddreg [dreg:$0x7];
	[sflag:s8] =	ssyncadd.s32 $0xFFFFF060  }
0x1fa: {  	[spmem:s2] =	stream.indirect.scatter.add.f32 [tilespmem:s6], [sflag:$0x3], $0x20, s7, s31, $0xb8;
	[tilespmem:$0x8340] =	vst v63  }
0x1fb: {  	_ =	swait.ge [sflag:s29], $0xFA0  }
0x1fc: {  	[sflag:s29] =	ssyncset.done $0x0  }
0x1fd: {  	[sflag:s29] =	ssyncadd.s32 $0xFFFFF060  }
0x1fe: {  	_ =	swait.ge [sflag:s0], $0xFA0  }
0x1ff: {  	[sflag:s0] =	ssyncset.done $0x0  }
0x200: {  	s5 =	rddreg [dreg:$0x8];
	[sflag:s0] =	ssyncadd.s32 $0xFFFFF060  }
0x201: {  	[tilespmem:s6], [sflag:$0x2] =	stream.indirect.gather [hbm4b:s4+s31], $0x20, s5, s31, $0xb8;
	[tilespmem:$0x8340] =	vst v63  }
0x202: {  	s7 =	rddreg [dreg:$0x9]  }
0x203: {  	[spmem:s2] =	stream.indirect.scatter.add.f32 [tilespmem:s1], [sflag:$0x3], $0x20, s7, s31, $0xb8;
	[tilespmem:$0x8340] =	vst v63  }
0x204: {  	_ =	swait.ge [sflag:s29], $0xFA0  }
0x205: {  	[sflag:s29] =	ssyncset.done $0x0  }
0x206: {  	s7 =	rddreg [dreg:$0xa];
	[sflag:s29] =	ssyncadd.s32 $0xFFFFF060  }
0x207: {  	[tilespmem:s1], [sflag:$0x1] =	stream.indirect.gather [hbm4b:s4+s31], $0x20, s7, s31, $0xb8;
	[tilespmem:$0x8340] =	vst v63  }
0x208: {  	_ =	swait.ge [sflag:s8], $0xFA0  }
0x209: {  	[sflag:s8] =	ssyncset.done $0x0  }
0x20a: {  	s7 =	rddreg [dreg:$0xb];
	[sflag:s8] =	ssyncadd.s32 $0xFFFFF060  }
0x20b: {  	[spmem:s2] =	stream.indirect.scatter.add.f32 [tilespmem:s6], [sflag:$0x3], $0x20, s7, s31, $0xb8;
	[tilespmem:$0x8340] =	vst v63  }
0x20c: {  	_ =	swait.ge [sflag:s29], $0xFA0  }
0x20d: {  	[sflag:s29] =	ssyncset.done $0x0  }
0x20e: {  	[sflag:s29] =	ssyncadd.s32 $0xFFFFF060  }
0x20f: {  	_ =	swait.ge [sflag:s0], $0xFA0  }
0x210: {  	[sflag:s0] =	ssyncset.done $0x0  }
0x211: {  	s5 =	rddreg [dreg:$0xc];
	[sflag:s0] =	ssyncadd.s32 $0xFFFFF060  }
0x212: {  	[tilespmem:s6], [sflag:$0x2] =	stream.indirect.gather [hbm4b:s4+s31], $0x20, s5, s31, $0xb8;
	[tilespmem:$0x8340] =	vst v63  }
0x213: {  	s7 =	rddreg [dreg:$0xd]  }
0x214: {  	[spmem:s2] =	stream.indirect.scatter.add.f32 [tilespmem:s1], [sflag:$0x3], $0x20, s7, s31, $0xb8;
	[tilespmem:$0x8340] =	vst v63  }
0x215: {  	_ =	swait.ge [sflag:s29], $0xFA0  }
0x216: {  	[sflag:s29] =	ssyncset.done $0x0  }
0x217: {  	s7 =	rddreg [dreg:$0xe];
	[sflag:s29] =	ssyncadd.s32 $0xFFFFF060  }
0x218: {  	[tilespmem:s1], [sflag:$0x1] =	stream.indirect.gather [hbm4b:s4+s31], $0x20, s7, s31, $0xb8;
	[tilespmem:$0x8340] =	vst v63  }
0x219: {  	_ =	swait.ge [sflag:s8], $0xFA0  }
0x21a: {  	[sflag:s8] =	ssyncset.done $0x0  }
0x21b: {  	s7 =	rddreg [dreg:$0xf];
	[sflag:s8] =	ssyncadd.s32 $0xFFFFF060  }
0x21c: {  	[spmem:s2] =	stream.indirect.scatter.add.f32 [tilespmem:s6], [sflag:$0x3], $0x20, s7, s31, $0xb8;
	[tilespmem:$0x8340] =	vst v63  }
0x21d: {  	_ =	swait.ge [sflag:s29], $0xFA0  }
0x21e: {  	[sflag:s29] =	ssyncset.done $0x0  }
0x21f: {  	[sflag:s29] =	ssyncadd.s32 $0xFFFFF060  }
0x220: {  	_ =	swait.ge [sflag:s0], $0xFA0  }
0x221: {  	[sflag:s0] =	ssyncset.done $0x0  }
0x222: {  	s5 =	rddreg [dreg:$0x10];
	[sflag:s0] =	ssyncadd.s32 $0xFFFFF060  }
0x223: {  	[tilespmem:s6], [sflag:$0x2] =	stream.indirect.gather [hbm4b:s4+s31], $0x20, s5, s31, $0xb8;
	[tilespmem:$0x8340] =	vst v63  }
0x224: {  	s7 =	rddreg [dreg:$0x11]  }
0x225: {  	[spmem:s2] =	stream.indirect.scatter.add.f32 [tilespmem:s1], [sflag:$0x3], $0x20, s7, s31, $0xb8;
	[tilespmem:$0x8340] =	vst v63  }
0x226: {  	_ =	swait.ge [sflag:s29], $0xFA0  }
0x227: {  	[sflag:s29] =	ssyncset.done $0x0  }
0x228: {  	[sflag:s29] =	ssyncadd.s32 $0xFFFFF060  }
0x229: {  	[tilespmem:s1], [sflag:$0x1] =	stream.indirect.gather [hbm4b:s4+s31], $0x20, s9, s31, $0xb8;
	[tilespmem:$0x8340] =	vst v63  }
0x22a: {  	_ =	swait.ge [sflag:s8], $0xFA0  }
0x22b: {  	[sflag:s8] =	ssyncset.done $0x0  }
0x22c: {  	[sflag:s8] =	ssyncadd.s32 $0xFFFFF060  }
0x22d: {  	[spmem:s2] =	stream.indirect.scatter.add.f32 [tilespmem:s6], [sflag:$0x3], $0x20, s10, s31, $0xb8;
	[tilespmem:$0x8340] =	vst v63  }
0x22e: {  	_ =	swait.ge [sflag:s29], $0xFA0  }
0x22f: {  	[sflag:s29] =	ssyncset.done $0x0  }
0x230: {  	[sflag:s29] =	ssyncadd.s32 $0xFFFFF060  }
0x231: {  	_ =	swait.ge [sflag:s0], $0xFA0  }
0x232: {  	[sflag:s0] =	ssyncset.done $0x0  }
0x233: {  	[sflag:s0] =	ssyncadd.s32 $0xFFFFF060  }
0x234: {  	[tilespmem:s6], [sflag:$0x2] =	stream.indirect.gather [hbm4b:s4+s31], $0x20, s11, s31, $0xb8;
	[tilespmem:$0x8340] =	vst v63  }
0x235: {  	_ = 	snop  }
0x236: {  	[spmem:s2] =	stream.indirect.scatter.add.f32 [tilespmem:s1], [sflag:$0x3], $0x20, s12, s31, $0xb8;
	[tilespmem:$0x8340] =	vst v63  }
0x237: {  	_ =	swait.ge [sflag:s29], $0xFA0  }
0x238: {  	[sflag:s29] =	ssyncset.done $0x0  }
0x239: {  	[sflag:s29] =	ssyncadd.s32 $0xFFFFF060  }
0x23a: {  	[tilespmem:s1], [sflag:$0x1] =	stream.indirect.gather [hbm4b:s4+s31], $0x20, s13, s31, $0xb8;
	[tilespmem:$0x8340] =	vst v63  }
0x23b: {  	_ =	swait.ge [sflag:s8], $0xFA0  }
0x23c: {  	[sflag:s8] =	ssyncset.done $0x0  }
0x23d: {  	[sflag:s8] =	ssyncadd.s32 $0xFFFFF060  }
0x23e: {  	[spmem:s2] =	stream.indirect.scatter.add.f32 [tilespmem:s6], [sflag:$0x3], $0x20, s14, s31, $0xb8;
	[tilespmem:$0x8340] =	vst v63  }
0x23f: {  	_ =	swait.ge [sflag:s29], $0xFA0  }
0x240: {  	[sflag:s29] =	ssyncset.done $0x0  }
0x241: {  	[sflag:s29] =	ssyncadd.s32 $0xFFFFF060  }
0x242: {  	_ =	swait.ge [sflag:s0], $0xFA0  }
0x243: {  	[sflag:s0] =	ssyncset.done $0x0  }
0x244: {  	[sflag:s0] =	ssyncadd.s32 $0xFFFFF060  }
0x245: {  	[tilespmem:s6], [sflag:$0x2] =	stream.indirect.gather [hbm4b:s4+s31], $0x20, s15, s31, $0xb8;
	[tilespmem:$0x8340] =	vst v63  }
0x246: {  	_ = 	snop  }
0x247: {  	[spmem:s2] =	stream.indirect.scatter.add.f32 [tilespmem:s1], [sflag:$0x3], $0x20, s16, s31, $0xb8;
	[tilespmem:$0x8340] =	vst v63  }
0x248: {  	_ =	swait.ge [sflag:s29], $0xFA0  }
0x249: {  	[sflag:s29] =	ssyncset.done $0x0  }
0x24a: {  	[sflag:s29] =	ssyncadd.s32 $0xFFFFF060  }
0x24b: {  	[tilespmem:s1], [sflag:$0x1] =	stream.indirect.gather [hbm4b:s4+s31], $0x20, s17, s31, $0xb8;
	[tilespmem:$0x8340] =	vst v63  }
0x24c: {  	_ =	swait.ge [sflag:s8], $0xFA0  }
0x24d: {  	[sflag:s8] =	ssyncset.done $0x0  }
0x24e: {  	[sflag:s8] =	ssyncadd.s32 $0xFFFFF060  }
0x24f: {  	[spmem:s2] =	stream.indirect.scatter.add.f32 [tilespmem:s6], [sflag:$0x3], $0x20, s18, s31, $0xb8;
	[tilespmem:$0x8340] =	vst v63  }
0x250: {  	_ =	swait.ge [sflag:s29], $0xFA0  }
0x251: {  	[sflag:s29] =	ssyncset.done $0x0  }
0x252: {  	[sflag:s29] =	ssyncadd.s32 $0xFFFFF060  }
0x253: {  	_ =	swait.ge [sflag:s0], $0xFA0  }
0x254: {  	[sflag:s0] =	ssyncset.done $0x0  }
0x255: {  	[sflag:s0] =	ssyncadd.s32 $0xFFFFF060  }
0x256: {  	[tilespmem:s6], [sflag:$0x2] =	stream.indirect.gather [hbm4b:s4+s31], $0x20, s19, s31, $0xb8;
	[tilespmem:$0x8340] =	vst v63  }
0x257: {  	_ = 	snop  }
0x258: {  	[spmem:s2] =	stream.indirect.scatter.add.f32 [tilespmem:s1], [sflag:$0x3], $0x20, s20, s31, $0xb8;
	[tilespmem:$0x8340] =	vst v63  }
0x259: {  	_ =	swait.ge [sflag:s29], $0xFA0  }
0x25a: {  	[sflag:s29] =	ssyncset.done $0x0  }
0x25b: {  	[sflag:s29] =	ssyncadd.s32 $0xFFFFF060  }
0x25c: {  	[tilespmem:s1], [sflag:$0x1] =	stream.indirect.gather [hbm4b:s4+s31], $0x20, s21, s31, $0xb8;
	[tilespmem:$0x8340] =	vst v63  }
0x25d: {  	_ =	swait.ge [sflag:s8], $0xFA0  }
0x25e: {  	[sflag:s8] =	ssyncset.done $0x0  }
0x25f: {  	[sflag:s8] =	ssyncadd.s32 $0xFFFFF060  }
0x260: {  	[spmem:s2] =	stream.indirect.scatter.add.f32 [tilespmem:s6], [sflag:$0x3], $0x20, s22, s31, $0xb8;
	[tilespmem:$0x8340] =	vst v63  }
0x261: {  	_ =	swait.ge [sflag:s29], $0xFA0  }
0x262: {  	[sflag:s29] =	ssyncset.done $0x0  }
0x263: {  	[sflag:s29] =	ssyncadd.s32 $0xFFFFF060  }
0x264: {  	_ =	swait.ge [sflag:s0], $0xFA0  }
0x265: {  	[sflag:s0] =	ssyncset.done $0x0  }
0x266: {  	[sflag:s0] =	ssyncadd.s32 $0xFFFFF060  }
0x267: {  	[tilespmem:s6], [sflag:$0x2] =	stream.indirect.gather [hbm4b:s4+s31], $0x20, s23, s31, $0xb8;
	[tilespmem:$0x8340] =	vst v63  }
0x268: {  	_ = 	snop  }
0x269: {  	[spmem:s2] =	stream.indirect.scatter.add.f32 [tilespmem:s1], [sflag:$0x3], $0x20, s25, s31, $0xb8;
	[tilespmem:$0x8340] =	vst v63  }
0x26a: {  	_ =	swait.ge [sflag:s29], $0xFA0  }
0x26b: {  	[sflag:s29] =	ssyncset.done $0x0  }
0x26c: {  	[sflag:s29] =	ssyncadd.s32 $0xFFFFF060  }
0x26d: {  	_ =	swait.ge [sflag:s8], $0xFA0  }
0x26e: {  	[sflag:s8] =	ssyncset.done $0x0  }
0x26f: {  	[sflag:s8] =	ssyncadd.s32 $0xFFFFF060  }
0x270: {  	[spmem:s2] =	stream.indirect.scatter.add.f32 [tilespmem:s6], [sflag:$0x3], $0x20, s26, s31, $0xb8;
	[tilespmem:$0x8340] =	vst v63  }
0x271: {  	_ =	swait.ge [sflag:s29], $0xFA0  }
0x272: {  	[sflag:s29] =	ssyncset.done $0x0  }
0x273: {  	[sflag:s29] =	ssyncadd.s32 $0xFFFFF060  }
0x274: {  	s9 =	stileid.u32;
	[bflag:$0x0] =	sbarrier.arrive $0xFFFF  }
0x275: {  	s5 =	sshll.u32 s9, $0x6;
	s10 =	rddreg [dreg:$0x12]  }
0x276: {  	s7 =	sadd.s32 $0x0, s24;
	s5 =	sor.u32 $0x1C03, s5;
	s9 =	sshrl.u32 s10, $0x3  }
0x277: {  	[hbm:s7], [sflag:s5] =	dma.local [spmem:s9], $0x80  }
0x278: {  	_ =	swait.ge [sflag:s29], $0x80  }
0x279: {  	s7 =	simm.s32 $0x80;
	s28 =	rddreg [dreg:$0x14]  }
.LBB2_4:
0x27a: {  	s9 =	sadd.s32 s7, s24;
	[sflag:s29] =	ssyncset.done $0x0;
	p0 =	sne.s32 s7, $0x980  }
.Ltmp1:
0x27b: {  	s10 =	sshrl.u32 s28, $0x3;
	[sflag:s29] =	ssyncadd.s32 $0xFFFFFF80;
	(pc) =	sbr.rel @p0 .LBB2_4-.Ltmp1, $3  }
0x27c: {  	[hbm:s9], [sflag:s5] =	dma.local [spmem:s10], $0x80  }
0x27d: {  	s7 =	sadd.s32 $0x80, s7;
	_ =	sdelay $0x1  }
0x27e: {  	s28 =	sadd.s32 $0x400, s28;
	_ =	swait.ge [sflag:s29], $0x80  }
0x27f: {  	s7 =	sld [smem:$0x7F6];
	_ =	sdelay $0x2  }
0x280: {  	s5 =	rddreg [dreg:$0x13];
	s7 =	sadd.s32 $0x1, s7  }
0x281: {  	p0 =	sne.s32 s7, s5  }
.Ltmp2:
0x282: {  	_ = 	snop;
	(pc) =	sbr.rel @p0 .LBB2_1-.Ltmp2, $3  }
0x283: {  	_ =	sdelay $0x1  }
0x284: {  	[sflag:s29] =	ssyncset.done $0x0;
	s28 =	rddreg [dreg:$0x12]  }
0x285: {  	s9 =	simm.s32 $0x400;
	s10 =	simm.s32 $0xB80;
	[sflag:s29] =	ssyncadd.s32 $0xFFFFFF80  }
0x286: {  	_ =	sfence.sel $0x180000  }
0x287: {  	[bflag:$0x0] =	sbarrier.arrive $0xFFFF  }
0x288: {  	_ =	strace $0x90000050  }
0x289: {  	s0 =	stileid.u32;
	[bflag:$0x2] =	sbarrier.arrive $0xFFFF  }
0x28a: {  	p0 =	sne.s32 s0, $0x0;
	s0 =	rddreg [dreg:$0x2]  }
0x28b: {  	s0 =	sadd.s32 @!p0 $0x100000, s0  }
0x28c: {  	[sflag:s0] =	ssyncadd.tile.s32 @!p0 $0x1;
	_ =	shalt  }
.Lfunc_end2:
_tile_overlayer_lowered:
.L_overlay_start_2:
0x28d: {  	(tag) =	ssettag $0x2  }
0x28e: {  	s0 =	rddreg [dreg:$0x0];
	s2 =	stileid.u32  }
0x28f: {  	s1 =	rddreg [dreg:$0x1];
	p0 =	sne.s32 s2, $0x0  }
0x290: {  	s3 =	rddreg [dreg:$0x2];
	[bflag:$0x3] =	sbarrier.arrive $0xFFFF;
	s2 =	simm.s32 @!p0 $0x1C03  }
0x291: {  	[timem:s3], [sflag:s2] =	dma.local @!p0 [hbm:s0], s1  }
0x292: {  	s0 =	simm.s32 @!p0 $0x3  }
0x293: {  	_ =	swait.ge @!p0 [sflag:s0], s1  }
0x294: {  	s1 =	ssub.s32 @!p0 $0x0, s1;
	[sflag:s0] =	ssyncset.done @!p0 $0x0  }
0x295: {  	[sflag:s0] =	ssyncadd.s32 @!p0 s1  }
0x296: {  	[bflag:$0x3] =	sbarrier.arrive $0xFFFF  }
0x297: {  	_ =	shalt  }

// kernel: kernel.25.cloned.1.call-start
scs
__scs_entry_jumppad:
0x0: {  	(pc) =	sbr.rel $0x88, $3  }
0x1: {  	(tag) =	ssettag $0x0;
	lr =	simm.s32 $0x1  }
0x2: {  	[smem:$0x3F90] =	sst lr;
	_ =	strace $0xD0000000  }
0x3: {  	_ = 	snop  }
0x4: {  	_ = 	snop  }
0x5: {  	_ = 	snop  }
0x6: {  	_ = 	snop  }
0x7: {  	_ = 	snop  }
__scs_overlays_trampoline_lowered:
0x8: {  	[smem:$0x3F9F] =	sst s0  }
0x9: {  	[smem:$0x3FA0] =	sst s1  }
0xa: {  	[smem:$0x3FA1] =	sst s2  }
0xb: {  	[smem:$0x3FA2] =	sst s3  }
0xc: {  	[smem:$0x3FA3] =	sst s4  }
0xd: {  	[smem:$0x3FA4] =	sst s5  }
0xe: {  	[smem:$0x3FA5] =	sst s6  }
0xf: {  	[smem:$0x3FA6] =	sst s7  }
0x10: {  	[smem:$0x3FA7] =	sst s8  }
0x11: {  	[smem:$0x3FA8] =	sst s9;
	s0 =	simm.s32 @!p0 $0x0  }
0x12: {  	s1 =	sld [smem:$0x3F8E];
	s0 =	simm.s32 @p0 $0x1  }
0x13: {  	[smem:$0x3FA9] =	sst s0;
	s0 =	simm.s32 @!p1 $0x0  }
0x14: {  	s2 =	sld [smem:$0x3F8D];
	s0 =	simm.s32 @p1 $0x1  }
0x15: {  	[smem:$0x3FAA] =	sst s0;
	s0 =	simm.s32 @!p2 $0x0  }
0x16: {  	s3 =	sld [smem:$0x3FDB];
	s0 =	simm.s32 @p2 $0x1  }
0x17: {  	s4 =	simm.s32 $0x1BF5;
	[smem:$0x3FAC] =	sst s0  }
0x18: {  	s0 =	sld [smem:$0x3F8F];
	_ =	swait.ge [sflag:s4], $0x0  }
0x19: {  	s7 =	sld [smem:$0x3F90]  }
0x1a: {  	s8 =	sadd.s32 $0xFFFFE003, lr  }
0x1b: {  	s9 =	sadd.s32 $0xFFFFFEF7, lr;
	s5 =	simm.s32 $0xFFFFFFFF;
	p2 =	slt.u32 s8, $0xFFFFF086  }
0x1c: {  	p1 =	slt.u32 s9, $0xF7A;
	s5 =	simm.s32 @!p2 $0x0  }
0x1d: {  	s5 =	simm.s32 @p1 $0x1;
	p0 =	seq.s32 s7, s2  }
0x1e: {  	s7 =	smul.u32 @!p0 $0xF7A, s2;
	p2 =	seq.s32 @!p0 s5, $0x0  }
0x1f: {  	s9 =	smul.u32 $0xF7A, s1;
	s8 =	simm.s32 @!p0 $0x1BF5;
	p2 =	por !p2, p0  }
0x20: {  	[sflag:s8] =	ssyncset.s32 @!p0 $0xFFFFF086;
	s6 =	sadd.s32 @!p0 s3, s7;
	s7 =	simm.s32 @!p0 $0x108  }
0x21: {  	s3 =	sadd.s32 s3, s9;
	s6 =	sadd.s32 @!p0 $0x88, s6;
	s7 =	simm.s32 @p2 $0x1082  }
0x22: {  	[simem:s7], [sflag:s8] =	dma.local @!p0 [hbm:s6], $0xF7A  }
0x23: {  	s9 =	sor.u32 $0xD0000000, s2;
	s6 =	simm.s32 $0x108;
	_ =	swait.ge @!p0 [sflag:s8], $0x0  }
0x24: {  	s3 =	sadd.s32 $0x88, s3;
	s6 =	simm.s32 @!p1 $0x1082;
	[sflag:s4] =	ssyncset.s32 $0xFFFFF086  }
0x25: {  	[simem:s6], [sflag:s4] =	dma.local [hbm:s3], $0xF7A  }
0x26: {  	[smem:$0x3F90] =	sst s1;
	(tag) =	ssettag s2;
	_ =	strace s9  }
0x27: {  	s1 =	sld [smem:$0x3FA0]  }
0x28: {  	s2 =	sld [smem:$0x3FA1]  }
0x29: {  	s4 =	sld [smem:$0x3FA3]  }
0x2a: {  	p0 =	seq.s32 s5, $0x0;
	s5 =	sld [smem:$0x3FA4]  }
0x2b: {  	s6 =	sld [smem:$0x3FA5]  }
0x2c: {  	s7 =	sld [smem:$0x3FA6]  }
0x2d: {  	s3 =	simm.s32 $0x108;
	s8 =	sld [smem:$0x3FA7]  }
0x2e: {  	s3 =	simm.s32 @!p0 $0x1082;
	s9 =	sld [smem:$0x3FA8]  }
0x2f: {  	lr =	sadd.s32 s0, s3;
	s0 =	sld [smem:$0x3F9F]  }
0x30: {  	s3 =	sld [smem:$0x3FA2]  }
0x31: {  	[smem:$0x3FAB] =	sst s10  }
0x32: {  	s10 =	sld [smem:$0x3FA9];
	_ =	sdelay $0x3  }
0x33: {  	p0 =	seq.s32 s10, $0x1;
	s10 =	sld [smem:$0x3FAB];
	_ =	sdelay $0x3  }
0x34: {  	[smem:$0x3FAB] =	sst s10  }
0x35: {  	s10 =	sld [smem:$0x3FAA];
	_ =	sdelay $0x3  }
0x36: {  	p1 =	seq.s32 s10, $0x1;
	s10 =	sld [smem:$0x3FAB];
	_ =	sdelay $0x3  }
0x37: {  	[smem:$0x3FAB] =	sst s10  }
0x38: {  	s10 =	sld [smem:$0x3FAC]  }
0x39: {  	_ = 	snop;
	(pc) =	sbr.ind lr, $3  }
0x3a: {  	_ = 	snop  }
0x3b: {  	_ = 	snop  }
0x3c: {  	p2 =	seq.s32 s10, $0x1;
	s10 =	sld [smem:$0x3FAB]  }
0x3d: {  	_ =	shalt  }
0x3e: {  	_ =	shalt  }
0x3f: {  	_ =	shalt  }
0x40: {  	_ =	shalt  }
0x41: {  	_ =	shalt  }
0x42: {  	_ =	shalt  }
0x43: {  	_ =	shalt  }
0x44: {  	_ =	shalt  }
0x45: {  	_ =	shalt  }
0x46: {  	_ =	shalt  }
0x47: {  	_ =	shalt  }
0x48: {  	_ =	shalt  }
0x49: {  	_ =	shalt  }
0x4a: {  	_ =	shalt  }
0x4b: {  	_ =	shalt  }
0x4c: {  	_ =	shalt  }
0x4d: {  	_ =	shalt  }
0x4e: {  	_ =	shalt  }
0x4f: {  	_ =	shalt  }
0x50: {  	_ =	shalt  }
0x51: {  	_ =	shalt  }
0x52: {  	_ =	shalt  }
0x53: {  	_ =	shalt  }
0x54: {  	_ =	shalt  }
0x55: {  	_ =	shalt  }
0x56: {  	_ =	shalt  }
0x57: {  	_ =	shalt  }
0x58: {  	_ =	shalt  }
0x59: {  	_ =	shalt  }
0x5a: {  	_ =	shalt  }
0x5b: {  	_ =	shalt  }
0x5c: {  	_ =	shalt  }
0x5d: {  	_ =	shalt  }
0x5e: {  	_ =	shalt  }
0x5f: {  	_ =	shalt  }
0x60: {  	_ =	shalt  }
0x61: {  	_ =	shalt  }
0x62: {  	_ =	shalt  }
0x63: {  	_ =	shalt  }
0x64: {  	_ =	shalt  }
0x65: {  	_ =	shalt  }
0x66: {  	_ =	shalt  }
0x67: {  	_ =	shalt  }
0x68: {  	_ =	shalt  }
0x69: {  	_ =	shalt  }
0x6a: {  	_ =	shalt  }
0x6b: {  	_ =	shalt  }
0x6c: {  	_ =	shalt  }
0x6d: {  	_ =	shalt  }
0x6e: {  	_ =	shalt  }
0x6f: {  	_ =	shalt  }
0x70: {  	_ =	shalt  }
0x71: {  	_ =	shalt  }
0x72: {  	_ =	shalt  }
0x73: {  	_ =	shalt  }
0x74: {  	_ =	shalt  }
0x75: {  	_ =	shalt  }
0x76: {  	_ =	shalt  }
0x77: {  	_ =	shalt  }
0x78: {  	_ =	shalt  }
0x79: {  	_ =	shalt  }
0x7a: {  	_ =	shalt  }
0x7b: {  	_ =	shalt  }
0x7c: {  	_ =	shalt  }
0x7d: {  	_ =	shalt  }
0x7e: {  	_ =	shalt  }
0x7f: {  	_ =	shalt  }
0x80: {  	_ =	shalt  }
0x81: {  	_ =	shalt  }
0x82: {  	_ =	shalt  }
0x83: {  	_ =	shalt  }
0x84: {  	_ =	shalt  }
0x85: {  	_ =	shalt  }
0x86: {  	_ =	shalt  }
0x87: {  	_ =	shalt  }
.Lfunc_end0:
.L_simem_size_0:
called_computation.4_lowered:
.L_overlay_start_0:
0x88: {  	s2 =	sld [smem:$0x3FD9]  }
0x89: {  	s3 =	sld [smem:$0x3FFE];
	_ =	sdelay $0x1  }
0x8a: {  	s1 =	srdreg.scid  }
0x8b: {  	s0 =	sand.u32 $0x1, s1  }
0x8c: {  	s16 =	sshll.u32 s0, $0xA;
	s2 =	sadd.s32 s3, s2  }
0x8d: {  	s2 =	sadd.s32 s2, s16  }
0x8e: {  	[smem:$0x3FB7] =	sst s2  }
0x8f: {  	_ = 	snop  }
0x90: {  	(tm) =	ssettm $0x1  }
0x91: {  	s17 =	sld [smem:$0x3FFB];
	_ =	sdelay $0x3  }
0x92: {  	_ =	strace s17  }
0x93: {  	s2 =	sld [smem:$0x3FFC];
	_ =	sdelay $0x3  }
0x94: {  	_ =	strace s2  }
0x95: {  	s2 =	sld [smem:$0x3FFD];
	_ =	sdelay $0x3  }
0x96: {  	_ =	strace s2  }
0x97: {  	_ =	strace $0x8FFFFFFF  }
0x98: {  	s18 =	sld [smem:$0x3FDB];
	_ =	sdelay $0x1  }
0x99: {  	s19 =	simm.s32 $_scs_section_size  }
0x9a: {  	s4 =	simm.s32 $_size__tile_overlayer_lowered;
	s5 =	simm.s32 $_tile_overlayer_lowered  }
0x9b: {  	s22 =	simm.s32 $0x1BFF;
	s21 =	sshll.u32 s5, $0x1;
	s2 =	sadd.s32 s19, s18  }
0x9c: {  	s6 =	simm.s32 $0x0;
	s20 =	sshll.u32 s4, $0x1;
	s4 =	sadd.s32 s21, s2  }
0x9d: {  	[timem:s6], [sflag:s22] =	dma.local [hbm:s4], s20  }
0x9e: {  	_ =	swait.ge [sflag:s22], s20  }
0x9f: {  	s3 =	ssub.s32 $0x0, s20;
	[sflag:s22] =	ssyncset.done $0x0  }
0xa0: {  	[sflag:s22] =	ssyncadd.s32 s3;
	_ =	sdelay $0x1  }
0xa1: {  	s23 =	simm.s32 $0x1B8B  }
0xa2: {  	_ =	swait.ge [sflag:s23], $0x1  }
0xa3: {  	[sflag:s23] =	ssyncset.done $0x0  }
0xa4: {  	s25 =	simm.s32 $0x1B8E;
	s24 =	sld [smem:$0x3FFE];
	[sflag:s23] =	ssyncadd.s32 $0xFFFFFFFF  }
0xa5: {  	s26 =	simm.s32 $execute0_lowered;
	[smem:$0x3FD2] =	sst s25  }
0xa6: {  	s4 =	sshll.u32 s26, $0x1;
	_ =	strace $0x80000052;
	[dreg:$0x1] =	wrdreg $0xFFFFFFFF  }
0xa7: {  	s28 =	simm.s32 $_size_execute0_lowered;
	s2 =	sadd.s32 s2, s4;
	[dreg:$0x0] =	wrdreg $0x0  }
0xa8: {  	s4 =	sshll.u32 s28, $0x1;
	[dreg:$0x2] =	wrdreg s2  }
0xa9: {  	[dreg:$0x3] =	wrdreg s4  }
0xaa: {  	[dreg:$0x4] =	wrdreg $0xC0  }
0xab: {  	_ =	task [dreg:s6], $0x5FFFF  }
0xac: {  	[dreg:$0x1] =	wrdreg $0xFFFFFFFF  }
0xad: {  	[dreg:$0x0] =	wrdreg $0x60  }
0xae: {  	[dreg:$0x2] =	wrdreg s24  }
0xaf: {  	[dreg:$0x3] =	wrdreg $0xC9400  }
0xb0: {  	[dreg:$0x4] =	wrdreg $0x9  }
0xb1: {  	_ =	task.clear_ibuf [dreg:s6], $0x5FFFF;
	_ =	strace $0x90000052  }
0xb2: {  	s29 =	simm.s32 $0x9;
	_ =	strace $0x80000054  }
0xb3: {  	_ =	swait.ge [sflag:s29], $0x1  }
0xb4: {  	[sflag:s29] =	ssyncadd.s32 $0xFFFFFFFF  }
0xb5: {  	_ =	strace $0x90000054  }
0xb6: {  	_ =	sfence  }
0xb7: {  	s30 =	sld [smem:$0x0];
	_ =	sdelay $0x2  }
0xb8: {  	s31 =	sshll.u32 s1, $0xD;
	s1 =	sshrl.u32 s1, $0x2  }
0xb9: {  	s3 =	sand.u32 $0x4000, s31;
	s1 =	sadd.s32 s1, s30  }
0xba: {  	s0 =	sor.u32 s3, s0;
	s1 =	sshll.u32 s1, $0x11  }
0xbb: {  	s0 =	sor.u32 s1, s0  }
0xbc: {  	s0 =	sadd.s32 $0x8F2B, s0  }
0xbd: {  	[sflag:s0] =	ssyncadd.remote.s32 $0x1  }
0xbe: {  	_ =	sfence.sel $0xFFFF  }
0xbf: {  	[dreg:$0x0] =	wrdreg $0xFFFFFFFF;
	(pc) =	sbr.abs _section_cstart, $3  }
0xc0: {  	[dreg:$0x1] =	wrdreg $0xFFFFFFFF  }
0xc1: {  	_ =	task.clear_ibuf [dreg:s6], $0x2FFFF;
	_ =	strace $0x9FFFFFFF  }
0xc2: {  	(tm) =	ssettm $0x7FFFFFFF  }
0xc3: {  	_ =	shalt  }
tec
execute0_lowered:
.L_overlay_start_1:
0x0: {  	(tag) =	ssettag $0x1  }
0x1: {  	s6 =	rddreg [dreg:$0x0];
	s1 =	srdreg.scid  }
0x2: {  	s0 =	stileid.u32;
	s2 =	rddreg [dreg:$0x1]  }
0x3: {  	s3 =	simm.s32 $0x0;
	s13 =	simm.s32 $0x9C40;
	s14 =	simm.s32 $0x50  }
0x4: {  	s5 =	sand.u32 $0x1, s1;
	s4 =	sshll.u32 s0, $0x1;
	s1 =	rddreg [dreg:$0x2]  }
0x5: {  	[smem:$0x7FF] =	sst s3;
	s10 =	smul.u32 $0x2800, s0;
	s4 =	sor.u32 s5, s4  }
0x6: {  	_ =	strace $0x80000053;
	s8 =	smul.u32 $0x5000, s5;
	s9 =	ssub.s32 $0x2, s5  }
0x7: {  	s5 =	sadd.s32 $0x18600, s6;
	s7 =	smul.u32 $0x4E2, s4;
	s4 =	sadd.s32 $0x36400, s6  }
0x8: {  	s31 =	sshrl.u32 s9, $0x1;
	s16 =	sshrl.u32 s10, $0x3;
	s12 =	sadd.s32 s8, s6  }
0x9: {  	s9 =	ssub.s32 s9, s31;
	s11 =	sadd.s32 s7, s6;
	s6 =	sadd.s32 s10, s2  }
0xa: {  	s15 =	sadd.s32 $0x18C00, s12;
	s9 =	smax.u32 s9, $0x1;
	s10 =	simm.s32 $0xA140  }
0xb: {  	v1 =	vlaneseq.u32;
	s12 =	simm.s32 $0x2710;
	s7 =	sadd.s32 $0xE800, s11;
	s8 =	sadd.s32 $0x4A00, s11  }
0xc: {  	v0 =	vimm.f32 $0.0e+00;
	v1 =	vmul.u32 $0x10, v1;
	s11 =	simm.s32 $0x1;
	s15 =	sadd.s32 s16, s15;
	s16 =	simm.s32 $0x0  }
.LBB2_1:
0xd: {  	s17 =	simm.s32 $0x0  }
.LBB2_2:
0xe: {  	p0 =	sne.s32 s17, $0x9FC0  }
.Ltmp0:
0xf: {  	_ = 	snop;
	(pc) =	sbr.rel @p0 .LBB2_2-.Ltmp0, $3  }
0x10: {  	_ =	sdelay $0x1  }
0x11: {  	s18 =	sshra.s32 s17, $0x2  }
0x12: {  	s17 =	sadd.s32 $0x40, s17;
	[tilespmem:s18+$0xA140] =	vst v0  }
0x13: {  	s17 =	simm.s32 $0x40;
	s18 =	simm.s32 $0x0  }
.LBB2_4:
0x14: {  	p0 =	sne.s32 s17, $0x13C0;
	[tilespmem:s18+$0x9C40] =	vst v0;
	s18 =	smov.u32 s17;
	s17 =	sadd.s32 $0x40, s17  }
.Ltmp1:
0x15: {  	(pc) =	sbr.rel @p0 .LBB2_4-.Ltmp1, $2  }
0x16: {  	_ =	sdelay $0x2  }
0x17: {  	s18 =	sshra.s32 s18, $0x2  }
0x18: {  	[tilespmem:s18+$0x9C40] =	vst v0  }
0x19: {  	[spmem:s6] =	stream.linear.scatter [tilespmem:s10], [sflag:$0x1], $0x2800, $0x38;
	[tilespmem:$0xF140] =	vst v63  }
0x1a: {  	_ =	swait.ge [sflag:s11], $0x2800  }
0x1b: {  	[sflag:s11] =	ssyncset.done $0x0  }
0x1c: {  	s17 =	simm.s32 $0x0;
	[sflag:s11] =	ssyncadd.s32 $0xFFFFD800  }
0x1d: {  	[tilespmem:s17], [sflag:$0x1] =	stream.linear.gather [hbm4b:s4+s17], $0x2710, $0x38;
	[tilespmem:$0xF140] =	vst v63  }
0x1e: {  	_ =	swait.ge [sflag:s11], $0x2710  }
0x1f: {  	[sflag:s11] =	ssyncset.done $0x0  }
0x20: {  	[sflag:s11] =	ssyncadd.s32 $0xFFFFD8F0  }
0x21: {  	[tilespmem:s12], [sflag:$0x1] =	stream.linear.gather [hbm4b:s5+s17], $0x2710, $0x38;
	[tilespmem:$0xF140] =	vst v63  }
0x22: {  	_ =	swait.ge [sflag:s11], $0x2710  }
0x23: {  	[sflag:s11] =	ssyncset.done $0x0  }
0x24: {  	s18 =	simm.s32 $0x4E20;
	[sflag:s11] =	ssyncadd.s32 $0xFFFFD8F0  }
0x25: {  	[tilespmem:s18], [sflag:$0x1] =	stream.linear.gather [hbm4b:s7+s17], $0x2710, $0x38;
	[tilespmem:$0xF140] =	vst v63  }
0x26: {  	_ =	swait.ge [sflag:s11], $0x2710  }
0x27: {  	[sflag:s11] =	ssyncset.done $0x0  }
0x28: {  	s19 =	simm.s32 $0x7530;
	[sflag:s11] =	ssyncadd.s32 $0xFFFFD8F0  }
0x29: {  	[tilespmem:s19], [sflag:$0x1] =	stream.linear.gather [hbm4b:s8+s17], $0x2710, $0x38;
	[tilespmem:$0xF140] =	vst v63  }
0x2a: {  	_ =	swait.ge [sflag:s11], $0x2710  }
0x2b: {  	[sflag:s11] =	ssyncset.done $0x0  }
0x2c: {  	[sflag:s11] =	ssyncadd.s32 $0xFFFFD8F0  }
0x2d: {  	[bflag:$0x0] =	sbarrier.arrive $0xFFFF  }
.LBB2_6:
0x2e: {  	v3 =	vld [tilespmem:s18+$0x0];
	s21 =	simm.s32 $0x10  }
0x2f: {  	v2 =	vld [tilespmem:s19+$0x0];
	s20 =	simm.s32 $0x0;
	s22 =	smov.u32 s18;
	s23 =	smov.u32 s19  }
.LBB2_7:
0x30: {  	p0 =	sne.s32 s21, $0x40;
	_ =	sdelay $0x5  }
0x31: {  	v3 =	vld.idx.msk [tilespmem:v3+s3+$0x0], $0xffff  }
0x32: {  	v4 =	vld.idx.msk [tilespmem:v2+s3+$0x0], $0xffff;
	_ =	sdelay $0x1  }
0x33: {  	v2 =	vld.idx.msk [tilespmem:v2+s12+$0x0], $0xffff;
	_ =	sdelay $0x3  }
0x34: {  	v4 =	vmul.f32 v4, v3;
	_ =	sdelay $0x1  }
0x35: {  	v2 =	vsub.f32 v4, v2;
	_ =	sdelay $0x1  }
0x36: {  	v2 =	vmul.f32 $1.442695020e+00, v2;
	_ =	sdelay $0x1  }
0x37: {  	(erf) = vpow2.f32 v2;
	_ =	sdelay $0x3  }
0x38: {  	v2 =	vmov s20;
	s20 =	smov.u32 s21  }
0x39: {  	v2 =	vshll.u32 v2, $0x4  }
0x3a: {  	v2 =	vor.u32 v1, v2  }
0x3b: {  	v4 =	vor.u32 $0x1, v2;
	_ =	sdelay $0x1  }
0x3c: {  	v5 =	vpop (erf)  }
.Ltmp2:
0x3d: {  	v3 =	vmul.f32 v5, v3;
	(pc) =	sbr.rel @p0 .LBB2_7-.Ltmp2, $4  }
0x3e: {  	[tilespmem:v2+s13+$0x0] =	vst.idx.msk $0xffff, v5  }
0x3f: {  	s22 =	sadd.s32 $0x10, s22;
	[tilespmem:v4+s13+$0x0] =	vst.idx.msk $0xffff, v3  }
0x40: {  	s23 =	sadd.s32 $0x10, s23;
	v3 =	vld [tilespmem:s22+$0x0]  }
0x41: {  	s21 =	sadd.s32 $0x10, s21;
	v2 =	vld [tilespmem:s23+$0x0]  }
0x42: {  	_ =	sdelay $0x6  }
0x43: {  	v3 =	vld.idx.msk [tilespmem:v3+s3+$0x0], $0xffff  }
0x44: {  	v4 =	vld.idx.msk [tilespmem:v2+s3+$0x0], $0xffff;
	_ =	sdelay $0x1  }
0x45: {  	v2 =	vld.idx.msk [tilespmem:v2+s12+$0x0], $0xffff;
	_ =	sdelay $0x2  }
0x46: {  	v4 =	vmul.f32 v4, v3;
	_ =	sdelay $0x1  }
0x47: {  	v2 =	vsub.f32 v4, v2;
	_ =	sdelay $0x1  }
0x48: {  	v2 =	vmul.f32 $1.442695020e+00, v2;
	_ =	sdelay $0x1  }
0x49: {  	(erf) = vpow2.f32 v2;
	_ =	sdelay $0x3  }
0x4a: {  	v2 =	vmov s20  }
0x4b: {  	v2 =	vshll.u32 v2, $0x4  }
0x4c: {  	v2 =	vor.u32 v1, v2  }
0x4d: {  	v63 =	vor.u32 $0x1, v2;
	_ =	sdelay $0x1  }
0x4e: {  	s31 =	smul.u32 $0x140, s17;
	v5 =	vpop (erf)  }
0x4f: {  	s17 =	sadd.s32 $0x1, s17;
	v3 =	vmul.f32 v5, v3  }
0x50: {  	p0 =	sne.s32 s17, $0x7D;
	s20 =	sshra.s32 s31, $0x2;
	[tilespmem:v2+s13+$0x0] =	vst.idx.msk $0xffff, v5  }
.Ltmp3:
0x51: {  	s20 =	sadd.s32 $0x7530, s20;
	[tilespmem:v63+s13+$0x0] =	vst.idx.msk $0xffff, v3;
	(pc) =	sbr.rel @p0 .LBB2_6-.Ltmp3, $4  }
0x52: {  	[spmem:s2] =	stream.indirect.scatter.add.f32 [tilespmem:s13], [sflag:$0x1], $0x10, s20, s14, $0xb8;
	[tilespmem:$0xF140] =	vst v63  }
0x53: {  	_ =	swait.ge [sflag:s11], $0x500  }
0x54: {  	[sflag:s11] =	ssyncset.done $0x0  }
0x55: {  	s18 =	sadd.s32 $0x50, s18;
	s19 =	sadd.s32 $0x50, s19;
	[sflag:s11] =	ssyncadd.s32 $0xFFFFFB00  }
0x56: {  	s16 =	sadd.s32 $0x1, s16  }
0x57: {  	s17 =	sshll.u32 s0, $0x6;
	[bflag:$0x0] =	sbarrier.arrive $0xFFFF;
	p0 =	sne.s32 s16, s9  }
.Ltmp4:
0x58: {  	s18 =	sshrl.u32 s6, $0x3;
	s17 =	sor.u32 $0x1C01, s17;
	(pc) =	sbr.rel @p0 .LBB2_1-.Ltmp4, $4  }
0x59: {  	[hbm:s15], [sflag:s17] =	dma.local [spmem:s18], $0x500  }
0x5a: {  	_ =	swait.ge [sflag:s11], $0x500  }
0x5b: {  	[sflag:s11] =	ssyncset.done $0x0  }
0x5c: {  	[sflag:s11] =	ssyncadd.s32 $0xFFFFFB00  }
0x5d: {  	_ =	sfence.sel $0x180000  }
0x5e: {  	[bflag:$0x0] =	sbarrier.arrive $0xFFFF  }
0x5f: {  	p0 =	sne.s32 s0, $0x0;
	_ =	strace $0x90000053  }
0x60: {  	s0 =	sadd.s32 @!p0 $0x100000, s1;
	[bflag:$0x2] =	sbarrier.arrive $0xFFFF  }
0x61: {  	[sflag:s0] =	ssyncadd.tile.s32 @!p0 $0x1;
	_ =	shalt  }
.Lfunc_end2:
_tile_overlayer_lowered:
.L_overlay_start_2:
0x62: {  	(tag) =	ssettag $0x2  }
0x63: {  	s0 =	rddreg [dreg:$0x0];
	s2 =	stileid.u32  }
0x64: {  	s1 =	rddreg [dreg:$0x1];
	p0 =	sne.s32 s2, $0x0  }
0x65: {  	s3 =	rddreg [dreg:$0x2];
	[bflag:$0x3] =	sbarrier.arrive $0xFFFF;
	s2 =	simm.s32 @!p0 $0x1C01  }
0x66: {  	[timem:s3], [sflag:s2] =	dma.local @!p0 [hbm:s0], s1  }
0x67: {  	s0 =	simm.s32 @!p0 $0x1  }
0x68: {  	_ =	swait.ge @!p0 [sflag:s0], s1  }
0x69: {  	s1 =	ssub.s32 @!p0 $0x0, s1;
	[sflag:s0] =	ssyncset.done @!p0 $0x0  }
0x6a: {  	[sflag:s0] =	ssyncadd.s32 @!p0 s1  }
0x6b: {  	[bflag:$0x3] =	sbarrier.arrive $0xFFFF  }
0x6c: {  	_ =	shalt  }

</sc_bundles>
